<compile_context>
chip_gen: v7x
topology: tpu7x:2x2x1
jax: 0.10.2.dev20260603
libtpu: 0.0.44.dev20260713+nightly
codegen_flags: <defaults>
</compile_context>

<pallas_src>
import functools
import math

import jax
import jax.numpy as jnp
from jax import lax
from jax.experimental import pallas as pl
from jax.experimental.pallas import tpu as pltpu
from jax.experimental.pallas import tpu_sc as plsc

_B = 1024
_V = 100000
_SMOOTHING = 0.1
_CONFIDENCE = 1.0 - _SMOOTHING
_FILL = _SMOOTHING / (_V - 2)
_DELTA = _CONFIDENCE - _FILL
_CONST = _B * ((_V - 1) * _FILL * math.log(_FILL)
               + _CONFIDENCE * math.log(_CONFIDENCE))

_NC, _NS, _L = 2, 16, 16
_NW = _NC * _NS
_BPW = _B // _NW

_SCV = 40000
_CHR = 40
_NCH = _SCV // _CHR
_CPW = 31

_sc_mesh = plsc.VectorSubcoreMesh(core_axis_name="c", subcore_axis_name="s")


def _sum_chunk(buf, accs):
    def row(r, a):
        res = list(a)
        for g in range(_B // _L // 8):
            for u in range(8):
                res[u] = res[u] + buf[r, pl.ds((g * 8 + u) * _L, _L)]
        return tuple(res)
    return list(lax.fori_loop(0, _CHR, row, tuple(accs)))


@functools.partial(
    pl.kernel,
    out_type=jax.ShapeDtypeStruct((2 * _NW * _L,), jnp.float32),
    mesh=_sc_mesh,
    compiler_params=pltpu.CompilerParams(needs_layout_passes=False),
    scratch_types=[
        pltpu.VMEM((_BPW,), jnp.int32),
        pltpu.VMEM((_BPW, 8, 128), jnp.float32),
        pltpu.VMEM((_CHR, _B), jnp.float32),
        pltpu.VMEM((_CHR, _B), jnp.float32),
        pltpu.VMEM((_L,), jnp.float32),
        pltpu.VMEM((_L,), jnp.float32),
        pltpu.SemaphoreType.DMA,
        pltpu.SemaphoreType.DMA,
        pltpu.SemaphoreType.DMA,
    ],
)
def _sc_part(xt_hbm, tgt_hbm, out_hbm, tgt_v, win_v, buf0, buf1,
             acc_v, sum_v, gsem, sem0, sem1):
    wid = lax.axis_index("s") * _NC + lax.axis_index("c")
    base = wid * _BPW
    lanes = lax.broadcasted_iota(jnp.int32, (_L,), 0)

    pltpu.sync_copy(tgt_hbm.at[pl.ds(base, _BPW)], tgt_v)
    ts = []
    copies = []
    for c in range(_BPW // _L):
        tvec = tgt_v[pl.ds(c * _L, _L)]
        for l in range(_L):
            k = c * _L + l
            t = jnp.sum(jnp.where(lanes == l, tvec, 0))
            ts.append(t)
            row8 = (t >> 3) * 8
            col128 = ((base + k) >> 7) * 128
            copies.append(pltpu.async_copy(
                xt_hbm.at[pl.ds(row8, 8), pl.ds(col128, 128)],
                win_v.at[k], gsem))
    for cp in copies:
        cp.wait()

    acc = jnp.zeros((_L,), jnp.float32)
    for k in range(_BPW):
        t = ts[k]
        sub = (base & 127) + (k & -_L)
        w = win_v[k, t & 7, pl.ds(sub, _L)]
        acc = acc + jnp.where(lanes == (k & (_L - 1)), w, 0.0)
    acc_v[...] = acc
    pltpu.sync_copy(acc_v, out_hbm.at[pl.ds(wid * _L, _L)])

    def chunk_src(i):
        return xt_hbm.at[pl.ds((wid + i * _NW) * _CHR, _CHR), pl.ds(0, _B)]

    accs = [jnp.zeros((_L,), jnp.float32) for _ in range(8)]
    pltpu.async_copy(chunk_src(0), buf0, sem0)

    def pair(c, accs_t):
        accs_l = list(accs_t)
        pltpu.make_async_copy(chunk_src(2 * c), buf0, sem0).wait()
        pltpu.async_copy(chunk_src(2 * c + 1), buf1, sem1)
        accs_l = _sum_chunk(buf0, accs_l)
        pltpu.make_async_copy(chunk_src(2 * c + 1), buf1, sem1).wait()
        pltpu.async_copy(chunk_src(2 * c + 2), buf0, sem0)
        accs_l = _sum_chunk(buf1, accs_l)
        return tuple(accs_l)

    accs = list(lax.fori_loop(0, (_CPW - 1) // 2, pair, tuple(accs)))
    pltpu.make_async_copy(chunk_src(_CPW - 1), buf0, sem0).wait()
    accs = _sum_chunk(buf0, accs)

    @pl.when(wid < _NCH - _CPW * _NW)
    def _extra():
        extra = pltpu.async_copy(
            xt_hbm.at[pl.ds((_CPW * _NW + wid) * _CHR, _CHR), pl.ds(0, _B)],
            buf1, sem1)
        extra.wait()
        a2 = _sum_chunk(buf1, [jnp.zeros((_L,), jnp.float32)] * 8)
        s2 = a2[0]
        for a in a2[1:]:
            s2 = s2 + a
        sum_v[...] = s2

    @pl.when(wid >= _NCH - _CPW * _NW)
    def _noextra():
        sum_v[...] = jnp.zeros((_L,), jnp.float32)

    s = accs[0]
    for a in accs[1:]:
        s = s + a
    sum_v[...] = sum_v[...] + s
    pltpu.sync_copy(sum_v, out_hbm.at[pl.ds(_NW * _L + wid * _L, _L)])


_W0 = 2000
_TCOFF = _SCV // _W0
_GRID = (_V - _SCV) // _W0


def _sum_body(xa_ref, xb_ref, xc_ref, xd_ref, out_ref, acc_ref):
    j = pl.program_id(0)

    @pl.when(j == 0)
    def _init():
        acc_ref[0] = 0.0

    acc_ref[0] += jnp.sum((xa_ref[...] + xb_ref[...]) + (xc_ref[...] + xd_ref[...]))

    @pl.when(j == _GRID - 1)
    def _last():
        out_ref[0, 0] = acc_ref[0]


def _combine_body(g_ref, t_ref, out_ref):
    s2 = jnp.sum(g_ref[0:4, :])
    s1 = t_ref[0, 0] + jnp.sum(g_ref[4:8, :])
    loss = _CONST - _FILL * s1 - _DELTA * s2
    out_ref[0, 0] = loss.astype(jnp.float32)


@jax.jit
def kernel(x, target):
    xt = x.T
    g = _sc_part(xt, target)
    tc = pl.pallas_call(
        _sum_body,
        grid=(_GRID,),
        in_specs=[pl.BlockSpec((_W0, _B // 4), (lambda i: lambda j: (j + _TCOFF, i))(i))
                  for i in range(4)],
        out_specs=pl.BlockSpec(memory_space=pltpu.SMEM),
        out_shape=jax.ShapeDtypeStruct((1, 1), jnp.float32),
        scratch_shapes=[pltpu.SMEM((1,), jnp.float32)],
    )(xt, xt, xt, xt)
    out = pl.pallas_call(
        _combine_body,
        in_specs=[
            pl.BlockSpec((8, 128), lambda: (0, 0)),
            pl.BlockSpec(memory_space=pltpu.SMEM),
        ],
        out_specs=pl.BlockSpec(memory_space=pltpu.SMEM),
        out_shape=jax.ShapeDtypeStruct((1, 1), jnp.float32),
    )(g.reshape(8, 128), tc)
    return out[0, 0]

# --- scband reference (transcript-rebuilt; emitter-appended) ---
"""Pipeline reference for scband-label-smoothing-62113817035413 (READ-ONLY COPY).

The authoritative reference and input builder live on the scoring server;
editing this copy changes nothing except your own understanding.
"""

import jax, jax.numpy as jnp
import numpy as np

BATCH = 1024
SIZE = 100000
SMOOTHING = 0.1
CONFIDENCE = 1.0 - SMOOTHING


def setup_inputs(seed: int = 0) -> dict:
    key = jax.random.key(seed)
    k1, k2 = jax.random.split(key)
    x = jax.random.normal(k1, (BATCH, SIZE), dtype=jnp.float32)
    target = jax.random.randint(k2, (BATCH,), 0, SIZE, dtype=jnp.int32)
    return {"x": x, "target": target}


def reference(x, target):
    n, size = x.shape
    assert size == SIZE
    fill_val = SMOOTHING / (size - 2)
    # true_dist = x.clone().fill_(smoothing/(size-2)); scatter_(1, target, confidence)
    true_dist = jnp.full((n, size), fill_val, dtype=x.dtype)
    true_dist = true_dist.at[jnp.arange(n), target].set(CONFIDENCE)
    # KLDivLoss(reduction='sum'): sum(target * (log(target) - input)), input = x (log-probs)
    loss = jnp.sum(true_dist * (jnp.log(true_dist) - x))
    return loss

if __name__ == "__main__":
    import jax
    _d = setup_inputs()
    print(jax.jit(kernel)(*tuple(_d.values())))

</pallas_src>

<mosaic_0001>
#map = affine_map<(d0, d1) -> (0, 0)>
#map1 = affine_map<(d0, d1) -> (0)>
module attributes {stable_mosaic.version = 14 : i64} {
  func.func @_sc_part(%arg0: i32, %arg1: i32, %arg2: memref<100000x1024xf32, #tpu.memory_space<hbm>>, %arg3: memref<1024xi32, #tpu.memory_space<hbm>>, %arg4: memref<1024xf32, #tpu.memory_space<hbm>>, %arg5: memref<32xi32, #tpu.memory_space<vmem>>, %arg6: memref<32x8x128xf32, #tpu.memory_space<vmem>>, %arg7: memref<40x1024xf32, #tpu.memory_space<vmem>>, %arg8: memref<40x1024xf32, #tpu.memory_space<vmem>>, %arg9: memref<16xf32, #tpu.memory_space<vmem>>, %arg10: memref<16xf32, #tpu.memory_space<vmem>>, %arg11: memref<!tpu.dma_semaphore, #tpu.memory_space<semaphore_mem>>, %arg12: memref<!tpu.dma_semaphore, #tpu.memory_space<semaphore_mem>>, %arg13: memref<!tpu.dma_semaphore, #tpu.memory_space<semaphore_mem>>) attributes {dimension_semantics = [#tpu.dimension_semantics<core_parallel>, #tpu.dimension_semantics<subcore_parallel>], iteration_bounds = array<i64: 2, 16>, scalar_prefetch = 0 : i64, scratch_operands = 9 : i64, tpu.core_type = #tpu.core_type<sc_vector_subcore>, window_params = [{transform_indices = #map}, {transform_indices = #map1}, {transform_indices = #map1}]} {
    %mul3A = arith.constant 2 : i32
    %mul3A_0 = arith.muli %arg1, %mul3A : i32
    %add3A = arith.addi %mul3A_0, %arg0 : i32
    %mul3A_1 = arith.constant 32 : i32
    %mul3A_2 = arith.muli %add3A, %mul3A_1 : i32
    %iota3A = tpu.iota {dimensions = array<i32: 0>} : vector<16xi32>
    "tpu.region"() ({
      %run_scoped3A = tpu.sem_alloc : memref<!tpu.dma_semaphore, #tpu.memory_space<semaphore_mem>>
      %dma_start3A_1987 = tpu.memref_slice %arg3[%mul3A_2] : memref<1024xi32, #tpu.memory_space<hbm>> -> memref<32xi32, #tpu.memory_space<hbm>>
      %dma_start3A_1988 = tpu.memref_slice %arg3[%mul3A_2] : memref<1024xi32, #tpu.memory_space<hbm>> -> memref<32xi32, #tpu.memory_space<hbm>>
      tpu.enqueue_dma source(%dma_start3A_1988 : memref<32xi32, #tpu.memory_space<hbm>>) target(%arg5 : memref<32xi32, #tpu.memory_space<vmem>>) target_semaphore(%run_scoped3A : memref<!tpu.dma_semaphore, #tpu.memory_space<semaphore_mem>>)
      %dma_wait3A_1989 = tpu.memref_slice %arg3[%mul3A_2] : memref<1024xi32, #tpu.memory_space<hbm>> -> memref<32xi32, #tpu.memory_space<hbm>>
      %dma_wait3A_1990 = tpu.memref_slice %arg3[%mul3A_2] : memref<1024xi32, #tpu.memory_space<hbm>> -> memref<32xi32, #tpu.memory_space<hbm>>
      tpu.wait_dma2 semaphore(%run_scoped3A : memref<!tpu.dma_semaphore, #tpu.memory_space<semaphore_mem>>) src(%dma_wait3A_1990 : memref<32xi32, #tpu.memory_space<hbm>>) dst(%arg5 : memref<32xi32, #tpu.memory_space<vmem>>)
      tpu.yield
    }) : () -> ()
    %get3A = arith.constant 0 : index
    %get3A_3 = tpu.vector_load %arg5[%get3A] {strides = array<i32>} : memref<32xi32, #tpu.memory_space<vmem>>, vector<16xi32>,
    %eq3A = arith.constant 0 : i32
    %eq3A_4 = vector.broadcast %eq3A : i32 to vector<16xi32>
    %eq3A_5 = arith.cmpi eq, %iota3A, %eq3A_4 : vector<16xi32>
    %jit3A = arith.constant 0 : i32
    %broadcast_in_dim3A = vector.broadcast %jit3A : i32 to vector<16xi32>
    %select_n3A = arith.select %eq3A_5, %get3A_3, %broadcast_in_dim3A : vector<16xi1>, vector<16xi32>
    %reduce_sum3A = arith.constant true
    %reduce_sum3A_6 = vector.broadcast %reduce_sum3A : i1 to vector<16xi1>
    %reduce_sum3A_7 = tpu.scan <sum>, %select_n3A masked %reduce_sum3A_6 : vector<16xi32>, vector<16xi1> -> vector<16xi32>
    %reduce_sum3A_8 = vector.extract %reduce_sum3A_7[15] : i32 from vector<16xi32>
    %shift_right_arithmetic3A = arith.constant 3 : i32
    %shift_right_arithmetic3A_9 = arith.shrsi %reduce_sum3A_8, %shift_right_arithmetic3A : i32
    %mul3A_10 = arith.constant 8 : i32
    %mul3A_11 = arith.muli %shift_right_arithmetic3A_9, %mul3A_10 : i32
    %add3A_12 = arith.constant 0 : i32
    %add3A_13 = arith.addi %mul3A_2, %add3A_12 : i32
    %shift_right_arithmetic3A_14 = arith.constant 7 : i32
    %shift_right_arithmetic3A_15 = arith.shrsi %add3A_13, %shift_right_arithmetic3A_14 : i32
    %mul3A_16 = arith.constant 128 : i32
    %mul3A_17 = arith.muli %shift_right_arithmetic3A_15, %mul3A_16 : i32
    %dma_start3A = arith.constant 0 : i32
    %dma_start3A_18 = arith.constant 0 : i32
    %dma_start3A_19 = arith.constant 0 : i32
    %dma_start3A_20 = tpu.memref_slice %arg6[%dma_start3A, %dma_start3A_18, %dma_start3A_19] : memref<32x8x128xf32, #tpu.memory_space<vmem>> -> memref<1x8x128xf32, #tpu.memory_space<vmem>>
    %dma_start3A_21 = tpu.memref_squeeze %dma_start3A_20 : memref<1x8x128xf32, #tpu.memory_space<vmem>> -> memref<8x128xf32, #tpu.memory_space<vmem>>
    %dma_start3A_22 = tpu.memref_slice %arg2[%mul3A_11, %mul3A_17] : memref<100000x1024xf32, #tpu.memory_space<hbm>> -> memref<8x128xf32, #tpu.memory_space<hbm>>
    %dma_start3A_23 = arith.constant 0 : i32
    %dma_start3A_24 = arith.constant 0 : i32
    %dma_start3A_25 = tpu.memref_slice %arg6[%dma_start3A, %dma_start3A_23, %dma_start3A_24] : memref<32x8x128xf32, #tpu.memory_space<vmem>> -> memref<1x8x128xf32, #tpu.memory_space<vmem>>
    %dma_start3A_26 = tpu.memref_squeeze %dma_start3A_25 : memref<1x8x128xf32, #tpu.memory_space<vmem>> -> memref<8x128xf32, #tpu.memory_space<vmem>>
    %dma_start3A_27 = tpu.memref_slice %arg2[%mul3A_11, %mul3A_17] : memref<100000x1024xf32, #tpu.memory_space<hbm>> -> memref<8x128xf32, #tpu.memory_space<hbm>>
    tpu.enqueue_dma source(%dma_start3A_27 : memref<8x128xf32, #tpu.memory_space<hbm>>) target(%dma_start3A_26 : memref<8x128xf32, #tpu.memory_space<vmem>>) target_semaphore(%arg11 : memref<!tpu.dma_semaphore, #tpu.memory_space<semaphore_mem>>)
    %eq3A_28 = arith.constant 1 : i32
    %eq3A_29 = vector.broadcast %eq3A_28 : i32 to vector<16xi32>
    %eq3A_30 = arith.cmpi eq, %iota3A, %eq3A_29 : vector<16xi32>
    %jit3A_31 = arith.constant 0 : i32
    %broadcast_in_dim3A_32 = vector.broadcast %jit3A_31 : i32 to vector<16xi32>
    %select_n3A_33 = arith.select %eq3A_30, %get3A_3, %broadcast_in_dim3A_32 : vector<16xi1>, vector<16xi32>
    %reduce_sum3A_34 = arith.constant true
    %reduce_sum3A_35 = vector.broadcast %reduce_sum3A_34 : i1 to vector<16xi1>
    %reduce_sum3A_36 = tpu.scan <sum>, %select_n3A_33 masked %reduce_sum3A_35 : vector<16xi32>, vector<16xi1> -> vector<16xi32>
    %reduce_sum3A_37 = vector.extract %reduce_sum3A_36[15] : i32 from vector<16xi32>
    %shift_right_arithmetic3A_38 = arith.constant 3 : i32
    %shift_right_arithmetic3A_39 = arith.shrsi %reduce_sum3A_37, %shift_right_arithmetic3A_38 : i32
    %mul3A_40 = arith.constant 8 : i32
    %mul3A_41 = arith.muli %shift_right_arithmetic3A_39, %mul3A_40 : i32
    %add3A_42 = arith.constant 1 : i32
    %add3A_43 = arith.addi %mul3A_2, %add3A_42 : i32
    %shift_right_arithmetic3A_44 = arith.constant 7 : i32
    %shift_right_arithmetic3A_45 = arith.shrsi %add3A_43, %shift_right_arithmetic3A_44 : i32
    %mul3A_46 = arith.constant 128 : i32
    %mul3A_47 = arith.muli %shift_right_arithmetic3A_45, %mul3A_46 : i32
    %dma_start3A_48 = arith.constant 1 : i32
    %dma_start3A_49 = arith.constant 0 : i32
    %dma_start3A_50 = arith.constant 0 : i32
    %dma_start3A_51 = tpu.memref_slice %arg6[%dma_start3A_48, %dma_start3A_49, %dma_start3A_50] : memref<32x8x128xf32, #tpu.memory_space<vmem>> -> memref<1x8x128xf32, #tpu.memory_space<vmem>>
    %dma_start3A_52 = tpu.memref_squeeze %dma_start3A_51 : memref<1x8x128xf32, #tpu.memory_space<vmem>> -> memref<8x128xf32, #tpu.memory_space<vmem>>
    %dma_start3A_53 = tpu.memref_slice %arg2[%mul3A_41, %mul3A_47] : memref<100000x1024xf32, #tpu.memory_space<hbm>> -> memref<8x128xf32, #tpu.memory_space<hbm>>
    %dma_start3A_54 = arith.constant 0 : i32
    %dma_start3A_55 = arith.constant 0 : i32
    %dma_start3A_56 = tpu.memref_slice %arg6[%dma_start3A_48, %dma_start3A_54, %dma_start3A_55] : memref<32x8x128xf32, #tpu.memory_space<vmem>> -> memref<1x8x128xf32, #tpu.memory_space<vmem>>
    %dma_start3A_57 = tpu.memref_squeeze %dma_start3A_56 : memref<1x8x128xf32, #tpu.memory_space<vmem>> -> memref<8x128xf32, #tpu.memory_space<vmem>>
    %dma_start3A_58 = tpu.memref_slice %arg2[%mul3A_41, %mul3A_47] : memref<100000x1024xf32, #tpu.memory_space<hbm>> -> memref<8x128xf32, #tpu.memory_space<hbm>>
    tpu.enqueue_dma source(%dma_start3A_58 : memref<8x128xf32, #tpu.memory_space<hbm>>) target(%dma_start3A_57 : memref<8x128xf32, #tpu.memory_space<vmem>>) target_semaphore(%arg11 : memref<!tpu.dma_semaphore, #tpu.memory_space<semaphore_mem>>)
    %eq3A_59 = arith.constant 2 : i32
    %eq3A_60 = vector.broadcast %eq3A_59 : i32 to vector<16xi32>
    %eq3A_61 = arith.cmpi eq, %iota3A, %eq3A_60 : vector<16xi32>
    %jit3A_62 = arith.constant 0 : i32
    %broadcast_in_dim3A_63 = vector.broadcast %jit3A_62 : i32 to vector<16xi32>
    %select_n3A_64 = arith.select %eq3A_61, %get3A_3, %broadcast_in_dim3A_63 : vector<16xi1>, vector<16xi32>
    %reduce_sum3A_65 = arith.constant true
    %reduce_sum3A_66 = vector.broadcast %reduce_sum3A_65 : i1 to vector<16xi1>
    %reduce_sum3A_67 = tpu.scan <sum>, %select_n3A_64 masked %reduce_sum3A_66 : vector<16xi32>, vector<16xi1> -> vector<16xi32>
    %reduce_sum3A_68 = vector.extract %reduce_sum3A_67[15] : i32 from vector<16xi32>
    %shift_right_arithmetic3A_69 = arith.constant 3 : i32
    %shift_right_arithmetic3A_70 = arith.shrsi %reduce_sum3A_68, %shift_right_arithmetic3A_69 : i32
    %mul3A_71 = arith.constant 8 : i32
    %mul3A_72 = arith.muli %shift_right_arithmetic3A_70, %mul3A_71 : i32
    %add3A_73 = arith.constant 2 : i32
    %add3A_74 = arith.addi %mul3A_2, %add3A_73 : i32
    %shift_right_arithmetic3A_75 = arith.constant 7 : i32
    %shift_right_arithmetic3A_76 = arith.shrsi %add3A_74, %shift_right_arithmetic3A_75 : i32
    %mul3A_77 = arith.constant 128 : i32
    %mul3A_78 = arith.muli %shift_right_arithmetic3A_76, %mul3A_77 : i32
    %dma_start3A_79 = arith.constant 2 : i32
    %dma_start3A_80 = arith.constant 0 : i32
    %dma_start3A_81 = arith.constant 0 : i32
    %dma_start3A_82 = tpu.memref_slice %arg6[%dma_start3A_79, %dma_start3A_80, %dma_start3A_81] : memref<32x8x128xf32, #tpu.memory_space<vmem>> -> memref<1x8x128xf32, #tpu.memory_space<vmem>>
    %dma_start3A_83 = tpu.memref_squeeze %dma_start3A_82 : memref<1x8x128xf32, #tpu.memory_space<vmem>> -> memref<8x128xf32, #tpu.memory_space<vmem>>
    %dma_start3A_84 = tpu.memref_slice %arg2[%mul3A_72, %mul3A_78] : memref<100000x1024xf32, #tpu.memory_space<hbm>> -> memref<8x128xf32, #tpu.memory_space<hbm>>
    %dma_start3A_85 = arith.constant 0 : i32
    %dma_start3A_86 = arith.constant 0 : i32
    %dma_start3A_87 = tpu.memref_slice %arg6[%dma_start3A_79, %dma_start3A_85, %dma_start3A_86] : memref<32x8x128xf32, #tpu.memory_space<vmem>> -> memref<1x8x128xf32, #tpu.memory_space<vmem>>
    %dma_start3A_88 = tpu.memref_squeeze %dma_start3A_87 : memref<1x8x128xf32, #tpu.memory_space<vmem>> -> memref<8x128xf32, #tpu.memory_space<vmem>>
    %dma_start3A_89 = tpu.memref_slice %arg2[%mul3A_72, %mul3A_78] : memref<100000x1024xf32, #tpu.memory_space<hbm>> -> memref<8x128xf32, #tpu.memory_space<hbm>>
    tpu.enqueue_dma source(%dma_start3A_89 : memref<8x128xf32, #tpu.memory_space<hbm>>) target(%dma_start3A_88 : memref<8x128xf32, #tpu.memory_space<vmem>>) target_semaphore(%arg11 : memref<!tpu.dma_semaphore, #tpu.memory_space<semaphore_mem>>)
    %eq3A_90 = arith.constant 3 : i32
    %eq3A_91 = vector.broadcast %eq3A_90 : i32 to vector<16xi32>
    %eq3A_92 = arith.cmpi eq, %iota3A, %eq3A_91 : vector<16xi32>
    %jit3A_93 = arith.constant 0 : i32
    %broadcast_in_dim3A_94 = vector.broadcast %jit3A_93 : i32 to vector<16xi32>
    %select_n3A_95 = arith.select %eq3A_92, %get3A_3, %broadcast_in_dim3A_94 : vector<16xi1>, vector<16xi32>
    %reduce_sum3A_96 = arith.constant true
    %reduce_sum3A_97 = vector.broadcast %reduce_sum3A_96 : i1 to vector<16xi1>
    %reduce_sum3A_98 = tpu.scan <sum>, %select_n3A_95 masked %reduce_sum3A_97 : vector<16xi32>, vector<16xi1> -> vector<16xi32>
    %reduce_sum3A_99 = vector.extract %reduce_sum3A_98[15] : i32 from vector<16xi32>
    %shift_right_arithmetic3A_100 = arith.constant 3 : i32
    %shift_right_arithmetic3A_101 = arith.shrsi %reduce_sum3A_99, %shift_right_arithmetic3A_100 : i32
    %mul3A_102 = arith.constant 8 : i32
    %mul3A_103 = arith.muli %shift_right_arithmetic3A_101, %mul3A_102 : i32
    %add3A_104 = arith.constant 3 : i32
    %add3A_105 = arith.addi %mul3A_2, %add3A_104 : i32
    %shift_right_arithmetic3A_106 = arith.constant 7 : i32
    %shift_right_arithmetic3A_107 = arith.shrsi %add3A_105, %shift_right_arithmetic3A_106 : i32
    %mul3A_108 = arith.constant 128 : i32
    %mul3A_109 = arith.muli %shift_right_arithmetic3A_107, %mul3A_108 : i32
    %dma_start3A_110 = arith.constant 3 : i32
    %dma_start3A_111 = arith.constant 0 : i32
    %dma_start3A_112 = arith.constant 0 : i32
    %dma_start3A_113 = tpu.memref_slice %arg6[%dma_start3A_110, %dma_start3A_111, %dma_start3A_112] : memref<32x8x128xf32, #tpu.memory_space<vmem>> -> memref<1x8x128xf32, #tpu.memory_space<vmem>>
    %dma_start3A_114 = tpu.memref_squeeze %dma_start3A_113 : memref<1x8x128xf32, #tpu.memory_space<vmem>> -> memref<8x128xf32, #tpu.memory_space<vmem>>
    %dma_start3A_115 = tpu.memref_slice %arg2[%mul3A_103, %mul3A_109] : memref<100000x1024xf32, #tpu.memory_space<hbm>> -> memref<8x128xf32, #tpu.memory_space<hbm>>
    %dma_start3A_116 = arith.constant 0 : i32
    %dma_start3A_117 = arith.constant 0 : i32
    %dma_start3A_118 = tpu.memref_slice %arg6[%dma_start3A_110, %dma_start3A_116, %dma_start3A_117] : memref<32x8x128xf32, #tpu.memory_space<vmem>> -> memref<1x8x128xf32, #tpu.memory_space<vmem>>
    %dma_start3A_119 = tpu.memref_squeeze %dma_start3A_118 : memref<1x8x128xf32, #tpu.memory_space<vmem>> -> memref<8x128xf32, #tpu.memory_space<vmem>>
    %dma_start3A_120 = tpu.memref_slice %arg2[%mul3A_103, %mul3A_109] : memref<100000x1024xf32, #tpu.memory_space<hbm>> -> memref<8x128xf32, #tpu.memory_space<hbm>>
    tpu.enqueue_dma source(%dma_start3A_120 : memref<8x128xf32, #tpu.memory_space<hbm>>) target(%dma_start3A_119 : memref<8x128xf32, #tpu.memory_space<vmem>>) target_semaphore(%arg11 : memref<!tpu.dma_semaphore, #tpu.memory_space<semaphore_mem>>)
    %eq3A_121 = arith.constant 4 : i32
    %eq3A_122 = vector.broadcast %eq3A_121 : i32 to vector<16xi32>
    %eq3A_123 = arith.cmpi eq, %iota3A, %eq3A_122 : vector<16xi32>
    %jit3A_124 = arith.constant 0 : i32
    %broadcast_in_dim3A_125 = vector.broadcast %jit3A_124 : i32 to vector<16xi32>
    %select_n3A_126 = arith.select %eq3A_123, %get3A_3, %broadcast_in_dim3A_125 : vector<16xi1>, vector<16xi32>
    %reduce_sum3A_127 = arith.constant true
    %reduce_sum3A_128 = vector.broadcast %reduce_sum3A_127 : i1 to vector<16xi1>
    %reduce_sum3A_129 = tpu.scan <sum>, %select_n3A_126 masked %reduce_sum3A_128 : vector<16xi32>, vector<16xi1> -> vector<16xi32>
    %reduce_sum3A_130 = vector.extract %reduce_sum3A_129[15] : i32 from vector<16xi32>
    %shift_right_arithmetic3A_131 = arith.constant 3 : i32
    %shift_right_arithmetic3A_132 = arith.shrsi %reduce_sum3A_130, %shift_right_arithmetic3A_131 : i32
    %mul3A_133 = arith.constant 8 : i32
    %mul3A_134 = arith.muli %shift_right_arithmetic3A_132, %mul3A_133 : i32
    %add3A_135 = arith.constant 4 : i32
    %add3A_136 = arith.addi %mul3A_2, %add3A_135 : i32
    %shift_right_arithmetic3A_137 = arith.constant 7 : i32
    %shift_right_arithmetic3A_138 = arith.shrsi %add3A_136, %shift_right_arithmetic3A_137 : i32
    %mul3A_139 = arith.constant 128 : i32
    %mul3A_140 = arith.muli %shift_right_arithmetic3A_138, %mul3A_139 : i32
    %dma_start3A_141 = arith.constant 4 : i32
    %dma_start3A_142 = arith.constant 0 : i32
    %dma_start3A_143 = arith.constant 0 : i32
    %dma_start3A_144 = tpu.memref_slice %arg6[%dma_start3A_141, %dma_start3A_142, %dma_start3A_143] : memref<32x8x128xf32, #tpu.memory_space<vmem>> -> memref<1x8x128xf32, #tpu.memory_space<vmem>>
    %dma_start3A_145 = tpu.memref_squeeze %dma_start3A_144 : memref<1x8x128xf32, #tpu.memory_space<vmem>> -> memref<8x128xf32, #tpu.memory_space<vmem>>
    %dma_start3A_146 = tpu.memref_slice %arg2[%mul3A_134, %mul3A_140] : memref<100000x1024xf32, #tpu.memory_space<hbm>> -> memref<8x128xf32, #tpu.memory_space<hbm>>
    %dma_start3A_147 = arith.constant 0 : i32
    %dma_start3A_148 = arith.constant 0 : i32
    %dma_start3A_149 = tpu.memref_slice %arg6[%dma_start3A_141, %dma_start3A_147, %dma_start3A_148] : memref<32x8x128xf32, #tpu.memory_space<vmem>> -> memref<1x8x128xf32, #tpu.memory_space<vmem>>
    %dma_start3A_150 = tpu.memref_squeeze %dma_start3A_149 : memref<1x8x128xf32, #tpu.memory_space<vmem>> -> memref<8x128xf32, #tpu.memory_space<vmem>>
    %dma_start3A_151 = tpu.memref_slice %arg2[%mul3A_134, %mul3A_140] : memref<100000x1024xf32, #tpu.memory_space<hbm>> -> memref<8x128xf32, #tpu.memory_space<hbm>>
    tpu.enqueue_dma source(%dma_start3A_151 : memref<8x128xf32, #tpu.memory_space<hbm>>) target(%dma_start3A_150 : memref<8x128xf32, #tpu.memory_space<vmem>>) target_semaphore(%arg11 : memref<!tpu.dma_semaphore, #tpu.memory_space<semaphore_mem>>)
    %eq3A_152 = arith.constant 5 : i32
    %eq3A_153 = vector.broadcast %eq3A_152 : i32 to vector<16xi32>
    %eq3A_154 = arith.cmpi eq, %iota3A, %eq3A_153 : vector<16xi32>
    %jit3A_155 = arith.constant 0 : i32
    %broadcast_in_dim3A_156 = vector.broadcast %jit3A_155 : i32 to vector<16xi32>
    %select_n3A_157 = arith.select %eq3A_154, %get3A_3, %broadcast_in_dim3A_156 : vector<16xi1>, vector<16xi32>
    %reduce_sum3A_158 = arith.constant true
    %reduce_sum3A_159 = vector.broadcast %reduce_sum3A_158 : i1 to vector<16xi1>
    %reduce_sum3A_160 = tpu.scan <sum>, %select_n3A_157 masked %reduce_sum3A_159 : vector<16xi32>, vector<16xi1> -> vector<16xi32>
    %reduce_sum3A_161 = vector.extract %reduce_sum3A_160[15] : i32 from vector<16xi32>
    %shift_right_arithmetic3A_162 = arith.constant 3 : i32
    %shift_right_arithmetic3A_163 = arith.shrsi %reduce_sum3A_161, %shift_right_arithmetic3A_162 : i32
    %mul3A_164 = arith.constant 8 : i32
    %mul3A_165 = arith.muli %shift_right_arithmetic3A_163, %mul3A_164 : i32
    %add3A_166 = arith.constant 5 : i32
    %add3A_167 = arith.addi %mul3A_2, %add3A_166 : i32
    %shift_right_arithmetic3A_168 = arith.constant 7 : i32
    %shift_right_arithmetic3A_169 = arith.shrsi %add3A_167, %shift_right_arithmetic3A_168 : i32
    %mul3A_170 = arith.constant 128 : i32
    %mul3A_171 = arith.muli %shift_right_arithmetic3A_169, %mul3A_170 : i32
    %dma_start3A_172 = arith.constant 5 : i32
    %dma_start3A_173 = arith.constant 0 : i32
    %dma_start3A_174 = arith.constant 0 : i32
    %dma_start3A_175 = tpu.memref_slice %arg6[%dma_start3A_172, %dma_start3A_173, %dma_start3A_174] : memref<32x8x128xf32, #tpu.memory_space<vmem>> -> memref<1x8x128xf32, #tpu.memory_space<vmem>>
    %dma_start3A_176 = tpu.memref_squeeze %dma_start3A_175 : memref<1x8x128xf32, #tpu.memory_space<vmem>> -> memref<8x128xf32, #tpu.memory_space<vmem>>
    %dma_start3A_177 = tpu.memref_slice %arg2[%mul3A_165, %mul3A_171] : memref<100000x1024xf32, #tpu.memory_space<hbm>> -> memref<8x128xf32, #tpu.memory_space<hbm>>
    %dma_start3A_178 = arith.constant 0 : i32
    %dma_start3A_179 = arith.constant 0 : i32
    %dma_start3A_180 = tpu.memref_slice %arg6[%dma_start3A_172, %dma_start3A_178, %dma_start3A_179] : memref<32x8x128xf32, #tpu.memory_space<vmem>> -> memref<1x8x128xf32, #tpu.memory_space<vmem>>
    %dma_start3A_181 = tpu.memref_squeeze %dma_start3A_180 : memref<1x8x128xf32, #tpu.memory_space<vmem>> -> memref<8x128xf32, #tpu.memory_space<vmem>>
    %dma_start3A_182 = tpu.memref_slice %arg2[%mul3A_165, %mul3A_171] : memref<100000x1024xf32, #tpu.memory_space<hbm>> -> memref<8x128xf32, #tpu.memory_space<hbm>>
    tpu.enqueue_dma source(%dma_start3A_182 : memref<8x128xf32, #tpu.memory_space<hbm>>) target(%dma_start3A_181 : memref<8x128xf32, #tpu.memory_space<vmem>>) target_semaphore(%arg11 : memref<!tpu.dma_semaphore, #tpu.memory_space<semaphore_mem>>)
    %eq3A_183 = arith.constant 6 : i32
    %eq3A_184 = vector.broadcast %eq3A_183 : i32 to vector<16xi32>
    %eq3A_185 = arith.cmpi eq, %iota3A, %eq3A_184 : vector<16xi32>
    %jit3A_186 = arith.constant 0 : i32
    %broadcast_in_dim3A_187 = vector.broadcast %jit3A_186 : i32 to vector<16xi32>
    %select_n3A_188 = arith.select %eq3A_185, %get3A_3, %broadcast_in_dim3A_187 : vector<16xi1>, vector<16xi32>
    %reduce_sum3A_189 = arith.constant true
    %reduce_sum3A_190 = vector.broadcast %reduce_sum3A_189 : i1 to vector<16xi1>
    %reduce_sum3A_191 = tpu.scan <sum>, %select_n3A_188 masked %reduce_sum3A_190 : vector<16xi32>, vector<16xi1> -> vector<16xi32>
    %reduce_sum3A_192 = vector.extract %reduce_sum3A_191[15] : i32 from vector<16xi32>
    %shift_right_arithmetic3A_193 = arith.constant 3 : i32
    %shift_right_arithmetic3A_194 = arith.shrsi %reduce_sum3A_192, %shift_right_arithmetic3A_193 : i32
    %mul3A_195 = arith.constant 8 : i32
    %mul3A_196 = arith.muli %shift_right_arithmetic3A_194, %mul3A_195 : i32
    %add3A_197 = arith.constant 6 : i32
    %add3A_198 = arith.addi %mul3A_2, %add3A_197 : i32
    %shift_right_arithmetic3A_199 = arith.constant 7 : i32
    %shift_right_arithmetic3A_200 = arith.shrsi %add3A_198, %shift_right_arithmetic3A_199 : i32
    %mul3A_201 = arith.constant 128 : i32
    %mul3A_202 = arith.muli %shift_right_arithmetic3A_200, %mul3A_201 : i32
    %dma_start3A_203 = arith.constant 6 : i32
    %dma_start3A_204 = arith.constant 0 : i32
    %dma_start3A_205 = arith.constant 0 : i32
    %dma_start3A_206 = tpu.memref_slice %arg6[%dma_start3A_203, %dma_start3A_204, %dma_start3A_205] : memref<32x8x128xf32, #tpu.memory_space<vmem>> -> memref<1x8x128xf32, #tpu.memory_space<vmem>>
    %dma_start3A_207 = tpu.memref_squeeze %dma_start3A_206 : memref<1x8x128xf32, #tpu.memory_space<vmem>> -> memref<8x128xf32, #tpu.memory_space<vmem>>
    %dma_start3A_208 = tpu.memref_slice %arg2[%mul3A_196, %mul3A_202] : memref<100000x1024xf32, #tpu.memory_space<hbm>> -> memref<8x128xf32, #tpu.memory_space<hbm>>
    %dma_start3A_209 = arith.constant 0 : i32
    %dma_start3A_210 = arith.constant 0 : i32
    %dma_start3A_211 = tpu.memref_slice %arg6[%dma_start3A_203, %dma_start3A_209, %dma_start3A_210] : memref<32x8x128xf32, #tpu.memory_space<vmem>> -> memref<1x8x128xf32, #tpu.memory_space<vmem>>
    %dma_start3A_212 = tpu.memref_squeeze %dma_start3A_211 : memref<1x8x128xf32, #tpu.memory_space<vmem>> -> memref<8x128xf32, #tpu.memory_space<vmem>>
    %dma_start3A_213 = tpu.memref_slice %arg2[%mul3A_196, %mul3A_202] : memref<100000x1024xf32, #tpu.memory_space<hbm>> -> memref<8x128xf32, #tpu.memory_space<hbm>>
    tpu.enqueue_dma source(%dma_start3A_213 : memref<8x128xf32, #tpu.memory_space<hbm>>) target(%dma_start3A_212 : memref<8x128xf32, #tpu.memory_space<vmem>>) target_semaphore(%arg11 : memref<!tpu.dma_semaphore, #tpu.memory_space<semaphore_mem>>)
    %eq3A_214 = arith.constant 7 : i32
    %eq3A_215 = vector.broadcast %eq3A_214 : i32 to vector<16xi32>
    %eq3A_216 = arith.cmpi eq, %iota3A, %eq3A_215 : vector<16xi32>
    %jit3A_217 = arith.constant 0 : i32
    %broadcast_in_dim3A_218 = vector.broadcast %jit3A_217 : i32 to vector<16xi32>
    %select_n3A_219 = arith.select %eq3A_216, %get3A_3, %broadcast_in_dim3A_218 : vector<16xi1>, vector<16xi32>
    %reduce_sum3A_220 = arith.constant true
    %reduce_sum3A_221 = vector.broadcast %reduce_sum3A_220 : i1 to vector<16xi1>
    %reduce_sum3A_222 = tpu.scan <sum>, %select_n3A_219 masked %reduce_sum3A_221 : vector<16xi32>, vector<16xi1> -> vector<16xi32>
    %reduce_sum3A_223 = vector.extract %reduce_sum3A_222[15] : i32 from vector<16xi32>
    %shift_right_arithmetic3A_224 = arith.constant 3 : i32
    %shift_right_arithmetic3A_225 = arith.shrsi %reduce_sum3A_223, %shift_right_arithmetic3A_224 : i32
    %mul3A_226 = arith.constant 8 : i32
    %mul3A_227 = arith.muli %shift_right_arithmetic3A_225, %mul3A_226 : i32
    %add3A_228 = arith.constant 7 : i32
    %add3A_229 = arith.addi %mul3A_2, %add3A_228 : i32
    %shift_right_arithmetic3A_230 = arith.constant 7 : i32
    %shift_right_arithmetic3A_231 = arith.shrsi %add3A_229, %shift_right_arithmetic3A_230 : i32
    %mul3A_232 = arith.constant 128 : i32
    %mul3A_233 = arith.muli %shift_right_arithmetic3A_231, %mul3A_232 : i32
    %dma_start3A_234 = arith.constant 7 : i32
    %dma_start3A_235 = arith.constant 0 : i32
    %dma_start3A_236 = arith.constant 0 : i32
    %dma_start3A_237 = tpu.memref_slice %arg6[%dma_start3A_234, %dma_start3A_235, %dma_start3A_236] : memref<32x8x128xf32, #tpu.memory_space<vmem>> -> memref<1x8x128xf32, #tpu.memory_space<vmem>>
    %dma_start3A_238 = tpu.memref_squeeze %dma_start3A_237 : memref<1x8x128xf32, #tpu.memory_space<vmem>> -> memref<8x128xf32, #tpu.memory_space<vmem>>
    %dma_start3A_239 = tpu.memref_slice %arg2[%mul3A_227, %mul3A_233] : memref<100000x1024xf32, #tpu.memory_space<hbm>> -> memref<8x128xf32, #tpu.memory_space<hbm>>
    %dma_start3A_240 = arith.constant 0 : i32
    %dma_start3A_241 = arith.constant 0 : i32
    %dma_start3A_242 = tpu.memref_slice %arg6[%dma_start3A_234, %dma_start3A_240, %dma_start3A_241] : memref<32x8x128xf32, #tpu.memory_space<vmem>> -> memref<1x8x128xf32, #tpu.memory_space<vmem>>
    %dma_start3A_243 = tpu.memref_squeeze %dma_start3A_242 : memref<1x8x128xf32, #tpu.memory_space<vmem>> -> memref<8x128xf32, #tpu.memory_space<vmem>>
    %dma_start3A_244 = tpu.memref_slice %arg2[%mul3A_227, %mul3A_233] : memref<100000x1024xf32, #tpu.memory_space<hbm>> -> memref<8x128xf32, #tpu.memory_space<hbm>>
    tpu.enqueue_dma source(%dma_start3A_244 : memref<8x128xf32, #tpu.memory_space<hbm>>) target(%dma_start3A_243 : memref<8x128xf32, #tpu.memory_space<vmem>>) target_semaphore(%arg11 : memref<!tpu.dma_semaphore, #tpu.memory_space<semaphore_mem>>)
    %eq3A_245 = arith.constant 8 : i32
    %eq3A_246 = vector.broadcast %eq3A_245 : i32 to vector<16xi32>
    %eq3A_247 = arith.cmpi eq, %iota3A, %eq3A_246 : vector<16xi32>
    %jit3A_248 = arith.constant 0 : i32
    %broadcast_in_dim3A_249 = vector.broadcast %jit3A_248 : i32 to vector<16xi32>
    %select_n3A_250 = arith.select %eq3A_247, %get3A_3, %broadcast_in_dim3A_249 : vector<16xi1>, vector<16xi32>
    %reduce_sum3A_251 = arith.constant true
    %reduce_sum3A_252 = vector.broadcast %reduce_sum3A_251 : i1 to vector<16xi1>
    %reduce_sum3A_253 = tpu.scan <sum>, %select_n3A_250 masked %reduce_sum3A_252 : vector<16xi32>, vector<16xi1> -> vector<16xi32>
    %reduce_sum3A_254 = vector.extract %reduce_sum3A_253[15] : i32 from vector<16xi32>
    %shift_right_arithmetic3A_255 = arith.constant 3 : i32
    %shift_right_arithmetic3A_256 = arith.shrsi %reduce_sum3A_254, %shift_right_arithmetic3A_255 : i32
    %mul3A_257 = arith.constant 8 : i32
    %mul3A_258 = arith.muli %shift_right_arithmetic3A_256, %mul3A_257 : i32
    %add3A_259 = arith.constant 8 : i32
    %add3A_260 = arith.addi %mul3A_2, %add3A_259 : i32
    %shift_right_arithmetic3A_261 = arith.constant 7 : i32
    %shift_right_arithmetic3A_262 = arith.shrsi %add3A_260, %shift_right_arithmetic3A_261 : i32
    %mul3A_263 = arith.constant 128 : i32
    %mul3A_264 = arith.muli %shift_right_arithmetic3A_262, %mul3A_263 : i32
    %dma_start3A_265 = arith.constant 8 : i32
    %dma_start3A_266 = arith.constant 0 : i32
    %dma_start3A_267 = arith.constant 0 : i32
    %dma_start3A_268 = tpu.memref_slice %arg6[%dma_start3A_265, %dma_start3A_266, %dma_start3A_267] : memref<32x8x128xf32, #tpu.memory_space<vmem>> -> memref<1x8x128xf32, #tpu.memory_space<vmem>>
    %dma_start3A_269 = tpu.memref_squeeze %dma_start3A_268 : memref<1x8x128xf32, #tpu.memory_space<vmem>> -> memref<8x128xf32, #tpu.memory_space<vmem>>
    %dma_start3A_270 = tpu.memref_slice %arg2[%mul3A_258, %mul3A_264] : memref<100000x1024xf32, #tpu.memory_space<hbm>> -> memref<8x128xf32, #tpu.memory_space<hbm>>
    %dma_start3A_271 = arith.constant 0 : i32
    %dma_start3A_272 = arith.constant 0 : i32
    %dma_start3A_273 = tpu.memref_slice %arg6[%dma_start3A_265, %dma_start3A_271, %dma_start3A_272] : memref<32x8x128xf32, #tpu.memory_space<vmem>> -> memref<1x8x128xf32, #tpu.memory_space<vmem>>
    %dma_start3A_274 = tpu.memref_squeeze %dma_start3A_273 : memref<1x8x128xf32, #tpu.memory_space<vmem>> -> memref<8x128xf32, #tpu.memory_space<vmem>>
    %dma_start3A_275 = tpu.memref_slice %arg2[%mul3A_258, %mul3A_264] : memref<100000x1024xf32, #tpu.memory_space<hbm>> -> memref<8x128xf32, #tpu.memory_space<hbm>>
    tpu.enqueue_dma source(%dma_start3A_275 : memref<8x128xf32, #tpu.memory_space<hbm>>) target(%dma_start3A_274 : memref<8x128xf32, #tpu.memory_space<vmem>>) target_semaphore(%arg11 : memref<!tpu.dma_semaphore, #tpu.memory_space<semaphore_mem>>)
    %eq3A_276 = arith.constant 9 : i32
    %eq3A_277 = vector.broadcast %eq3A_276 : i32 to vector<16xi32>
    %eq3A_278 = arith.cmpi eq, %iota3A, %eq3A_277 : vector<16xi32>
    %jit3A_279 = arith.constant 0 : i32
    %broadcast_in_dim3A_280 = vector.broadcast %jit3A_279 : i32 to vector<16xi32>
    %select_n3A_281 = arith.select %eq3A_278, %get3A_3, %broadcast_in_dim3A_280 : vector<16xi1>, vector<16xi32>
    %reduce_sum3A_282 = arith.constant true
    %reduce_sum3A_283 = vector.broadcast %reduce_sum3A_282 : i1 to vector<16xi1>
    %reduce_sum3A_284 = tpu.scan <sum>, %select_n3A_281 masked %reduce_sum3A_283 : vector<16xi32>, vector<16xi1> -> vector<16xi32>
    %reduce_sum3A_285 = vector.extract %reduce_sum3A_284[15] : i32 from vector<16xi32>
    %shift_right_arithmetic3A_286 = arith.constant 3 : i32
    %shift_right_arithmetic3A_287 = arith.shrsi %reduce_sum3A_285, %shift_right_arithmetic3A_286 : i32
    %mul3A_288 = arith.constant 8 : i32
    %mul3A_289 = arith.muli %shift_right_arithmetic3A_287, %mul3A_288 : i32
    %add3A_290 = arith.constant 9 : i32
    %add3A_291 = arith.addi %mul3A_2, %add3A_290 : i32
    %shift_right_arithmetic3A_292 = arith.constant 7 : i32
    %shift_right_arithmetic3A_293 = arith.shrsi %add3A_291, %shift_right_arithmetic3A_292 : i32
    %mul3A_294 = arith.constant 128 : i32
    %mul3A_295 = arith.muli %shift_right_arithmetic3A_293, %mul3A_294 : i32
    %dma_start3A_296 = arith.constant 9 : i32
    %dma_start3A_297 = arith.constant 0 : i32
    %dma_start3A_298 = arith.constant 0 : i32
    %dma_start3A_299 = tpu.memref_slice %arg6[%dma_start3A_296, %dma_start3A_297, %dma_start3A_298] : memref<32x8x128xf32, #tpu.memory_space<vmem>> -> memref<1x8x128xf32, #tpu.memory_space<vmem>>
    %dma_start3A_300 = tpu.memref_squeeze %dma_start3A_299 : memref<1x8x128xf32, #tpu.memory_space<vmem>> -> memref<8x128xf32, #tpu.memory_space<vmem>>
    %dma_start3A_301 = tpu.memref_slice %arg2[%mul3A_289, %mul3A_295] : memref<100000x1024xf32, #tpu.memory_space<hbm>> -> memref<8x128xf32, #tpu.memory_space<hbm>>
    %dma_start3A_302 = arith.constant 0 : i32
    %dma_start3A_303 = arith.constant 0 : i32
    %dma_start3A_304 = tpu.memref_slice %arg6[%dma_start3A_296, %dma_start3A_302, %dma_start3A_303] : memref<32x8x128xf32, #tpu.memory_space<vmem>> -> memref<1x8x128xf32, #tpu.memory_space<vmem>>
    %dma_start3A_305 = tpu.memref_squeeze %dma_start3A_304 : memref<1x8x128xf32, #tpu.memory_space<vmem>> -> memref<8x128xf32, #tpu.memory_space<vmem>>
    %dma_start3A_306 = tpu.memref_slice %arg2[%mul3A_289, %mul3A_295] : memref<100000x1024xf32, #tpu.memory_space<hbm>> -> memref<8x128xf32, #tpu.memory_space<hbm>>
    tpu.enqueue_dma source(%dma_start3A_306 : memref<8x128xf32, #tpu.memory_space<hbm>>) target(%dma_start3A_305 : memref<8x128xf32, #tpu.memory_space<vmem>>) target_semaphore(%arg11 : memref<!tpu.dma_semaphore, #tpu.memory_space<semaphore_mem>>)
    %eq3A_307 = arith.constant 10 : i32
    %eq3A_308 = vector.broadcast %eq3A_307 : i32 to vector<16xi32>
    %eq3A_309 = arith.cmpi eq, %iota3A, %eq3A_308 : vector<16xi32>
    %jit3A_310 = arith.constant 0 : i32
    %broadcast_in_dim3A_311 = vector.broadcast %jit3A_310 : i32 to vector<16xi32>
    %select_n3A_312 = arith.select %eq3A_309, %get3A_3, %broadcast_in_dim3A_311 : vector<16xi1>, vector<16xi32>
    %reduce_sum3A_313 = arith.constant true
    %reduce_sum3A_314 = vector.broadcast %reduce_sum3A_313 : i1 to vector<16xi1>
    %reduce_sum3A_315 = tpu.scan <sum>, %select_n3A_312 masked %reduce_sum3A_314 : vector<16xi32>, vector<16xi1> -> vector<16xi32>
    %reduce_sum3A_316 = vector.extract %reduce_sum3A_315[15] : i32 from vector<16xi32>
    %shift_right_arithmetic3A_317 = arith.constant 3 : i32
    %shift_right_arithmetic3A_318 = arith.shrsi %reduce_sum3A_316, %shift_right_arithmetic3A_317 : i32
    %mul3A_319 = arith.constant 8 : i32
    %mul3A_320 = arith.muli %shift_right_arithmetic3A_318, %mul3A_319 : i32
    %add3A_321 = arith.constant 10 : i32
    %add3A_322 = arith.addi %mul3A_2, %add3A_321 : i32
    %shift_right_arithmetic3A_323 = arith.constant 7 : i32
    %shift_right_arithmetic3A_324 = arith.shrsi %add3A_322, %shift_right_arithmetic3A_323 : i32
    %mul3A_325 = arith.constant 128 : i32
    %mul3A_326 = arith.muli %shift_right_arithmetic3A_324, %mul3A_325 : i32
    %dma_start3A_327 = arith.constant 10 : i32
    %dma_start3A_328 = arith.constant 0 : i32
    %dma_start3A_329 = arith.constant 0 : i32
    %dma_start3A_330 = tpu.memref_slice %arg6[%dma_start3A_327, %dma_start3A_328, %dma_start3A_329] : memref<32x8x128xf32, #tpu.memory_space<vmem>> -> memref<1x8x128xf32, #tpu.memory_space<vmem>>
    %dma_start3A_331 = tpu.memref_squeeze %dma_start3A_330 : memref<1x8x128xf32, #tpu.memory_space<vmem>> -> memref<8x128xf32, #tpu.memory_space<vmem>>
    %dma_start3A_332 = tpu.memref_slice %arg2[%mul3A_320, %mul3A_326] : memref<100000x1024xf32, #tpu.memory_space<hbm>> -> memref<8x128xf32, #tpu.memory_space<hbm>>
    %dma_start3A_333 = arith.constant 0 : i32
    %dma_start3A_334 = arith.constant 0 : i32
    %dma_start3A_335 = tpu.memref_slice %arg6[%dma_start3A_327, %dma_start3A_333, %dma_start3A_334] : memref<32x8x128xf32, #tpu.memory_space<vmem>> -> memref<1x8x128xf32, #tpu.memory_space<vmem>>
    %dma_start3A_336 = tpu.memref_squeeze %dma_start3A_335 : memref<1x8x128xf32, #tpu.memory_space<vmem>> -> memref<8x128xf32, #tpu.memory_space<vmem>>
    %dma_start3A_337 = tpu.memref_slice %arg2[%mul3A_320, %mul3A_326] : memref<100000x1024xf32, #tpu.memory_space<hbm>> -> memref<8x128xf32, #tpu.memory_space<hbm>>
    tpu.enqueue_dma source(%dma_start3A_337 : memref<8x128xf32, #tpu.memory_space<hbm>>) target(%dma_start3A_336 : memref<8x128xf32, #tpu.memory_space<vmem>>) target_semaphore(%arg11 : memref<!tpu.dma_semaphore, #tpu.memory_space<semaphore_mem>>)
    %eq3A_338 = arith.constant 11 : i32
    %eq3A_339 = vector.broadcast %eq3A_338 : i32 to vector<16xi32>
    %eq3A_340 = arith.cmpi eq, %iota3A, %eq3A_339 : vector<16xi32>
    %jit3A_341 = arith.constant 0 : i32
    %broadcast_in_dim3A_342 = vector.broadcast %jit3A_341 : i32 to vector<16xi32>
    %select_n3A_343 = arith.select %eq3A_340, %get3A_3, %broadcast_in_dim3A_342 : vector<16xi1>, vector<16xi32>
    %reduce_sum3A_344 = arith.constant true
    %reduce_sum3A_345 = vector.broadcast %reduce_sum3A_344 : i1 to vector<16xi1>
    %reduce_sum3A_346 = tpu.scan <sum>, %select_n3A_343 masked %reduce_sum3A_345 : vector<16xi32>, vector<16xi1> -> vector<16xi32>
    %reduce_sum3A_347 = vector.extract %reduce_sum3A_346[15] : i32 from vector<16xi32>
    %shift_right_arithmetic3A_348 = arith.constant 3 : i32
    %shift_right_arithmetic3A_349 = arith.shrsi %reduce_sum3A_347, %shift_right_arithmetic3A_348 : i32
    %mul3A_350 = arith.constant 8 : i32
    %mul3A_351 = arith.muli %shift_right_arithmetic3A_349, %mul3A_350 : i32
    %add3A_352 = arith.constant 11 : i32
    %add3A_353 = arith.addi %mul3A_2, %add3A_352 : i32
    %shift_right_arithmetic3A_354 = arith.constant 7 : i32
    %shift_right_arithmetic3A_355 = arith.shrsi %add3A_353, %shift_right_arithmetic3A_354 : i32
    %mul3A_356 = arith.constant 128 : i32
    %mul3A_357 = arith.muli %shift_right_arithmetic3A_355, %mul3A_356 : i32
    %dma_start3A_358 = arith.constant 11 : i32
    %dma_start3A_359 = arith.constant 0 : i32
    %dma_start3A_360 = arith.constant 0 : i32
    %dma_start3A_361 = tpu.memref_slice %arg6[%dma_start3A_358, %dma_start3A_359, %dma_start3A_360] : memref<32x8x128xf32, #tpu.memory_space<vmem>> -> memref<1x8x128xf32, #tpu.memory_space<vmem>>
    %dma_start3A_362 = tpu.memref_squeeze %dma_start3A_361 : memref<1x8x128xf32, #tpu.memory_space<vmem>> -> memref<8x128xf32, #tpu.memory_space<vmem>>
    %dma_start3A_363 = tpu.memref_slice %arg2[%mul3A_351, %mul3A_357] : memref<100000x1024xf32, #tpu.memory_space<hbm>> -> memref<8x128xf32, #tpu.memory_space<hbm>>
    %dma_start3A_364 = arith.constant 0 : i32
    %dma_start3A_365 = arith.constant 0 : i32
    %dma_start3A_366 = tpu.memref_slice %arg6[%dma_start3A_358, %dma_start3A_364, %dma_start3A_365] : memref<32x8x128xf32, #tpu.memory_space<vmem>> -> memref<1x8x128xf32, #tpu.memory_space<vmem>>
    %dma_start3A_367 = tpu.memref_squeeze %dma_start3A_366 : memref<1x8x128xf32, #tpu.memory_space<vmem>> -> memref<8x128xf32, #tpu.memory_space<vmem>>
    %dma_start3A_368 = tpu.memref_slice %arg2[%mul3A_351, %mul3A_357] : memref<100000x1024xf32, #tpu.memory_space<hbm>> -> memref<8x128xf32, #tpu.memory_space<hbm>>
    tpu.enqueue_dma source(%dma_start3A_368 : memref<8x128xf32, #tpu.memory_space<hbm>>) target(%dma_start3A_367 : memref<8x128xf32, #tpu.memory_space<vmem>>) target_semaphore(%arg11 : memref<!tpu.dma_semaphore, #tpu.memory_space<semaphore_mem>>)
    %eq3A_369 = arith.constant 12 : i32
    %eq3A_370 = vector.broadcast %eq3A_369 : i32 to vector<16xi32>
    %eq3A_371 = arith.cmpi eq, %iota3A, %eq3A_370 : vector<16xi32>
    %jit3A_372 = arith.constant 0 : i32
    %broadcast_in_dim3A_373 = vector.broadcast %jit3A_372 : i32 to vector<16xi32>
    %select_n3A_374 = arith.select %eq3A_371, %get3A_3, %broadcast_in_dim3A_373 : vector<16xi1>, vector<16xi32>
    %reduce_sum3A_375 = arith.constant true
    %reduce_sum3A_376 = vector.broadcast %reduce_sum3A_375 : i1 to vector<16xi1>
    %reduce_sum3A_377 = tpu.scan <sum>, %select_n3A_374 masked %reduce_sum3A_376 : vector<16xi32>, vector<16xi1> -> vector<16xi32>
    %reduce_sum3A_378 = vector.extract %reduce_sum3A_377[15] : i32 from vector<16xi32>
    %shift_right_arithmetic3A_379 = arith.constant 3 : i32
    %shift_right_arithmetic3A_380 = arith.shrsi %reduce_sum3A_378, %shift_right_arithmetic3A_379 : i32
    %mul3A_381 = arith.constant 8 : i32
    %mul3A_382 = arith.muli %shift_right_arithmetic3A_380, %mul3A_381 : i32
    %add3A_383 = arith.constant 12 : i32
    %add3A_384 = arith.addi %mul3A_2, %add3A_383 : i32
    %shift_right_arithmetic3A_385 = arith.constant 7 : i32
    %shift_right_arithmetic3A_386 = arith.shrsi %add3A_384, %shift_right_arithmetic3A_385 : i32
    %mul3A_387 = arith.constant 128 : i32
    %mul3A_388 = arith.muli %shift_right_arithmetic3A_386, %mul3A_387 : i32
    %dma_start3A_389 = arith.constant 12 : i32
    %dma_start3A_390 = arith.constant 0 : i32
    %dma_start3A_391 = arith.constant 0 : i32
    %dma_start3A_392 = tpu.memref_slice %arg6[%dma_start3A_389, %dma_start3A_390, %dma_start3A_391] : memref<32x8x128xf32, #tpu.memory_space<vmem>> -> memref<1x8x128xf32, #tpu.memory_space<vmem>>
    %dma_start3A_393 = tpu.memref_squeeze %dma_start3A_392 : memref<1x8x128xf32, #tpu.memory_space<vmem>> -> memref<8x128xf32, #tpu.memory_space<vmem>>
    %dma_start3A_394 = tpu.memref_slice %arg2[%mul3A_382, %mul3A_388] : memref<100000x1024xf32, #tpu.memory_space<hbm>> -> memref<8x128xf32, #tpu.memory_space<hbm>>
    %dma_start3A_395 = arith.constant 0 : i32
    %dma_start3A_396 = arith.constant 0 : i32
    %dma_start3A_397 = tpu.memref_slice %arg6[%dma_start3A_389, %dma_start3A_395, %dma_start3A_396] : memref<32x8x128xf32, #tpu.memory_space<vmem>> -> memref<1x8x128xf32, #tpu.memory_space<vmem>>
    %dma_start3A_398 = tpu.memref_squeeze %dma_start3A_397 : memref<1x8x128xf32, #tpu.memory_space<vmem>> -> memref<8x128xf32, #tpu.memory_space<vmem>>
    %dma_start3A_399 = tpu.memref_slice %arg2[%mul3A_382, %mul3A_388] : memref<100000x1024xf32, #tpu.memory_space<hbm>> -> memref<8x128xf32, #tpu.memory_space<hbm>>
    tpu.enqueue_dma source(%dma_start3A_399 : memref<8x128xf32, #tpu.memory_space<hbm>>) target(%dma_start3A_398 : memref<8x128xf32, #tpu.memory_space<vmem>>) target_semaphore(%arg11 : memref<!tpu.dma_semaphore, #tpu.memory_space<semaphore_mem>>)
    %eq3A_400 = arith.constant 13 : i32
    %eq3A_401 = vector.broadcast %eq3A_400 : i32 to vector<16xi32>
    %eq3A_402 = arith.cmpi eq, %iota3A, %eq3A_401 : vector<16xi32>
    %jit3A_403 = arith.constant 0 : i32
    %broadcast_in_dim3A_404 = vector.broadcast %jit3A_403 : i32 to vector<16xi32>
    %select_n3A_405 = arith.select %eq3A_402, %get3A_3, %broadcast_in_dim3A_404 : vector<16xi1>, vector<16xi32>
    %reduce_sum3A_406 = arith.constant true
    %reduce_sum3A_407 = vector.broadcast %reduce_sum3A_406 : i1 to vector<16xi1>
    %reduce_sum3A_408 = tpu.scan <sum>, %select_n3A_405 masked %reduce_sum3A_407 : vector<16xi32>, vector<16xi1> -> vector<16xi32>
    %reduce_sum3A_409 = vector.extract %reduce_sum3A_408[15] : i32 from vector<16xi32>
    %shift_right_arithmetic3A_410 = arith.constant 3 : i32
    %shift_right_arithmetic3A_411 = arith.shrsi %reduce_sum3A_409, %shift_right_arithmetic3A_410 : i32
    %mul3A_412 = arith.constant 8 : i32
    %mul3A_413 = arith.muli %shift_right_arithmetic3A_411, %mul3A_412 : i32
    %add3A_414 = arith.constant 13 : i32
    %add3A_415 = arith.addi %mul3A_2, %add3A_414 : i32
    %shift_right_arithmetic3A_416 = arith.constant 7 : i32
    %shift_right_arithmetic3A_417 = arith.shrsi %add3A_415, %shift_right_arithmetic3A_416 : i32
    %mul3A_418 = arith.constant 128 : i32
    %mul3A_419 = arith.muli %shift_right_arithmetic3A_417, %mul3A_418 : i32
    %dma_start3A_420 = arith.constant 13 : i32
    %dma_start3A_421 = arith.constant 0 : i32
    %dma_start3A_422 = arith.constant 0 : i32
    %dma_start3A_423 = tpu.memref_slice %arg6[%dma_start3A_420, %dma_start3A_421, %dma_start3A_422] : memref<32x8x128xf32, #tpu.memory_space<vmem>> -> memref<1x8x128xf32, #tpu.memory_space<vmem>>
    %dma_start3A_424 = tpu.memref_squeeze %dma_start3A_423 : memref<1x8x128xf32, #tpu.memory_space<vmem>> -> memref<8x128xf32, #tpu.memory_space<vmem>>
    %dma_start3A_425 = tpu.memref_slice %arg2[%mul3A_413, %mul3A_419] : memref<100000x1024xf32, #tpu.memory_space<hbm>> -> memref<8x128xf32, #tpu.memory_space<hbm>>
    %dma_start3A_426 = arith.constant 0 : i32
    %dma_start3A_427 = arith.constant 0 : i32
    %dma_start3A_428 = tpu.memref_slice %arg6[%dma_start3A_420, %dma_start3A_426, %dma_start3A_427] : memref<32x8x128xf32, #tpu.memory_space<vmem>> -> memref<1x8x128xf32, #tpu.memory_space<vmem>>
    %dma_start3A_429 = tpu.memref_squeeze %dma_start3A_428 : memref<1x8x128xf32, #tpu.memory_space<vmem>> -> memref<8x128xf32, #tpu.memory_space<vmem>>
    %dma_start3A_430 = tpu.memref_slice %arg2[%mul3A_413, %mul3A_419] : memref<100000x1024xf32, #tpu.memory_space<hbm>> -> memref<8x128xf32, #tpu.memory_space<hbm>>
    tpu.enqueue_dma source(%dma_start3A_430 : memref<8x128xf32, #tpu.memory_space<hbm>>) target(%dma_start3A_429 : memref<8x128xf32, #tpu.memory_space<vmem>>) target_semaphore(%arg11 : memref<!tpu.dma_semaphore, #tpu.memory_space<semaphore_mem>>)
    %eq3A_431 = arith.constant 14 : i32
    %eq3A_432 = vector.broadcast %eq3A_431 : i32 to vector<16xi32>
    %eq3A_433 = arith.cmpi eq, %iota3A, %eq3A_432 : vector<16xi32>
    %jit3A_434 = arith.constant 0 : i32
    %broadcast_in_dim3A_435 = vector.broadcast %jit3A_434 : i32 to vector<16xi32>
    %select_n3A_436 = arith.select %eq3A_433, %get3A_3, %broadcast_in_dim3A_435 : vector<16xi1>, vector<16xi32>
    %reduce_sum3A_437 = arith.constant true
    %reduce_sum3A_438 = vector.broadcast %reduce_sum3A_437 : i1 to vector<16xi1>
    %reduce_sum3A_439 = tpu.scan <sum>, %select_n3A_436 masked %reduce_sum3A_438 : vector<16xi32>, vector<16xi1> -> vector<16xi32>
    %reduce_sum3A_440 = vector.extract %reduce_sum3A_439[15] : i32 from vector<16xi32>
    %shift_right_arithmetic3A_441 = arith.constant 3 : i32
    %shift_right_arithmetic3A_442 = arith.shrsi %reduce_sum3A_440, %shift_right_arithmetic3A_441 : i32
    %mul3A_443 = arith.constant 8 : i32
    %mul3A_444 = arith.muli %shift_right_arithmetic3A_442, %mul3A_443 : i32
    %add3A_445 = arith.constant 14 : i32
    %add3A_446 = arith.addi %mul3A_2, %add3A_445 : i32
    %shift_right_arithmetic3A_447 = arith.constant 7 : i32
    %shift_right_arithmetic3A_448 = arith.shrsi %add3A_446, %shift_right_arithmetic3A_447 : i32
    %mul3A_449 = arith.constant 128 : i32
    %mul3A_450 = arith.muli %shift_right_arithmetic3A_448, %mul3A_449 : i32
    %dma_start3A_451 = arith.constant 14 : i32
    %dma_start3A_452 = arith.constant 0 : i32
    %dma_start3A_453 = arith.constant 0 : i32
    %dma_start3A_454 = tpu.memref_slice %arg6[%dma_start3A_451, %dma_start3A_452, %dma_start3A_453] : memref<32x8x128xf32, #tpu.memory_space<vmem>> -> memref<1x8x128xf32, #tpu.memory_space<vmem>>
    %dma_start3A_455 = tpu.memref_squeeze %dma_start3A_454 : memref<1x8x128xf32, #tpu.memory_space<vmem>> -> memref<8x128xf32, #tpu.memory_space<vmem>>
    %dma_start3A_456 = tpu.memref_slice %arg2[%mul3A_444, %mul3A_450] : memref<100000x1024xf32, #tpu.memory_space<hbm>> -> memref<8x128xf32, #tpu.memory_space<hbm>>
    %dma_start3A_457 = arith.constant 0 : i32
    %dma_start3A_458 = arith.constant 0 : i32
    %dma_start3A_459 = tpu.memref_slice %arg6[%dma_start3A_451, %dma_start3A_457, %dma_start3A_458] : memref<32x8x128xf32, #tpu.memory_space<vmem>> -> memref<1x8x128xf32, #tpu.memory_space<vmem>>
    %dma_start3A_460 = tpu.memref_squeeze %dma_start3A_459 : memref<1x8x128xf32, #tpu.memory_space<vmem>> -> memref<8x128xf32, #tpu.memory_space<vmem>>
    %dma_start3A_461 = tpu.memref_slice %arg2[%mul3A_444, %mul3A_450] : memref<100000x1024xf32, #tpu.memory_space<hbm>> -> memref<8x128xf32, #tpu.memory_space<hbm>>
    tpu.enqueue_dma source(%dma_start3A_461 : memref<8x128xf32, #tpu.memory_space<hbm>>) target(%dma_start3A_460 : memref<8x128xf32, #tpu.memory_space<vmem>>) target_semaphore(%arg11 : memref<!tpu.dma_semaphore, #tpu.memory_space<semaphore_mem>>)
    %eq3A_462 = arith.constant 15 : i32
    %eq3A_463 = vector.broadcast %eq3A_462 : i32 to vector<16xi32>
    %eq3A_464 = arith.cmpi eq, %iota3A, %eq3A_463 : vector<16xi32>
    %jit3A_465 = arith.constant 0 : i32
    %broadcast_in_dim3A_466 = vector.broadcast %jit3A_465 : i32 to vector<16xi32>
    %select_n3A_467 = arith.select %eq3A_464, %get3A_3, %broadcast_in_dim3A_466 : vector<16xi1>, vector<16xi32>
    %reduce_sum3A_468 = arith.constant true
    %reduce_sum3A_469 = vector.broadcast %reduce_sum3A_468 : i1 to vector<16xi1>
    %reduce_sum3A_470 = tpu.scan <sum>, %select_n3A_467 masked %reduce_sum3A_469 : vector<16xi32>, vector<16xi1> -> vector<16xi32>
    %reduce_sum3A_471 = vector.extract %reduce_sum3A_470[15] : i32 from vector<16xi32>
    %shift_right_arithmetic3A_472 = arith.constant 3 : i32
    %shift_right_arithmetic3A_473 = arith.shrsi %reduce_sum3A_471, %shift_right_arithmetic3A_472 : i32
    %mul3A_474 = arith.constant 8 : i32
    %mul3A_475 = arith.muli %shift_right_arithmetic3A_473, %mul3A_474 : i32
    %add3A_476 = arith.constant 15 : i32
    %add3A_477 = arith.addi %mul3A_2, %add3A_476 : i32
    %shift_right_arithmetic3A_478 = arith.constant 7 : i32
    %shift_right_arithmetic3A_479 = arith.shrsi %add3A_477, %shift_right_arithmetic3A_478 : i32
    %mul3A_480 = arith.constant 128 : i32
    %mul3A_481 = arith.muli %shift_right_arithmetic3A_479, %mul3A_480 : i32
    %dma_start3A_482 = arith.constant 15 : i32
    %dma_start3A_483 = arith.constant 0 : i32
    %dma_start3A_484 = arith.constant 0 : i32
    %dma_start3A_485 = tpu.memref_slice %arg6[%dma_start3A_482, %dma_start3A_483, %dma_start3A_484] : memref<32x8x128xf32, #tpu.memory_space<vmem>> -> memref<1x8x128xf32, #tpu.memory_space<vmem>>
    %dma_start3A_486 = tpu.memref_squeeze %dma_start3A_485 : memref<1x8x128xf32, #tpu.memory_space<vmem>> -> memref<8x128xf32, #tpu.memory_space<vmem>>
    %dma_start3A_487 = tpu.memref_slice %arg2[%mul3A_475, %mul3A_481] : memref<100000x1024xf32, #tpu.memory_space<hbm>> -> memref<8x128xf32, #tpu.memory_space<hbm>>
    %dma_start3A_488 = arith.constant 0 : i32
    %dma_start3A_489 = arith.constant 0 : i32
    %dma_start3A_490 = tpu.memref_slice %arg6[%dma_start3A_482, %dma_start3A_488, %dma_start3A_489] : memref<32x8x128xf32, #tpu.memory_space<vmem>> -> memref<1x8x128xf32, #tpu.memory_space<vmem>>
    %dma_start3A_491 = tpu.memref_squeeze %dma_start3A_490 : memref<1x8x128xf32, #tpu.memory_space<vmem>> -> memref<8x128xf32, #tpu.memory_space<vmem>>
    %dma_start3A_492 = tpu.memref_slice %arg2[%mul3A_475, %mul3A_481] : memref<100000x1024xf32, #tpu.memory_space<hbm>> -> memref<8x128xf32, #tpu.memory_space<hbm>>
    tpu.enqueue_dma source(%dma_start3A_492 : memref<8x128xf32, #tpu.memory_space<hbm>>) target(%dma_start3A_491 : memref<8x128xf32, #tpu.memory_space<vmem>>) target_semaphore(%arg11 : memref<!tpu.dma_semaphore, #tpu.memory_space<semaphore_mem>>)
    %get3A_493 = arith.constant 16 : index
    %get3A_494 = tpu.vector_load %arg5[%get3A_493] {strides = array<i32>} : memref<32xi32, #tpu.memory_space<vmem>>, vector<16xi32>,
    %eq3A_495 = arith.constant 0 : i32
    %eq3A_496 = vector.broadcast %eq3A_495 : i32 to vector<16xi32>
    %eq3A_497 = arith.cmpi eq, %iota3A, %eq3A_496 : vector<16xi32>
    %jit3A_498 = arith.constant 0 : i32
    %broadcast_in_dim3A_499 = vector.broadcast %jit3A_498 : i32 to vector<16xi32>
    %select_n3A_500 = arith.select %eq3A_497, %get3A_494, %broadcast_in_dim3A_499 : vector<16xi1>, vector<16xi32>
    %reduce_sum3A_501 = arith.constant true
    %reduce_sum3A_502 = vector.broadcast %reduce_sum3A_501 : i1 to vector<16xi1>
    %reduce_sum3A_503 = tpu.scan <sum>, %select_n3A_500 masked %reduce_sum3A_502 : vector<16xi32>, vector<16xi1> -> vector<16xi32>
    %reduce_sum3A_504 = vector.extract %reduce_sum3A_503[15] : i32 from vector<16xi32>
    %shift_right_arithmetic3A_505 = arith.constant 3 : i32
    %shift_right_arithmetic3A_506 = arith.shrsi %reduce_sum3A_504, %shift_right_arithmetic3A_505 : i32
    %mul3A_507 = arith.constant 8 : i32
    %mul3A_508 = arith.muli %shift_right_arithmetic3A_506, %mul3A_507 : i32
    %add3A_509 = arith.constant 16 : i32
    %add3A_510 = arith.addi %mul3A_2, %add3A_509 : i32
    %shift_right_arithmetic3A_511 = arith.constant 7 : i32
    %shift_right_arithmetic3A_512 = arith.shrsi %add3A_510, %shift_right_arithmetic3A_511 : i32
    %mul3A_513 = arith.constant 128 : i32
    %mul3A_514 = arith.muli %shift_right_arithmetic3A_512, %mul3A_513 : i32
    %dma_start3A_515 = arith.constant 16 : i32
    %dma_start3A_516 = arith.constant 0 : i32
    %dma_start3A_517 = arith.constant 0 : i32
    %dma_start3A_518 = tpu.memref_slice %arg6[%dma_start3A_515, %dma_start3A_516, %dma_start3A_517] : memref<32x8x128xf32, #tpu.memory_space<vmem>> -> memref<1x8x128xf32, #tpu.memory_space<vmem>>
    %dma_start3A_519 = tpu.memref_squeeze %dma_start3A_518 : memref<1x8x128xf32, #tpu.memory_space<vmem>> -> memref<8x128xf32, #tpu.memory_space<vmem>>
    %dma_start3A_520 = tpu.memref_slice %arg2[%mul3A_508, %mul3A_514] : memref<100000x1024xf32, #tpu.memory_space<hbm>> -> memref<8x128xf32, #tpu.memory_space<hbm>>
    %dma_start3A_521 = arith.constant 0 : i32
    %dma_start3A_522 = arith.constant 0 : i32
    %dma_start3A_523 = tpu.memref_slice %arg6[%dma_start3A_515, %dma_start3A_521, %dma_start3A_522] : memref<32x8x128xf32, #tpu.memory_space<vmem>> -> memref<1x8x128xf32, #tpu.memory_space<vmem>>
    %dma_start3A_524 = tpu.memref_squeeze %dma_start3A_523 : memref<1x8x128xf32, #tpu.memory_space<vmem>> -> memref<8x128xf32, #tpu.memory_space<vmem>>
    %dma_start3A_525 = tpu.memref_slice %arg2[%mul3A_508, %mul3A_514] : memref<100000x1024xf32, #tpu.memory_space<hbm>> -> memref<8x128xf32, #tpu.memory_space<hbm>>
    tpu.enqueue_dma source(%dma_start3A_525 : memref<8x128xf32, #tpu.memory_space<hbm>>) target(%dma_start3A_524 : memref<8x128xf32, #tpu.memory_space<vmem>>) target_semaphore(%arg11 : memref<!tpu.dma_semaphore, #tpu.memory_space<semaphore_mem>>)
    %eq3A_526 = arith.constant 1 : i32
    %eq3A_527 = vector.broadcast %eq3A_526 : i32 to vector<16xi32>
    %eq3A_528 = arith.cmpi eq, %iota3A, %eq3A_527 : vector<16xi32>
    %jit3A_529 = arith.constant 0 : i32
    %broadcast_in_dim3A_530 = vector.broadcast %jit3A_529 : i32 to vector<16xi32>
    %select_n3A_531 = arith.select %eq3A_528, %get3A_494, %broadcast_in_dim3A_530 : vector<16xi1>, vector<16xi32>
    %reduce_sum3A_532 = arith.constant true
    %reduce_sum3A_533 = vector.broadcast %reduce_sum3A_532 : i1 to vector<16xi1>
    %reduce_sum3A_534 = tpu.scan <sum>, %select_n3A_531 masked %reduce_sum3A_533 : vector<16xi32>, vector<16xi1> -> vector<16xi32>
    %reduce_sum3A_535 = vector.extract %reduce_sum3A_534[15] : i32 from vector<16xi32>
    %shift_right_arithmetic3A_536 = arith.constant 3 : i32
    %shift_right_arithmetic3A_537 = arith.shrsi %reduce_sum3A_535, %shift_right_arithmetic3A_536 : i32
    %mul3A_538 = arith.constant 8 : i32
    %mul3A_539 = arith.muli %shift_right_arithmetic3A_537, %mul3A_538 : i32
    %add3A_540 = arith.constant 17 : i32
    %add3A_541 = arith.addi %mul3A_2, %add3A_540 : i32
    %shift_right_arithmetic3A_542 = arith.constant 7 : i32
    %shift_right_arithmetic3A_543 = arith.shrsi %add3A_541, %shift_right_arithmetic3A_542 : i32
    %mul3A_544 = arith.constant 128 : i32
    %mul3A_545 = arith.muli %shift_right_arithmetic3A_543, %mul3A_544 : i32
    %dma_start3A_546 = arith.constant 17 : i32
    %dma_start3A_547 = arith.constant 0 : i32
    %dma_start3A_548 = arith.constant 0 : i32
    %dma_start3A_549 = tpu.memref_slice %arg6[%dma_start3A_546, %dma_start3A_547, %dma_start3A_548] : memref<32x8x128xf32, #tpu.memory_space<vmem>> -> memref<1x8x128xf32, #tpu.memory_space<vmem>>
    %dma_start3A_550 = tpu.memref_squeeze %dma_start3A_549 : memref<1x8x128xf32, #tpu.memory_space<vmem>> -> memref<8x128xf32, #tpu.memory_space<vmem>>
    %dma_start3A_551 = tpu.memref_slice %arg2[%mul3A_539, %mul3A_545] : memref<100000x1024xf32, #tpu.memory_space<hbm>> -> memref<8x128xf32, #tpu.memory_space<hbm>>
    %dma_start3A_552 = arith.constant 0 : i32
    %dma_start3A_553 = arith.constant 0 : i32
    %dma_start3A_554 = tpu.memref_slice %arg6[%dma_start3A_546, %dma_start3A_552, %dma_start3A_553] : memref<32x8x128xf32, #tpu.memory_space<vmem>> -> memref<1x8x128xf32, #tpu.memory_space<vmem>>
    %dma_start3A_555 = tpu.memref_squeeze %dma_start3A_554 : memref<1x8x128xf32, #tpu.memory_space<vmem>> -> memref<8x128xf32, #tpu.memory_space<vmem>>
    %dma_start3A_556 = tpu.memref_slice %arg2[%mul3A_539, %mul3A_545] : memref<100000x1024xf32, #tpu.memory_space<hbm>> -> memref<8x128xf32, #tpu.memory_space<hbm>>
    tpu.enqueue_dma source(%dma_start3A_556 : memref<8x128xf32, #tpu.memory_space<hbm>>) target(%dma_start3A_555 : memref<8x128xf32, #tpu.memory_space<vmem>>) target_semaphore(%arg11 : memref<!tpu.dma_semaphore, #tpu.memory_space<semaphore_mem>>)
    %eq3A_557 = arith.constant 2 : i32
    %eq3A_558 = vector.broadcast %eq3A_557 : i32 to vector<16xi32>
    %eq3A_559 = arith.cmpi eq, %iota3A, %eq3A_558 : vector<16xi32>
    %jit3A_560 = arith.constant 0 : i32
    %broadcast_in_dim3A_561 = vector.broadcast %jit3A_560 : i32 to vector<16xi32>
    %select_n3A_562 = arith.select %eq3A_559, %get3A_494, %broadcast_in_dim3A_561 : vector<16xi1>, vector<16xi32>
    %reduce_sum3A_563 = arith.constant true
    %reduce_sum3A_564 = vector.broadcast %reduce_sum3A_563 : i1 to vector<16xi1>
    %reduce_sum3A_565 = tpu.scan <sum>, %select_n3A_562 masked %reduce_sum3A_564 : vector<16xi32>, vector<16xi1> -> vector<16xi32>
    %reduce_sum3A_566 = vector.extract %reduce_sum3A_565[15] : i32 from vector<16xi32>
    %shift_right_arithmetic3A_567 = arith.constant 3 : i32
    %shift_right_arithmetic3A_568 = arith.shrsi %reduce_sum3A_566, %shift_right_arithmetic3A_567 : i32
    %mul3A_569 = arith.constant 8 : i32
    %mul3A_570 = arith.muli %shift_right_arithmetic3A_568, %mul3A_569 : i32
    %add3A_571 = arith.constant 18 : i32
    %add3A_572 = arith.addi %mul3A_2, %add3A_571 : i32
    %shift_right_arithmetic3A_573 = arith.constant 7 : i32
    %shift_right_arithmetic3A_574 = arith.shrsi %add3A_572, %shift_right_arithmetic3A_573 : i32
    %mul3A_575 = arith.constant 128 : i32
    %mul3A_576 = arith.muli %shift_right_arithmetic3A_574, %mul3A_575 : i32
    %dma_start3A_577 = arith.constant 18 : i32
    %dma_start3A_578 = arith.constant 0 : i32
    %dma_start3A_579 = arith.constant 0 : i32
    %dma_start3A_580 = tpu.memref_slice %arg6[%dma_start3A_577, %dma_start3A_578, %dma_start3A_579] : memref<32x8x128xf32, #tpu.memory_space<vmem>> -> memref<1x8x128xf32, #tpu.memory_space<vmem>>
    %dma_start3A_581 = tpu.memref_squeeze %dma_start3A_580 : memref<1x8x128xf32, #tpu.memory_space<vmem>> -> memref<8x128xf32, #tpu.memory_space<vmem>>
    %dma_start3A_582 = tpu.memref_slice %arg2[%mul3A_570, %mul3A_576] : memref<100000x1024xf32, #tpu.memory_space<hbm>> -> memref<8x128xf32, #tpu.memory_space<hbm>>
    %dma_start3A_583 = arith.constant 0 : i32
    %dma_start3A_584 = arith.constant 0 : i32
    %dma_start3A_585 = tpu.memref_slice %arg6[%dma_start3A_577, %dma_start3A_583, %dma_start3A_584] : memref<32x8x128xf32, #tpu.memory_space<vmem>> -> memref<1x8x128xf32, #tpu.memory_space<vmem>>
    %dma_start3A_586 = tpu.memref_squeeze %dma_start3A_585 : memref<1x8x128xf32, #tpu.memory_space<vmem>> -> memref<8x128xf32, #tpu.memory_space<vmem>>
    %dma_start3A_587 = tpu.memref_slice %arg2[%mul3A_570, %mul3A_576] : memref<100000x1024xf32, #tpu.memory_space<hbm>> -> memref<8x128xf32, #tpu.memory_space<hbm>>
    tpu.enqueue_dma source(%dma_start3A_587 : memref<8x128xf32, #tpu.memory_space<hbm>>) target(%dma_start3A_586 : memref<8x128xf32, #tpu.memory_space<vmem>>) target_semaphore(%arg11 : memref<!tpu.dma_semaphore, #tpu.memory_space<semaphore_mem>>)
    %eq3A_588 = arith.constant 3 : i32
    %eq3A_589 = vector.broadcast %eq3A_588 : i32 to vector<16xi32>
    %eq3A_590 = arith.cmpi eq, %iota3A, %eq3A_589 : vector<16xi32>
    %jit3A_591 = arith.constant 0 : i32
    %broadcast_in_dim3A_592 = vector.broadcast %jit3A_591 : i32 to vector<16xi32>
    %select_n3A_593 = arith.select %eq3A_590, %get3A_494, %broadcast_in_dim3A_592 : vector<16xi1>, vector<16xi32>
    %reduce_sum3A_594 = arith.constant true
    %reduce_sum3A_595 = vector.broadcast %reduce_sum3A_594 : i1 to vector<16xi1>
    %reduce_sum3A_596 = tpu.scan <sum>, %select_n3A_593 masked %reduce_sum3A_595 : vector<16xi32>, vector<16xi1> -> vector<16xi32>
    %reduce_sum3A_597 = vector.extract %reduce_sum3A_596[15] : i32 from vector<16xi32>
    %shift_right_arithmetic3A_598 = arith.constant 3 : i32
    %shift_right_arithmetic3A_599 = arith.shrsi %reduce_sum3A_597, %shift_right_arithmetic3A_598 : i32
    %mul3A_600 = arith.constant 8 : i32
    %mul3A_601 = arith.muli %shift_right_arithmetic3A_599, %mul3A_600 : i32
    %add3A_602 = arith.constant 19 : i32
    %add3A_603 = arith.addi %mul3A_2, %add3A_602 : i32
    %shift_right_arithmetic3A_604 = arith.constant 7 : i32
    %shift_right_arithmetic3A_605 = arith.shrsi %add3A_603, %shift_right_arithmetic3A_604 : i32
    %mul3A_606 = arith.constant 128 : i32
    %mul3A_607 = arith.muli %shift_right_arithmetic3A_605, %mul3A_606 : i32
    %dma_start3A_608 = arith.constant 19 : i32
    %dma_start3A_609 = arith.constant 0 : i32
    %dma_start3A_610 = arith.constant 0 : i32
    %dma_start3A_611 = tpu.memref_slice %arg6[%dma_start3A_608, %dma_start3A_609, %dma_start3A_610] : memref<32x8x128xf32, #tpu.memory_space<vmem>> -> memref<1x8x128xf32, #tpu.memory_space<vmem>>
    %dma_start3A_612 = tpu.memref_squeeze %dma_start3A_611 : memref<1x8x128xf32, #tpu.memory_space<vmem>> -> memref<8x128xf32, #tpu.memory_space<vmem>>
    %dma_start3A_613 = tpu.memref_slice %arg2[%mul3A_601, %mul3A_607] : memref<100000x1024xf32, #tpu.memory_space<hbm>> -> memref<8x128xf32, #tpu.memory_space<hbm>>
    %dma_start3A_614 = arith.constant 0 : i32
    %dma_start3A_615 = arith.constant 0 : i32
    %dma_start3A_616 = tpu.memref_slice %arg6[%dma_start3A_608, %dma_start3A_614, %dma_start3A_615] : memref<32x8x128xf32, #tpu.memory_space<vmem>> -> memref<1x8x128xf32, #tpu.memory_space<vmem>>
    %dma_start3A_617 = tpu.memref_squeeze %dma_start3A_616 : memref<1x8x128xf32, #tpu.memory_space<vmem>> -> memref<8x128xf32, #tpu.memory_space<vmem>>
    %dma_start3A_618 = tpu.memref_slice %arg2[%mul3A_601, %mul3A_607] : memref<100000x1024xf32, #tpu.memory_space<hbm>> -> memref<8x128xf32, #tpu.memory_space<hbm>>
    tpu.enqueue_dma source(%dma_start3A_618 : memref<8x128xf32, #tpu.memory_space<hbm>>) target(%dma_start3A_617 : memref<8x128xf32, #tpu.memory_space<vmem>>) target_semaphore(%arg11 : memref<!tpu.dma_semaphore, #tpu.memory_space<semaphore_mem>>)
    %eq3A_619 = arith.constant 4 : i32
    %eq3A_620 = vector.broadcast %eq3A_619 : i32 to vector<16xi32>
    %eq3A_621 = arith.cmpi eq, %iota3A, %eq3A_620 : vector<16xi32>
    %jit3A_622 = arith.constant 0 : i32
    %broadcast_in_dim3A_623 = vector.broadcast %jit3A_622 : i32 to vector<16xi32>
    %select_n3A_624 = arith.select %eq3A_621, %get3A_494, %broadcast_in_dim3A_623 : vector<16xi1>, vector<16xi32>
    %reduce_sum3A_625 = arith.constant true
    %reduce_sum3A_626 = vector.broadcast %reduce_sum3A_625 : i1 to vector<16xi1>
    %reduce_sum3A_627 = tpu.scan <sum>, %select_n3A_624 masked %reduce_sum3A_626 : vector<16xi32>, vector<16xi1> -> vector<16xi32>
    %reduce_sum3A_628 = vector.extract %reduce_sum3A_627[15] : i32 from vector<16xi32>
    %shift_right_arithmetic3A_629 = arith.constant 3 : i32
    %shift_right_arithmetic3A_630 = arith.shrsi %reduce_sum3A_628, %shift_right_arithmetic3A_629 : i32
    %mul3A_631 = arith.constant 8 : i32
    %mul3A_632 = arith.muli %shift_right_arithmetic3A_630, %mul3A_631 : i32
    %add3A_633 = arith.constant 20 : i32
    %add3A_634 = arith.addi %mul3A_2, %add3A_633 : i32
    %shift_right_arithmetic3A_635 = arith.constant 7 : i32
    %shift_right_arithmetic3A_636 = arith.shrsi %add3A_634, %shift_right_arithmetic3A_635 : i32
    %mul3A_637 = arith.constant 128 : i32
    %mul3A_638 = arith.muli %shift_right_arithmetic3A_636, %mul3A_637 : i32
    %dma_start3A_639 = arith.constant 20 : i32
    %dma_start3A_640 = arith.constant 0 : i32
    %dma_start3A_641 = arith.constant 0 : i32
    %dma_start3A_642 = tpu.memref_slice %arg6[%dma_start3A_639, %dma_start3A_640, %dma_start3A_641] : memref<32x8x128xf32, #tpu.memory_space<vmem>> -> memref<1x8x128xf32, #tpu.memory_space<vmem>>
    %dma_start3A_643 = tpu.memref_squeeze %dma_start3A_642 : memref<1x8x128xf32, #tpu.memory_space<vmem>> -> memref<8x128xf32, #tpu.memory_space<vmem>>
    %dma_start3A_644 = tpu.memref_slice %arg2[%mul3A_632, %mul3A_638] : memref<100000x1024xf32, #tpu.memory_space<hbm>> -> memref<8x128xf32, #tpu.memory_space<hbm>>
    %dma_start3A_645 = arith.constant 0 : i32
    %dma_start3A_646 = arith.constant 0 : i32
    %dma_start3A_647 = tpu.memref_slice %arg6[%dma_start3A_639, %dma_start3A_645, %dma_start3A_646] : memref<32x8x128xf32, #tpu.memory_space<vmem>> -> memref<1x8x128xf32, #tpu.memory_space<vmem>>
    %dma_start3A_648 = tpu.memref_squeeze %dma_start3A_647 : memref<1x8x128xf32, #tpu.memory_space<vmem>> -> memref<8x128xf32, #tpu.memory_space<vmem>>
    %dma_start3A_649 = tpu.memref_slice %arg2[%mul3A_632, %mul3A_638] : memref<100000x1024xf32, #tpu.memory_space<hbm>> -> memref<8x128xf32, #tpu.memory_space<hbm>>
    tpu.enqueue_dma source(%dma_start3A_649 : memref<8x128xf32, #tpu.memory_space<hbm>>) target(%dma_start3A_648 : memref<8x128xf32, #tpu.memory_space<vmem>>) target_semaphore(%arg11 : memref<!tpu.dma_semaphore, #tpu.memory_space<semaphore_mem>>)
    %eq3A_650 = arith.constant 5 : i32
    %eq3A_651 = vector.broadcast %eq3A_650 : i32 to vector<16xi32>
    %eq3A_652 = arith.cmpi eq, %iota3A, %eq3A_651 : vector<16xi32>
    %jit3A_653 = arith.constant 0 : i32
    %broadcast_in_dim3A_654 = vector.broadcast %jit3A_653 : i32 to vector<16xi32>
    %select_n3A_655 = arith.select %eq3A_652, %get3A_494, %broadcast_in_dim3A_654 : vector<16xi1>, vector<16xi32>
    %reduce_sum3A_656 = arith.constant true
    %reduce_sum3A_657 = vector.broadcast %reduce_sum3A_656 : i1 to vector<16xi1>
    %reduce_sum3A_658 = tpu.scan <sum>, %select_n3A_655 masked %reduce_sum3A_657 : vector<16xi32>, vector<16xi1> -> vector<16xi32>
    %reduce_sum3A_659 = vector.extract %reduce_sum3A_658[15] : i32 from vector<16xi32>
    %shift_right_arithmetic3A_660 = arith.constant 3 : i32
    %shift_right_arithmetic3A_661 = arith.shrsi %reduce_sum3A_659, %shift_right_arithmetic3A_660 : i32
    %mul3A_662 = arith.constant 8 : i32
    %mul3A_663 = arith.muli %shift_right_arithmetic3A_661, %mul3A_662 : i32
    %add3A_664 = arith.constant 21 : i32
    %add3A_665 = arith.addi %mul3A_2, %add3A_664 : i32
    %shift_right_arithmetic3A_666 = arith.constant 7 : i32
    %shift_right_arithmetic3A_667 = arith.shrsi %add3A_665, %shift_right_arithmetic3A_666 : i32
    %mul3A_668 = arith.constant 128 : i32
    %mul3A_669 = arith.muli %shift_right_arithmetic3A_667, %mul3A_668 : i32
    %dma_start3A_670 = arith.constant 21 : i32
    %dma_start3A_671 = arith.constant 0 : i32
    %dma_start3A_672 = arith.constant 0 : i32
    %dma_start3A_673 = tpu.memref_slice %arg6[%dma_start3A_670, %dma_start3A_671, %dma_start3A_672] : memref<32x8x128xf32, #tpu.memory_space<vmem>> -> memref<1x8x128xf32, #tpu.memory_space<vmem>>
    %dma_start3A_674 = tpu.memref_squeeze %dma_start3A_673 : memref<1x8x128xf32, #tpu.memory_space<vmem>> -> memref<8x128xf32, #tpu.memory_space<vmem>>
    %dma_start3A_675 = tpu.memref_slice %arg2[%mul3A_663, %mul3A_669] : memref<100000x1024xf32, #tpu.memory_space<hbm>> -> memref<8x128xf32, #tpu.memory_space<hbm>>
    %dma_start3A_676 = arith.constant 0 : i32
    %dma_start3A_677 = arith.constant 0 : i32
    %dma_start3A_678 = tpu.memref_slice %arg6[%dma_start3A_670, %dma_start3A_676, %dma_start3A_677] : memref<32x8x128xf32, #tpu.memory_space<vmem>> -> memref<1x8x128xf32, #tpu.memory_space<vmem>>
    %dma_start3A_679 = tpu.memref_squeeze %dma_start3A_678 : memref<1x8x128xf32, #tpu.memory_space<vmem>> -> memref<8x128xf32, #tpu.memory_space<vmem>>
    %dma_start3A_680 = tpu.memref_slice %arg2[%mul3A_663, %mul3A_669] : memref<100000x1024xf32, #tpu.memory_space<hbm>> -> memref<8x128xf32, #tpu.memory_space<hbm>>
    tpu.enqueue_dma source(%dma_start3A_680 : memref<8x128xf32, #tpu.memory_space<hbm>>) target(%dma_start3A_679 : memref<8x128xf32, #tpu.memory_space<vmem>>) target_semaphore(%arg11 : memref<!tpu.dma_semaphore, #tpu.memory_space<semaphore_mem>>)
    %eq3A_681 = arith.constant 6 : i32
    %eq3A_682 = vector.broadcast %eq3A_681 : i32 to vector<16xi32>
    %eq3A_683 = arith.cmpi eq, %iota3A, %eq3A_682 : vector<16xi32>
    %jit3A_684 = arith.constant 0 : i32
    %broadcast_in_dim3A_685 = vector.broadcast %jit3A_684 : i32 to vector<16xi32>
    %select_n3A_686 = arith.select %eq3A_683, %get3A_494, %broadcast_in_dim3A_685 : vector<16xi1>, vector<16xi32>
    %reduce_sum3A_687 = arith.constant true
    %reduce_sum3A_688 = vector.broadcast %reduce_sum3A_687 : i1 to vector<16xi1>
    %reduce_sum3A_689 = tpu.scan <sum>, %select_n3A_686 masked %reduce_sum3A_688 : vector<16xi32>, vector<16xi1> -> vector<16xi32>
    %reduce_sum3A_690 = vector.extract %reduce_sum3A_689[15] : i32 from vector<16xi32>
    %shift_right_arithmetic3A_691 = arith.constant 3 : i32
    %shift_right_arithmetic3A_692 = arith.shrsi %reduce_sum3A_690, %shift_right_arithmetic3A_691 : i32
    %mul3A_693 = arith.constant 8 : i32
    %mul3A_694 = arith.muli %shift_right_arithmetic3A_692, %mul3A_693 : i32
    %add3A_695 = arith.constant 22 : i32
    %add3A_696 = arith.addi %mul3A_2, %add3A_695 : i32
    %shift_right_arithmetic3A_697 = arith.constant 7 : i32
    %shift_right_arithmetic3A_698 = arith.shrsi %add3A_696, %shift_right_arithmetic3A_697 : i32
    %mul3A_699 = arith.constant 128 : i32
    %mul3A_700 = arith.muli %shift_right_arithmetic3A_698, %mul3A_699 : i32
    %dma_start3A_701 = arith.constant 22 : i32
    %dma_start3A_702 = arith.constant 0 : i32
    %dma_start3A_703 = arith.constant 0 : i32
    %dma_start3A_704 = tpu.memref_slice %arg6[%dma_start3A_701, %dma_start3A_702, %dma_start3A_703] : memref<32x8x128xf32, #tpu.memory_space<vmem>> -> memref<1x8x128xf32, #tpu.memory_space<vmem>>
    %dma_start3A_705 = tpu.memref_squeeze %dma_start3A_704 : memref<1x8x128xf32, #tpu.memory_space<vmem>> -> memref<8x128xf32, #tpu.memory_space<vmem>>
    %dma_start3A_706 = tpu.memref_slice %arg2[%mul3A_694, %mul3A_700] : memref<100000x1024xf32, #tpu.memory_space<hbm>> -> memref<8x128xf32, #tpu.memory_space<hbm>>
    %dma_start3A_707 = arith.constant 0 : i32
    %dma_start3A_708 = arith.constant 0 : i32
    %dma_start3A_709 = tpu.memref_slice %arg6[%dma_start3A_701, %dma_start3A_707, %dma_start3A_708] : memref<32x8x128xf32, #tpu.memory_space<vmem>> -> memref<1x8x128xf32, #tpu.memory_space<vmem>>
    %dma_start3A_710 = tpu.memref_squeeze %dma_start3A_709 : memref<1x8x128xf32, #tpu.memory_space<vmem>> -> memref<8x128xf32, #tpu.memory_space<vmem>>
    %dma_start3A_711 = tpu.memref_slice %arg2[%mul3A_694, %mul3A_700] : memref<100000x1024xf32, #tpu.memory_space<hbm>> -> memref<8x128xf32, #tpu.memory_space<hbm>>
    tpu.enqueue_dma source(%dma_start3A_711 : memref<8x128xf32, #tpu.memory_space<hbm>>) target(%dma_start3A_710 : memref<8x128xf32, #tpu.memory_space<vmem>>) target_semaphore(%arg11 : memref<!tpu.dma_semaphore, #tpu.memory_space<semaphore_mem>>)
    %eq3A_712 = arith.constant 7 : i32
    %eq3A_713 = vector.broadcast %eq3A_712 : i32 to vector<16xi32>
    %eq3A_714 = arith.cmpi eq, %iota3A, %eq3A_713 : vector<16xi32>
    %jit3A_715 = arith.constant 0 : i32
    %broadcast_in_dim3A_716 = vector.broadcast %jit3A_715 : i32 to vector<16xi32>
    %select_n3A_717 = arith.select %eq3A_714, %get3A_494, %broadcast_in_dim3A_716 : vector<16xi1>, vector<16xi32>
    %reduce_sum3A_718 = arith.constant true
    %reduce_sum3A_719 = vector.broadcast %reduce_sum3A_718 : i1 to vector<16xi1>
    %reduce_sum3A_720 = tpu.scan <sum>, %select_n3A_717 masked %reduce_sum3A_719 : vector<16xi32>, vector<16xi1> -> vector<16xi32>
    %reduce_sum3A_721 = vector.extract %reduce_sum3A_720[15] : i32 from vector<16xi32>
    %shift_right_arithmetic3A_722 = arith.constant 3 : i32
    %shift_right_arithmetic3A_723 = arith.shrsi %reduce_sum3A_721, %shift_right_arithmetic3A_722 : i32
    %mul3A_724 = arith.constant 8 : i32
    %mul3A_725 = arith.muli %shift_right_arithmetic3A_723, %mul3A_724 : i32
    %add3A_726 = arith.constant 23 : i32
    %add3A_727 = arith.addi %mul3A_2, %add3A_726 : i32
    %shift_right_arithmetic3A_728 = arith.constant 7 : i32
    %shift_right_arithmetic3A_729 = arith.shrsi %add3A_727, %shift_right_arithmetic3A_728 : i32
    %mul3A_730 = arith.constant 128 : i32
    %mul3A_731 = arith.muli %shift_right_arithmetic3A_729, %mul3A_730 : i32
    %dma_start3A_732 = arith.constant 23 : i32
    %dma_start3A_733 = arith.constant 0 : i32
    %dma_start3A_734 = arith.constant 0 : i32
    %dma_start3A_735 = tpu.memref_slice %arg6[%dma_start3A_732, %dma_start3A_733, %dma_start3A_734] : memref<32x8x128xf32, #tpu.memory_space<vmem>> -> memref<1x8x128xf32, #tpu.memory_space<vmem>>
    %dma_start3A_736 = tpu.memref_squeeze %dma_start3A_735 : memref<1x8x128xf32, #tpu.memory_space<vmem>> -> memref<8x128xf32, #tpu.memory_space<vmem>>
    %dma_start3A_737 = tpu.memref_slice %arg2[%mul3A_725, %mul3A_731] : memref<100000x1024xf32, #tpu.memory_space<hbm>> -> memref<8x128xf32, #tpu.memory_space<hbm>>
    %dma_start3A_738 = arith.constant 0 : i32
    %dma_start3A_739 = arith.constant 0 : i32
    %dma_start3A_740 = tpu.memref_slice %arg6[%dma_start3A_732, %dma_start3A_738, %dma_start3A_739] : memref<32x8x128xf32, #tpu.memory_space<vmem>> -> memref<1x8x128xf32, #tpu.memory_space<vmem>>
    %dma_start3A_741 = tpu.memref_squeeze %dma_start3A_740 : memref<1x8x128xf32, #tpu.memory_space<vmem>> -> memref<8x128xf32, #tpu.memory_space<vmem>>
    %dma_start3A_742 = tpu.memref_slice %arg2[%mul3A_725, %mul3A_731] : memref<100000x1024xf32, #tpu.memory_space<hbm>> -> memref<8x128xf32, #tpu.memory_space<hbm>>
    tpu.enqueue_dma source(%dma_start3A_742 : memref<8x128xf32, #tpu.memory_space<hbm>>) target(%dma_start3A_741 : memref<8x128xf32, #tpu.memory_space<vmem>>) target_semaphore(%arg11 : memref<!tpu.dma_semaphore, #tpu.memory_space<semaphore_mem>>)
    %eq3A_743 = arith.constant 8 : i32
    %eq3A_744 = vector.broadcast %eq3A_743 : i32 to vector<16xi32>
    %eq3A_745 = arith.cmpi eq, %iota3A, %eq3A_744 : vector<16xi32>
    %jit3A_746 = arith.constant 0 : i32
    %broadcast_in_dim3A_747 = vector.broadcast %jit3A_746 : i32 to vector<16xi32>
    %select_n3A_748 = arith.select %eq3A_745, %get3A_494, %broadcast_in_dim3A_747 : vector<16xi1>, vector<16xi32>
    %reduce_sum3A_749 = arith.constant true
    %reduce_sum3A_750 = vector.broadcast %reduce_sum3A_749 : i1 to vector<16xi1>
    %reduce_sum3A_751 = tpu.scan <sum>, %select_n3A_748 masked %reduce_sum3A_750 : vector<16xi32>, vector<16xi1> -> vector<16xi32>
    %reduce_sum3A_752 = vector.extract %reduce_sum3A_751[15] : i32 from vector<16xi32>
    %shift_right_arithmetic3A_753 = arith.constant 3 : i32
    %shift_right_arithmetic3A_754 = arith.shrsi %reduce_sum3A_752, %shift_right_arithmetic3A_753 : i32
    %mul3A_755 = arith.constant 8 : i32
    %mul3A_756 = arith.muli %shift_right_arithmetic3A_754, %mul3A_755 : i32
    %add3A_757 = arith.constant 24 : i32
    %add3A_758 = arith.addi %mul3A_2, %add3A_757 : i32
    %shift_right_arithmetic3A_759 = arith.constant 7 : i32
    %shift_right_arithmetic3A_760 = arith.shrsi %add3A_758, %shift_right_arithmetic3A_759 : i32
    %mul3A_761 = arith.constant 128 : i32
    %mul3A_762 = arith.muli %shift_right_arithmetic3A_760, %mul3A_761 : i32
    %dma_start3A_763 = arith.constant 24 : i32
    %dma_start3A_764 = arith.constant 0 : i32
    %dma_start3A_765 = arith.constant 0 : i32
    %dma_start3A_766 = tpu.memref_slice %arg6[%dma_start3A_763, %dma_start3A_764, %dma_start3A_765] : memref<32x8x128xf32, #tpu.memory_space<vmem>> -> memref<1x8x128xf32, #tpu.memory_space<vmem>>
    %dma_start3A_767 = tpu.memref_squeeze %dma_start3A_766 : memref<1x8x128xf32, #tpu.memory_space<vmem>> -> memref<8x128xf32, #tpu.memory_space<vmem>>
    %dma_start3A_768 = tpu.memref_slice %arg2[%mul3A_756, %mul3A_762] : memref<100000x1024xf32, #tpu.memory_space<hbm>> -> memref<8x128xf32, #tpu.memory_space<hbm>>
    %dma_start3A_769 = arith.constant 0 : i32
    %dma_start3A_770 = arith.constant 0 : i32
    %dma_start3A_771 = tpu.memref_slice %arg6[%dma_start3A_763, %dma_start3A_769, %dma_start3A_770] : memref<32x8x128xf32, #tpu.memory_space<vmem>> -> memref<1x8x128xf32, #tpu.memory_space<vmem>>
    %dma_start3A_772 = tpu.memref_squeeze %dma_start3A_771 : memref<1x8x128xf32, #tpu.memory_space<vmem>> -> memref<8x128xf32, #tpu.memory_space<vmem>>
    %dma_start3A_773 = tpu.memref_slice %arg2[%mul3A_756, %mul3A_762] : memref<100000x1024xf32, #tpu.memory_space<hbm>> -> memref<8x128xf32, #tpu.memory_space<hbm>>
    tpu.enqueue_dma source(%dma_start3A_773 : memref<8x128xf32, #tpu.memory_space<hbm>>) target(%dma_start3A_772 : memref<8x128xf32, #tpu.memory_space<vmem>>) target_semaphore(%arg11 : memref<!tpu.dma_semaphore, #tpu.memory_space<semaphore_mem>>)
    %eq3A_774 = arith.constant 9 : i32
    %eq3A_775 = vector.broadcast %eq3A_774 : i32 to vector<16xi32>
    %eq3A_776 = arith.cmpi eq, %iota3A, %eq3A_775 : vector<16xi32>
    %jit3A_777 = arith.constant 0 : i32
    %broadcast_in_dim3A_778 = vector.broadcast %jit3A_777 : i32 to vector<16xi32>
    %select_n3A_779 = arith.select %eq3A_776, %get3A_494, %broadcast_in_dim3A_778 : vector<16xi1>, vector<16xi32>
    %reduce_sum3A_780 = arith.constant true
    %reduce_sum3A_781 = vector.broadcast %reduce_sum3A_780 : i1 to vector<16xi1>
    %reduce_sum3A_782 = tpu.scan <sum>, %select_n3A_779 masked %reduce_sum3A_781 : vector<16xi32>, vector<16xi1> -> vector<16xi32>
    %reduce_sum3A_783 = vector.extract %reduce_sum3A_782[15] : i32 from vector<16xi32>
    %shift_right_arithmetic3A_784 = arith.constant 3 : i32
    %shift_right_arithmetic3A_785 = arith.shrsi %reduce_sum3A_783, %shift_right_arithmetic3A_784 : i32
    %mul3A_786 = arith.constant 8 : i32
    %mul3A_787 = arith.muli %shift_right_arithmetic3A_785, %mul3A_786 : i32
    %add3A_788 = arith.constant 25 : i32
    %add3A_789 = arith.addi %mul3A_2, %add3A_788 : i32
    %shift_right_arithmetic3A_790 = arith.constant 7 : i32
    %shift_right_arithmetic3A_791 = arith.shrsi %add3A_789, %shift_right_arithmetic3A_790 : i32
    %mul3A_792 = arith.constant 128 : i32
    %mul3A_793 = arith.muli %shift_right_arithmetic3A_791, %mul3A_792 : i32
    %dma_start3A_794 = arith.constant 25 : i32
    %dma_start3A_795 = arith.constant 0 : i32
    %dma_start3A_796 = arith.constant 0 : i32
    %dma_start3A_797 = tpu.memref_slice %arg6[%dma_start3A_794, %dma_start3A_795, %dma_start3A_796] : memref<32x8x128xf32, #tpu.memory_space<vmem>> -> memref<1x8x128xf32, #tpu.memory_space<vmem>>
    %dma_start3A_798 = tpu.memref_squeeze %dma_start3A_797 : memref<1x8x128xf32, #tpu.memory_space<vmem>> -> memref<8x128xf32, #tpu.memory_space<vmem>>
    %dma_start3A_799 = tpu.memref_slice %arg2[%mul3A_787, %mul3A_793] : memref<100000x1024xf32, #tpu.memory_space<hbm>> -> memref<8x128xf32, #tpu.memory_space<hbm>>
    %dma_start3A_800 = arith.constant 0 : i32
    %dma_start3A_801 = arith.constant 0 : i32
    %dma_start3A_802 = tpu.memref_slice %arg6[%dma_start3A_794, %dma_start3A_800, %dma_start3A_801] : memref<32x8x128xf32, #tpu.memory_space<vmem>> -> memref<1x8x128xf32, #tpu.memory_space<vmem>>
    %dma_start3A_803 = tpu.memref_squeeze %dma_start3A_802 : memref<1x8x128xf32, #tpu.memory_space<vmem>> -> memref<8x128xf32, #tpu.memory_space<vmem>>
    %dma_start3A_804 = tpu.memref_slice %arg2[%mul3A_787, %mul3A_793] : memref<100000x1024xf32, #tpu.memory_space<hbm>> -> memref<8x128xf32, #tpu.memory_space<hbm>>
    tpu.enqueue_dma source(%dma_start3A_804 : memref<8x128xf32, #tpu.memory_space<hbm>>) target(%dma_start3A_803 : memref<8x128xf32, #tpu.memory_space<vmem>>) target_semaphore(%arg11 : memref<!tpu.dma_semaphore, #tpu.memory_space<semaphore_mem>>)
    %eq3A_805 = arith.constant 10 : i32
    %eq3A_806 = vector.broadcast %eq3A_805 : i32 to vector<16xi32>
    %eq3A_807 = arith.cmpi eq, %iota3A, %eq3A_806 : vector<16xi32>
    %jit3A_808 = arith.constant 0 : i32
    %broadcast_in_dim3A_809 = vector.broadcast %jit3A_808 : i32 to vector<16xi32>
    %select_n3A_810 = arith.select %eq3A_807, %get3A_494, %broadcast_in_dim3A_809 : vector<16xi1>, vector<16xi32>
    %reduce_sum3A_811 = arith.constant true
    %reduce_sum3A_812 = vector.broadcast %reduce_sum3A_811 : i1 to vector<16xi1>
    %reduce_sum3A_813 = tpu.scan <sum>, %select_n3A_810 masked %reduce_sum3A_812 : vector<16xi32>, vector<16xi1> -> vector<16xi32>
    %reduce_sum3A_814 = vector.extract %reduce_sum3A_813[15] : i32 from vector<16xi32>
    %shift_right_arithmetic3A_815 = arith.constant 3 : i32
    %shift_right_arithmetic3A_816 = arith.shrsi %reduce_sum3A_814, %shift_right_arithmetic3A_815 : i32
    %mul3A_817 = arith.constant 8 : i32
    %mul3A_818 = arith.muli %shift_right_arithmetic3A_816, %mul3A_817 : i32
    %add3A_819 = arith.constant 26 : i32
    %add3A_820 = arith.addi %mul3A_2, %add3A_819 : i32
    %shift_right_arithmetic3A_821 = arith.constant 7 : i32
    %shift_right_arithmetic3A_822 = arith.shrsi %add3A_820, %shift_right_arithmetic3A_821 : i32
    %mul3A_823 = arith.constant 128 : i32
    %mul3A_824 = arith.muli %shift_right_arithmetic3A_822, %mul3A_823 : i32
    %dma_start3A_825 = arith.constant 26 : i32
    %dma_start3A_826 = arith.constant 0 : i32
    %dma_start3A_827 = arith.constant 0 : i32
    %dma_start3A_828 = tpu.memref_slice %arg6[%dma_start3A_825, %dma_start3A_826, %dma_start3A_827] : memref<32x8x128xf32, #tpu.memory_space<vmem>> -> memref<1x8x128xf32, #tpu.memory_space<vmem>>
    %dma_start3A_829 = tpu.memref_squeeze %dma_start3A_828 : memref<1x8x128xf32, #tpu.memory_space<vmem>> -> memref<8x128xf32, #tpu.memory_space<vmem>>
    %dma_start3A_830 = tpu.memref_slice %arg2[%mul3A_818, %mul3A_824] : memref<100000x1024xf32, #tpu.memory_space<hbm>> -> memref<8x128xf32, #tpu.memory_space<hbm>>
    %dma_start3A_831 = arith.constant 0 : i32
    %dma_start3A_832 = arith.constant 0 : i32
    %dma_start3A_833 = tpu.memref_slice %arg6[%dma_start3A_825, %dma_start3A_831, %dma_start3A_832] : memref<32x8x128xf32, #tpu.memory_space<vmem>> -> memref<1x8x128xf32, #tpu.memory_space<vmem>>
    %dma_start3A_834 = tpu.memref_squeeze %dma_start3A_833 : memref<1x8x128xf32, #tpu.memory_space<vmem>> -> memref<8x128xf32, #tpu.memory_space<vmem>>
    %dma_start3A_835 = tpu.memref_slice %arg2[%mul3A_818, %mul3A_824] : memref<100000x1024xf32, #tpu.memory_space<hbm>> -> memref<8x128xf32, #tpu.memory_space<hbm>>
    tpu.enqueue_dma source(%dma_start3A_835 : memref<8x128xf32, #tpu.memory_space<hbm>>) target(%dma_start3A_834 : memref<8x128xf32, #tpu.memory_space<vmem>>) target_semaphore(%arg11 : memref<!tpu.dma_semaphore, #tpu.memory_space<semaphore_mem>>)
    %eq3A_836 = arith.constant 11 : i32
    %eq3A_837 = vector.broadcast %eq3A_836 : i32 to vector<16xi32>
    %eq3A_838 = arith.cmpi eq, %iota3A, %eq3A_837 : vector<16xi32>
    %jit3A_839 = arith.constant 0 : i32
    %broadcast_in_dim3A_840 = vector.broadcast %jit3A_839 : i32 to vector<16xi32>
    %select_n3A_841 = arith.select %eq3A_838, %get3A_494, %broadcast_in_dim3A_840 : vector<16xi1>, vector<16xi32>
    %reduce_sum3A_842 = arith.constant true
    %reduce_sum3A_843 = vector.broadcast %reduce_sum3A_842 : i1 to vector<16xi1>
    %reduce_sum3A_844 = tpu.scan <sum>, %select_n3A_841 masked %reduce_sum3A_843 : vector<16xi32>, vector<16xi1> -> vector<16xi32>
    %reduce_sum3A_845 = vector.extract %reduce_sum3A_844[15] : i32 from vector<16xi32>
    %shift_right_arithmetic3A_846 = arith.constant 3 : i32
    %shift_right_arithmetic3A_847 = arith.shrsi %reduce_sum3A_845, %shift_right_arithmetic3A_846 : i32
    %mul3A_848 = arith.constant 8 : i32
    %mul3A_849 = arith.muli %shift_right_arithmetic3A_847, %mul3A_848 : i32
    %add3A_850 = arith.constant 27 : i32
    %add3A_851 = arith.addi %mul3A_2, %add3A_850 : i32
    %shift_right_arithmetic3A_852 = arith.constant 7 : i32
    %shift_right_arithmetic3A_853 = arith.shrsi %add3A_851, %shift_right_arithmetic3A_852 : i32
    %mul3A_854 = arith.constant 128 : i32
    %mul3A_855 = arith.muli %shift_right_arithmetic3A_853, %mul3A_854 : i32
    %dma_start3A_856 = arith.constant 27 : i32
    %dma_start3A_857 = arith.constant 0 : i32
    %dma_start3A_858 = arith.constant 0 : i32
    %dma_start3A_859 = tpu.memref_slice %arg6[%dma_start3A_856, %dma_start3A_857, %dma_start3A_858] : memref<32x8x128xf32, #tpu.memory_space<vmem>> -> memref<1x8x128xf32, #tpu.memory_space<vmem>>
    %dma_start3A_860 = tpu.memref_squeeze %dma_start3A_859 : memref<1x8x128xf32, #tpu.memory_space<vmem>> -> memref<8x128xf32, #tpu.memory_space<vmem>>
    %dma_start3A_861 = tpu.memref_slice %arg2[%mul3A_849, %mul3A_855] : memref<100000x1024xf32, #tpu.memory_space<hbm>> -> memref<8x128xf32, #tpu.memory_space<hbm>>
    %dma_start3A_862 = arith.constant 0 : i32
    %dma_start3A_863 = arith.constant 0 : i32
    %dma_start3A_864 = tpu.memref_slice %arg6[%dma_start3A_856, %dma_start3A_862, %dma_start3A_863] : memref<32x8x128xf32, #tpu.memory_space<vmem>> -> memref<1x8x128xf32, #tpu.memory_space<vmem>>
    %dma_start3A_865 = tpu.memref_squeeze %dma_start3A_864 : memref<1x8x128xf32, #tpu.memory_space<vmem>> -> memref<8x128xf32, #tpu.memory_space<vmem>>
    %dma_start3A_866 = tpu.memref_slice %arg2[%mul3A_849, %mul3A_855] : memref<100000x1024xf32, #tpu.memory_space<hbm>> -> memref<8x128xf32, #tpu.memory_space<hbm>>
    tpu.enqueue_dma source(%dma_start3A_866 : memref<8x128xf32, #tpu.memory_space<hbm>>) target(%dma_start3A_865 : memref<8x128xf32, #tpu.memory_space<vmem>>) target_semaphore(%arg11 : memref<!tpu.dma_semaphore, #tpu.memory_space<semaphore_mem>>)
    %eq3A_867 = arith.constant 12 : i32
    %eq3A_868 = vector.broadcast %eq3A_867 : i32 to vector<16xi32>
    %eq3A_869 = arith.cmpi eq, %iota3A, %eq3A_868 : vector<16xi32>
    %jit3A_870 = arith.constant 0 : i32
    %broadcast_in_dim3A_871 = vector.broadcast %jit3A_870 : i32 to vector<16xi32>
    %select_n3A_872 = arith.select %eq3A_869, %get3A_494, %broadcast_in_dim3A_871 : vector<16xi1>, vector<16xi32>
    %reduce_sum3A_873 = arith.constant true
    %reduce_sum3A_874 = vector.broadcast %reduce_sum3A_873 : i1 to vector<16xi1>
    %reduce_sum3A_875 = tpu.scan <sum>, %select_n3A_872 masked %reduce_sum3A_874 : vector<16xi32>, vector<16xi1> -> vector<16xi32>
    %reduce_sum3A_876 = vector.extract %reduce_sum3A_875[15] : i32 from vector<16xi32>
    %shift_right_arithmetic3A_877 = arith.constant 3 : i32
    %shift_right_arithmetic3A_878 = arith.shrsi %reduce_sum3A_876, %shift_right_arithmetic3A_877 : i32
    %mul3A_879 = arith.constant 8 : i32
    %mul3A_880 = arith.muli %shift_right_arithmetic3A_878, %mul3A_879 : i32
    %add3A_881 = arith.constant 28 : i32
    %add3A_882 = arith.addi %mul3A_2, %add3A_881 : i32
    %shift_right_arithmetic3A_883 = arith.constant 7 : i32
    %shift_right_arithmetic3A_884 = arith.shrsi %add3A_882, %shift_right_arithmetic3A_883 : i32
    %mul3A_885 = arith.constant 128 : i32
    %mul3A_886 = arith.muli %shift_right_arithmetic3A_884, %mul3A_885 : i32
    %dma_start3A_887 = arith.constant 28 : i32
    %dma_start3A_888 = arith.constant 0 : i32
    %dma_start3A_889 = arith.constant 0 : i32
    %dma_start3A_890 = tpu.memref_slice %arg6[%dma_start3A_887, %dma_start3A_888, %dma_start3A_889] : memref<32x8x128xf32, #tpu.memory_space<vmem>> -> memref<1x8x128xf32, #tpu.memory_space<vmem>>
    %dma_start3A_891 = tpu.memref_squeeze %dma_start3A_890 : memref<1x8x128xf32, #tpu.memory_space<vmem>> -> memref<8x128xf32, #tpu.memory_space<vmem>>
    %dma_start3A_892 = tpu.memref_slice %arg2[%mul3A_880, %mul3A_886] : memref<100000x1024xf32, #tpu.memory_space<hbm>> -> memref<8x128xf32, #tpu.memory_space<hbm>>
    %dma_start3A_893 = arith.constant 0 : i32
    %dma_start3A_894 = arith.constant 0 : i32
    %dma_start3A_895 = tpu.memref_slice %arg6[%dma_start3A_887, %dma_start3A_893, %dma_start3A_894] : memref<32x8x128xf32, #tpu.memory_space<vmem>> -> memref<1x8x128xf32, #tpu.memory_space<vmem>>
    %dma_start3A_896 = tpu.memref_squeeze %dma_start3A_895 : memref<1x8x128xf32, #tpu.memory_space<vmem>> -> memref<8x128xf32, #tpu.memory_space<vmem>>
    %dma_start3A_897 = tpu.memref_slice %arg2[%mul3A_880, %mul3A_886] : memref<100000x1024xf32, #tpu.memory_space<hbm>> -> memref<8x128xf32, #tpu.memory_space<hbm>>
    tpu.enqueue_dma source(%dma_start3A_897 : memref<8x128xf32, #tpu.memory_space<hbm>>) target(%dma_start3A_896 : memref<8x128xf32, #tpu.memory_space<vmem>>) target_semaphore(%arg11 : memref<!tpu.dma_semaphore, #tpu.memory_space<semaphore_mem>>)
    %eq3A_898 = arith.constant 13 : i32
    %eq3A_899 = vector.broadcast %eq3A_898 : i32 to vector<16xi32>
    %eq3A_900 = arith.cmpi eq, %iota3A, %eq3A_899 : vector<16xi32>
    %jit3A_901 = arith.constant 0 : i32
    %broadcast_in_dim3A_902 = vector.broadcast %jit3A_901 : i32 to vector<16xi32>
    %select_n3A_903 = arith.select %eq3A_900, %get3A_494, %broadcast_in_dim3A_902 : vector<16xi1>, vector<16xi32>
    %reduce_sum3A_904 = arith.constant true
    %reduce_sum3A_905 = vector.broadcast %reduce_sum3A_904 : i1 to vector<16xi1>
    %reduce_sum3A_906 = tpu.scan <sum>, %select_n3A_903 masked %reduce_sum3A_905 : vector<16xi32>, vector<16xi1> -> vector<16xi32>
    %reduce_sum3A_907 = vector.extract %reduce_sum3A_906[15] : i32 from vector<16xi32>
    %shift_right_arithmetic3A_908 = arith.constant 3 : i32
    %shift_right_arithmetic3A_909 = arith.shrsi %reduce_sum3A_907, %shift_right_arithmetic3A_908 : i32
    %mul3A_910 = arith.constant 8 : i32
    %mul3A_911 = arith.muli %shift_right_arithmetic3A_909, %mul3A_910 : i32
    %add3A_912 = arith.constant 29 : i32
    %add3A_913 = arith.addi %mul3A_2, %add3A_912 : i32
    %shift_right_arithmetic3A_914 = arith.constant 7 : i32
    %shift_right_arithmetic3A_915 = arith.shrsi %add3A_913, %shift_right_arithmetic3A_914 : i32
    %mul3A_916 = arith.constant 128 : i32
    %mul3A_917 = arith.muli %shift_right_arithmetic3A_915, %mul3A_916 : i32
    %dma_start3A_918 = arith.constant 29 : i32
    %dma_start3A_919 = arith.constant 0 : i32
    %dma_start3A_920 = arith.constant 0 : i32
    %dma_start3A_921 = tpu.memref_slice %arg6[%dma_start3A_918, %dma_start3A_919, %dma_start3A_920] : memref<32x8x128xf32, #tpu.memory_space<vmem>> -> memref<1x8x128xf32, #tpu.memory_space<vmem>>
    %dma_start3A_922 = tpu.memref_squeeze %dma_start3A_921 : memref<1x8x128xf32, #tpu.memory_space<vmem>> -> memref<8x128xf32, #tpu.memory_space<vmem>>
    %dma_start3A_923 = tpu.memref_slice %arg2[%mul3A_911, %mul3A_917] : memref<100000x1024xf32, #tpu.memory_space<hbm>> -> memref<8x128xf32, #tpu.memory_space<hbm>>
    %dma_start3A_924 = arith.constant 0 : i32
    %dma_start3A_925 = arith.constant 0 : i32
    %dma_start3A_926 = tpu.memref_slice %arg6[%dma_start3A_918, %dma_start3A_924, %dma_start3A_925] : memref<32x8x128xf32, #tpu.memory_space<vmem>> -> memref<1x8x128xf32, #tpu.memory_space<vmem>>
    %dma_start3A_927 = tpu.memref_squeeze %dma_start3A_926 : memref<1x8x128xf32, #tpu.memory_space<vmem>> -> memref<8x128xf32, #tpu.memory_space<vmem>>
    %dma_start3A_928 = tpu.memref_slice %arg2[%mul3A_911, %mul3A_917] : memref<100000x1024xf32, #tpu.memory_space<hbm>> -> memref<8x128xf32, #tpu.memory_space<hbm>>
    tpu.enqueue_dma source(%dma_start3A_928 : memref<8x128xf32, #tpu.memory_space<hbm>>) target(%dma_start3A_927 : memref<8x128xf32, #tpu.memory_space<vmem>>) target_semaphore(%arg11 : memref<!tpu.dma_semaphore, #tpu.memory_space<semaphore_mem>>)
    %eq3A_929 = arith.constant 14 : i32
    %eq3A_930 = vector.broadcast %eq3A_929 : i32 to vector<16xi32>
    %eq3A_931 = arith.cmpi eq, %iota3A, %eq3A_930 : vector<16xi32>
    %jit3A_932 = arith.constant 0 : i32
    %broadcast_in_dim3A_933 = vector.broadcast %jit3A_932 : i32 to vector<16xi32>
    %select_n3A_934 = arith.select %eq3A_931, %get3A_494, %broadcast_in_dim3A_933 : vector<16xi1>, vector<16xi32>
    %reduce_sum3A_935 = arith.constant true
    %reduce_sum3A_936 = vector.broadcast %reduce_sum3A_935 : i1 to vector<16xi1>
    %reduce_sum3A_937 = tpu.scan <sum>, %select_n3A_934 masked %reduce_sum3A_936 : vector<16xi32>, vector<16xi1> -> vector<16xi32>
    %reduce_sum3A_938 = vector.extract %reduce_sum3A_937[15] : i32 from vector<16xi32>
    %shift_right_arithmetic3A_939 = arith.constant 3 : i32
    %shift_right_arithmetic3A_940 = arith.shrsi %reduce_sum3A_938, %shift_right_arithmetic3A_939 : i32
    %mul3A_941 = arith.constant 8 : i32
    %mul3A_942 = arith.muli %shift_right_arithmetic3A_940, %mul3A_941 : i32
    %add3A_943 = arith.constant 30 : i32
    %add3A_944 = arith.addi %mul3A_2, %add3A_943 : i32
    %shift_right_arithmetic3A_945 = arith.constant 7 : i32
    %shift_right_arithmetic3A_946 = arith.shrsi %add3A_944, %shift_right_arithmetic3A_945 : i32
    %mul3A_947 = arith.constant 128 : i32
    %mul3A_948 = arith.muli %shift_right_arithmetic3A_946, %mul3A_947 : i32
    %dma_start3A_949 = arith.constant 30 : i32
    %dma_start3A_950 = arith.constant 0 : i32
    %dma_start3A_951 = arith.constant 0 : i32
    %dma_start3A_952 = tpu.memref_slice %arg6[%dma_start3A_949, %dma_start3A_950, %dma_start3A_951] : memref<32x8x128xf32, #tpu.memory_space<vmem>> -> memref<1x8x128xf32, #tpu.memory_space<vmem>>
    %dma_start3A_953 = tpu.memref_squeeze %dma_start3A_952 : memref<1x8x128xf32, #tpu.memory_space<vmem>> -> memref<8x128xf32, #tpu.memory_space<vmem>>
    %dma_start3A_954 = tpu.memref_slice %arg2[%mul3A_942, %mul3A_948] : memref<100000x1024xf32, #tpu.memory_space<hbm>> -> memref<8x128xf32, #tpu.memory_space<hbm>>
    %dma_start3A_955 = arith.constant 0 : i32
    %dma_start3A_956 = arith.constant 0 : i32
    %dma_start3A_957 = tpu.memref_slice %arg6[%dma_start3A_949, %dma_start3A_955, %dma_start3A_956] : memref<32x8x128xf32, #tpu.memory_space<vmem>> -> memref<1x8x128xf32, #tpu.memory_space<vmem>>
    %dma_start3A_958 = tpu.memref_squeeze %dma_start3A_957 : memref<1x8x128xf32, #tpu.memory_space<vmem>> -> memref<8x128xf32, #tpu.memory_space<vmem>>
    %dma_start3A_959 = tpu.memref_slice %arg2[%mul3A_942, %mul3A_948] : memref<100000x1024xf32, #tpu.memory_space<hbm>> -> memref<8x128xf32, #tpu.memory_space<hbm>>
    tpu.enqueue_dma source(%dma_start3A_959 : memref<8x128xf32, #tpu.memory_space<hbm>>) target(%dma_start3A_958 : memref<8x128xf32, #tpu.memory_space<vmem>>) target_semaphore(%arg11 : memref<!tpu.dma_semaphore, #tpu.memory_space<semaphore_mem>>)
    %eq3A_960 = arith.constant 15 : i32
    %eq3A_961 = vector.broadcast %eq3A_960 : i32 to vector<16xi32>
    %eq3A_962 = arith.cmpi eq, %iota3A, %eq3A_961 : vector<16xi32>
    %jit3A_963 = arith.constant 0 : i32
    %broadcast_in_dim3A_964 = vector.broadcast %jit3A_963 : i32 to vector<16xi32>
    %select_n3A_965 = arith.select %eq3A_962, %get3A_494, %broadcast_in_dim3A_964 : vector<16xi1>, vector<16xi32>
    %reduce_sum3A_966 = arith.constant true
    %reduce_sum3A_967 = vector.broadcast %reduce_sum3A_966 : i1 to vector<16xi1>
    %reduce_sum3A_968 = tpu.scan <sum>, %select_n3A_965 masked %reduce_sum3A_967 : vector<16xi32>, vector<16xi1> -> vector<16xi32>
    %reduce_sum3A_969 = vector.extract %reduce_sum3A_968[15] : i32 from vector<16xi32>
    %shift_right_arithmetic3A_970 = arith.constant 3 : i32
    %shift_right_arithmetic3A_971 = arith.shrsi %reduce_sum3A_969, %shift_right_arithmetic3A_970 : i32
    %mul3A_972 = arith.constant 8 : i32
    %mul3A_973 = arith.muli %shift_right_arithmetic3A_971, %mul3A_972 : i32
    %add3A_974 = arith.constant 31 : i32
    %add3A_975 = arith.addi %mul3A_2, %add3A_974 : i32
    %shift_right_arithmetic3A_976 = arith.constant 7 : i32
    %shift_right_arithmetic3A_977 = arith.shrsi %add3A_975, %shift_right_arithmetic3A_976 : i32
    %mul3A_978 = arith.constant 128 : i32
    %mul3A_979 = arith.muli %shift_right_arithmetic3A_977, %mul3A_978 : i32
    %dma_start3A_980 = arith.constant 31 : i32
    %dma_start3A_981 = arith.constant 0 : i32
    %dma_start3A_982 = arith.constant 0 : i32
    %dma_start3A_983 = tpu.memref_slice %arg6[%dma_start3A_980, %dma_start3A_981, %dma_start3A_982] : memref<32x8x128xf32, #tpu.memory_space<vmem>> -> memref<1x8x128xf32, #tpu.memory_space<vmem>>
    %dma_start3A_984 = tpu.memref_squeeze %dma_start3A_983 : memref<1x8x128xf32, #tpu.memory_space<vmem>> -> memref<8x128xf32, #tpu.memory_space<vmem>>
    %dma_start3A_985 = tpu.memref_slice %arg2[%mul3A_973, %mul3A_979] : memref<100000x1024xf32, #tpu.memory_space<hbm>> -> memref<8x128xf32, #tpu.memory_space<hbm>>
    %dma_start3A_986 = arith.constant 0 : i32
    %dma_start3A_987 = arith.constant 0 : i32
    %dma_start3A_988 = tpu.memref_slice %arg6[%dma_start3A_980, %dma_start3A_986, %dma_start3A_987] : memref<32x8x128xf32, #tpu.memory_space<vmem>> -> memref<1x8x128xf32, #tpu.memory_space<vmem>>
    %dma_start3A_989 = tpu.memref_squeeze %dma_start3A_988 : memref<1x8x128xf32, #tpu.memory_space<vmem>> -> memref<8x128xf32, #tpu.memory_space<vmem>>
    %dma_start3A_990 = tpu.memref_slice %arg2[%mul3A_973, %mul3A_979] : memref<100000x1024xf32, #tpu.memory_space<hbm>> -> memref<8x128xf32, #tpu.memory_space<hbm>>
    tpu.enqueue_dma source(%dma_start3A_990 : memref<8x128xf32, #tpu.memory_space<hbm>>) target(%dma_start3A_989 : memref<8x128xf32, #tpu.memory_space<vmem>>) target_semaphore(%arg11 : memref<!tpu.dma_semaphore, #tpu.memory_space<semaphore_mem>>)
    %dma_wait3A = arith.constant 0 : i32
    %dma_wait3A_991 = arith.constant 0 : i32
    %dma_wait3A_992 = arith.constant 0 : i32
    %dma_wait3A_993 = tpu.memref_slice %arg6[%dma_wait3A, %dma_wait3A_991, %dma_wait3A_992] : memref<32x8x128xf32, #tpu.memory_space<vmem>> -> memref<1x8x128xf32, #tpu.memory_space<vmem>>
    %dma_wait3A_994 = tpu.memref_squeeze %dma_wait3A_993 : memref<1x8x128xf32, #tpu.memory_space<vmem>> -> memref<8x128xf32, #tpu.memory_space<vmem>>
    %dma_wait3A_995 = tpu.memref_slice %arg2[%mul3A_11, %mul3A_17] : memref<100000x1024xf32, #tpu.memory_space<hbm>> -> memref<8x128xf32, #tpu.memory_space<hbm>>
    %dma_wait3A_996 = arith.constant 0 : i32
    %dma_wait3A_997 = arith.constant 0 : i32
    %dma_wait3A_998 = tpu.memref_slice %arg6[%dma_wait3A, %dma_wait3A_996, %dma_wait3A_997] : memref<32x8x128xf32, #tpu.memory_space<vmem>> -> memref<1x8x128xf32, #tpu.memory_space<vmem>>
    %dma_wait3A_999 = tpu.memref_squeeze %dma_wait3A_998 : memref<1x8x128xf32, #tpu.memory_space<vmem>> -> memref<8x128xf32, #tpu.memory_space<vmem>>
    %dma_wait3A_1000 = tpu.memref_slice %arg2[%mul3A_11, %mul3A_17] : memref<100000x1024xf32, #tpu.memory_space<hbm>> -> memref<8x128xf32, #tpu.memory_space<hbm>>
    tpu.wait_dma2 semaphore(%arg11 : memref<!tpu.dma_semaphore, #tpu.memory_space<semaphore_mem>>) src(%dma_wait3A_1000 : memref<8x128xf32, #tpu.memory_space<hbm>>) dst(%dma_wait3A_999 : memref<8x128xf32, #tpu.memory_space<vmem>>)
    %dma_wait3A_1001 = arith.constant 1 : i32
    %dma_wait3A_1002 = arith.constant 0 : i32
    %dma_wait3A_1003 = arith.constant 0 : i32
    %dma_wait3A_1004 = tpu.memref_slice %arg6[%dma_wait3A_1001, %dma_wait3A_1002, %dma_wait3A_1003] : memref<32x8x128xf32, #tpu.memory_space<vmem>> -> memref<1x8x128xf32, #tpu.memory_space<vmem>>
    %dma_wait3A_1005 = tpu.memref_squeeze %dma_wait3A_1004 : memref<1x8x128xf32, #tpu.memory_space<vmem>> -> memref<8x128xf32, #tpu.memory_space<vmem>>
    %dma_wait3A_1006 = tpu.memref_slice %arg2[%mul3A_41, %mul3A_47] : memref<100000x1024xf32, #tpu.memory_space<hbm>> -> memref<8x128xf32, #tpu.memory_space<hbm>>
    %dma_wait3A_1007 = arith.constant 0 : i32
    %dma_wait3A_1008 = arith.constant 0 : i32
    %dma_wait3A_1009 = tpu.memref_slice %arg6[%dma_wait3A_1001, %dma_wait3A_1007, %dma_wait3A_1008] : memref<32x8x128xf32, #tpu.memory_space<vmem>> -> memref<1x8x128xf32, #tpu.memory_space<vmem>>
    %dma_wait3A_1010 = tpu.memref_squeeze %dma_wait3A_1009 : memref<1x8x128xf32, #tpu.memory_space<vmem>> -> memref<8x128xf32, #tpu.memory_space<vmem>>
    %dma_wait3A_1011 = tpu.memref_slice %arg2[%mul3A_41, %mul3A_47] : memref<100000x1024xf32, #tpu.memory_space<hbm>> -> memref<8x128xf32, #tpu.memory_space<hbm>>
    tpu.wait_dma2 semaphore(%arg11 : memref<!tpu.dma_semaphore, #tpu.memory_space<semaphore_mem>>) src(%dma_wait3A_1011 : memref<8x128xf32, #tpu.memory_space<hbm>>) dst(%dma_wait3A_1010 : memref<8x128xf32, #tpu.memory_space<vmem>>)
    %dma_wait3A_1012 = arith.constant 2 : i32
    %dma_wait3A_1013 = arith.constant 0 : i32
    %dma_wait3A_1014 = arith.constant 0 : i32
    %dma_wait3A_1015 = tpu.memref_slice %arg6[%dma_wait3A_1012, %dma_wait3A_1013, %dma_wait3A_1014] : memref<32x8x128xf32, #tpu.memory_space<vmem>> -> memref<1x8x128xf32, #tpu.memory_space<vmem>>
    %dma_wait3A_1016 = tpu.memref_squeeze %dma_wait3A_1015 : memref<1x8x128xf32, #tpu.memory_space<vmem>> -> memref<8x128xf32, #tpu.memory_space<vmem>>
    %dma_wait3A_1017 = tpu.memref_slice %arg2[%mul3A_72, %mul3A_78] : memref<100000x1024xf32, #tpu.memory_space<hbm>> -> memref<8x128xf32, #tpu.memory_space<hbm>>
    %dma_wait3A_1018 = arith.constant 0 : i32
    %dma_wait3A_1019 = arith.constant 0 : i32
    %dma_wait3A_1020 = tpu.memref_slice %arg6[%dma_wait3A_1012, %dma_wait3A_1018, %dma_wait3A_1019] : memref<32x8x128xf32, #tpu.memory_space<vmem>> -> memref<1x8x128xf32, #tpu.memory_space<vmem>>
    %dma_wait3A_1021 = tpu.memref_squeeze %dma_wait3A_1020 : memref<1x8x128xf32, #tpu.memory_space<vmem>> -> memref<8x128xf32, #tpu.memory_space<vmem>>
    %dma_wait3A_1022 = tpu.memref_slice %arg2[%mul3A_72, %mul3A_78] : memref<100000x1024xf32, #tpu.memory_space<hbm>> -> memref<8x128xf32, #tpu.memory_space<hbm>>
    tpu.wait_dma2 semaphore(%arg11 : memref<!tpu.dma_semaphore, #tpu.memory_space<semaphore_mem>>) src(%dma_wait3A_1022 : memref<8x128xf32, #tpu.memory_space<hbm>>) dst(%dma_wait3A_1021 : memref<8x128xf32, #tpu.memory_space<vmem>>)
    %dma_wait3A_1023 = arith.constant 3 : i32
    %dma_wait3A_1024 = arith.constant 0 : i32
    %dma_wait3A_1025 = arith.constant 0 : i32
    %dma_wait3A_1026 = tpu.memref_slice %arg6[%dma_wait3A_1023, %dma_wait3A_1024, %dma_wait3A_1025] : memref<32x8x128xf32, #tpu.memory_space<vmem>> -> memref<1x8x128xf32, #tpu.memory_space<vmem>>
    %dma_wait3A_1027 = tpu.memref_squeeze %dma_wait3A_1026 : memref<1x8x128xf32, #tpu.memory_space<vmem>> -> memref<8x128xf32, #tpu.memory_space<vmem>>
    %dma_wait3A_1028 = tpu.memref_slice %arg2[%mul3A_103, %mul3A_109] : memref<100000x1024xf32, #tpu.memory_space<hbm>> -> memref<8x128xf32, #tpu.memory_space<hbm>>
    %dma_wait3A_1029 = arith.constant 0 : i32
    %dma_wait3A_1030 = arith.constant 0 : i32
    %dma_wait3A_1031 = tpu.memref_slice %arg6[%dma_wait3A_1023, %dma_wait3A_1029, %dma_wait3A_1030] : memref<32x8x128xf32, #tpu.memory_space<vmem>> -> memref<1x8x128xf32, #tpu.memory_space<vmem>>
    %dma_wait3A_1032 = tpu.memref_squeeze %dma_wait3A_1031 : memref<1x8x128xf32, #tpu.memory_space<vmem>> -> memref<8x128xf32, #tpu.memory_space<vmem>>
    %dma_wait3A_1033 = tpu.memref_slice %arg2[%mul3A_103, %mul3A_109] : memref<100000x1024xf32, #tpu.memory_space<hbm>> -> memref<8x128xf32, #tpu.memory_space<hbm>>
    tpu.wait_dma2 semaphore(%arg11 : memref<!tpu.dma_semaphore, #tpu.memory_space<semaphore_mem>>) src(%dma_wait3A_1033 : memref<8x128xf32, #tpu.memory_space<hbm>>) dst(%dma_wait3A_1032 : memref<8x128xf32, #tpu.memory_space<vmem>>)
    %dma_wait3A_1034 = arith.constant 4 : i32
    %dma_wait3A_1035 = arith.constant 0 : i32
    %dma_wait3A_1036 = arith.constant 0 : i32
    %dma_wait3A_1037 = tpu.memref_slice %arg6[%dma_wait3A_1034, %dma_wait3A_1035, %dma_wait3A_1036] : memref<32x8x128xf32, #tpu.memory_space<vmem>> -> memref<1x8x128xf32, #tpu.memory_space<vmem>>
    %dma_wait3A_1038 = tpu.memref_squeeze %dma_wait3A_1037 : memref<1x8x128xf32, #tpu.memory_space<vmem>> -> memref<8x128xf32, #tpu.memory_space<vmem>>
    %dma_wait3A_1039 = tpu.memref_slice %arg2[%mul3A_134, %mul3A_140] : memref<100000x1024xf32, #tpu.memory_space<hbm>> -> memref<8x128xf32, #tpu.memory_space<hbm>>
    %dma_wait3A_1040 = arith.constant 0 : i32
    %dma_wait3A_1041 = arith.constant 0 : i32
    %dma_wait3A_1042 = tpu.memref_slice %arg6[%dma_wait3A_1034, %dma_wait3A_1040, %dma_wait3A_1041] : memref<32x8x128xf32, #tpu.memory_space<vmem>> -> memref<1x8x128xf32, #tpu.memory_space<vmem>>
    %dma_wait3A_1043 = tpu.memref_squeeze %dma_wait3A_1042 : memref<1x8x128xf32, #tpu.memory_space<vmem>> -> memref<8x128xf32, #tpu.memory_space<vmem>>
    %dma_wait3A_1044 = tpu.memref_slice %arg2[%mul3A_134, %mul3A_140] : memref<100000x1024xf32, #tpu.memory_space<hbm>> -> memref<8x128xf32, #tpu.memory_space<hbm>>
    tpu.wait_dma2 semaphore(%arg11 : memref<!tpu.dma_semaphore, #tpu.memory_space<semaphore_mem>>) src(%dma_wait3A_1044 : memref<8x128xf32, #tpu.memory_space<hbm>>) dst(%dma_wait3A_1043 : memref<8x128xf32, #tpu.memory_space<vmem>>)
    %dma_wait3A_1045 = arith.constant 5 : i32
    %dma_wait3A_1046 = arith.constant 0 : i32
    %dma_wait3A_1047 = arith.constant 0 : i32
    %dma_wait3A_1048 = tpu.memref_slice %arg6[%dma_wait3A_1045, %dma_wait3A_1046, %dma_wait3A_1047] : memref<32x8x128xf32, #tpu.memory_space<vmem>> -> memref<1x8x128xf32, #tpu.memory_space<vmem>>
    %dma_wait3A_1049 = tpu.memref_squeeze %dma_wait3A_1048 : memref<1x8x128xf32, #tpu.memory_space<vmem>> -> memref<8x128xf32, #tpu.memory_space<vmem>>
    %dma_wait3A_1050 = tpu.memref_slice %arg2[%mul3A_165, %mul3A_171] : memref<100000x1024xf32, #tpu.memory_space<hbm>> -> memref<8x128xf32, #tpu.memory_space<hbm>>
    %dma_wait3A_1051 = arith.constant 0 : i32
    %dma_wait3A_1052 = arith.constant 0 : i32
    %dma_wait3A_1053 = tpu.memref_slice %arg6[%dma_wait3A_1045, %dma_wait3A_1051, %dma_wait3A_1052] : memref<32x8x128xf32, #tpu.memory_space<vmem>> -> memref<1x8x128xf32, #tpu.memory_space<vmem>>
    %dma_wait3A_1054 = tpu.memref_squeeze %dma_wait3A_1053 : memref<1x8x128xf32, #tpu.memory_space<vmem>> -> memref<8x128xf32, #tpu.memory_space<vmem>>
    %dma_wait3A_1055 = tpu.memref_slice %arg2[%mul3A_165, %mul3A_171] : memref<100000x1024xf32, #tpu.memory_space<hbm>> -> memref<8x128xf32, #tpu.memory_space<hbm>>
    tpu.wait_dma2 semaphore(%arg11 : memref<!tpu.dma_semaphore, #tpu.memory_space<semaphore_mem>>) src(%dma_wait3A_1055 : memref<8x128xf32, #tpu.memory_space<hbm>>) dst(%dma_wait3A_1054 : memref<8x128xf32, #tpu.memory_space<vmem>>)
    %dma_wait3A_1056 = arith.constant 6 : i32
    %dma_wait3A_1057 = arith.constant 0 : i32
    %dma_wait3A_1058 = arith.constant 0 : i32
    %dma_wait3A_1059 = tpu.memref_slice %arg6[%dma_wait3A_1056, %dma_wait3A_1057, %dma_wait3A_1058] : memref<32x8x128xf32, #tpu.memory_space<vmem>> -> memref<1x8x128xf32, #tpu.memory_space<vmem>>
    %dma_wait3A_1060 = tpu.memref_squeeze %dma_wait3A_1059 : memref<1x8x128xf32, #tpu.memory_space<vmem>> -> memref<8x128xf32, #tpu.memory_space<vmem>>
    %dma_wait3A_1061 = tpu.memref_slice %arg2[%mul3A_196, %mul3A_202] : memref<100000x1024xf32, #tpu.memory_space<hbm>> -> memref<8x128xf32, #tpu.memory_space<hbm>>
    %dma_wait3A_1062 = arith.constant 0 : i32
    %dma_wait3A_1063 = arith.constant 0 : i32
    %dma_wait3A_1064 = tpu.memref_slice %arg6[%dma_wait3A_1056, %dma_wait3A_1062, %dma_wait3A_1063] : memref<32x8x128xf32, #tpu.memory_space<vmem>> -> memref<1x8x128xf32, #tpu.memory_space<vmem>>
    %dma_wait3A_1065 = tpu.memref_squeeze %dma_wait3A_1064 : memref<1x8x128xf32, #tpu.memory_space<vmem>> -> memref<8x128xf32, #tpu.memory_space<vmem>>
    %dma_wait3A_1066 = tpu.memref_slice %arg2[%mul3A_196, %mul3A_202] : memref<100000x1024xf32, #tpu.memory_space<hbm>> -> memref<8x128xf32, #tpu.memory_space<hbm>>
    tpu.wait_dma2 semaphore(%arg11 : memref<!tpu.dma_semaphore, #tpu.memory_space<semaphore_mem>>) src(%dma_wait3A_1066 : memref<8x128xf32, #tpu.memory_space<hbm>>) dst(%dma_wait3A_1065 : memref<8x128xf32, #tpu.memory_space<vmem>>)
    %dma_wait3A_1067 = arith.constant 7 : i32
    %dma_wait3A_1068 = arith.constant 0 : i32
    %dma_wait3A_1069 = arith.constant 0 : i32
    %dma_wait3A_1070 = tpu.memref_slice %arg6[%dma_wait3A_1067, %dma_wait3A_1068, %dma_wait3A_1069] : memref<32x8x128xf32, #tpu.memory_space<vmem>> -> memref<1x8x128xf32, #tpu.memory_space<vmem>>
    %dma_wait3A_1071 = tpu.memref_squeeze %dma_wait3A_1070 : memref<1x8x128xf32, #tpu.memory_space<vmem>> -> memref<8x128xf32, #tpu.memory_space<vmem>>
    %dma_wait3A_1072 = tpu.memref_slice %arg2[%mul3A_227, %mul3A_233] : memref<100000x1024xf32, #tpu.memory_space<hbm>> -> memref<8x128xf32, #tpu.memory_space<hbm>>
    %dma_wait3A_1073 = arith.constant 0 : i32
    %dma_wait3A_1074 = arith.constant 0 : i32
    %dma_wait3A_1075 = tpu.memref_slice %arg6[%dma_wait3A_1067, %dma_wait3A_1073, %dma_wait3A_1074] : memref<32x8x128xf32, #tpu.memory_space<vmem>> -> memref<1x8x128xf32, #tpu.memory_space<vmem>>
    %dma_wait3A_1076 = tpu.memref_squeeze %dma_wait3A_1075 : memref<1x8x128xf32, #tpu.memory_space<vmem>> -> memref<8x128xf32, #tpu.memory_space<vmem>>
    %dma_wait3A_1077 = tpu.memref_slice %arg2[%mul3A_227, %mul3A_233] : memref<100000x1024xf32, #tpu.memory_space<hbm>> -> memref<8x128xf32, #tpu.memory_space<hbm>>
    tpu.wait_dma2 semaphore(%arg11 : memref<!tpu.dma_semaphore, #tpu.memory_space<semaphore_mem>>) src(%dma_wait3A_1077 : memref<8x128xf32, #tpu.memory_space<hbm>>) dst(%dma_wait3A_1076 : memref<8x128xf32, #tpu.memory_space<vmem>>)
    %dma_wait3A_1078 = arith.constant 8 : i32
    %dma_wait3A_1079 = arith.constant 0 : i32
    %dma_wait3A_1080 = arith.constant 0 : i32
    %dma_wait3A_1081 = tpu.memref_slice %arg6[%dma_wait3A_1078, %dma_wait3A_1079, %dma_wait3A_1080] : memref<32x8x128xf32, #tpu.memory_space<vmem>> -> memref<1x8x128xf32, #tpu.memory_space<vmem>>
    %dma_wait3A_1082 = tpu.memref_squeeze %dma_wait3A_1081 : memref<1x8x128xf32, #tpu.memory_space<vmem>> -> memref<8x128xf32, #tpu.memory_space<vmem>>
    %dma_wait3A_1083 = tpu.memref_slice %arg2[%mul3A_258, %mul3A_264] : memref<100000x1024xf32, #tpu.memory_space<hbm>> -> memref<8x128xf32, #tpu.memory_space<hbm>>
    %dma_wait3A_1084 = arith.constant 0 : i32
    %dma_wait3A_1085 = arith.constant 0 : i32
    %dma_wait3A_1086 = tpu.memref_slice %arg6[%dma_wait3A_1078, %dma_wait3A_1084, %dma_wait3A_1085] : memref<32x8x128xf32, #tpu.memory_space<vmem>> -> memref<1x8x128xf32, #tpu.memory_space<vmem>>
    %dma_wait3A_1087 = tpu.memref_squeeze %dma_wait3A_1086 : memref<1x8x128xf32, #tpu.memory_space<vmem>> -> memref<8x128xf32, #tpu.memory_space<vmem>>
    %dma_wait3A_1088 = tpu.memref_slice %arg2[%mul3A_258, %mul3A_264] : memref<100000x1024xf32, #tpu.memory_space<hbm>> -> memref<8x128xf32, #tpu.memory_space<hbm>>
    tpu.wait_dma2 semaphore(%arg11 : memref<!tpu.dma_semaphore, #tpu.memory_space<semaphore_mem>>) src(%dma_wait3A_1088 : memref<8x128xf32, #tpu.memory_space<hbm>>) dst(%dma_wait3A_1087 : memref<8x128xf32, #tpu.memory_space<vmem>>)
    %dma_wait3A_1089 = arith.constant 9 : i32
    %dma_wait3A_1090 = arith.constant 0 : i32
    %dma_wait3A_1091 = arith.constant 0 : i32
    %dma_wait3A_1092 = tpu.memref_slice %arg6[%dma_wait3A_1089, %dma_wait3A_1090, %dma_wait3A_1091] : memref<32x8x128xf32, #tpu.memory_space<vmem>> -> memref<1x8x128xf32, #tpu.memory_space<vmem>>
    %dma_wait3A_1093 = tpu.memref_squeeze %dma_wait3A_1092 : memref<1x8x128xf32, #tpu.memory_space<vmem>> -> memref<8x128xf32, #tpu.memory_space<vmem>>
    %dma_wait3A_1094 = tpu.memref_slice %arg2[%mul3A_289, %mul3A_295] : memref<100000x1024xf32, #tpu.memory_space<hbm>> -> memref<8x128xf32, #tpu.memory_space<hbm>>
    %dma_wait3A_1095 = arith.constant 0 : i32
    %dma_wait3A_1096 = arith.constant 0 : i32
    %dma_wait3A_1097 = tpu.memref_slice %arg6[%dma_wait3A_1089, %dma_wait3A_1095, %dma_wait3A_1096] : memref<32x8x128xf32, #tpu.memory_space<vmem>> -> memref<1x8x128xf32, #tpu.memory_space<vmem>>
    %dma_wait3A_1098 = tpu.memref_squeeze %dma_wait3A_1097 : memref<1x8x128xf32, #tpu.memory_space<vmem>> -> memref<8x128xf32, #tpu.memory_space<vmem>>
    %dma_wait3A_1099 = tpu.memref_slice %arg2[%mul3A_289, %mul3A_295] : memref<100000x1024xf32, #tpu.memory_space<hbm>> -> memref<8x128xf32, #tpu.memory_space<hbm>>
    tpu.wait_dma2 semaphore(%arg11 : memref<!tpu.dma_semaphore, #tpu.memory_space<semaphore_mem>>) src(%dma_wait3A_1099 : memref<8x128xf32, #tpu.memory_space<hbm>>) dst(%dma_wait3A_1098 : memref<8x128xf32, #tpu.memory_space<vmem>>)
    %dma_wait3A_1100 = arith.constant 10 : i32
    %dma_wait3A_1101 = arith.constant 0 : i32
    %dma_wait3A_1102 = arith.constant 0 : i32
    %dma_wait3A_1103 = tpu.memref_slice %arg6[%dma_wait3A_1100, %dma_wait3A_1101, %dma_wait3A_1102] : memref<32x8x128xf32, #tpu.memory_space<vmem>> -> memref<1x8x128xf32, #tpu.memory_space<vmem>>
    %dma_wait3A_1104 = tpu.memref_squeeze %dma_wait3A_1103 : memref<1x8x128xf32, #tpu.memory_space<vmem>> -> memref<8x128xf32, #tpu.memory_space<vmem>>
    %dma_wait3A_1105 = tpu.memref_slice %arg2[%mul3A_320, %mul3A_326] : memref<100000x1024xf32, #tpu.memory_space<hbm>> -> memref<8x128xf32, #tpu.memory_space<hbm>>
    %dma_wait3A_1106 = arith.constant 0 : i32
    %dma_wait3A_1107 = arith.constant 0 : i32
    %dma_wait3A_1108 = tpu.memref_slice %arg6[%dma_wait3A_1100, %dma_wait3A_1106, %dma_wait3A_1107] : memref<32x8x128xf32, #tpu.memory_space<vmem>> -> memref<1x8x128xf32, #tpu.memory_space<vmem>>
    %dma_wait3A_1109 = tpu.memref_squeeze %dma_wait3A_1108 : memref<1x8x128xf32, #tpu.memory_space<vmem>> -> memref<8x128xf32, #tpu.memory_space<vmem>>
    %dma_wait3A_1110 = tpu.memref_slice %arg2[%mul3A_320, %mul3A_326] : memref<100000x1024xf32, #tpu.memory_space<hbm>> -> memref<8x128xf32, #tpu.memory_space<hbm>>
    tpu.wait_dma2 semaphore(%arg11 : memref<!tpu.dma_semaphore, #tpu.memory_space<semaphore_mem>>) src(%dma_wait3A_1110 : memref<8x128xf32, #tpu.memory_space<hbm>>) dst(%dma_wait3A_1109 : memref<8x128xf32, #tpu.memory_space<vmem>>)
    %dma_wait3A_1111 = arith.constant 11 : i32
    %dma_wait3A_1112 = arith.constant 0 : i32
    %dma_wait3A_1113 = arith.constant 0 : i32
    %dma_wait3A_1114 = tpu.memref_slice %arg6[%dma_wait3A_1111, %dma_wait3A_1112, %dma_wait3A_1113] : memref<32x8x128xf32, #tpu.memory_space<vmem>> -> memref<1x8x128xf32, #tpu.memory_space<vmem>>
    %dma_wait3A_1115 = tpu.memref_squeeze %dma_wait3A_1114 : memref<1x8x128xf32, #tpu.memory_space<vmem>> -> memref<8x128xf32, #tpu.memory_space<vmem>>
    %dma_wait3A_1116 = tpu.memref_slice %arg2[%mul3A_351, %mul3A_357] : memref<100000x1024xf32, #tpu.memory_space<hbm>> -> memref<8x128xf32, #tpu.memory_space<hbm>>
    %dma_wait3A_1117 = arith.constant 0 : i32
    %dma_wait3A_1118 = arith.constant 0 : i32
    %dma_wait3A_1119 = tpu.memref_slice %arg6[%dma_wait3A_1111, %dma_wait3A_1117, %dma_wait3A_1118] : memref<32x8x128xf32, #tpu.memory_space<vmem>> -> memref<1x8x128xf32, #tpu.memory_space<vmem>>
    %dma_wait3A_1120 = tpu.memref_squeeze %dma_wait3A_1119 : memref<1x8x128xf32, #tpu.memory_space<vmem>> -> memref<8x128xf32, #tpu.memory_space<vmem>>
    %dma_wait3A_1121 = tpu.memref_slice %arg2[%mul3A_351, %mul3A_357] : memref<100000x1024xf32, #tpu.memory_space<hbm>> -> memref<8x128xf32, #tpu.memory_space<hbm>>
    tpu.wait_dma2 semaphore(%arg11 : memref<!tpu.dma_semaphore, #tpu.memory_space<semaphore_mem>>) src(%dma_wait3A_1121 : memref<8x128xf32, #tpu.memory_space<hbm>>) dst(%dma_wait3A_1120 : memref<8x128xf32, #tpu.memory_space<vmem>>)
    %dma_wait3A_1122 = arith.constant 12 : i32
    %dma_wait3A_1123 = arith.constant 0 : i32
    %dma_wait3A_1124 = arith.constant 0 : i32
    %dma_wait3A_1125 = tpu.memref_slice %arg6[%dma_wait3A_1122, %dma_wait3A_1123, %dma_wait3A_1124] : memref<32x8x128xf32, #tpu.memory_space<vmem>> -> memref<1x8x128xf32, #tpu.memory_space<vmem>>
    %dma_wait3A_1126 = tpu.memref_squeeze %dma_wait3A_1125 : memref<1x8x128xf32, #tpu.memory_space<vmem>> -> memref<8x128xf32, #tpu.memory_space<vmem>>
    %dma_wait3A_1127 = tpu.memref_slice %arg2[%mul3A_382, %mul3A_388] : memref<100000x1024xf32, #tpu.memory_space<hbm>> -> memref<8x128xf32, #tpu.memory_space<hbm>>
    %dma_wait3A_1128 = arith.constant 0 : i32
    %dma_wait3A_1129 = arith.constant 0 : i32
    %dma_wait3A_1130 = tpu.memref_slice %arg6[%dma_wait3A_1122, %dma_wait3A_1128, %dma_wait3A_1129] : memref<32x8x128xf32, #tpu.memory_space<vmem>> -> memref<1x8x128xf32, #tpu.memory_space<vmem>>
    %dma_wait3A_1131 = tpu.memref_squeeze %dma_wait3A_1130 : memref<1x8x128xf32, #tpu.memory_space<vmem>> -> memref<8x128xf32, #tpu.memory_space<vmem>>
    %dma_wait3A_1132 = tpu.memref_slice %arg2[%mul3A_382, %mul3A_388] : memref<100000x1024xf32, #tpu.memory_space<hbm>> -> memref<8x128xf32, #tpu.memory_space<hbm>>
    tpu.wait_dma2 semaphore(%arg11 : memref<!tpu.dma_semaphore, #tpu.memory_space<semaphore_mem>>) src(%dma_wait3A_1132 : memref<8x128xf32, #tpu.memory_space<hbm>>) dst(%dma_wait3A_1131 : memref<8x128xf32, #tpu.memory_space<vmem>>)
    %dma_wait3A_1133 = arith.constant 13 : i32
    %dma_wait3A_1134 = arith.constant 0 : i32
    %dma_wait3A_1135 = arith.constant 0 : i32
    %dma_wait3A_1136 = tpu.memref_slice %arg6[%dma_wait3A_1133, %dma_wait3A_1134, %dma_wait3A_1135] : memref<32x8x128xf32, #tpu.memory_space<vmem>> -> memref<1x8x128xf32, #tpu.memory_space<vmem>>
    %dma_wait3A_1137 = tpu.memref_squeeze %dma_wait3A_1136 : memref<1x8x128xf32, #tpu.memory_space<vmem>> -> memref<8x128xf32, #tpu.memory_space<vmem>>
    %dma_wait3A_1138 = tpu.memref_slice %arg2[%mul3A_413, %mul3A_419] : memref<100000x1024xf32, #tpu.memory_space<hbm>> -> memref<8x128xf32, #tpu.memory_space<hbm>>
    %dma_wait3A_1139 = arith.constant 0 : i32
    %dma_wait3A_1140 = arith.constant 0 : i32
    %dma_wait3A_1141 = tpu.memref_slice %arg6[%dma_wait3A_1133, %dma_wait3A_1139, %dma_wait3A_1140] : memref<32x8x128xf32, #tpu.memory_space<vmem>> -> memref<1x8x128xf32, #tpu.memory_space<vmem>>
    %dma_wait3A_1142 = tpu.memref_squeeze %dma_wait3A_1141 : memref<1x8x128xf32, #tpu.memory_space<vmem>> -> memref<8x128xf32, #tpu.memory_space<vmem>>
    %dma_wait3A_1143 = tpu.memref_slice %arg2[%mul3A_413, %mul3A_419] : memref<100000x1024xf32, #tpu.memory_space<hbm>> -> memref<8x128xf32, #tpu.memory_space<hbm>>
    tpu.wait_dma2 semaphore(%arg11 : memref<!tpu.dma_semaphore, #tpu.memory_space<semaphore_mem>>) src(%dma_wait3A_1143 : memref<8x128xf32, #tpu.memory_space<hbm>>) dst(%dma_wait3A_1142 : memref<8x128xf32, #tpu.memory_space<vmem>>)
    %dma_wait3A_1144 = arith.constant 14 : i32
    %dma_wait3A_1145 = arith.constant 0 : i32
    %dma_wait3A_1146 = arith.constant 0 : i32
    %dma_wait3A_1147 = tpu.memref_slice %arg6[%dma_wait3A_1144, %dma_wait3A_1145, %dma_wait3A_1146] : memref<32x8x128xf32, #tpu.memory_space<vmem>> -> memref<1x8x128xf32, #tpu.memory_space<vmem>>
    %dma_wait3A_1148 = tpu.memref_squeeze %dma_wait3A_1147 : memref<1x8x128xf32, #tpu.memory_space<vmem>> -> memref<8x128xf32, #tpu.memory_space<vmem>>
    %dma_wait3A_1149 = tpu.memref_slice %arg2[%mul3A_444, %mul3A_450] : memref<100000x1024xf32, #tpu.memory_space<hbm>> -> memref<8x128xf32, #tpu.memory_space<hbm>>
    %dma_wait3A_1150 = arith.constant 0 : i32
    %dma_wait3A_1151 = arith.constant 0 : i32
    %dma_wait3A_1152 = tpu.memref_slice %arg6[%dma_wait3A_1144, %dma_wait3A_1150, %dma_wait3A_1151] : memref<32x8x128xf32, #tpu.memory_space<vmem>> -> memref<1x8x128xf32, #tpu.memory_space<vmem>>
    %dma_wait3A_1153 = tpu.memref_squeeze %dma_wait3A_1152 : memref<1x8x128xf32, #tpu.memory_space<vmem>> -> memref<8x128xf32, #tpu.memory_space<vmem>>
    %dma_wait3A_1154 = tpu.memref_slice %arg2[%mul3A_444, %mul3A_450] : memref<100000x1024xf32, #tpu.memory_space<hbm>> -> memref<8x128xf32, #tpu.memory_space<hbm>>
    tpu.wait_dma2 semaphore(%arg11 : memref<!tpu.dma_semaphore, #tpu.memory_space<semaphore_mem>>) src(%dma_wait3A_1154 : memref<8x128xf32, #tpu.memory_space<hbm>>) dst(%dma_wait3A_1153 : memref<8x128xf32, #tpu.memory_space<vmem>>)
    %dma_wait3A_1155 = arith.constant 15 : i32
    %dma_wait3A_1156 = arith.constant 0 : i32
    %dma_wait3A_1157 = arith.constant 0 : i32
    %dma_wait3A_1158 = tpu.memref_slice %arg6[%dma_wait3A_1155, %dma_wait3A_1156, %dma_wait3A_1157] : memref<32x8x128xf32, #tpu.memory_space<vmem>> -> memref<1x8x128xf32, #tpu.memory_space<vmem>>
    %dma_wait3A_1159 = tpu.memref_squeeze %dma_wait3A_1158 : memref<1x8x128xf32, #tpu.memory_space<vmem>> -> memref<8x128xf32, #tpu.memory_space<vmem>>
    %dma_wait3A_1160 = tpu.memref_slice %arg2[%mul3A_475, %mul3A_481] : memref<100000x1024xf32, #tpu.memory_space<hbm>> -> memref<8x128xf32, #tpu.memory_space<hbm>>
    %dma_wait3A_1161 = arith.constant 0 : i32
    %dma_wait3A_1162 = arith.constant 0 : i32
    %dma_wait3A_1163 = tpu.memref_slice %arg6[%dma_wait3A_1155, %dma_wait3A_1161, %dma_wait3A_1162] : memref<32x8x128xf32, #tpu.memory_space<vmem>> -> memref<1x8x128xf32, #tpu.memory_space<vmem>>
    %dma_wait3A_1164 = tpu.memref_squeeze %dma_wait3A_1163 : memref<1x8x128xf32, #tpu.memory_space<vmem>> -> memref<8x128xf32, #tpu.memory_space<vmem>>
    %dma_wait3A_1165 = tpu.memref_slice %arg2[%mul3A_475, %mul3A_481] : memref<100000x1024xf32, #tpu.memory_space<hbm>> -> memref<8x128xf32, #tpu.memory_space<hbm>>
    tpu.wait_dma2 semaphore(%arg11 : memref<!tpu.dma_semaphore, #tpu.memory_space<semaphore_mem>>) src(%dma_wait3A_1165 : memref<8x128xf32, #tpu.memory_space<hbm>>) dst(%dma_wait3A_1164 : memref<8x128xf32, #tpu.memory_space<vmem>>)
    %dma_wait3A_1166 = arith.constant 16 : i32
    %dma_wait3A_1167 = arith.constant 0 : i32
    %dma_wait3A_1168 = arith.constant 0 : i32
    %dma_wait3A_1169 = tpu.memref_slice %arg6[%dma_wait3A_1166, %dma_wait3A_1167, %dma_wait3A_1168] : memref<32x8x128xf32, #tpu.memory_space<vmem>> -> memref<1x8x128xf32, #tpu.memory_space<vmem>>
    %dma_wait3A_1170 = tpu.memref_squeeze %dma_wait3A_1169 : memref<1x8x128xf32, #tpu.memory_space<vmem>> -> memref<8x128xf32, #tpu.memory_space<vmem>>
    %dma_wait3A_1171 = tpu.memref_slice %arg2[%mul3A_508, %mul3A_514] : memref<100000x1024xf32, #tpu.memory_space<hbm>> -> memref<8x128xf32, #tpu.memory_space<hbm>>
    %dma_wait3A_1172 = arith.constant 0 : i32
    %dma_wait3A_1173 = arith.constant 0 : i32
    %dma_wait3A_1174 = tpu.memref_slice %arg6[%dma_wait3A_1166, %dma_wait3A_1172, %dma_wait3A_1173] : memref<32x8x128xf32, #tpu.memory_space<vmem>> -> memref<1x8x128xf32, #tpu.memory_space<vmem>>
    %dma_wait3A_1175 = tpu.memref_squeeze %dma_wait3A_1174 : memref<1x8x128xf32, #tpu.memory_space<vmem>> -> memref<8x128xf32, #tpu.memory_space<vmem>>
    %dma_wait3A_1176 = tpu.memref_slice %arg2[%mul3A_508, %mul3A_514] : memref<100000x1024xf32, #tpu.memory_space<hbm>> -> memref<8x128xf32, #tpu.memory_space<hbm>>
    tpu.wait_dma2 semaphore(%arg11 : memref<!tpu.dma_semaphore, #tpu.memory_space<semaphore_mem>>) src(%dma_wait3A_1176 : memref<8x128xf32, #tpu.memory_space<hbm>>) dst(%dma_wait3A_1175 : memref<8x128xf32, #tpu.memory_space<vmem>>)
    %dma_wait3A_1177 = arith.constant 17 : i32
    %dma_wait3A_1178 = arith.constant 0 : i32
    %dma_wait3A_1179 = arith.constant 0 : i32
    %dma_wait3A_1180 = tpu.memref_slice %arg6[%dma_wait3A_1177, %dma_wait3A_1178, %dma_wait3A_1179] : memref<32x8x128xf32, #tpu.memory_space<vmem>> -> memref<1x8x128xf32, #tpu.memory_space<vmem>>
    %dma_wait3A_1181 = tpu.memref_squeeze %dma_wait3A_1180 : memref<1x8x128xf32, #tpu.memory_space<vmem>> -> memref<8x128xf32, #tpu.memory_space<vmem>>
    %dma_wait3A_1182 = tpu.memref_slice %arg2[%mul3A_539, %mul3A_545] : memref<100000x1024xf32, #tpu.memory_space<hbm>> -> memref<8x128xf32, #tpu.memory_space<hbm>>
    %dma_wait3A_1183 = arith.constant 0 : i32
    %dma_wait3A_1184 = arith.constant 0 : i32
    %dma_wait3A_1185 = tpu.memref_slice %arg6[%dma_wait3A_1177, %dma_wait3A_1183, %dma_wait3A_1184] : memref<32x8x128xf32, #tpu.memory_space<vmem>> -> memref<1x8x128xf32, #tpu.memory_space<vmem>>
    %dma_wait3A_1186 = tpu.memref_squeeze %dma_wait3A_1185 : memref<1x8x128xf32, #tpu.memory_space<vmem>> -> memref<8x128xf32, #tpu.memory_space<vmem>>
    %dma_wait3A_1187 = tpu.memref_slice %arg2[%mul3A_539, %mul3A_545] : memref<100000x1024xf32, #tpu.memory_space<hbm>> -> memref<8x128xf32, #tpu.memory_space<hbm>>
    tpu.wait_dma2 semaphore(%arg11 : memref<!tpu.dma_semaphore, #tpu.memory_space<semaphore_mem>>) src(%dma_wait3A_1187 : memref<8x128xf32, #tpu.memory_space<hbm>>) dst(%dma_wait3A_1186 : memref<8x128xf32, #tpu.memory_space<vmem>>)
    %dma_wait3A_1188 = arith.constant 18 : i32
    %dma_wait3A_1189 = arith.constant 0 : i32
    %dma_wait3A_1190 = arith.constant 0 : i32
    %dma_wait3A_1191 = tpu.memref_slice %arg6[%dma_wait3A_1188, %dma_wait3A_1189, %dma_wait3A_1190] : memref<32x8x128xf32, #tpu.memory_space<vmem>> -> memref<1x8x128xf32, #tpu.memory_space<vmem>>
    %dma_wait3A_1192 = tpu.memref_squeeze %dma_wait3A_1191 : memref<1x8x128xf32, #tpu.memory_space<vmem>> -> memref<8x128xf32, #tpu.memory_space<vmem>>
    %dma_wait3A_1193 = tpu.memref_slice %arg2[%mul3A_570, %mul3A_576] : memref<100000x1024xf32, #tpu.memory_space<hbm>> -> memref<8x128xf32, #tpu.memory_space<hbm>>
    %dma_wait3A_1194 = arith.constant 0 : i32
    %dma_wait3A_1195 = arith.constant 0 : i32
    %dma_wait3A_1196 = tpu.memref_slice %arg6[%dma_wait3A_1188, %dma_wait3A_1194, %dma_wait3A_1195] : memref<32x8x128xf32, #tpu.memory_space<vmem>> -> memref<1x8x128xf32, #tpu.memory_space<vmem>>
    %dma_wait3A_1197 = tpu.memref_squeeze %dma_wait3A_1196 : memref<1x8x128xf32, #tpu.memory_space<vmem>> -> memref<8x128xf32, #tpu.memory_space<vmem>>
    %dma_wait3A_1198 = tpu.memref_slice %arg2[%mul3A_570, %mul3A_576] : memref<100000x1024xf32, #tpu.memory_space<hbm>> -> memref<8x128xf32, #tpu.memory_space<hbm>>
    tpu.wait_dma2 semaphore(%arg11 : memref<!tpu.dma_semaphore, #tpu.memory_space<semaphore_mem>>) src(%dma_wait3A_1198 : memref<8x128xf32, #tpu.memory_space<hbm>>) dst(%dma_wait3A_1197 : memref<8x128xf32, #tpu.memory_space<vmem>>)
    %dma_wait3A_1199 = arith.constant 19 : i32
    %dma_wait3A_1200 = arith.constant 0 : i32
    %dma_wait3A_1201 = arith.constant 0 : i32
    %dma_wait3A_1202 = tpu.memref_slice %arg6[%dma_wait3A_1199, %dma_wait3A_1200, %dma_wait3A_1201] : memref<32x8x128xf32, #tpu.memory_space<vmem>> -> memref<1x8x128xf32, #tpu.memory_space<vmem>>
    %dma_wait3A_1203 = tpu.memref_squeeze %dma_wait3A_1202 : memref<1x8x128xf32, #tpu.memory_space<vmem>> -> memref<8x128xf32, #tpu.memory_space<vmem>>
    %dma_wait3A_1204 = tpu.memref_slice %arg2[%mul3A_601, %mul3A_607] : memref<100000x1024xf32, #tpu.memory_space<hbm>> -> memref<8x128xf32, #tpu.memory_space<hbm>>
    %dma_wait3A_1205 = arith.constant 0 : i32
    %dma_wait3A_1206 = arith.constant 0 : i32
    %dma_wait3A_1207 = tpu.memref_slice %arg6[%dma_wait3A_1199, %dma_wait3A_1205, %dma_wait3A_1206] : memref<32x8x128xf32, #tpu.memory_space<vmem>> -> memref<1x8x128xf32, #tpu.memory_space<vmem>>
    %dma_wait3A_1208 = tpu.memref_squeeze %dma_wait3A_1207 : memref<1x8x128xf32, #tpu.memory_space<vmem>> -> memref<8x128xf32, #tpu.memory_space<vmem>>
    %dma_wait3A_1209 = tpu.memref_slice %arg2[%mul3A_601, %mul3A_607] : memref<100000x1024xf32, #tpu.memory_space<hbm>> -> memref<8x128xf32, #tpu.memory_space<hbm>>
    tpu.wait_dma2 semaphore(%arg11 : memref<!tpu.dma_semaphore, #tpu.memory_space<semaphore_mem>>) src(%dma_wait3A_1209 : memref<8x128xf32, #tpu.memory_space<hbm>>) dst(%dma_wait3A_1208 : memref<8x128xf32, #tpu.memory_space<vmem>>)
    %dma_wait3A_1210 = arith.constant 20 : i32
    %dma_wait3A_1211 = arith.constant 0 : i32
    %dma_wait3A_1212 = arith.constant 0 : i32
    %dma_wait3A_1213 = tpu.memref_slice %arg6[%dma_wait3A_1210, %dma_wait3A_1211, %dma_wait3A_1212] : memref<32x8x128xf32, #tpu.memory_space<vmem>> -> memref<1x8x128xf32, #tpu.memory_space<vmem>>
    %dma_wait3A_1214 = tpu.memref_squeeze %dma_wait3A_1213 : memref<1x8x128xf32, #tpu.memory_space<vmem>> -> memref<8x128xf32, #tpu.memory_space<vmem>>
    %dma_wait3A_1215 = tpu.memref_slice %arg2[%mul3A_632, %mul3A_638] : memref<100000x1024xf32, #tpu.memory_space<hbm>> -> memref<8x128xf32, #tpu.memory_space<hbm>>
    %dma_wait3A_1216 = arith.constant 0 : i32
    %dma_wait3A_1217 = arith.constant 0 : i32
    %dma_wait3A_1218 = tpu.memref_slice %arg6[%dma_wait3A_1210, %dma_wait3A_1216, %dma_wait3A_1217] : memref<32x8x128xf32, #tpu.memory_space<vmem>> -> memref<1x8x128xf32, #tpu.memory_space<vmem>>
    %dma_wait3A_1219 = tpu.memref_squeeze %dma_wait3A_1218 : memref<1x8x128xf32, #tpu.memory_space<vmem>> -> memref<8x128xf32, #tpu.memory_space<vmem>>
    %dma_wait3A_1220 = tpu.memref_slice %arg2[%mul3A_632, %mul3A_638] : memref<100000x1024xf32, #tpu.memory_space<hbm>> -> memref<8x128xf32, #tpu.memory_space<hbm>>
    tpu.wait_dma2 semaphore(%arg11 : memref<!tpu.dma_semaphore, #tpu.memory_space<semaphore_mem>>) src(%dma_wait3A_1220 : memref<8x128xf32, #tpu.memory_space<hbm>>) dst(%dma_wait3A_1219 : memref<8x128xf32, #tpu.memory_space<vmem>>)
    %dma_wait3A_1221 = arith.constant 21 : i32
    %dma_wait3A_1222 = arith.constant 0 : i32
    %dma_wait3A_1223 = arith.constant 0 : i32
    %dma_wait3A_1224 = tpu.memref_slice %arg6[%dma_wait3A_1221, %dma_wait3A_1222, %dma_wait3A_1223] : memref<32x8x128xf32, #tpu.memory_space<vmem>> -> memref<1x8x128xf32, #tpu.memory_space<vmem>>
    %dma_wait3A_1225 = tpu.memref_squeeze %dma_wait3A_1224 : memref<1x8x128xf32, #tpu.memory_space<vmem>> -> memref<8x128xf32, #tpu.memory_space<vmem>>
    %dma_wait3A_1226 = tpu.memref_slice %arg2[%mul3A_663, %mul3A_669] : memref<100000x1024xf32, #tpu.memory_space<hbm>> -> memref<8x128xf32, #tpu.memory_space<hbm>>
    %dma_wait3A_1227 = arith.constant 0 : i32
    %dma_wait3A_1228 = arith.constant 0 : i32
    %dma_wait3A_1229 = tpu.memref_slice %arg6[%dma_wait3A_1221, %dma_wait3A_1227, %dma_wait3A_1228] : memref<32x8x128xf32, #tpu.memory_space<vmem>> -> memref<1x8x128xf32, #tpu.memory_space<vmem>>
    %dma_wait3A_1230 = tpu.memref_squeeze %dma_wait3A_1229 : memref<1x8x128xf32, #tpu.memory_space<vmem>> -> memref<8x128xf32, #tpu.memory_space<vmem>>
    %dma_wait3A_1231 = tpu.memref_slice %arg2[%mul3A_663, %mul3A_669] : memref<100000x1024xf32, #tpu.memory_space<hbm>> -> memref<8x128xf32, #tpu.memory_space<hbm>>
    tpu.wait_dma2 semaphore(%arg11 : memref<!tpu.dma_semaphore, #tpu.memory_space<semaphore_mem>>) src(%dma_wait3A_1231 : memref<8x128xf32, #tpu.memory_space<hbm>>) dst(%dma_wait3A_1230 : memref<8x128xf32, #tpu.memory_space<vmem>>)
    %dma_wait3A_1232 = arith.constant 22 : i32
    %dma_wait3A_1233 = arith.constant 0 : i32
    %dma_wait3A_1234 = arith.constant 0 : i32
    %dma_wait3A_1235 = tpu.memref_slice %arg6[%dma_wait3A_1232, %dma_wait3A_1233, %dma_wait3A_1234] : memref<32x8x128xf32, #tpu.memory_space<vmem>> -> memref<1x8x128xf32, #tpu.memory_space<vmem>>
    %dma_wait3A_1236 = tpu.memref_squeeze %dma_wait3A_1235 : memref<1x8x128xf32, #tpu.memory_space<vmem>> -> memref<8x128xf32, #tpu.memory_space<vmem>>
    %dma_wait3A_1237 = tpu.memref_slice %arg2[%mul3A_694, %mul3A_700] : memref<100000x1024xf32, #tpu.memory_space<hbm>> -> memref<8x128xf32, #tpu.memory_space<hbm>>
    %dma_wait3A_1238 = arith.constant 0 : i32
    %dma_wait3A_1239 = arith.constant 0 : i32
    %dma_wait3A_1240 = tpu.memref_slice %arg6[%dma_wait3A_1232, %dma_wait3A_1238, %dma_wait3A_1239] : memref<32x8x128xf32, #tpu.memory_space<vmem>> -> memref<1x8x128xf32, #tpu.memory_space<vmem>>
    %dma_wait3A_1241 = tpu.memref_squeeze %dma_wait3A_1240 : memref<1x8x128xf32, #tpu.memory_space<vmem>> -> memref<8x128xf32, #tpu.memory_space<vmem>>
    %dma_wait3A_1242 = tpu.memref_slice %arg2[%mul3A_694, %mul3A_700] : memref<100000x1024xf32, #tpu.memory_space<hbm>> -> memref<8x128xf32, #tpu.memory_space<hbm>>
    tpu.wait_dma2 semaphore(%arg11 : memref<!tpu.dma_semaphore, #tpu.memory_space<semaphore_mem>>) src(%dma_wait3A_1242 : memref<8x128xf32, #tpu.memory_space<hbm>>) dst(%dma_wait3A_1241 : memref<8x128xf32, #tpu.memory_space<vmem>>)
    %dma_wait3A_1243 = arith.constant 23 : i32
    %dma_wait3A_1244 = arith.constant 0 : i32
    %dma_wait3A_1245 = arith.constant 0 : i32
    %dma_wait3A_1246 = tpu.memref_slice %arg6[%dma_wait3A_1243, %dma_wait3A_1244, %dma_wait3A_1245] : memref<32x8x128xf32, #tpu.memory_space<vmem>> -> memref<1x8x128xf32, #tpu.memory_space<vmem>>
    %dma_wait3A_1247 = tpu.memref_squeeze %dma_wait3A_1246 : memref<1x8x128xf32, #tpu.memory_space<vmem>> -> memref<8x128xf32, #tpu.memory_space<vmem>>
    %dma_wait3A_1248 = tpu.memref_slice %arg2[%mul3A_725, %mul3A_731] : memref<100000x1024xf32, #tpu.memory_space<hbm>> -> memref<8x128xf32, #tpu.memory_space<hbm>>
    %dma_wait3A_1249 = arith.constant 0 : i32
    %dma_wait3A_1250 = arith.constant 0 : i32
    %dma_wait3A_1251 = tpu.memref_slice %arg6[%dma_wait3A_1243, %dma_wait3A_1249, %dma_wait3A_1250] : memref<32x8x128xf32, #tpu.memory_space<vmem>> -> memref<1x8x128xf32, #tpu.memory_space<vmem>>
    %dma_wait3A_1252 = tpu.memref_squeeze %dma_wait3A_1251 : memref<1x8x128xf32, #tpu.memory_space<vmem>> -> memref<8x128xf32, #tpu.memory_space<vmem>>
    %dma_wait3A_1253 = tpu.memref_slice %arg2[%mul3A_725, %mul3A_731] : memref<100000x1024xf32, #tpu.memory_space<hbm>> -> memref<8x128xf32, #tpu.memory_space<hbm>>
    tpu.wait_dma2 semaphore(%arg11 : memref<!tpu.dma_semaphore, #tpu.memory_space<semaphore_mem>>) src(%dma_wait3A_1253 : memref<8x128xf32, #tpu.memory_space<hbm>>) dst(%dma_wait3A_1252 : memref<8x128xf32, #tpu.memory_space<vmem>>)
    %dma_wait3A_1254 = arith.constant 24 : i32
    %dma_wait3A_1255 = arith.constant 0 : i32
    %dma_wait3A_1256 = arith.constant 0 : i32
    %dma_wait3A_1257 = tpu.memref_slice %arg6[%dma_wait3A_1254, %dma_wait3A_1255, %dma_wait3A_1256] : memref<32x8x128xf32, #tpu.memory_space<vmem>> -> memref<1x8x128xf32, #tpu.memory_space<vmem>>
    %dma_wait3A_1258 = tpu.memref_squeeze %dma_wait3A_1257 : memref<1x8x128xf32, #tpu.memory_space<vmem>> -> memref<8x128xf32, #tpu.memory_space<vmem>>
    %dma_wait3A_1259 = tpu.memref_slice %arg2[%mul3A_756, %mul3A_762] : memref<100000x1024xf32, #tpu.memory_space<hbm>> -> memref<8x128xf32, #tpu.memory_space<hbm>>
    %dma_wait3A_1260 = arith.constant 0 : i32
    %dma_wait3A_1261 = arith.constant 0 : i32
    %dma_wait3A_1262 = tpu.memref_slice %arg6[%dma_wait3A_1254, %dma_wait3A_1260, %dma_wait3A_1261] : memref<32x8x128xf32, #tpu.memory_space<vmem>> -> memref<1x8x128xf32, #tpu.memory_space<vmem>>
    %dma_wait3A_1263 = tpu.memref_squeeze %dma_wait3A_1262 : memref<1x8x128xf32, #tpu.memory_space<vmem>> -> memref<8x128xf32, #tpu.memory_space<vmem>>
    %dma_wait3A_1264 = tpu.memref_slice %arg2[%mul3A_756, %mul3A_762] : memref<100000x1024xf32, #tpu.memory_space<hbm>> -> memref<8x128xf32, #tpu.memory_space<hbm>>
    tpu.wait_dma2 semaphore(%arg11 : memref<!tpu.dma_semaphore, #tpu.memory_space<semaphore_mem>>) src(%dma_wait3A_1264 : memref<8x128xf32, #tpu.memory_space<hbm>>) dst(%dma_wait3A_1263 : memref<8x128xf32, #tpu.memory_space<vmem>>)
    %dma_wait3A_1265 = arith.constant 25 : i32
    %dma_wait3A_1266 = arith.constant 0 : i32
    %dma_wait3A_1267 = arith.constant 0 : i32
    %dma_wait3A_1268 = tpu.memref_slice %arg6[%dma_wait3A_1265, %dma_wait3A_1266, %dma_wait3A_1267] : memref<32x8x128xf32, #tpu.memory_space<vmem>> -> memref<1x8x128xf32, #tpu.memory_space<vmem>>
    %dma_wait3A_1269 = tpu.memref_squeeze %dma_wait3A_1268 : memref<1x8x128xf32, #tpu.memory_space<vmem>> -> memref<8x128xf32, #tpu.memory_space<vmem>>
    %dma_wait3A_1270 = tpu.memref_slice %arg2[%mul3A_787, %mul3A_793] : memref<100000x1024xf32, #tpu.memory_space<hbm>> -> memref<8x128xf32, #tpu.memory_space<hbm>>
    %dma_wait3A_1271 = arith.constant 0 : i32
    %dma_wait3A_1272 = arith.constant 0 : i32
    %dma_wait3A_1273 = tpu.memref_slice %arg6[%dma_wait3A_1265, %dma_wait3A_1271, %dma_wait3A_1272] : memref<32x8x128xf32, #tpu.memory_space<vmem>> -> memref<1x8x128xf32, #tpu.memory_space<vmem>>
    %dma_wait3A_1274 = tpu.memref_squeeze %dma_wait3A_1273 : memref<1x8x128xf32, #tpu.memory_space<vmem>> -> memref<8x128xf32, #tpu.memory_space<vmem>>
    %dma_wait3A_1275 = tpu.memref_slice %arg2[%mul3A_787, %mul3A_793] : memref<100000x1024xf32, #tpu.memory_space<hbm>> -> memref<8x128xf32, #tpu.memory_space<hbm>>
    tpu.wait_dma2 semaphore(%arg11 : memref<!tpu.dma_semaphore, #tpu.memory_space<semaphore_mem>>) src(%dma_wait3A_1275 : memref<8x128xf32, #tpu.memory_space<hbm>>) dst(%dma_wait3A_1274 : memref<8x128xf32, #tpu.memory_space<vmem>>)
    %dma_wait3A_1276 = arith.constant 26 : i32
    %dma_wait3A_1277 = arith.constant 0 : i32
    %dma_wait3A_1278 = arith.constant 0 : i32
    %dma_wait3A_1279 = tpu.memref_slice %arg6[%dma_wait3A_1276, %dma_wait3A_1277, %dma_wait3A_1278] : memref<32x8x128xf32, #tpu.memory_space<vmem>> -> memref<1x8x128xf32, #tpu.memory_space<vmem>>
    %dma_wait3A_1280 = tpu.memref_squeeze %dma_wait3A_1279 : memref<1x8x128xf32, #tpu.memory_space<vmem>> -> memref<8x128xf32, #tpu.memory_space<vmem>>
    %dma_wait3A_1281 = tpu.memref_slice %arg2[%mul3A_818, %mul3A_824] : memref<100000x1024xf32, #tpu.memory_space<hbm>> -> memref<8x128xf32, #tpu.memory_space<hbm>>
    %dma_wait3A_1282 = arith.constant 0 : i32
    %dma_wait3A_1283 = arith.constant 0 : i32
    %dma_wait3A_1284 = tpu.memref_slice %arg6[%dma_wait3A_1276, %dma_wait3A_1282, %dma_wait3A_1283] : memref<32x8x128xf32, #tpu.memory_space<vmem>> -> memref<1x8x128xf32, #tpu.memory_space<vmem>>
    %dma_wait3A_1285 = tpu.memref_squeeze %dma_wait3A_1284 : memref<1x8x128xf32, #tpu.memory_space<vmem>> -> memref<8x128xf32, #tpu.memory_space<vmem>>
    %dma_wait3A_1286 = tpu.memref_slice %arg2[%mul3A_818, %mul3A_824] : memref<100000x1024xf32, #tpu.memory_space<hbm>> -> memref<8x128xf32, #tpu.memory_space<hbm>>
    tpu.wait_dma2 semaphore(%arg11 : memref<!tpu.dma_semaphore, #tpu.memory_space<semaphore_mem>>) src(%dma_wait3A_1286 : memref<8x128xf32, #tpu.memory_space<hbm>>) dst(%dma_wait3A_1285 : memref<8x128xf32, #tpu.memory_space<vmem>>)
    %dma_wait3A_1287 = arith.constant 27 : i32
    %dma_wait3A_1288 = arith.constant 0 : i32
    %dma_wait3A_1289 = arith.constant 0 : i32
    %dma_wait3A_1290 = tpu.memref_slice %arg6[%dma_wait3A_1287, %dma_wait3A_1288, %dma_wait3A_1289] : memref<32x8x128xf32, #tpu.memory_space<vmem>> -> memref<1x8x128xf32, #tpu.memory_space<vmem>>
    %dma_wait3A_1291 = tpu.memref_squeeze %dma_wait3A_1290 : memref<1x8x128xf32, #tpu.memory_space<vmem>> -> memref<8x128xf32, #tpu.memory_space<vmem>>
    %dma_wait3A_1292 = tpu.memref_slice %arg2[%mul3A_849, %mul3A_855] : memref<100000x1024xf32, #tpu.memory_space<hbm>> -> memref<8x128xf32, #tpu.memory_space<hbm>>
    %dma_wait3A_1293 = arith.constant 0 : i32
    %dma_wait3A_1294 = arith.constant 0 : i32
    %dma_wait3A_1295 = tpu.memref_slice %arg6[%dma_wait3A_1287, %dma_wait3A_1293, %dma_wait3A_1294] : memref<32x8x128xf32, #tpu.memory_space<vmem>> -> memref<1x8x128xf32, #tpu.memory_space<vmem>>
    %dma_wait3A_1296 = tpu.memref_squeeze %dma_wait3A_1295 : memref<1x8x128xf32, #tpu.memory_space<vmem>> -> memref<8x128xf32, #tpu.memory_space<vmem>>
    %dma_wait3A_1297 = tpu.memref_slice %arg2[%mul3A_849, %mul3A_855] : memref<100000x1024xf32, #tpu.memory_space<hbm>> -> memref<8x128xf32, #tpu.memory_space<hbm>>
    tpu.wait_dma2 semaphore(%arg11 : memref<!tpu.dma_semaphore, #tpu.memory_space<semaphore_mem>>) src(%dma_wait3A_1297 : memref<8x128xf32, #tpu.memory_space<hbm>>) dst(%dma_wait3A_1296 : memref<8x128xf32, #tpu.memory_space<vmem>>)
    %dma_wait3A_1298 = arith.constant 28 : i32
    %dma_wait3A_1299 = arith.constant 0 : i32
    %dma_wait3A_1300 = arith.constant 0 : i32
    %dma_wait3A_1301 = tpu.memref_slice %arg6[%dma_wait3A_1298, %dma_wait3A_1299, %dma_wait3A_1300] : memref<32x8x128xf32, #tpu.memory_space<vmem>> -> memref<1x8x128xf32, #tpu.memory_space<vmem>>
    %dma_wait3A_1302 = tpu.memref_squeeze %dma_wait3A_1301 : memref<1x8x128xf32, #tpu.memory_space<vmem>> -> memref<8x128xf32, #tpu.memory_space<vmem>>
    %dma_wait3A_1303 = tpu.memref_slice %arg2[%mul3A_880, %mul3A_886] : memref<100000x1024xf32, #tpu.memory_space<hbm>> -> memref<8x128xf32, #tpu.memory_space<hbm>>
    %dma_wait3A_1304 = arith.constant 0 : i32
    %dma_wait3A_1305 = arith.constant 0 : i32
    %dma_wait3A_1306 = tpu.memref_slice %arg6[%dma_wait3A_1298, %dma_wait3A_1304, %dma_wait3A_1305] : memref<32x8x128xf32, #tpu.memory_space<vmem>> -> memref<1x8x128xf32, #tpu.memory_space<vmem>>
    %dma_wait3A_1307 = tpu.memref_squeeze %dma_wait3A_1306 : memref<1x8x128xf32, #tpu.memory_space<vmem>> -> memref<8x128xf32, #tpu.memory_space<vmem>>
    %dma_wait3A_1308 = tpu.memref_slice %arg2[%mul3A_880, %mul3A_886] : memref<100000x1024xf32, #tpu.memory_space<hbm>> -> memref<8x128xf32, #tpu.memory_space<hbm>>
    tpu.wait_dma2 semaphore(%arg11 : memref<!tpu.dma_semaphore, #tpu.memory_space<semaphore_mem>>) src(%dma_wait3A_1308 : memref<8x128xf32, #tpu.memory_space<hbm>>) dst(%dma_wait3A_1307 : memref<8x128xf32, #tpu.memory_space<vmem>>)
    %dma_wait3A_1309 = arith.constant 29 : i32
    %dma_wait3A_1310 = arith.constant 0 : i32
    %dma_wait3A_1311 = arith.constant 0 : i32
    %dma_wait3A_1312 = tpu.memref_slice %arg6[%dma_wait3A_1309, %dma_wait3A_1310, %dma_wait3A_1311] : memref<32x8x128xf32, #tpu.memory_space<vmem>> -> memref<1x8x128xf32, #tpu.memory_space<vmem>>
    %dma_wait3A_1313 = tpu.memref_squeeze %dma_wait3A_1312 : memref<1x8x128xf32, #tpu.memory_space<vmem>> -> memref<8x128xf32, #tpu.memory_space<vmem>>
    %dma_wait3A_1314 = tpu.memref_slice %arg2[%mul3A_911, %mul3A_917] : memref<100000x1024xf32, #tpu.memory_space<hbm>> -> memref<8x128xf32, #tpu.memory_space<hbm>>
    %dma_wait3A_1315 = arith.constant 0 : i32
    %dma_wait3A_1316 = arith.constant 0 : i32
    %dma_wait3A_1317 = tpu.memref_slice %arg6[%dma_wait3A_1309, %dma_wait3A_1315, %dma_wait3A_1316] : memref<32x8x128xf32, #tpu.memory_space<vmem>> -> memref<1x8x128xf32, #tpu.memory_space<vmem>>
    %dma_wait3A_1318 = tpu.memref_squeeze %dma_wait3A_1317 : memref<1x8x128xf32, #tpu.memory_space<vmem>> -> memref<8x128xf32, #tpu.memory_space<vmem>>
    %dma_wait3A_1319 = tpu.memref_slice %arg2[%mul3A_911, %mul3A_917] : memref<100000x1024xf32, #tpu.memory_space<hbm>> -> memref<8x128xf32, #tpu.memory_space<hbm>>
    tpu.wait_dma2 semaphore(%arg11 : memref<!tpu.dma_semaphore, #tpu.memory_space<semaphore_mem>>) src(%dma_wait3A_1319 : memref<8x128xf32, #tpu.memory_space<hbm>>) dst(%dma_wait3A_1318 : memref<8x128xf32, #tpu.memory_space<vmem>>)
    %dma_wait3A_1320 = arith.constant 30 : i32
    %dma_wait3A_1321 = arith.constant 0 : i32
    %dma_wait3A_1322 = arith.constant 0 : i32
    %dma_wait3A_1323 = tpu.memref_slice %arg6[%dma_wait3A_1320, %dma_wait3A_1321, %dma_wait3A_1322] : memref<32x8x128xf32, #tpu.memory_space<vmem>> -> memref<1x8x128xf32, #tpu.memory_space<vmem>>
    %dma_wait3A_1324 = tpu.memref_squeeze %dma_wait3A_1323 : memref<1x8x128xf32, #tpu.memory_space<vmem>> -> memref<8x128xf32, #tpu.memory_space<vmem>>
    %dma_wait3A_1325 = tpu.memref_slice %arg2[%mul3A_942, %mul3A_948] : memref<100000x1024xf32, #tpu.memory_space<hbm>> -> memref<8x128xf32, #tpu.memory_space<hbm>>
    %dma_wait3A_1326 = arith.constant 0 : i32
    %dma_wait3A_1327 = arith.constant 0 : i32
    %dma_wait3A_1328 = tpu.memref_slice %arg6[%dma_wait3A_1320, %dma_wait3A_1326, %dma_wait3A_1327] : memref<32x8x128xf32, #tpu.memory_space<vmem>> -> memref<1x8x128xf32, #tpu.memory_space<vmem>>
    %dma_wait3A_1329 = tpu.memref_squeeze %dma_wait3A_1328 : memref<1x8x128xf32, #tpu.memory_space<vmem>> -> memref<8x128xf32, #tpu.memory_space<vmem>>
    %dma_wait3A_1330 = tpu.memref_slice %arg2[%mul3A_942, %mul3A_948] : memref<100000x1024xf32, #tpu.memory_space<hbm>> -> memref<8x128xf32, #tpu.memory_space<hbm>>
    tpu.wait_dma2 semaphore(%arg11 : memref<!tpu.dma_semaphore, #tpu.memory_space<semaphore_mem>>) src(%dma_wait3A_1330 : memref<8x128xf32, #tpu.memory_space<hbm>>) dst(%dma_wait3A_1329 : memref<8x128xf32, #tpu.memory_space<vmem>>)
    %dma_wait3A_1331 = arith.constant 31 : i32
    %dma_wait3A_1332 = arith.constant 0 : i32
    %dma_wait3A_1333 = arith.constant 0 : i32
    %dma_wait3A_1334 = tpu.memref_slice %arg6[%dma_wait3A_1331, %dma_wait3A_1332, %dma_wait3A_1333] : memref<32x8x128xf32, #tpu.memory_space<vmem>> -> memref<1x8x128xf32, #tpu.memory_space<vmem>>
    %dma_wait3A_1335 = tpu.memref_squeeze %dma_wait3A_1334 : memref<1x8x128xf32, #tpu.memory_space<vmem>> -> memref<8x128xf32, #tpu.memory_space<vmem>>
    %dma_wait3A_1336 = tpu.memref_slice %arg2[%mul3A_973, %mul3A_979] : memref<100000x1024xf32, #tpu.memory_space<hbm>> -> memref<8x128xf32, #tpu.memory_space<hbm>>
    %dma_wait3A_1337 = arith.constant 0 : i32
    %dma_wait3A_1338 = arith.constant 0 : i32
    %dma_wait3A_1339 = tpu.memref_slice %arg6[%dma_wait3A_1331, %dma_wait3A_1337, %dma_wait3A_1338] : memref<32x8x128xf32, #tpu.memory_space<vmem>> -> memref<1x8x128xf32, #tpu.memory_space<vmem>>
    %dma_wait3A_1340 = tpu.memref_squeeze %dma_wait3A_1339 : memref<1x8x128xf32, #tpu.memory_space<vmem>> -> memref<8x128xf32, #tpu.memory_space<vmem>>
    %dma_wait3A_1341 = tpu.memref_slice %arg2[%mul3A_973, %mul3A_979] : memref<100000x1024xf32, #tpu.memory_space<hbm>> -> memref<8x128xf32, #tpu.memory_space<hbm>>
    tpu.wait_dma2 semaphore(%arg11 : memref<!tpu.dma_semaphore, #tpu.memory_space<semaphore_mem>>) src(%dma_wait3A_1341 : memref<8x128xf32, #tpu.memory_space<hbm>>) dst(%dma_wait3A_1340 : memref<8x128xf32, #tpu.memory_space<vmem>>)
    %broadcast_in_dim3A_1342 = arith.constant 0.000000e+00 : f32
    %broadcast_in_dim3A_1343 = vector.broadcast %broadcast_in_dim3A_1342 : f32 to vector<16xf32>
    %and3A = arith.constant 127 : i32
    %and3A_1344 = arith.andi %mul3A_2, %and3A : i32
    %add3A_1345 = arith.constant 0 : i32
    %add3A_1346 = arith.addi %and3A_1344, %add3A_1345 : i32
    %and3A_1347 = arith.constant 7 : i32
    %and3A_1348 = arith.andi %reduce_sum3A_8, %and3A_1347 : i32
    %get3A_1349 = arith.constant 0 : i32
    %get3A_1350 = arith.index_cast %get3A_1349 : i32 to index
    %get3A_1351 = arith.index_cast %and3A_1348 : i32 to index
    %get3A_1352 = arith.index_cast %add3A_1346 : i32 to index
    %get3A_1353 = tpu.vector_load %arg6[%get3A_1350, %get3A_1351, %get3A_1352] {strides = array<i32>} : memref<32x8x128xf32, #tpu.memory_space<vmem>>, vector<16xf32>,
    %eq3A_1354 = arith.constant 0 : i32
    %eq3A_1355 = vector.broadcast %eq3A_1354 : i32 to vector<16xi32>
    %eq3A_1356 = arith.cmpi eq, %iota3A, %eq3A_1355 : vector<16xi32>
    %jit3A_1357 = arith.constant 0.000000e+00 : f32
    %broadcast_in_dim3A_1358 = vector.broadcast %jit3A_1357 : f32 to vector<16xf32>
    %select_n3A_1359 = arith.select %eq3A_1356, %get3A_1353, %broadcast_in_dim3A_1358 : vector<16xi1>, vector<16xf32>
    %add3A_1360 = arith.addf %broadcast_in_dim3A_1343, %select_n3A_1359 : vector<16xf32>
    %and3A_1361 = arith.constant 127 : i32
    %and3A_1362 = arith.andi %mul3A_2, %and3A_1361 : i32
    %add3A_1363 = arith.constant 0 : i32
    %add3A_1364 = arith.addi %and3A_1362, %add3A_1363 : i32
    %and3A_1365 = arith.constant 7 : i32
    %and3A_1366 = arith.andi %reduce_sum3A_37, %and3A_1365 : i32
    %get3A_1367 = arith.constant 1 : i32
    %get3A_1368 = arith.index_cast %get3A_1367 : i32 to index
    %get3A_1369 = arith.index_cast %and3A_1366 : i32 to index
    %get3A_1370 = arith.index_cast %add3A_1364 : i32 to index
    %get3A_1371 = tpu.vector_load %arg6[%get3A_1368, %get3A_1369, %get3A_1370] {strides = array<i32>} : memref<32x8x128xf32, #tpu.memory_space<vmem>>, vector<16xf32>,
    %eq3A_1372 = arith.constant 1 : i32
    %eq3A_1373 = vector.broadcast %eq3A_1372 : i32 to vector<16xi32>
    %eq3A_1374 = arith.cmpi eq, %iota3A, %eq3A_1373 : vector<16xi32>
    %jit3A_1375 = arith.constant 0.000000e+00 : f32
    %broadcast_in_dim3A_1376 = vector.broadcast %jit3A_1375 : f32 to vector<16xf32>
    %select_n3A_1377 = arith.select %eq3A_1374, %get3A_1371, %broadcast_in_dim3A_1376 : vector<16xi1>, vector<16xf32>
    %add3A_1378 = arith.addf %add3A_1360, %select_n3A_1377 : vector<16xf32>
    %and3A_1379 = arith.constant 127 : i32
    %and3A_1380 = arith.andi %mul3A_2, %and3A_1379 : i32
    %add3A_1381 = arith.constant 0 : i32
    %add3A_1382 = arith.addi %and3A_1380, %add3A_1381 : i32
    %and3A_1383 = arith.constant 7 : i32
    %and3A_1384 = arith.andi %reduce_sum3A_68, %and3A_1383 : i32
    %get3A_1385 = arith.constant 2 : i32
    %get3A_1386 = arith.index_cast %get3A_1385 : i32 to index
    %get3A_1387 = arith.index_cast %and3A_1384 : i32 to index
    %get3A_1388 = arith.index_cast %add3A_1382 : i32 to index
    %get3A_1389 = tpu.vector_load %arg6[%get3A_1386, %get3A_1387, %get3A_1388] {strides = array<i32>} : memref<32x8x128xf32, #tpu.memory_space<vmem>>, vector<16xf32>,
    %eq3A_1390 = arith.constant 2 : i32
    %eq3A_1391 = vector.broadcast %eq3A_1390 : i32 to vector<16xi32>
    %eq3A_1392 = arith.cmpi eq, %iota3A, %eq3A_1391 : vector<16xi32>
    %jit3A_1393 = arith.constant 0.000000e+00 : f32
    %broadcast_in_dim3A_1394 = vector.broadcast %jit3A_1393 : f32 to vector<16xf32>
    %select_n3A_1395 = arith.select %eq3A_1392, %get3A_1389, %broadcast_in_dim3A_1394 : vector<16xi1>, vector<16xf32>
    %add3A_1396 = arith.addf %add3A_1378, %select_n3A_1395 : vector<16xf32>
    %and3A_1397 = arith.constant 127 : i32
    %and3A_1398 = arith.andi %mul3A_2, %and3A_1397 : i32
    %add3A_1399 = arith.constant 0 : i32
    %add3A_1400 = arith.addi %and3A_1398, %add3A_1399 : i32
    %and3A_1401 = arith.constant 7 : i32
    %and3A_1402 = arith.andi %reduce_sum3A_99, %and3A_1401 : i32
    %get3A_1403 = arith.constant 3 : i32
    %get3A_1404 = arith.index_cast %get3A_1403 : i32 to index
    %get3A_1405 = arith.index_cast %and3A_1402 : i32 to index
    %get3A_1406 = arith.index_cast %add3A_1400 : i32 to index
    %get3A_1407 = tpu.vector_load %arg6[%get3A_1404, %get3A_1405, %get3A_1406] {strides = array<i32>} : memref<32x8x128xf32, #tpu.memory_space<vmem>>, vector<16xf32>,
    %eq3A_1408 = arith.constant 3 : i32
    %eq3A_1409 = vector.broadcast %eq3A_1408 : i32 to vector<16xi32>
    %eq3A_1410 = arith.cmpi eq, %iota3A, %eq3A_1409 : vector<16xi32>
    %jit3A_1411 = arith.constant 0.000000e+00 : f32
    %broadcast_in_dim3A_1412 = vector.broadcast %jit3A_1411 : f32 to vector<16xf32>
    %select_n3A_1413 = arith.select %eq3A_1410, %get3A_1407, %broadcast_in_dim3A_1412 : vector<16xi1>, vector<16xf32>
    %add3A_1414 = arith.addf %add3A_1396, %select_n3A_1413 : vector<16xf32>
    %and3A_1415 = arith.constant 127 : i32
    %and3A_1416 = arith.andi %mul3A_2, %and3A_1415 : i32
    %add3A_1417 = arith.constant 0 : i32
    %add3A_1418 = arith.addi %and3A_1416, %add3A_1417 : i32
    %and3A_1419 = arith.constant 7 : i32
    %and3A_1420 = arith.andi %reduce_sum3A_130, %and3A_1419 : i32
    %get3A_1421 = arith.constant 4 : i32
    %get3A_1422 = arith.index_cast %get3A_1421 : i32 to index
    %get3A_1423 = arith.index_cast %and3A_1420 : i32 to index
    %get3A_1424 = arith.index_cast %add3A_1418 : i32 to index
    %get3A_1425 = tpu.vector_load %arg6[%get3A_1422, %get3A_1423, %get3A_1424] {strides = array<i32>} : memref<32x8x128xf32, #tpu.memory_space<vmem>>, vector<16xf32>,
    %eq3A_1426 = arith.constant 4 : i32
    %eq3A_1427 = vector.broadcast %eq3A_1426 : i32 to vector<16xi32>
    %eq3A_1428 = arith.cmpi eq, %iota3A, %eq3A_1427 : vector<16xi32>
    %jit3A_1429 = arith.constant 0.000000e+00 : f32
    %broadcast_in_dim3A_1430 = vector.broadcast %jit3A_1429 : f32 to vector<16xf32>
    %select_n3A_1431 = arith.select %eq3A_1428, %get3A_1425, %broadcast_in_dim3A_1430 : vector<16xi1>, vector<16xf32>
    %add3A_1432 = arith.addf %add3A_1414, %select_n3A_1431 : vector<16xf32>
    %and3A_1433 = arith.constant 127 : i32
    %and3A_1434 = arith.andi %mul3A_2, %and3A_1433 : i32
    %add3A_1435 = arith.constant 0 : i32
    %add3A_1436 = arith.addi %and3A_1434, %add3A_1435 : i32
    %and3A_1437 = arith.constant 7 : i32
    %and3A_1438 = arith.andi %reduce_sum3A_161, %and3A_1437 : i32
    %get3A_1439 = arith.constant 5 : i32
    %get3A_1440 = arith.index_cast %get3A_1439 : i32 to index
    %get3A_1441 = arith.index_cast %and3A_1438 : i32 to index
    %get3A_1442 = arith.index_cast %add3A_1436 : i32 to index
    %get3A_1443 = tpu.vector_load %arg6[%get3A_1440, %get3A_1441, %get3A_1442] {strides = array<i32>} : memref<32x8x128xf32, #tpu.memory_space<vmem>>, vector<16xf32>,
    %eq3A_1444 = arith.constant 5 : i32
    %eq3A_1445 = vector.broadcast %eq3A_1444 : i32 to vector<16xi32>
    %eq3A_1446 = arith.cmpi eq, %iota3A, %eq3A_1445 : vector<16xi32>
    %jit3A_1447 = arith.constant 0.000000e+00 : f32
    %broadcast_in_dim3A_1448 = vector.broadcast %jit3A_1447 : f32 to vector<16xf32>
    %select_n3A_1449 = arith.select %eq3A_1446, %get3A_1443, %broadcast_in_dim3A_1448 : vector<16xi1>, vector<16xf32>
    %add3A_1450 = arith.addf %add3A_1432, %select_n3A_1449 : vector<16xf32>
    %and3A_1451 = arith.constant 127 : i32
    %and3A_1452 = arith.andi %mul3A_2, %and3A_1451 : i32
    %add3A_1453 = arith.constant 0 : i32
    %add3A_1454 = arith.addi %and3A_1452, %add3A_1453 : i32
    %and3A_1455 = arith.constant 7 : i32
    %and3A_1456 = arith.andi %reduce_sum3A_192, %and3A_1455 : i32
    %get3A_1457 = arith.constant 6 : i32
    %get3A_1458 = arith.index_cast %get3A_1457 : i32 to index
    %get3A_1459 = arith.index_cast %and3A_1456 : i32 to index
    %get3A_1460 = arith.index_cast %add3A_1454 : i32 to index
    %get3A_1461 = tpu.vector_load %arg6[%get3A_1458, %get3A_1459, %get3A_1460] {strides = array<i32>} : memref<32x8x128xf32, #tpu.memory_space<vmem>>, vector<16xf32>,
    %eq3A_1462 = arith.constant 6 : i32
    %eq3A_1463 = vector.broadcast %eq3A_1462 : i32 to vector<16xi32>
    %eq3A_1464 = arith.cmpi eq, %iota3A, %eq3A_1463 : vector<16xi32>
    %jit3A_1465 = arith.constant 0.000000e+00 : f32
    %broadcast_in_dim3A_1466 = vector.broadcast %jit3A_1465 : f32 to vector<16xf32>
    %select_n3A_1467 = arith.select %eq3A_1464, %get3A_1461, %broadcast_in_dim3A_1466 : vector<16xi1>, vector<16xf32>
    %add3A_1468 = arith.addf %add3A_1450, %select_n3A_1467 : vector<16xf32>
    %and3A_1469 = arith.constant 127 : i32
    %and3A_1470 = arith.andi %mul3A_2, %and3A_1469 : i32
    %add3A_1471 = arith.constant 0 : i32
    %add3A_1472 = arith.addi %and3A_1470, %add3A_1471 : i32
    %and3A_1473 = arith.constant 7 : i32
    %and3A_1474 = arith.andi %reduce_sum3A_223, %and3A_1473 : i32
    %get3A_1475 = arith.constant 7 : i32
    %get3A_1476 = arith.index_cast %get3A_1475 : i32 to index
    %get3A_1477 = arith.index_cast %and3A_1474 : i32 to index
    %get3A_1478 = arith.index_cast %add3A_1472 : i32 to index
    %get3A_1479 = tpu.vector_load %arg6[%get3A_1476, %get3A_1477, %get3A_1478] {strides = array<i32>} : memref<32x8x128xf32, #tpu.memory_space<vmem>>, vector<16xf32>,
    %eq3A_1480 = arith.constant 7 : i32
    %eq3A_1481 = vector.broadcast %eq3A_1480 : i32 to vector<16xi32>
    %eq3A_1482 = arith.cmpi eq, %iota3A, %eq3A_1481 : vector<16xi32>
    %jit3A_1483 = arith.constant 0.000000e+00 : f32
    %broadcast_in_dim3A_1484 = vector.broadcast %jit3A_1483 : f32 to vector<16xf32>
    %select_n3A_1485 = arith.select %eq3A_1482, %get3A_1479, %broadcast_in_dim3A_1484 : vector<16xi1>, vector<16xf32>
    %add3A_1486 = arith.addf %add3A_1468, %select_n3A_1485 : vector<16xf32>
    %and3A_1487 = arith.constant 127 : i32
    %and3A_1488 = arith.andi %mul3A_2, %and3A_1487 : i32
    %add3A_1489 = arith.constant 0 : i32
    %add3A_1490 = arith.addi %and3A_1488, %add3A_1489 : i32
    %and3A_1491 = arith.constant 7 : i32
    %and3A_1492 = arith.andi %reduce_sum3A_254, %and3A_1491 : i32
    %get3A_1493 = arith.constant 8 : i32
    %get3A_1494 = arith.index_cast %get3A_1493 : i32 to index
    %get3A_1495 = arith.index_cast %and3A_1492 : i32 to index
    %get3A_1496 = arith.index_cast %add3A_1490 : i32 to index
    %get3A_1497 = tpu.vector_load %arg6[%get3A_1494, %get3A_1495, %get3A_1496] {strides = array<i32>} : memref<32x8x128xf32, #tpu.memory_space<vmem>>, vector<16xf32>,
    %eq3A_1498 = arith.constant 8 : i32
    %eq3A_1499 = vector.broadcast %eq3A_1498 : i32 to vector<16xi32>
    %eq3A_1500 = arith.cmpi eq, %iota3A, %eq3A_1499 : vector<16xi32>
    %jit3A_1501 = arith.constant 0.000000e+00 : f32
    %broadcast_in_dim3A_1502 = vector.broadcast %jit3A_1501 : f32 to vector<16xf32>
    %select_n3A_1503 = arith.select %eq3A_1500, %get3A_1497, %broadcast_in_dim3A_1502 : vector<16xi1>, vector<16xf32>
    %add3A_1504 = arith.addf %add3A_1486, %select_n3A_1503 : vector<16xf32>
    %and3A_1505 = arith.constant 127 : i32
    %and3A_1506 = arith.andi %mul3A_2, %and3A_1505 : i32
    %add3A_1507 = arith.constant 0 : i32
    %add3A_1508 = arith.addi %and3A_1506, %add3A_1507 : i32
    %and3A_1509 = arith.constant 7 : i32
    %and3A_1510 = arith.andi %reduce_sum3A_285, %and3A_1509 : i32
    %get3A_1511 = arith.constant 9 : i32
    %get3A_1512 = arith.index_cast %get3A_1511 : i32 to index
    %get3A_1513 = arith.index_cast %and3A_1510 : i32 to index
    %get3A_1514 = arith.index_cast %add3A_1508 : i32 to index
    %get3A_1515 = tpu.vector_load %arg6[%get3A_1512, %get3A_1513, %get3A_1514] {strides = array<i32>} : memref<32x8x128xf32, #tpu.memory_space<vmem>>, vector<16xf32>,
    %eq3A_1516 = arith.constant 9 : i32
    %eq3A_1517 = vector.broadcast %eq3A_1516 : i32 to vector<16xi32>
    %eq3A_1518 = arith.cmpi eq, %iota3A, %eq3A_1517 : vector<16xi32>
    %jit3A_1519 = arith.constant 0.000000e+00 : f32
    %broadcast_in_dim3A_1520 = vector.broadcast %jit3A_1519 : f32 to vector<16xf32>
    %select_n3A_1521 = arith.select %eq3A_1518, %get3A_1515, %broadcast_in_dim3A_1520 : vector<16xi1>, vector<16xf32>
    %add3A_1522 = arith.addf %add3A_1504, %select_n3A_1521 : vector<16xf32>
    %and3A_1523 = arith.constant 127 : i32
    %and3A_1524 = arith.andi %mul3A_2, %and3A_1523 : i32
    %add3A_1525 = arith.constant 0 : i32
    %add3A_1526 = arith.addi %and3A_1524, %add3A_1525 : i32
    %and3A_1527 = arith.constant 7 : i32
    %and3A_1528 = arith.andi %reduce_sum3A_316, %and3A_1527 : i32
    %get3A_1529 = arith.constant 10 : i32
    %get3A_1530 = arith.index_cast %get3A_1529 : i32 to index
    %get3A_1531 = arith.index_cast %and3A_1528 : i32 to index
    %get3A_1532 = arith.index_cast %add3A_1526 : i32 to index
    %get3A_1533 = tpu.vector_load %arg6[%get3A_1530, %get3A_1531, %get3A_1532] {strides = array<i32>} : memref<32x8x128xf32, #tpu.memory_space<vmem>>, vector<16xf32>,
    %eq3A_1534 = arith.constant 10 : i32
    %eq3A_1535 = vector.broadcast %eq3A_1534 : i32 to vector<16xi32>
    %eq3A_1536 = arith.cmpi eq, %iota3A, %eq3A_1535 : vector<16xi32>
    %jit3A_1537 = arith.constant 0.000000e+00 : f32
    %broadcast_in_dim3A_1538 = vector.broadcast %jit3A_1537 : f32 to vector<16xf32>
    %select_n3A_1539 = arith.select %eq3A_1536, %get3A_1533, %broadcast_in_dim3A_1538 : vector<16xi1>, vector<16xf32>
    %add3A_1540 = arith.addf %add3A_1522, %select_n3A_1539 : vector<16xf32>
    %and3A_1541 = arith.constant 127 : i32
    %and3A_1542 = arith.andi %mul3A_2, %and3A_1541 : i32
    %add3A_1543 = arith.constant 0 : i32
    %add3A_1544 = arith.addi %and3A_1542, %add3A_1543 : i32
    %and3A_1545 = arith.constant 7 : i32
    %and3A_1546 = arith.andi %reduce_sum3A_347, %and3A_1545 : i32
    %get3A_1547 = arith.constant 11 : i32
    %get3A_1548 = arith.index_cast %get3A_1547 : i32 to index
    %get3A_1549 = arith.index_cast %and3A_1546 : i32 to index
    %get3A_1550 = arith.index_cast %add3A_1544 : i32 to index
    %get3A_1551 = tpu.vector_load %arg6[%get3A_1548, %get3A_1549, %get3A_1550] {strides = array<i32>} : memref<32x8x128xf32, #tpu.memory_space<vmem>>, vector<16xf32>,
    %eq3A_1552 = arith.constant 11 : i32
    %eq3A_1553 = vector.broadcast %eq3A_1552 : i32 to vector<16xi32>
    %eq3A_1554 = arith.cmpi eq, %iota3A, %eq3A_1553 : vector<16xi32>
    %jit3A_1555 = arith.constant 0.000000e+00 : f32
    %broadcast_in_dim3A_1556 = vector.broadcast %jit3A_1555 : f32 to vector<16xf32>
    %select_n3A_1557 = arith.select %eq3A_1554, %get3A_1551, %broadcast_in_dim3A_1556 : vector<16xi1>, vector<16xf32>
    %add3A_1558 = arith.addf %add3A_1540, %select_n3A_1557 : vector<16xf32>
    %and3A_1559 = arith.constant 127 : i32
    %and3A_1560 = arith.andi %mul3A_2, %and3A_1559 : i32
    %add3A_1561 = arith.constant 0 : i32
    %add3A_1562 = arith.addi %and3A_1560, %add3A_1561 : i32
    %and3A_1563 = arith.constant 7 : i32
    %and3A_1564 = arith.andi %reduce_sum3A_378, %and3A_1563 : i32
    %get3A_1565 = arith.constant 12 : i32
    %get3A_1566 = arith.index_cast %get3A_1565 : i32 to index
    %get3A_1567 = arith.index_cast %and3A_1564 : i32 to index
    %get3A_1568 = arith.index_cast %add3A_1562 : i32 to index
    %get3A_1569 = tpu.vector_load %arg6[%get3A_1566, %get3A_1567, %get3A_1568] {strides = array<i32>} : memref<32x8x128xf32, #tpu.memory_space<vmem>>, vector<16xf32>,
    %eq3A_1570 = arith.constant 12 : i32
    %eq3A_1571 = vector.broadcast %eq3A_1570 : i32 to vector<16xi32>
    %eq3A_1572 = arith.cmpi eq, %iota3A, %eq3A_1571 : vector<16xi32>
    %jit3A_1573 = arith.constant 0.000000e+00 : f32
    %broadcast_in_dim3A_1574 = vector.broadcast %jit3A_1573 : f32 to vector<16xf32>
    %select_n3A_1575 = arith.select %eq3A_1572, %get3A_1569, %broadcast_in_dim3A_1574 : vector<16xi1>, vector<16xf32>
    %add3A_1576 = arith.addf %add3A_1558, %select_n3A_1575 : vector<16xf32>
    %and3A_1577 = arith.constant 127 : i32
    %and3A_1578 = arith.andi %mul3A_2, %and3A_1577 : i32
    %add3A_1579 = arith.constant 0 : i32
    %add3A_1580 = arith.addi %and3A_1578, %add3A_1579 : i32
    %and3A_1581 = arith.constant 7 : i32
    %and3A_1582 = arith.andi %reduce_sum3A_409, %and3A_1581 : i32
    %get3A_1583 = arith.constant 13 : i32
    %get3A_1584 = arith.index_cast %get3A_1583 : i32 to index
    %get3A_1585 = arith.index_cast %and3A_1582 : i32 to index
    %get3A_1586 = arith.index_cast %add3A_1580 : i32 to index
    %get3A_1587 = tpu.vector_load %arg6[%get3A_1584, %get3A_1585, %get3A_1586] {strides = array<i32>} : memref<32x8x128xf32, #tpu.memory_space<vmem>>, vector<16xf32>,
    %eq3A_1588 = arith.constant 13 : i32
    %eq3A_1589 = vector.broadcast %eq3A_1588 : i32 to vector<16xi32>
    %eq3A_1590 = arith.cmpi eq, %iota3A, %eq3A_1589 : vector<16xi32>
    %jit3A_1591 = arith.constant 0.000000e+00 : f32
    %broadcast_in_dim3A_1592 = vector.broadcast %jit3A_1591 : f32 to vector<16xf32>
    %select_n3A_1593 = arith.select %eq3A_1590, %get3A_1587, %broadcast_in_dim3A_1592 : vector<16xi1>, vector<16xf32>
    %add3A_1594 = arith.addf %add3A_1576, %select_n3A_1593 : vector<16xf32>
    %and3A_1595 = arith.constant 127 : i32
    %and3A_1596 = arith.andi %mul3A_2, %and3A_1595 : i32
    %add3A_1597 = arith.constant 0 : i32
    %add3A_1598 = arith.addi %and3A_1596, %add3A_1597 : i32
    %and3A_1599 = arith.constant 7 : i32
    %and3A_1600 = arith.andi %reduce_sum3A_440, %and3A_1599 : i32
    %get3A_1601 = arith.constant 14 : i32
    %get3A_1602 = arith.index_cast %get3A_1601 : i32 to index
    %get3A_1603 = arith.index_cast %and3A_1600 : i32 to index
    %get3A_1604 = arith.index_cast %add3A_1598 : i32 to index
    %get3A_1605 = tpu.vector_load %arg6[%get3A_1602, %get3A_1603, %get3A_1604] {strides = array<i32>} : memref<32x8x128xf32, #tpu.memory_space<vmem>>, vector<16xf32>,
    %eq3A_1606 = arith.constant 14 : i32
    %eq3A_1607 = vector.broadcast %eq3A_1606 : i32 to vector<16xi32>
    %eq3A_1608 = arith.cmpi eq, %iota3A, %eq3A_1607 : vector<16xi32>
    %jit3A_1609 = arith.constant 0.000000e+00 : f32
    %broadcast_in_dim3A_1610 = vector.broadcast %jit3A_1609 : f32 to vector<16xf32>
    %select_n3A_1611 = arith.select %eq3A_1608, %get3A_1605, %broadcast_in_dim3A_1610 : vector<16xi1>, vector<16xf32>
    %add3A_1612 = arith.addf %add3A_1594, %select_n3A_1611 : vector<16xf32>
    %and3A_1613 = arith.constant 127 : i32
    %and3A_1614 = arith.andi %mul3A_2, %and3A_1613 : i32
    %add3A_1615 = arith.constant 0 : i32
    %add3A_1616 = arith.addi %and3A_1614, %add3A_1615 : i32
    %and3A_1617 = arith.constant 7 : i32
    %and3A_1618 = arith.andi %reduce_sum3A_471, %and3A_1617 : i32
    %get3A_1619 = arith.constant 15 : i32
    %get3A_1620 = arith.index_cast %get3A_1619 : i32 to index
    %get3A_1621 = arith.index_cast %and3A_1618 : i32 to index
    %get3A_1622 = arith.index_cast %add3A_1616 : i32 to index
    %get3A_1623 = tpu.vector_load %arg6[%get3A_1620, %get3A_1621, %get3A_1622] {strides = array<i32>} : memref<32x8x128xf32, #tpu.memory_space<vmem>>, vector<16xf32>,
    %eq3A_1624 = arith.constant 15 : i32
    %eq3A_1625 = vector.broadcast %eq3A_1624 : i32 to vector<16xi32>
    %eq3A_1626 = arith.cmpi eq, %iota3A, %eq3A_1625 : vector<16xi32>
    %jit3A_1627 = arith.constant 0.000000e+00 : f32
    %broadcast_in_dim3A_1628 = vector.broadcast %jit3A_1627 : f32 to vector<16xf32>
    %select_n3A_1629 = arith.select %eq3A_1626, %get3A_1623, %broadcast_in_dim3A_1628 : vector<16xi1>, vector<16xf32>
    %add3A_1630 = arith.addf %add3A_1612, %select_n3A_1629 : vector<16xf32>
    %and3A_1631 = arith.constant 127 : i32
    %and3A_1632 = arith.andi %mul3A_2, %and3A_1631 : i32
    %add3A_1633 = arith.constant 16 : i32
    %add3A_1634 = arith.addi %and3A_1632, %add3A_1633 : i32
    %and3A_1635 = arith.constant 7 : i32
    %and3A_1636 = arith.andi %reduce_sum3A_504, %and3A_1635 : i32
    %get3A_1637 = arith.constant 16 : i32
    %get3A_1638 = arith.index_cast %get3A_1637 : i32 to index
    %get3A_1639 = arith.index_cast %and3A_1636 : i32 to index
    %get3A_1640 = arith.index_cast %add3A_1634 : i32 to index
    %get3A_1641 = tpu.vector_load %arg6[%get3A_1638, %get3A_1639, %get3A_1640] {strides = array<i32>} : memref<32x8x128xf32, #tpu.memory_space<vmem>>, vector<16xf32>,
    %eq3A_1642 = arith.constant 0 : i32
    %eq3A_1643 = vector.broadcast %eq3A_1642 : i32 to vector<16xi32>
    %eq3A_1644 = arith.cmpi eq, %iota3A, %eq3A_1643 : vector<16xi32>
    %jit3A_1645 = arith.constant 0.000000e+00 : f32
    %broadcast_in_dim3A_1646 = vector.broadcast %jit3A_1645 : f32 to vector<16xf32>
    %select_n3A_1647 = arith.select %eq3A_1644, %get3A_1641, %broadcast_in_dim3A_1646 : vector<16xi1>, vector<16xf32>
    %add3A_1648 = arith.addf %add3A_1630, %select_n3A_1647 : vector<16xf32>
    %and3A_1649 = arith.constant 127 : i32
    %and3A_1650 = arith.andi %mul3A_2, %and3A_1649 : i32
    %add3A_1651 = arith.constant 16 : i32
    %add3A_1652 = arith.addi %and3A_1650, %add3A_1651 : i32
    %and3A_1653 = arith.constant 7 : i32
    %and3A_1654 = arith.andi %reduce_sum3A_535, %and3A_1653 : i32
    %get3A_1655 = arith.constant 17 : i32
    %get3A_1656 = arith.index_cast %get3A_1655 : i32 to index
    %get3A_1657 = arith.index_cast %and3A_1654 : i32 to index
    %get3A_1658 = arith.index_cast %add3A_1652 : i32 to index
    %get3A_1659 = tpu.vector_load %arg6[%get3A_1656, %get3A_1657, %get3A_1658] {strides = array<i32>} : memref<32x8x128xf32, #tpu.memory_space<vmem>>, vector<16xf32>,
    %eq3A_1660 = arith.constant 1 : i32
    %eq3A_1661 = vector.broadcast %eq3A_1660 : i32 to vector<16xi32>
    %eq3A_1662 = arith.cmpi eq, %iota3A, %eq3A_1661 : vector<16xi32>
    %jit3A_1663 = arith.constant 0.000000e+00 : f32
    %broadcast_in_dim3A_1664 = vector.broadcast %jit3A_1663 : f32 to vector<16xf32>
    %select_n3A_1665 = arith.select %eq3A_1662, %get3A_1659, %broadcast_in_dim3A_1664 : vector<16xi1>, vector<16xf32>
    %add3A_1666 = arith.addf %add3A_1648, %select_n3A_1665 : vector<16xf32>
    %and3A_1667 = arith.constant 127 : i32
    %and3A_1668 = arith.andi %mul3A_2, %and3A_1667 : i32
    %add3A_1669 = arith.constant 16 : i32
    %add3A_1670 = arith.addi %and3A_1668, %add3A_1669 : i32
    %and3A_1671 = arith.constant 7 : i32
    %and3A_1672 = arith.andi %reduce_sum3A_566, %and3A_1671 : i32
    %get3A_1673 = arith.constant 18 : i32
    %get3A_1674 = arith.index_cast %get3A_1673 : i32 to index
    %get3A_1675 = arith.index_cast %and3A_1672 : i32 to index
    %get3A_1676 = arith.index_cast %add3A_1670 : i32 to index
    %get3A_1677 = tpu.vector_load %arg6[%get3A_1674, %get3A_1675, %get3A_1676] {strides = array<i32>} : memref<32x8x128xf32, #tpu.memory_space<vmem>>, vector<16xf32>,
    %eq3A_1678 = arith.constant 2 : i32
    %eq3A_1679 = vector.broadcast %eq3A_1678 : i32 to vector<16xi32>
    %eq3A_1680 = arith.cmpi eq, %iota3A, %eq3A_1679 : vector<16xi32>
    %jit3A_1681 = arith.constant 0.000000e+00 : f32
    %broadcast_in_dim3A_1682 = vector.broadcast %jit3A_1681 : f32 to vector<16xf32>
    %select_n3A_1683 = arith.select %eq3A_1680, %get3A_1677, %broadcast_in_dim3A_1682 : vector<16xi1>, vector<16xf32>
    %add3A_1684 = arith.addf %add3A_1666, %select_n3A_1683 : vector<16xf32>
    %and3A_1685 = arith.constant 127 : i32
    %and3A_1686 = arith.andi %mul3A_2, %and3A_1685 : i32
    %add3A_1687 = arith.constant 16 : i32
    %add3A_1688 = arith.addi %and3A_1686, %add3A_1687 : i32
    %and3A_1689 = arith.constant 7 : i32
    %and3A_1690 = arith.andi %reduce_sum3A_597, %and3A_1689 : i32
    %get3A_1691 = arith.constant 19 : i32
    %get3A_1692 = arith.index_cast %get3A_1691 : i32 to index
    %get3A_1693 = arith.index_cast %and3A_1690 : i32 to index
    %get3A_1694 = arith.index_cast %add3A_1688 : i32 to index
    %get3A_1695 = tpu.vector_load %arg6[%get3A_1692, %get3A_1693, %get3A_1694] {strides = array<i32>} : memref<32x8x128xf32, #tpu.memory_space<vmem>>, vector<16xf32>,
    %eq3A_1696 = arith.constant 3 : i32
    %eq3A_1697 = vector.broadcast %eq3A_1696 : i32 to vector<16xi32>
    %eq3A_1698 = arith.cmpi eq, %iota3A, %eq3A_1697 : vector<16xi32>
    %jit3A_1699 = arith.constant 0.000000e+00 : f32
    %broadcast_in_dim3A_1700 = vector.broadcast %jit3A_1699 : f32 to vector<16xf32>
    %select_n3A_1701 = arith.select %eq3A_1698, %get3A_1695, %broadcast_in_dim3A_1700 : vector<16xi1>, vector<16xf32>
    %add3A_1702 = arith.addf %add3A_1684, %select_n3A_1701 : vector<16xf32>
    %and3A_1703 = arith.constant 127 : i32
    %and3A_1704 = arith.andi %mul3A_2, %and3A_1703 : i32
    %add3A_1705 = arith.constant 16 : i32
    %add3A_1706 = arith.addi %and3A_1704, %add3A_1705 : i32
    %and3A_1707 = arith.constant 7 : i32
    %and3A_1708 = arith.andi %reduce_sum3A_628, %and3A_1707 : i32
    %get3A_1709 = arith.constant 20 : i32
    %get3A_1710 = arith.index_cast %get3A_1709 : i32 to index
    %get3A_1711 = arith.index_cast %and3A_1708 : i32 to index
    %get3A_1712 = arith.index_cast %add3A_1706 : i32 to index
    %get3A_1713 = tpu.vector_load %arg6[%get3A_1710, %get3A_1711, %get3A_1712] {strides = array<i32>} : memref<32x8x128xf32, #tpu.memory_space<vmem>>, vector<16xf32>,
    %eq3A_1714 = arith.constant 4 : i32
    %eq3A_1715 = vector.broadcast %eq3A_1714 : i32 to vector<16xi32>
    %eq3A_1716 = arith.cmpi eq, %iota3A, %eq3A_1715 : vector<16xi32>
    %jit3A_1717 = arith.constant 0.000000e+00 : f32
    %broadcast_in_dim3A_1718 = vector.broadcast %jit3A_1717 : f32 to vector<16xf32>
    %select_n3A_1719 = arith.select %eq3A_1716, %get3A_1713, %broadcast_in_dim3A_1718 : vector<16xi1>, vector<16xf32>
    %add3A_1720 = arith.addf %add3A_1702, %select_n3A_1719 : vector<16xf32>
    %and3A_1721 = arith.constant 127 : i32
    %and3A_1722 = arith.andi %mul3A_2, %and3A_1721 : i32
    %add3A_1723 = arith.constant 16 : i32
    %add3A_1724 = arith.addi %and3A_1722, %add3A_1723 : i32
    %and3A_1725 = arith.constant 7 : i32
    %and3A_1726 = arith.andi %reduce_sum3A_659, %and3A_1725 : i32
    %get3A_1727 = arith.constant 21 : i32
    %get3A_1728 = arith.index_cast %get3A_1727 : i32 to index
    %get3A_1729 = arith.index_cast %and3A_1726 : i32 to index
    %get3A_1730 = arith.index_cast %add3A_1724 : i32 to index
    %get3A_1731 = tpu.vector_load %arg6[%get3A_1728, %get3A_1729, %get3A_1730] {strides = array<i32>} : memref<32x8x128xf32, #tpu.memory_space<vmem>>, vector<16xf32>,
    %eq3A_1732 = arith.constant 5 : i32
    %eq3A_1733 = vector.broadcast %eq3A_1732 : i32 to vector<16xi32>
    %eq3A_1734 = arith.cmpi eq, %iota3A, %eq3A_1733 : vector<16xi32>
    %jit3A_1735 = arith.constant 0.000000e+00 : f32
    %broadcast_in_dim3A_1736 = vector.broadcast %jit3A_1735 : f32 to vector<16xf32>
    %select_n3A_1737 = arith.select %eq3A_1734, %get3A_1731, %broadcast_in_dim3A_1736 : vector<16xi1>, vector<16xf32>
    %add3A_1738 = arith.addf %add3A_1720, %select_n3A_1737 : vector<16xf32>
    %and3A_1739 = arith.constant 127 : i32
    %and3A_1740 = arith.andi %mul3A_2, %and3A_1739 : i32
    %add3A_1741 = arith.constant 16 : i32
    %add3A_1742 = arith.addi %and3A_1740, %add3A_1741 : i32
    %and3A_1743 = arith.constant 7 : i32
    %and3A_1744 = arith.andi %reduce_sum3A_690, %and3A_1743 : i32
    %get3A_1745 = arith.constant 22 : i32
    %get3A_1746 = arith.index_cast %get3A_1745 : i32 to index
    %get3A_1747 = arith.index_cast %and3A_1744 : i32 to index
    %get3A_1748 = arith.index_cast %add3A_1742 : i32 to index
    %get3A_1749 = tpu.vector_load %arg6[%get3A_1746, %get3A_1747, %get3A_1748] {strides = array<i32>} : memref<32x8x128xf32, #tpu.memory_space<vmem>>, vector<16xf32>,
    %eq3A_1750 = arith.constant 6 : i32
    %eq3A_1751 = vector.broadcast %eq3A_1750 : i32 to vector<16xi32>
    %eq3A_1752 = arith.cmpi eq, %iota3A, %eq3A_1751 : vector<16xi32>
    %jit3A_1753 = arith.constant 0.000000e+00 : f32
    %broadcast_in_dim3A_1754 = vector.broadcast %jit3A_1753 : f32 to vector<16xf32>
    %select_n3A_1755 = arith.select %eq3A_1752, %get3A_1749, %broadcast_in_dim3A_1754 : vector<16xi1>, vector<16xf32>
    %add3A_1756 = arith.addf %add3A_1738, %select_n3A_1755 : vector<16xf32>
    %and3A_1757 = arith.constant 127 : i32
    %and3A_1758 = arith.andi %mul3A_2, %and3A_1757 : i32
    %add3A_1759 = arith.constant 16 : i32
    %add3A_1760 = arith.addi %and3A_1758, %add3A_1759 : i32
    %and3A_1761 = arith.constant 7 : i32
    %and3A_1762 = arith.andi %reduce_sum3A_721, %and3A_1761 : i32
    %get3A_1763 = arith.constant 23 : i32
    %get3A_1764 = arith.index_cast %get3A_1763 : i32 to index
    %get3A_1765 = arith.index_cast %and3A_1762 : i32 to index
    %get3A_1766 = arith.index_cast %add3A_1760 : i32 to index
    %get3A_1767 = tpu.vector_load %arg6[%get3A_1764, %get3A_1765, %get3A_1766] {strides = array<i32>} : memref<32x8x128xf32, #tpu.memory_space<vmem>>, vector<16xf32>,
    %eq3A_1768 = arith.constant 7 : i32
    %eq3A_1769 = vector.broadcast %eq3A_1768 : i32 to vector<16xi32>
    %eq3A_1770 = arith.cmpi eq, %iota3A, %eq3A_1769 : vector<16xi32>
    %jit3A_1771 = arith.constant 0.000000e+00 : f32
    %broadcast_in_dim3A_1772 = vector.broadcast %jit3A_1771 : f32 to vector<16xf32>
    %select_n3A_1773 = arith.select %eq3A_1770, %get3A_1767, %broadcast_in_dim3A_1772 : vector<16xi1>, vector<16xf32>
    %add3A_1774 = arith.addf %add3A_1756, %select_n3A_1773 : vector<16xf32>
    %and3A_1775 = arith.constant 127 : i32
    %and3A_1776 = arith.andi %mul3A_2, %and3A_1775 : i32
    %add3A_1777 = arith.constant 16 : i32
    %add3A_1778 = arith.addi %and3A_1776, %add3A_1777 : i32
    %and3A_1779 = arith.constant 7 : i32
    %and3A_1780 = arith.andi %reduce_sum3A_752, %and3A_1779 : i32
    %get3A_1781 = arith.constant 24 : i32
    %get3A_1782 = arith.index_cast %get3A_1781 : i32 to index
    %get3A_1783 = arith.index_cast %and3A_1780 : i32 to index
    %get3A_1784 = arith.index_cast %add3A_1778 : i32 to index
    %get3A_1785 = tpu.vector_load %arg6[%get3A_1782, %get3A_1783, %get3A_1784] {strides = array<i32>} : memref<32x8x128xf32, #tpu.memory_space<vmem>>, vector<16xf32>,
    %eq3A_1786 = arith.constant 8 : i32
    %eq3A_1787 = vector.broadcast %eq3A_1786 : i32 to vector<16xi32>
    %eq3A_1788 = arith.cmpi eq, %iota3A, %eq3A_1787 : vector<16xi32>
    %jit3A_1789 = arith.constant 0.000000e+00 : f32
    %broadcast_in_dim3A_1790 = vector.broadcast %jit3A_1789 : f32 to vector<16xf32>
    %select_n3A_1791 = arith.select %eq3A_1788, %get3A_1785, %broadcast_in_dim3A_1790 : vector<16xi1>, vector<16xf32>
    %add3A_1792 = arith.addf %add3A_1774, %select_n3A_1791 : vector<16xf32>
    %and3A_1793 = arith.constant 127 : i32
    %and3A_1794 = arith.andi %mul3A_2, %and3A_1793 : i32
    %add3A_1795 = arith.constant 16 : i32
    %add3A_1796 = arith.addi %and3A_1794, %add3A_1795 : i32
    %and3A_1797 = arith.constant 7 : i32
    %and3A_1798 = arith.andi %reduce_sum3A_783, %and3A_1797 : i32
    %get3A_1799 = arith.constant 25 : i32
    %get3A_1800 = arith.index_cast %get3A_1799 : i32 to index
    %get3A_1801 = arith.index_cast %and3A_1798 : i32 to index
    %get3A_1802 = arith.index_cast %add3A_1796 : i32 to index
    %get3A_1803 = tpu.vector_load %arg6[%get3A_1800, %get3A_1801, %get3A_1802] {strides = array<i32>} : memref<32x8x128xf32, #tpu.memory_space<vmem>>, vector<16xf32>,
    %eq3A_1804 = arith.constant 9 : i32
    %eq3A_1805 = vector.broadcast %eq3A_1804 : i32 to vector<16xi32>
    %eq3A_1806 = arith.cmpi eq, %iota3A, %eq3A_1805 : vector<16xi32>
    %jit3A_1807 = arith.constant 0.000000e+00 : f32
    %broadcast_in_dim3A_1808 = vector.broadcast %jit3A_1807 : f32 to vector<16xf32>
    %select_n3A_1809 = arith.select %eq3A_1806, %get3A_1803, %broadcast_in_dim3A_1808 : vector<16xi1>, vector<16xf32>
    %add3A_1810 = arith.addf %add3A_1792, %select_n3A_1809 : vector<16xf32>
    %and3A_1811 = arith.constant 127 : i32
    %and3A_1812 = arith.andi %mul3A_2, %and3A_1811 : i32
    %add3A_1813 = arith.constant 16 : i32
    %add3A_1814 = arith.addi %and3A_1812, %add3A_1813 : i32
    %and3A_1815 = arith.constant 7 : i32
    %and3A_1816 = arith.andi %reduce_sum3A_814, %and3A_1815 : i32
    %get3A_1817 = arith.constant 26 : i32
    %get3A_1818 = arith.index_cast %get3A_1817 : i32 to index
    %get3A_1819 = arith.index_cast %and3A_1816 : i32 to index
    %get3A_1820 = arith.index_cast %add3A_1814 : i32 to index
    %get3A_1821 = tpu.vector_load %arg6[%get3A_1818, %get3A_1819, %get3A_1820] {strides = array<i32>} : memref<32x8x128xf32, #tpu.memory_space<vmem>>, vector<16xf32>,
    %eq3A_1822 = arith.constant 10 : i32
    %eq3A_1823 = vector.broadcast %eq3A_1822 : i32 to vector<16xi32>
    %eq3A_1824 = arith.cmpi eq, %iota3A, %eq3A_1823 : vector<16xi32>
    %jit3A_1825 = arith.constant 0.000000e+00 : f32
    %broadcast_in_dim3A_1826 = vector.broadcast %jit3A_1825 : f32 to vector<16xf32>
    %select_n3A_1827 = arith.select %eq3A_1824, %get3A_1821, %broadcast_in_dim3A_1826 : vector<16xi1>, vector<16xf32>
    %add3A_1828 = arith.addf %add3A_1810, %select_n3A_1827 : vector<16xf32>
    %and3A_1829 = arith.constant 127 : i32
    %and3A_1830 = arith.andi %mul3A_2, %and3A_1829 : i32
    %add3A_1831 = arith.constant 16 : i32
    %add3A_1832 = arith.addi %and3A_1830, %add3A_1831 : i32
    %and3A_1833 = arith.constant 7 : i32
    %and3A_1834 = arith.andi %reduce_sum3A_845, %and3A_1833 : i32
    %get3A_1835 = arith.constant 27 : i32
    %get3A_1836 = arith.index_cast %get3A_1835 : i32 to index
    %get3A_1837 = arith.index_cast %and3A_1834 : i32 to index
    %get3A_1838 = arith.index_cast %add3A_1832 : i32 to index
    %get3A_1839 = tpu.vector_load %arg6[%get3A_1836, %get3A_1837, %get3A_1838] {strides = array<i32>} : memref<32x8x128xf32, #tpu.memory_space<vmem>>, vector<16xf32>,
    %eq3A_1840 = arith.constant 11 : i32
    %eq3A_1841 = vector.broadcast %eq3A_1840 : i32 to vector<16xi32>
    %eq3A_1842 = arith.cmpi eq, %iota3A, %eq3A_1841 : vector<16xi32>
    %jit3A_1843 = arith.constant 0.000000e+00 : f32
    %broadcast_in_dim3A_1844 = vector.broadcast %jit3A_1843 : f32 to vector<16xf32>
    %select_n3A_1845 = arith.select %eq3A_1842, %get3A_1839, %broadcast_in_dim3A_1844 : vector<16xi1>, vector<16xf32>
    %add3A_1846 = arith.addf %add3A_1828, %select_n3A_1845 : vector<16xf32>
    %and3A_1847 = arith.constant 127 : i32
    %and3A_1848 = arith.andi %mul3A_2, %and3A_1847 : i32
    %add3A_1849 = arith.constant 16 : i32
    %add3A_1850 = arith.addi %and3A_1848, %add3A_1849 : i32
    %and3A_1851 = arith.constant 7 : i32
    %and3A_1852 = arith.andi %reduce_sum3A_876, %and3A_1851 : i32
    %get3A_1853 = arith.constant 28 : i32
    %get3A_1854 = arith.index_cast %get3A_1853 : i32 to index
    %get3A_1855 = arith.index_cast %and3A_1852 : i32 to index
    %get3A_1856 = arith.index_cast %add3A_1850 : i32 to index
    %get3A_1857 = tpu.vector_load %arg6[%get3A_1854, %get3A_1855, %get3A_1856] {strides = array<i32>} : memref<32x8x128xf32, #tpu.memory_space<vmem>>, vector<16xf32>,
    %eq3A_1858 = arith.constant 12 : i32
    %eq3A_1859 = vector.broadcast %eq3A_1858 : i32 to vector<16xi32>
    %eq3A_1860 = arith.cmpi eq, %iota3A, %eq3A_1859 : vector<16xi32>
    %jit3A_1861 = arith.constant 0.000000e+00 : f32
    %broadcast_in_dim3A_1862 = vector.broadcast %jit3A_1861 : f32 to vector<16xf32>
    %select_n3A_1863 = arith.select %eq3A_1860, %get3A_1857, %broadcast_in_dim3A_1862 : vector<16xi1>, vector<16xf32>
    %add3A_1864 = arith.addf %add3A_1846, %select_n3A_1863 : vector<16xf32>
    %and3A_1865 = arith.constant 127 : i32
    %and3A_1866 = arith.andi %mul3A_2, %and3A_1865 : i32
    %add3A_1867 = arith.constant 16 : i32
    %add3A_1868 = arith.addi %and3A_1866, %add3A_1867 : i32
    %and3A_1869 = arith.constant 7 : i32
    %and3A_1870 = arith.andi %reduce_sum3A_907, %and3A_1869 : i32
    %get3A_1871 = arith.constant 29 : i32
    %get3A_1872 = arith.index_cast %get3A_1871 : i32 to index
    %get3A_1873 = arith.index_cast %and3A_1870 : i32 to index
    %get3A_1874 = arith.index_cast %add3A_1868 : i32 to index
    %get3A_1875 = tpu.vector_load %arg6[%get3A_1872, %get3A_1873, %get3A_1874] {strides = array<i32>} : memref<32x8x128xf32, #tpu.memory_space<vmem>>, vector<16xf32>,
    %eq3A_1876 = arith.constant 13 : i32
    %eq3A_1877 = vector.broadcast %eq3A_1876 : i32 to vector<16xi32>
    %eq3A_1878 = arith.cmpi eq, %iota3A, %eq3A_1877 : vector<16xi32>
    %jit3A_1879 = arith.constant 0.000000e+00 : f32
    %broadcast_in_dim3A_1880 = vector.broadcast %jit3A_1879 : f32 to vector<16xf32>
    %select_n3A_1881 = arith.select %eq3A_1878, %get3A_1875, %broadcast_in_dim3A_1880 : vector<16xi1>, vector<16xf32>
    %add3A_1882 = arith.addf %add3A_1864, %select_n3A_1881 : vector<16xf32>
    %and3A_1883 = arith.constant 127 : i32
    %and3A_1884 = arith.andi %mul3A_2, %and3A_1883 : i32
    %add3A_1885 = arith.constant 16 : i32
    %add3A_1886 = arith.addi %and3A_1884, %add3A_1885 : i32
    %and3A_1887 = arith.constant 7 : i32
    %and3A_1888 = arith.andi %reduce_sum3A_938, %and3A_1887 : i32
    %get3A_1889 = arith.constant 30 : i32
    %get3A_1890 = arith.index_cast %get3A_1889 : i32 to index
    %get3A_1891 = arith.index_cast %and3A_1888 : i32 to index
    %get3A_1892 = arith.index_cast %add3A_1886 : i32 to index
    %get3A_1893 = tpu.vector_load %arg6[%get3A_1890, %get3A_1891, %get3A_1892] {strides = array<i32>} : memref<32x8x128xf32, #tpu.memory_space<vmem>>, vector<16xf32>,
    %eq3A_1894 = arith.constant 14 : i32
    %eq3A_1895 = vector.broadcast %eq3A_1894 : i32 to vector<16xi32>
    %eq3A_1896 = arith.cmpi eq, %iota3A, %eq3A_1895 : vector<16xi32>
    %jit3A_1897 = arith.constant 0.000000e+00 : f32
    %broadcast_in_dim3A_1898 = vector.broadcast %jit3A_1897 : f32 to vector<16xf32>
    %select_n3A_1899 = arith.select %eq3A_1896, %get3A_1893, %broadcast_in_dim3A_1898 : vector<16xi1>, vector<16xf32>
    %add3A_1900 = arith.addf %add3A_1882, %select_n3A_1899 : vector<16xf32>
    %and3A_1901 = arith.constant 127 : i32
    %and3A_1902 = arith.andi %mul3A_2, %and3A_1901 : i32
    %add3A_1903 = arith.constant 16 : i32
    %add3A_1904 = arith.addi %and3A_1902, %add3A_1903 : i32
    %and3A_1905 = arith.constant 7 : i32
    %and3A_1906 = arith.andi %reduce_sum3A_969, %and3A_1905 : i32
    %get3A_1907 = arith.constant 31 : i32
    %get3A_1908 = arith.index_cast %get3A_1907 : i32 to index
    %get3A_1909 = arith.index_cast %and3A_1906 : i32 to index
    %get3A_1910 = arith.index_cast %add3A_1904 : i32 to index
    %get3A_1911 = tpu.vector_load %arg6[%get3A_1908, %get3A_1909, %get3A_1910] {strides = array<i32>} : memref<32x8x128xf32, #tpu.memory_space<vmem>>, vector<16xf32>,
    %eq3A_1912 = arith.constant 15 : i32
    %eq3A_1913 = vector.broadcast %eq3A_1912 : i32 to vector<16xi32>
    %eq3A_1914 = arith.cmpi eq, %iota3A, %eq3A_1913 : vector<16xi32>
    %jit3A_1915 = arith.constant 0.000000e+00 : f32
    %broadcast_in_dim3A_1916 = vector.broadcast %jit3A_1915 : f32 to vector<16xf32>
    %select_n3A_1917 = arith.select %eq3A_1914, %get3A_1911, %broadcast_in_dim3A_1916 : vector<16xi1>, vector<16xf32>
    %add3A_1918 = arith.addf %add3A_1900, %select_n3A_1917 : vector<16xf32>
    %swap3A = arith.constant 0 : index
    %swap3A_1919 = tpu.vector_load %arg9[%swap3A] {strides = array<i32>} : memref<16xf32, #tpu.memory_space<vmem>>, vector<16xf32>,
    tpu.vector_store %arg9[%swap3A], %add3A_1918 {strides = array<i32>} : memref<16xf32, #tpu.memory_space<vmem>>, vector<16xf32>,
    %mul3A_1920 = arith.constant 16 : i32
    %mul3A_1921 = arith.muli %add3A, %mul3A_1920 : i32
    "tpu.region"() ({
      %run_scoped3A = tpu.sem_alloc : memref<!tpu.dma_semaphore, #tpu.memory_space<semaphore_mem>>
      %dma_start3A_1987 = tpu.memref_slice %arg4[%mul3A_1921] : memref<1024xf32, #tpu.memory_space<hbm>> -> memref<16xf32, #tpu.memory_space<hbm>>
      %dma_start3A_1988 = tpu.memref_slice %arg4[%mul3A_1921] : memref<1024xf32, #tpu.memory_space<hbm>> -> memref<16xf32, #tpu.memory_space<hbm>>
      tpu.enqueue_dma source(%arg9 : memref<16xf32, #tpu.memory_space<vmem>>) target(%dma_start3A_1988 : memref<16xf32, #tpu.memory_space<hbm>>) target_semaphore(%run_scoped3A : memref<!tpu.dma_semaphore, #tpu.memory_space<semaphore_mem>>)
      %dma_wait3A_1989 = tpu.memref_slice %arg4[%mul3A_1921] : memref<1024xf32, #tpu.memory_space<hbm>> -> memref<16xf32, #tpu.memory_space<hbm>>
      %dma_wait3A_1990 = tpu.memref_slice %arg4[%mul3A_1921] : memref<1024xf32, #tpu.memory_space<hbm>> -> memref<16xf32, #tpu.memory_space<hbm>>
      tpu.wait_dma2 semaphore(%run_scoped3A : memref<!tpu.dma_semaphore, #tpu.memory_space<semaphore_mem>>) src(%arg9 : memref<16xf32, #tpu.memory_space<vmem>>) dst(%dma_wait3A_1990 : memref<16xf32, #tpu.memory_space<hbm>>)
      tpu.yield
    }) : () -> ()
    %broadcast_in_dim3A_1922 = arith.constant 0.000000e+00 : f32
    %broadcast_in_dim3A_1923 = vector.broadcast %broadcast_in_dim3A_1922 : f32 to vector<16xf32>
    %broadcast_in_dim3A_1924 = arith.constant 0.000000e+00 : f32
    %broadcast_in_dim3A_1925 = vector.broadcast %broadcast_in_dim3A_1924 : f32 to vector<16xf32>
    %broadcast_in_dim3A_1926 = arith.constant 0.000000e+00 : f32
    %broadcast_in_dim3A_1927 = vector.broadcast %broadcast_in_dim3A_1926 : f32 to vector<16xf32>
    %broadcast_in_dim3A_1928 = arith.constant 0.000000e+00 : f32
    %broadcast_in_dim3A_1929 = vector.broadcast %broadcast_in_dim3A_1928 : f32 to vector<16xf32>
    %broadcast_in_dim3A_1930 = arith.constant 0.000000e+00 : f32
    %broadcast_in_dim3A_1931 = vector.broadcast %broadcast_in_dim3A_1930 : f32 to vector<16xf32>
    %broadcast_in_dim3A_1932 = arith.constant 0.000000e+00 : f32
    %broadcast_in_dim3A_1933 = vector.broadcast %broadcast_in_dim3A_1932 : f32 to vector<16xf32>
    %broadcast_in_dim3A_1934 = arith.constant 0.000000e+00 : f32
    %broadcast_in_dim3A_1935 = vector.broadcast %broadcast_in_dim3A_1934 : f32 to vector<16xf32>
    %broadcast_in_dim3A_1936 = arith.constant 0.000000e+00 : f32
    %broadcast_in_dim3A_1937 = vector.broadcast %broadcast_in_dim3A_1936 : f32 to vector<16xf32>
    %add3A_1938 = arith.constant 0 : i32
    %add3A_1939 = arith.addi %add3A, %add3A_1938 : i32
    %mul3A_1940 = arith.constant 40 : i32
    %mul3A_1941 = arith.muli %add3A_1939, %mul3A_1940 : i32
    %dma_start3A_1942 = arith.constant 0 : i32
    %dma_start3A_1943 = tpu.memref_slice %arg2[%mul3A_1941, %dma_start3A_1942] : memref<100000x1024xf32, #tpu.memory_space<hbm>> -> memref<40x1024xf32, #tpu.memory_space<hbm>>
    %dma_start3A_1944 = arith.constant 0 : i32
    %dma_start3A_1945 = tpu.memref_slice %arg2[%mul3A_1941, %dma_start3A_1944] : memref<100000x1024xf32, #tpu.memory_space<hbm>> -> memref<40x1024xf32, #tpu.memory_space<hbm>>
    tpu.enqueue_dma source(%dma_start3A_1945 : memref<40x1024xf32, #tpu.memory_space<hbm>>) target(%arg7 : memref<40x1024xf32, #tpu.memory_space<vmem>>) target_semaphore(%arg12 : memref<!tpu.dma_semaphore, #tpu.memory_space<semaphore_mem>>)
    %scan3A = arith.constant 0 : i32
    %scan3A_1946 = arith.constant 15 : i32
    %scan3A_1947 = arith.addi %scan3A, %scan3A_1946 : i32
    %scan3A_1948 = arith.constant 1 : i32
    %scan3A_1949:8 = scf.for %scan3A_1987 = %scan3A to %scan3A_1947 step %scan3A_1948 iter_args(%scan3A_1988 = %broadcast_in_dim3A_1923, %scan3A_1989 = %broadcast_in_dim3A_1925, %scan3A_1990 = %broadcast_in_dim3A_1927, %scan3A_1991 = %broadcast_in_dim3A_1929, %scan3A_1992 = %broadcast_in_dim3A_1931, %scan3A_1993 = %broadcast_in_dim3A_1933, %scan3A_1994 = %broadcast_in_dim3A_1935, %scan3A_1995 = %broadcast_in_dim3A_1937) -> (vector<16xf32>, vector<16xf32>, vector<16xf32>, vector<16xf32>, vector<16xf32>, vector<16xf32>, vector<16xf32>, vector<16xf32>)  : i32 {
      %mul3A_1996 = arith.constant 2 : i32
      %mul3A_1997 = arith.muli %mul3A_1996, %scan3A_1987 : i32
      %mul3A_1998 = arith.constant 32 : i32
      %mul3A_1999 = arith.muli %mul3A_1997, %mul3A_1998 : i32
      %add3A_2000 = arith.addi %add3A, %mul3A_1999 : i32
      %mul3A_2001 = arith.constant 40 : i32
      %mul3A_2002 = arith.muli %add3A_2000, %mul3A_2001 : i32
      %dma_wait3A_2003 = arith.constant 0 : i32
      %dma_wait3A_2004 = tpu.memref_slice %arg2[%mul3A_2002, %dma_wait3A_2003] : memref<100000x1024xf32, #tpu.memory_space<hbm>> -> memref<40x1024xf32, #tpu.memory_space<hbm>>
      %dma_wait3A_2005 = arith.constant 0 : i32
      %dma_wait3A_2006 = tpu.memref_slice %arg2[%mul3A_2002, %dma_wait3A_2005] : memref<100000x1024xf32, #tpu.memory_space<hbm>> -> memref<40x1024xf32, #tpu.memory_space<hbm>>
      tpu.wait_dma2 semaphore(%arg12 : memref<!tpu.dma_semaphore, #tpu.memory_space<semaphore_mem>>) src(%dma_wait3A_2006 : memref<40x1024xf32, #tpu.memory_space<hbm>>) dst(%arg7 : memref<40x1024xf32, #tpu.memory_space<vmem>>)
      %mul3A_2007 = arith.constant 2 : i32
      %mul3A_2008 = arith.muli %mul3A_2007, %scan3A_1987 : i32
      %add3A_2009 = arith.constant 1 : i32
      %add3A_2010 = arith.addi %mul3A_2008, %add3A_2009 : i32
      %mul3A_2011 = arith.constant 32 : i32
      %mul3A_2012 = arith.muli %add3A_2010, %mul3A_2011 : i32
      %add3A_2013 = arith.addi %add3A, %mul3A_2012 : i32
      %mul3A_2014 = arith.constant 40 : i32
      %mul3A_2015 = arith.muli %add3A_2013, %mul3A_2014 : i32
      %dma_start3A_2016 = arith.constant 0 : i32
      %dma_start3A_2017 = tpu.memref_slice %arg2[%mul3A_2015, %dma_start3A_2016] : memref<100000x1024xf32, #tpu.memory_space<hbm>> -> memref<40x1024xf32, #tpu.memory_space<hbm>>
      %dma_start3A_2018 = arith.constant 0 : i32
      %dma_start3A_2019 = tpu.memref_slice %arg2[%mul3A_2015, %dma_start3A_2018] : memref<100000x1024xf32, #tpu.memory_space<hbm>> -> memref<40x1024xf32, #tpu.memory_space<hbm>>
      tpu.enqueue_dma source(%dma_start3A_2019 : memref<40x1024xf32, #tpu.memory_space<hbm>>) target(%arg8 : memref<40x1024xf32, #tpu.memory_space<vmem>>) target_semaphore(%arg13 : memref<!tpu.dma_semaphore, #tpu.memory_space<semaphore_mem>>)
      %scan3A_2020 = arith.constant 0 : i32
      %scan3A_2021 = arith.constant 40 : i32
      %scan3A_2022 = arith.addi %scan3A_2020, %scan3A_2021 : i32
      %scan3A_2023 = arith.constant 1 : i32
      %scan3A_2024:8 = scf.for %scan3A_2058 = %scan3A_2020 to %scan3A_2022 step %scan3A_2023 iter_args(%scan3A_2059 = %scan3A_1988, %scan3A_2060 = %scan3A_1989, %scan3A_2061 = %scan3A_1990, %scan3A_2062 = %scan3A_1991, %scan3A_2063 = %scan3A_1992, %scan3A_2064 = %scan3A_1993, %scan3A_2065 = %scan3A_1994, %scan3A_2066 = %scan3A_1995) -> (vector<16xf32>, vector<16xf32>, vector<16xf32>, vector<16xf32>, vector<16xf32>, vector<16xf32>, vector<16xf32>, vector<16xf32>)  : i32 {
        %get3A_2067 = arith.index_cast %scan3A_2058 : i32 to index
        %get3A_2068 = arith.constant 0 : index
        %get3A_2069 = tpu.vector_load %arg7[%get3A_2067, %get3A_2068] {strides = array<i32>} : memref<40x1024xf32, #tpu.memory_space<vmem>>, vector<16xf32>,
        %add3A_2070 = arith.addf %scan3A_2059, %get3A_2069 : vector<16xf32>
        %get3A_2071 = arith.index_cast %scan3A_2058 : i32 to index
        %get3A_2072 = arith.constant 16 : index
        %get3A_2073 = tpu.vector_load %arg7[%get3A_2071, %get3A_2072] {strides = array<i32>} : memref<40x1024xf32, #tpu.memory_space<vmem>>, vector<16xf32>,
        %add3A_2074 = arith.addf %scan3A_2060, %get3A_2073 : vector<16xf32>
        %get3A_2075 = arith.index_cast %scan3A_2058 : i32 to index
        %get3A_2076 = arith.constant 32 : index
        %get3A_2077 = tpu.vector_load %arg7[%get3A_2075, %get3A_2076] {strides = array<i32>} : memref<40x1024xf32, #tpu.memory_space<vmem>>, vector<16xf32>,
        %add3A_2078 = arith.addf %scan3A_2061, %get3A_2077 : vector<16xf32>
        %get3A_2079 = arith.index_cast %scan3A_2058 : i32 to index
        %get3A_2080 = arith.constant 48 : index
        %get3A_2081 = tpu.vector_load %arg7[%get3A_2079, %get3A_2080] {strides = array<i32>} : memref<40x1024xf32, #tpu.memory_space<vmem>>, vector<16xf32>,
        %add3A_2082 = arith.addf %scan3A_2062, %get3A_2081 : vector<16xf32>
        %get3A_2083 = arith.index_cast %scan3A_2058 : i32 to index
        %get3A_2084 = arith.constant 64 : index
        %get3A_2085 = tpu.vector_load %arg7[%get3A_2083, %get3A_2084] {strides = array<i32>} : memref<40x1024xf32, #tpu.memory_space<vmem>>, vector<16xf32>,
        %add3A_2086 = arith.addf %scan3A_2063, %get3A_2085 : vector<16xf32>
        %get3A_2087 = arith.index_cast %scan3A_2058 : i32 to index
        %get3A_2088 = arith.constant 80 : index
        %get3A_2089 = tpu.vector_load %arg7[%get3A_2087, %get3A_2088] {strides = array<i32>} : memref<40x1024xf32, #tpu.memory_space<vmem>>, vector<16xf32>,
        %add3A_2090 = arith.addf %scan3A_2064, %get3A_2089 : vector<16xf32>
        %get3A_2091 = arith.index_cast %scan3A_2058 : i32 to index
        %get3A_2092 = arith.constant 96 : index
        %get3A_2093 = tpu.vector_load %arg7[%get3A_2091, %get3A_2092] {strides = array<i32>} : memref<40x1024xf32, #tpu.memory_space<vmem>>, vector<16xf32>,
        %add3A_2094 = arith.addf %scan3A_2065, %get3A_2093 : vector<16xf32>
        %get3A_2095 = arith.index_cast %scan3A_2058 : i32 to index
        %get3A_2096 = arith.constant 112 : index
        %get3A_2097 = tpu.vector_load %arg7[%get3A_2095, %get3A_2096] {strides = array<i32>} : memref<40x1024xf32, #tpu.memory_space<vmem>>, vector<16xf32>,
        %add3A_2098 = arith.addf %scan3A_2066, %get3A_2097 : vector<16xf32>
        %get3A_2099 = arith.index_cast %scan3A_2058 : i32 to index
        %get3A_2100 = arith.constant 128 : index
        %get3A_2101 = tpu.vector_load %arg7[%get3A_2099, %get3A_2100] {strides = array<i32>} : memref<40x1024xf32, #tpu.memory_space<vmem>>, vector<16xf32>,
        %add3A_2102 = arith.addf %add3A_2070, %get3A_2101 : vector<16xf32>
        %get3A_2103 = arith.index_cast %scan3A_2058 : i32 to index
        %get3A_2104 = arith.constant 144 : index
        %get3A_2105 = tpu.vector_load %arg7[%get3A_2103, %get3A_2104] {strides = array<i32>} : memref<40x1024xf32, #tpu.memory_space<vmem>>, vector<16xf32>,
        %add3A_2106 = arith.addf %add3A_2074, %get3A_2105 : vector<16xf32>
        %get3A_2107 = arith.index_cast %scan3A_2058 : i32 to index
        %get3A_2108 = arith.constant 160 : index
        %get3A_2109 = tpu.vector_load %arg7[%get3A_2107, %get3A_2108] {strides = array<i32>} : memref<40x1024xf32, #tpu.memory_space<vmem>>, vector<16xf32>,
        %add3A_2110 = arith.addf %add3A_2078, %get3A_2109 : vector<16xf32>
        %get3A_2111 = arith.index_cast %scan3A_2058 : i32 to index
        %get3A_2112 = arith.constant 176 : index
        %get3A_2113 = tpu.vector_load %arg7[%get3A_2111, %get3A_2112] {strides = array<i32>} : memref<40x1024xf32, #tpu.memory_space<vmem>>, vector<16xf32>,
        %add3A_2114 = arith.addf %add3A_2082, %get3A_2113 : vector<16xf32>
        %get3A_2115 = arith.index_cast %scan3A_2058 : i32 to index
        %get3A_2116 = arith.constant 192 : index
        %get3A_2117 = tpu.vector_load %arg7[%get3A_2115, %get3A_2116] {strides = array<i32>} : memref<40x1024xf32, #tpu.memory_space<vmem>>, vector<16xf32>,
        %add3A_2118 = arith.addf %add3A_2086, %get3A_2117 : vector<16xf32>
        %get3A_2119 = arith.index_cast %scan3A_2058 : i32 to index
        %get3A_2120 = arith.constant 208 : index
        %get3A_2121 = tpu.vector_load %arg7[%get3A_2119, %get3A_2120] {strides = array<i32>} : memref<40x1024xf32, #tpu.memory_space<vmem>>, vector<16xf32>,
        %add3A_2122 = arith.addf %add3A_2090, %get3A_2121 : vector<16xf32>
        %get3A_2123 = arith.index_cast %scan3A_2058 : i32 to index
        %get3A_2124 = arith.constant 224 : index
        %get3A_2125 = tpu.vector_load %arg7[%get3A_2123, %get3A_2124] {strides = array<i32>} : memref<40x1024xf32, #tpu.memory_space<vmem>>, vector<16xf32>,
        %add3A_2126 = arith.addf %add3A_2094, %get3A_2125 : vector<16xf32>
        %get3A_2127 = arith.index_cast %scan3A_2058 : i32 to index
        %get3A_2128 = arith.constant 240 : index
        %get3A_2129 = tpu.vector_load %arg7[%get3A_2127, %get3A_2128] {strides = array<i32>} : memref<40x1024xf32, #tpu.memory_space<vmem>>, vector<16xf32>,
        %add3A_2130 = arith.addf %add3A_2098, %get3A_2129 : vector<16xf32>
        %get3A_2131 = arith.index_cast %scan3A_2058 : i32 to index
        %get3A_2132 = arith.constant 256 : index
        %get3A_2133 = tpu.vector_load %arg7[%get3A_2131, %get3A_2132] {strides = array<i32>} : memref<40x1024xf32, #tpu.memory_space<vmem>>, vector<16xf32>,
        %add3A_2134 = arith.addf %add3A_2102, %get3A_2133 : vector<16xf32>
        %get3A_2135 = arith.index_cast %scan3A_2058 : i32 to index
        %get3A_2136 = arith.constant 272 : index
        %get3A_2137 = tpu.vector_load %arg7[%get3A_2135, %get3A_2136] {strides = array<i32>} : memref<40x1024xf32, #tpu.memory_space<vmem>>, vector<16xf32>,
        %add3A_2138 = arith.addf %add3A_2106, %get3A_2137 : vector<16xf32>
        %get3A_2139 = arith.index_cast %scan3A_2058 : i32 to index
        %get3A_2140 = arith.constant 288 : index
        %get3A_2141 = tpu.vector_load %arg7[%get3A_2139, %get3A_2140] {strides = array<i32>} : memref<40x1024xf32, #tpu.memory_space<vmem>>, vector<16xf32>,
        %add3A_2142 = arith.addf %add3A_2110, %get3A_2141 : vector<16xf32>
        %get3A_2143 = arith.index_cast %scan3A_2058 : i32 to index
        %get3A_2144 = arith.constant 304 : index
        %get3A_2145 = tpu.vector_load %arg7[%get3A_2143, %get3A_2144] {strides = array<i32>} : memref<40x1024xf32, #tpu.memory_space<vmem>>, vector<16xf32>,
        %add3A_2146 = arith.addf %add3A_2114, %get3A_2145 : vector<16xf32>
        %get3A_2147 = arith.index_cast %scan3A_2058 : i32 to index
        %get3A_2148 = arith.constant 320 : index
        %get3A_2149 = tpu.vector_load %arg7[%get3A_2147, %get3A_2148] {strides = array<i32>} : memref<40x1024xf32, #tpu.memory_space<vmem>>, vector<16xf32>,
        %add3A_2150 = arith.addf %add3A_2118, %get3A_2149 : vector<16xf32>
        %get3A_2151 = arith.index_cast %scan3A_2058 : i32 to index
        %get3A_2152 = arith.constant 336 : index
        %get3A_2153 = tpu.vector_load %arg7[%get3A_2151, %get3A_2152] {strides = array<i32>} : memref<40x1024xf32, #tpu.memory_space<vmem>>, vector<16xf32>,
        %add3A_2154 = arith.addf %add3A_2122, %get3A_2153 : vector<16xf32>
        %get3A_2155 = arith.index_cast %scan3A_2058 : i32 to index
        %get3A_2156 = arith.constant 352 : index
        %get3A_2157 = tpu.vector_load %arg7[%get3A_2155, %get3A_2156] {strides = array<i32>} : memref<40x1024xf32, #tpu.memory_space<vmem>>, vector<16xf32>,
        %add3A_2158 = arith.addf %add3A_2126, %get3A_2157 : vector<16xf32>
        %get3A_2159 = arith.index_cast %scan3A_2058 : i32 to index
        %get3A_2160 = arith.constant 368 : index
        %get3A_2161 = tpu.vector_load %arg7[%get3A_2159, %get3A_2160] {strides = array<i32>} : memref<40x1024xf32, #tpu.memory_space<vmem>>, vector<16xf32>,
        %add3A_2162 = arith.addf %add3A_2130, %get3A_2161 : vector<16xf32>
        %get3A_2163 = arith.index_cast %scan3A_2058 : i32 to index
        %get3A_2164 = arith.constant 384 : index
        %get3A_2165 = tpu.vector_load %arg7[%get3A_2163, %get3A_2164] {strides = array<i32>} : memref<40x1024xf32, #tpu.memory_space<vmem>>, vector<16xf32>,
        %add3A_2166 = arith.addf %add3A_2134, %get3A_2165 : vector<16xf32>
        %get3A_2167 = arith.index_cast %scan3A_2058 : i32 to index
        %get3A_2168 = arith.constant 400 : index
        %get3A_2169 = tpu.vector_load %arg7[%get3A_2167, %get3A_2168] {strides = array<i32>} : memref<40x1024xf32, #tpu.memory_space<vmem>>, vector<16xf32>,
        %add3A_2170 = arith.addf %add3A_2138, %get3A_2169 : vector<16xf32>
        %get3A_2171 = arith.index_cast %scan3A_2058 : i32 to index
        %get3A_2172 = arith.constant 416 : index
        %get3A_2173 = tpu.vector_load %arg7[%get3A_2171, %get3A_2172] {strides = array<i32>} : memref<40x1024xf32, #tpu.memory_space<vmem>>, vector<16xf32>,
        %add3A_2174 = arith.addf %add3A_2142, %get3A_2173 : vector<16xf32>
        %get3A_2175 = arith.index_cast %scan3A_2058 : i32 to index
        %get3A_2176 = arith.constant 432 : index
        %get3A_2177 = tpu.vector_load %arg7[%get3A_2175, %get3A_2176] {strides = array<i32>} : memref<40x1024xf32, #tpu.memory_space<vmem>>, vector<16xf32>,
        %add3A_2178 = arith.addf %add3A_2146, %get3A_2177 : vector<16xf32>
        %get3A_2179 = arith.index_cast %scan3A_2058 : i32 to index
        %get3A_2180 = arith.constant 448 : index
        %get3A_2181 = tpu.vector_load %arg7[%get3A_2179, %get3A_2180] {strides = array<i32>} : memref<40x1024xf32, #tpu.memory_space<vmem>>, vector<16xf32>,
        %add3A_2182 = arith.addf %add3A_2150, %get3A_2181 : vector<16xf32>
        %get3A_2183 = arith.index_cast %scan3A_2058 : i32 to index
        %get3A_2184 = arith.constant 464 : index
        %get3A_2185 = tpu.vector_load %arg7[%get3A_2183, %get3A_2184] {strides = array<i32>} : memref<40x1024xf32, #tpu.memory_space<vmem>>, vector<16xf32>,
        %add3A_2186 = arith.addf %add3A_2154, %get3A_2185 : vector<16xf32>
        %get3A_2187 = arith.index_cast %scan3A_2058 : i32 to index
        %get3A_2188 = arith.constant 480 : index
        %get3A_2189 = tpu.vector_load %arg7[%get3A_2187, %get3A_2188] {strides = array<i32>} : memref<40x1024xf32, #tpu.memory_space<vmem>>, vector<16xf32>,
        %add3A_2190 = arith.addf %add3A_2158, %get3A_2189 : vector<16xf32>
        %get3A_2191 = arith.index_cast %scan3A_2058 : i32 to index
        %get3A_2192 = arith.constant 496 : index
        %get3A_2193 = tpu.vector_load %arg7[%get3A_2191, %get3A_2192] {strides = array<i32>} : memref<40x1024xf32, #tpu.memory_space<vmem>>, vector<16xf32>,
        %add3A_2194 = arith.addf %add3A_2162, %get3A_2193 : vector<16xf32>
        %get3A_2195 = arith.index_cast %scan3A_2058 : i32 to index
        %get3A_2196 = arith.constant 512 : index
        %get3A_2197 = tpu.vector_load %arg7[%get3A_2195, %get3A_2196] {strides = array<i32>} : memref<40x1024xf32, #tpu.memory_space<vmem>>, vector<16xf32>,
        %add3A_2198 = arith.addf %add3A_2166, %get3A_2197 : vector<16xf32>
        %get3A_2199 = arith.index_cast %scan3A_2058 : i32 to index
        %get3A_2200 = arith.constant 528 : index
        %get3A_2201 = tpu.vector_load %arg7[%get3A_2199, %get3A_2200] {strides = array<i32>} : memref<40x1024xf32, #tpu.memory_space<vmem>>, vector<16xf32>,
        %add3A_2202 = arith.addf %add3A_2170, %get3A_2201 : vector<16xf32>
        %get3A_2203 = arith.index_cast %scan3A_2058 : i32 to index
        %get3A_2204 = arith.constant 544 : index
        %get3A_2205 = tpu.vector_load %arg7[%get3A_2203, %get3A_2204] {strides = array<i32>} : memref<40x1024xf32, #tpu.memory_space<vmem>>, vector<16xf32>,
        %add3A_2206 = arith.addf %add3A_2174, %get3A_2205 : vector<16xf32>
        %get3A_2207 = arith.index_cast %scan3A_2058 : i32 to index
        %get3A_2208 = arith.constant 560 : index
        %get3A_2209 = tpu.vector_load %arg7[%get3A_2207, %get3A_2208] {strides = array<i32>} : memref<40x1024xf32, #tpu.memory_space<vmem>>, vector<16xf32>,
        %add3A_2210 = arith.addf %add3A_2178, %get3A_2209 : vector<16xf32>
        %get3A_2211 = arith.index_cast %scan3A_2058 : i32 to index
        %get3A_2212 = arith.constant 576 : index
        %get3A_2213 = tpu.vector_load %arg7[%get3A_2211, %get3A_2212] {strides = array<i32>} : memref<40x1024xf32, #tpu.memory_space<vmem>>, vector<16xf32>,
        %add3A_2214 = arith.addf %add3A_2182, %get3A_2213 : vector<16xf32>
        %get3A_2215 = arith.index_cast %scan3A_2058 : i32 to index
        %get3A_2216 = arith.constant 592 : index
        %get3A_2217 = tpu.vector_load %arg7[%get3A_2215, %get3A_2216] {strides = array<i32>} : memref<40x1024xf32, #tpu.memory_space<vmem>>, vector<16xf32>,
        %add3A_2218 = arith.addf %add3A_2186, %get3A_2217 : vector<16xf32>
        %get3A_2219 = arith.index_cast %scan3A_2058 : i32 to index
        %get3A_2220 = arith.constant 608 : index
        %get3A_2221 = tpu.vector_load %arg7[%get3A_2219, %get3A_2220] {strides = array<i32>} : memref<40x1024xf32, #tpu.memory_space<vmem>>, vector<16xf32>,
        %add3A_2222 = arith.addf %add3A_2190, %get3A_2221 : vector<16xf32>
        %get3A_2223 = arith.index_cast %scan3A_2058 : i32 to index
        %get3A_2224 = arith.constant 624 : index
        %get3A_2225 = tpu.vector_load %arg7[%get3A_2223, %get3A_2224] {strides = array<i32>} : memref<40x1024xf32, #tpu.memory_space<vmem>>, vector<16xf32>,
        %add3A_2226 = arith.addf %add3A_2194, %get3A_2225 : vector<16xf32>
        %get3A_2227 = arith.index_cast %scan3A_2058 : i32 to index
        %get3A_2228 = arith.constant 640 : index
        %get3A_2229 = tpu.vector_load %arg7[%get3A_2227, %get3A_2228] {strides = array<i32>} : memref<40x1024xf32, #tpu.memory_space<vmem>>, vector<16xf32>,
        %add3A_2230 = arith.addf %add3A_2198, %get3A_2229 : vector<16xf32>
        %get3A_2231 = arith.index_cast %scan3A_2058 : i32 to index
        %get3A_2232 = arith.constant 656 : index
        %get3A_2233 = tpu.vector_load %arg7[%get3A_2231, %get3A_2232] {strides = array<i32>} : memref<40x1024xf32, #tpu.memory_space<vmem>>, vector<16xf32>,
        %add3A_2234 = arith.addf %add3A_2202, %get3A_2233 : vector<16xf32>
        %get3A_2235 = arith.index_cast %scan3A_2058 : i32 to index
        %get3A_2236 = arith.constant 672 : index
        %get3A_2237 = tpu.vector_load %arg7[%get3A_2235, %get3A_2236] {strides = array<i32>} : memref<40x1024xf32, #tpu.memory_space<vmem>>, vector<16xf32>,
        %add3A_2238 = arith.addf %add3A_2206, %get3A_2237 : vector<16xf32>
        %get3A_2239 = arith.index_cast %scan3A_2058 : i32 to index
        %get3A_2240 = arith.constant 688 : index
        %get3A_2241 = tpu.vector_load %arg7[%get3A_2239, %get3A_2240] {strides = array<i32>} : memref<40x1024xf32, #tpu.memory_space<vmem>>, vector<16xf32>,
        %add3A_2242 = arith.addf %add3A_2210, %get3A_2241 : vector<16xf32>
        %get3A_2243 = arith.index_cast %scan3A_2058 : i32 to index
        %get3A_2244 = arith.constant 704 : index
        %get3A_2245 = tpu.vector_load %arg7[%get3A_2243, %get3A_2244] {strides = array<i32>} : memref<40x1024xf32, #tpu.memory_space<vmem>>, vector<16xf32>,
        %add3A_2246 = arith.addf %add3A_2214, %get3A_2245 : vector<16xf32>
        %get3A_2247 = arith.index_cast %scan3A_2058 : i32 to index
        %get3A_2248 = arith.constant 720 : index
        %get3A_2249 = tpu.vector_load %arg7[%get3A_2247, %get3A_2248] {strides = array<i32>} : memref<40x1024xf32, #tpu.memory_space<vmem>>, vector<16xf32>,
        %add3A_2250 = arith.addf %add3A_2218, %get3A_2249 : vector<16xf32>
        %get3A_2251 = arith.index_cast %scan3A_2058 : i32 to index
        %get3A_2252 = arith.constant 736 : index
        %get3A_2253 = tpu.vector_load %arg7[%get3A_2251, %get3A_2252] {strides = array<i32>} : memref<40x1024xf32, #tpu.memory_space<vmem>>, vector<16xf32>,
        %add3A_2254 = arith.addf %add3A_2222, %get3A_2253 : vector<16xf32>
        %get3A_2255 = arith.index_cast %scan3A_2058 : i32 to index
        %get3A_2256 = arith.constant 752 : index
        %get3A_2257 = tpu.vector_load %arg7[%get3A_2255, %get3A_2256] {strides = array<i32>} : memref<40x1024xf32, #tpu.memory_space<vmem>>, vector<16xf32>,
        %add3A_2258 = arith.addf %add3A_2226, %get3A_2257 : vector<16xf32>
        %get3A_2259 = arith.index_cast %scan3A_2058 : i32 to index
        %get3A_2260 = arith.constant 768 : index
        %get3A_2261 = tpu.vector_load %arg7[%get3A_2259, %get3A_2260] {strides = array<i32>} : memref<40x1024xf32, #tpu.memory_space<vmem>>, vector<16xf32>,
        %add3A_2262 = arith.addf %add3A_2230, %get3A_2261 : vector<16xf32>
        %get3A_2263 = arith.index_cast %scan3A_2058 : i32 to index
        %get3A_2264 = arith.constant 784 : index
        %get3A_2265 = tpu.vector_load %arg7[%get3A_2263, %get3A_2264] {strides = array<i32>} : memref<40x1024xf32, #tpu.memory_space<vmem>>, vector<16xf32>,
        %add3A_2266 = arith.addf %add3A_2234, %get3A_2265 : vector<16xf32>
        %get3A_2267 = arith.index_cast %scan3A_2058 : i32 to index
        %get3A_2268 = arith.constant 800 : index
        %get3A_2269 = tpu.vector_load %arg7[%get3A_2267, %get3A_2268] {strides = array<i32>} : memref<40x1024xf32, #tpu.memory_space<vmem>>, vector<16xf32>,
        %add3A_2270 = arith.addf %add3A_2238, %get3A_2269 : vector<16xf32>
        %get3A_2271 = arith.index_cast %scan3A_2058 : i32 to index
        %get3A_2272 = arith.constant 816 : index
        %get3A_2273 = tpu.vector_load %arg7[%get3A_2271, %get3A_2272] {strides = array<i32>} : memref<40x1024xf32, #tpu.memory_space<vmem>>, vector<16xf32>,
        %add3A_2274 = arith.addf %add3A_2242, %get3A_2273 : vector<16xf32>
        %get3A_2275 = arith.index_cast %scan3A_2058 : i32 to index
        %get3A_2276 = arith.constant 832 : index
        %get3A_2277 = tpu.vector_load %arg7[%get3A_2275, %get3A_2276] {strides = array<i32>} : memref<40x1024xf32, #tpu.memory_space<vmem>>, vector<16xf32>,
        %add3A_2278 = arith.addf %add3A_2246, %get3A_2277 : vector<16xf32>
        %get3A_2279 = arith.index_cast %scan3A_2058 : i32 to index
        %get3A_2280 = arith.constant 848 : index
        %get3A_2281 = tpu.vector_load %arg7[%get3A_2279, %get3A_2280] {strides = array<i32>} : memref<40x1024xf32, #tpu.memory_space<vmem>>, vector<16xf32>,
        %add3A_2282 = arith.addf %add3A_2250, %get3A_2281 : vector<16xf32>
        %get3A_2283 = arith.index_cast %scan3A_2058 : i32 to index
        %get3A_2284 = arith.constant 864 : index
        %get3A_2285 = tpu.vector_load %arg7[%get3A_2283, %get3A_2284] {strides = array<i32>} : memref<40x1024xf32, #tpu.memory_space<vmem>>, vector<16xf32>,
        %add3A_2286 = arith.addf %add3A_2254, %get3A_2285 : vector<16xf32>
        %get3A_2287 = arith.index_cast %scan3A_2058 : i32 to index
        %get3A_2288 = arith.constant 880 : index
        %get3A_2289 = tpu.vector_load %arg7[%get3A_2287, %get3A_2288] {strides = array<i32>} : memref<40x1024xf32, #tpu.memory_space<vmem>>, vector<16xf32>,
        %add3A_2290 = arith.addf %add3A_2258, %get3A_2289 : vector<16xf32>
        %get3A_2291 = arith.index_cast %scan3A_2058 : i32 to index
        %get3A_2292 = arith.constant 896 : index
        %get3A_2293 = tpu.vector_load %arg7[%get3A_2291, %get3A_2292] {strides = array<i32>} : memref<40x1024xf32, #tpu.memory_space<vmem>>, vector<16xf32>,
        %add3A_2294 = arith.addf %add3A_2262, %get3A_2293 : vector<16xf32>
        %get3A_2295 = arith.index_cast %scan3A_2058 : i32 to index
        %get3A_2296 = arith.constant 912 : index
        %get3A_2297 = tpu.vector_load %arg7[%get3A_2295, %get3A_2296] {strides = array<i32>} : memref<40x1024xf32, #tpu.memory_space<vmem>>, vector<16xf32>,
        %add3A_2298 = arith.addf %add3A_2266, %get3A_2297 : vector<16xf32>
        %get3A_2299 = arith.index_cast %scan3A_2058 : i32 to index
        %get3A_2300 = arith.constant 928 : index
        %get3A_2301 = tpu.vector_load %arg7[%get3A_2299, %get3A_2300] {strides = array<i32>} : memref<40x1024xf32, #tpu.memory_space<vmem>>, vector<16xf32>,
        %add3A_2302 = arith.addf %add3A_2270, %get3A_2301 : vector<16xf32>
        %get3A_2303 = arith.index_cast %scan3A_2058 : i32 to index
        %get3A_2304 = arith.constant 944 : index
        %get3A_2305 = tpu.vector_load %arg7[%get3A_2303, %get3A_2304] {strides = array<i32>} : memref<40x1024xf32, #tpu.memory_space<vmem>>, vector<16xf32>,
        %add3A_2306 = arith.addf %add3A_2274, %get3A_2305 : vector<16xf32>
        %get3A_2307 = arith.index_cast %scan3A_2058 : i32 to index
        %get3A_2308 = arith.constant 960 : index
        %get3A_2309 = tpu.vector_load %arg7[%get3A_2307, %get3A_2308] {strides = array<i32>} : memref<40x1024xf32, #tpu.memory_space<vmem>>, vector<16xf32>,
        %add3A_2310 = arith.addf %add3A_2278, %get3A_2309 : vector<16xf32>
        %get3A_2311 = arith.index_cast %scan3A_2058 : i32 to index
        %get3A_2312 = arith.constant 976 : index
        %get3A_2313 = tpu.vector_load %arg7[%get3A_2311, %get3A_2312] {strides = array<i32>} : memref<40x1024xf32, #tpu.memory_space<vmem>>, vector<16xf32>,
        %add3A_2314 = arith.addf %add3A_2282, %get3A_2313 : vector<16xf32>
        %get3A_2315 = arith.index_cast %scan3A_2058 : i32 to index
        %get3A_2316 = arith.constant 992 : index
        %get3A_2317 = tpu.vector_load %arg7[%get3A_2315, %get3A_2316] {strides = array<i32>} : memref<40x1024xf32, #tpu.memory_space<vmem>>, vector<16xf32>,
        %add3A_2318 = arith.addf %add3A_2286, %get3A_2317 : vector<16xf32>
        %get3A_2319 = arith.index_cast %scan3A_2058 : i32 to index
        %get3A_2320 = arith.constant 1008 : index
        %get3A_2321 = tpu.vector_load %arg7[%get3A_2319, %get3A_2320] {strides = array<i32>} : memref<40x1024xf32, #tpu.memory_space<vmem>>, vector<16xf32>,
        %add3A_2322 = arith.addf %add3A_2290, %get3A_2321 : vector<16xf32>
        scf.yield %add3A_2294, %add3A_2298, %add3A_2302, %add3A_2306, %add3A_2310, %add3A_2314, %add3A_2318, %add3A_2322 : vector<16xf32>, vector<16xf32>, vector<16xf32>, vector<16xf32>, vector<16xf32>, vector<16xf32>, vector<16xf32>, vector<16xf32>
      }
      %scan3A_2025 = arith.constant 40 : i32
      %mul3A_2026 = arith.constant 2 : i32
      %mul3A_2027 = arith.muli %mul3A_2026, %scan3A_1987 : i32
      %add3A_2028 = arith.constant 1 : i32
      %add3A_2029 = arith.addi %mul3A_2027, %add3A_2028 : i32
      %mul3A_2030 = arith.constant 32 : i32
      %mul3A_2031 = arith.muli %add3A_2029, %mul3A_2030 : i32
      %add3A_2032 = arith.addi %add3A, %mul3A_2031 : i32
      %mul3A_2033 = arith.constant 40 : i32
      %mul3A_2034 = arith.muli %add3A_2032, %mul3A_2033 : i32
      %dma_wait3A_2035 = arith.constant 0 : i32
      %dma_wait3A_2036 = tpu.memref_slice %arg2[%mul3A_2034, %dma_wait3A_2035] : memref<100000x1024xf32, #tpu.memory_space<hbm>> -> memref<40x1024xf32, #tpu.memory_space<hbm>>
      %dma_wait3A_2037 = arith.constant 0 : i32
      %dma_wait3A_2038 = tpu.memref_slice %arg2[%mul3A_2034, %dma_wait3A_2037] : memref<100000x1024xf32, #tpu.memory_space<hbm>> -> memref<40x1024xf32, #tpu.memory_space<hbm>>
      tpu.wait_dma2 semaphore(%arg13 : memref<!tpu.dma_semaphore, #tpu.memory_space<semaphore_mem>>) src(%dma_wait3A_2038 : memref<40x1024xf32, #tpu.memory_space<hbm>>) dst(%arg8 : memref<40x1024xf32, #tpu.memory_space<vmem>>)
      %mul3A_2039 = arith.constant 2 : i32
      %mul3A_2040 = arith.muli %mul3A_2039, %scan3A_1987 : i32
      %add3A_2041 = arith.constant 2 : i32
      %add3A_2042 = arith.addi %mul3A_2040, %add3A_2041 : i32
      %mul3A_2043 = arith.constant 32 : i32
      %mul3A_2044 = arith.muli %add3A_2042, %mul3A_2043 : i32
      %add3A_2045 = arith.addi %add3A, %mul3A_2044 : i32
      %mul3A_2046 = arith.constant 40 : i32
      %mul3A_2047 = arith.muli %add3A_2045, %mul3A_2046 : i32
      %dma_start3A_2048 = arith.constant 0 : i32
      %dma_start3A_2049 = tpu.memref_slice %arg2[%mul3A_2047, %dma_start3A_2048] : memref<100000x1024xf32, #tpu.memory_space<hbm>> -> memref<40x1024xf32, #tpu.memory_space<hbm>>
      %dma_start3A_2050 = arith.constant 0 : i32
      %dma_start3A_2051 = tpu.memref_slice %arg2[%mul3A_2047, %dma_start3A_2050] : memref<100000x1024xf32, #tpu.memory_space<hbm>> -> memref<40x1024xf32, #tpu.memory_space<hbm>>
      tpu.enqueue_dma source(%dma_start3A_2051 : memref<40x1024xf32, #tpu.memory_space<hbm>>) target(%arg7 : memref<40x1024xf32, #tpu.memory_space<vmem>>) target_semaphore(%arg12 : memref<!tpu.dma_semaphore, #tpu.memory_space<semaphore_mem>>)
      %scan3A_2052 = arith.constant 0 : i32
      %scan3A_2053 = arith.constant 40 : i32
      %scan3A_2054 = arith.addi %scan3A_2052, %scan3A_2053 : i32
      %scan3A_2055 = arith.constant 1 : i32
      %scan3A_2056:8 = scf.for %scan3A_2058 = %scan3A_2052 to %scan3A_2054 step %scan3A_2055 iter_args(%scan3A_2059 = %scan3A_2024#0, %scan3A_2060 = %scan3A_2024#1, %scan3A_2061 = %scan3A_2024#2, %scan3A_2062 = %scan3A_2024#3, %scan3A_2063 = %scan3A_2024#4, %scan3A_2064 = %scan3A_2024#5, %scan3A_2065 = %scan3A_2024#6, %scan3A_2066 = %scan3A_2024#7) -> (vector<16xf32>, vector<16xf32>, vector<16xf32>, vector<16xf32>, vector<16xf32>, vector<16xf32>, vector<16xf32>, vector<16xf32>)  : i32 {
        %get3A_2067 = arith.index_cast %scan3A_2058 : i32 to index
        %get3A_2068 = arith.constant 0 : index
        %get3A_2069 = tpu.vector_load %arg8[%get3A_2067, %get3A_2068] {strides = array<i32>} : memref<40x1024xf32, #tpu.memory_space<vmem>>, vector<16xf32>,
        %add3A_2070 = arith.addf %scan3A_2059, %get3A_2069 : vector<16xf32>
        %get3A_2071 = arith.index_cast %scan3A_2058 : i32 to index
        %get3A_2072 = arith.constant 16 : index
        %get3A_2073 = tpu.vector_load %arg8[%get3A_2071, %get3A_2072] {strides = array<i32>} : memref<40x1024xf32, #tpu.memory_space<vmem>>, vector<16xf32>,
        %add3A_2074 = arith.addf %scan3A_2060, %get3A_2073 : vector<16xf32>
        %get3A_2075 = arith.index_cast %scan3A_2058 : i32 to index
        %get3A_2076 = arith.constant 32 : index
        %get3A_2077 = tpu.vector_load %arg8[%get3A_2075, %get3A_2076] {strides = array<i32>} : memref<40x1024xf32, #tpu.memory_space<vmem>>, vector<16xf32>,
        %add3A_2078 = arith.addf %scan3A_2061, %get3A_2077 : vector<16xf32>
        %get3A_2079 = arith.index_cast %scan3A_2058 : i32 to index
        %get3A_2080 = arith.constant 48 : index
        %get3A_2081 = tpu.vector_load %arg8[%get3A_2079, %get3A_2080] {strides = array<i32>} : memref<40x1024xf32, #tpu.memory_space<vmem>>, vector<16xf32>,
        %add3A_2082 = arith.addf %scan3A_2062, %get3A_2081 : vector<16xf32>
        %get3A_2083 = arith.index_cast %scan3A_2058 : i32 to index
        %get3A_2084 = arith.constant 64 : index
        %get3A_2085 = tpu.vector_load %arg8[%get3A_2083, %get3A_2084] {strides = array<i32>} : memref<40x1024xf32, #tpu.memory_space<vmem>>, vector<16xf32>,
        %add3A_2086 = arith.addf %scan3A_2063, %get3A_2085 : vector<16xf32>
        %get3A_2087 = arith.index_cast %scan3A_2058 : i32 to index
        %get3A_2088 = arith.constant 80 : index
        %get3A_2089 = tpu.vector_load %arg8[%get3A_2087, %get3A_2088] {strides = array<i32>} : memref<40x1024xf32, #tpu.memory_space<vmem>>, vector<16xf32>,
        %add3A_2090 = arith.addf %scan3A_2064, %get3A_2089 : vector<16xf32>
        %get3A_2091 = arith.index_cast %scan3A_2058 : i32 to index
        %get3A_2092 = arith.constant 96 : index
        %get3A_2093 = tpu.vector_load %arg8[%get3A_2091, %get3A_2092] {strides = array<i32>} : memref<40x1024xf32, #tpu.memory_space<vmem>>, vector<16xf32>,
        %add3A_2094 = arith.addf %scan3A_2065, %get3A_2093 : vector<16xf32>
        %get3A_2095 = arith.index_cast %scan3A_2058 : i32 to index
        %get3A_2096 = arith.constant 112 : index
        %get3A_2097 = tpu.vector_load %arg8[%get3A_2095, %get3A_2096] {strides = array<i32>} : memref<40x1024xf32, #tpu.memory_space<vmem>>, vector<16xf32>,
        %add3A_2098 = arith.addf %scan3A_2066, %get3A_2097 : vector<16xf32>
        %get3A_2099 = arith.index_cast %scan3A_2058 : i32 to index
        %get3A_2100 = arith.constant 128 : index
        %get3A_2101 = tpu.vector_load %arg8[%get3A_2099, %get3A_2100] {strides = array<i32>} : memref<40x1024xf32, #tpu.memory_space<vmem>>, vector<16xf32>,
        %add3A_2102 = arith.addf %add3A_2070, %get3A_2101 : vector<16xf32>
        %get3A_2103 = arith.index_cast %scan3A_2058 : i32 to index
        %get3A_2104 = arith.constant 144 : index
        %get3A_2105 = tpu.vector_load %arg8[%get3A_2103, %get3A_2104] {strides = array<i32>} : memref<40x1024xf32, #tpu.memory_space<vmem>>, vector<16xf32>,
        %add3A_2106 = arith.addf %add3A_2074, %get3A_2105 : vector<16xf32>
        %get3A_2107 = arith.index_cast %scan3A_2058 : i32 to index
        %get3A_2108 = arith.constant 160 : index
        %get3A_2109 = tpu.vector_load %arg8[%get3A_2107, %get3A_2108] {strides = array<i32>} : memref<40x1024xf32, #tpu.memory_space<vmem>>, vector<16xf32>,
        %add3A_2110 = arith.addf %add3A_2078, %get3A_2109 : vector<16xf32>
        %get3A_2111 = arith.index_cast %scan3A_2058 : i32 to index
        %get3A_2112 = arith.constant 176 : index
        %get3A_2113 = tpu.vector_load %arg8[%get3A_2111, %get3A_2112] {strides = array<i32>} : memref<40x1024xf32, #tpu.memory_space<vmem>>, vector<16xf32>,
        %add3A_2114 = arith.addf %add3A_2082, %get3A_2113 : vector<16xf32>
        %get3A_2115 = arith.index_cast %scan3A_2058 : i32 to index
        %get3A_2116 = arith.constant 192 : index
        %get3A_2117 = tpu.vector_load %arg8[%get3A_2115, %get3A_2116] {strides = array<i32>} : memref<40x1024xf32, #tpu.memory_space<vmem>>, vector<16xf32>,
        %add3A_2118 = arith.addf %add3A_2086, %get3A_2117 : vector<16xf32>
        %get3A_2119 = arith.index_cast %scan3A_2058 : i32 to index
        %get3A_2120 = arith.constant 208 : index
        %get3A_2121 = tpu.vector_load %arg8[%get3A_2119, %get3A_2120] {strides = array<i32>} : memref<40x1024xf32, #tpu.memory_space<vmem>>, vector<16xf32>,
        %add3A_2122 = arith.addf %add3A_2090, %get3A_2121 : vector<16xf32>
        %get3A_2123 = arith.index_cast %scan3A_2058 : i32 to index
        %get3A_2124 = arith.constant 224 : index
        %get3A_2125 = tpu.vector_load %arg8[%get3A_2123, %get3A_2124] {strides = array<i32>} : memref<40x1024xf32, #tpu.memory_space<vmem>>, vector<16xf32>,
        %add3A_2126 = arith.addf %add3A_2094, %get3A_2125 : vector<16xf32>
        %get3A_2127 = arith.index_cast %scan3A_2058 : i32 to index
        %get3A_2128 = arith.constant 240 : index
        %get3A_2129 = tpu.vector_load %arg8[%get3A_2127, %get3A_2128] {strides = array<i32>} : memref<40x1024xf32, #tpu.memory_space<vmem>>, vector<16xf32>,
        %add3A_2130 = arith.addf %add3A_2098, %get3A_2129 : vector<16xf32>
        %get3A_2131 = arith.index_cast %scan3A_2058 : i32 to index
        %get3A_2132 = arith.constant 256 : index
        %get3A_2133 = tpu.vector_load %arg8[%get3A_2131, %get3A_2132] {strides = array<i32>} : memref<40x1024xf32, #tpu.memory_space<vmem>>, vector<16xf32>,
        %add3A_2134 = arith.addf %add3A_2102, %get3A_2133 : vector<16xf32>
        %get3A_2135 = arith.index_cast %scan3A_2058 : i32 to index
        %get3A_2136 = arith.constant 272 : index
        %get3A_2137 = tpu.vector_load %arg8[%get3A_2135, %get3A_2136] {strides = array<i32>} : memref<40x1024xf32, #tpu.memory_space<vmem>>, vector<16xf32>,
        %add3A_2138 = arith.addf %add3A_2106, %get3A_2137 : vector<16xf32>
        %get3A_2139 = arith.index_cast %scan3A_2058 : i32 to index
        %get3A_2140 = arith.constant 288 : index
        %get3A_2141 = tpu.vector_load %arg8[%get3A_2139, %get3A_2140] {strides = array<i32>} : memref<40x1024xf32, #tpu.memory_space<vmem>>, vector<16xf32>,
        %add3A_2142 = arith.addf %add3A_2110, %get3A_2141 : vector<16xf32>
        %get3A_2143 = arith.index_cast %scan3A_2058 : i32 to index
        %get3A_2144 = arith.constant 304 : index
        %get3A_2145 = tpu.vector_load %arg8[%get3A_2143, %get3A_2144] {strides = array<i32>} : memref<40x1024xf32, #tpu.memory_space<vmem>>, vector<16xf32>,
        %add3A_2146 = arith.addf %add3A_2114, %get3A_2145 : vector<16xf32>
        %get3A_2147 = arith.index_cast %scan3A_2058 : i32 to index
        %get3A_2148 = arith.constant 320 : index
        %get3A_2149 = tpu.vector_load %arg8[%get3A_2147, %get3A_2148] {strides = array<i32>} : memref<40x1024xf32, #tpu.memory_space<vmem>>, vector<16xf32>,
        %add3A_2150 = arith.addf %add3A_2118, %get3A_2149 : vector<16xf32>
        %get3A_2151 = arith.index_cast %scan3A_2058 : i32 to index
        %get3A_2152 = arith.constant 336 : index
        %get3A_2153 = tpu.vector_load %arg8[%get3A_2151, %get3A_2152] {strides = array<i32>} : memref<40x1024xf32, #tpu.memory_space<vmem>>, vector<16xf32>,
        %add3A_2154 = arith.addf %add3A_2122, %get3A_2153 : vector<16xf32>
        %get3A_2155 = arith.index_cast %scan3A_2058 : i32 to index
        %get3A_2156 = arith.constant 352 : index
        %get3A_2157 = tpu.vector_load %arg8[%get3A_2155, %get3A_2156] {strides = array<i32>} : memref<40x1024xf32, #tpu.memory_space<vmem>>, vector<16xf32>,
        %add3A_2158 = arith.addf %add3A_2126, %get3A_2157 : vector<16xf32>
        %get3A_2159 = arith.index_cast %scan3A_2058 : i32 to index
        %get3A_2160 = arith.constant 368 : index
        %get3A_2161 = tpu.vector_load %arg8[%get3A_2159, %get3A_2160] {strides = array<i32>} : memref<40x1024xf32, #tpu.memory_space<vmem>>, vector<16xf32>,
        %add3A_2162 = arith.addf %add3A_2130, %get3A_2161 : vector<16xf32>
        %get3A_2163 = arith.index_cast %scan3A_2058 : i32 to index
        %get3A_2164 = arith.constant 384 : index
        %get3A_2165 = tpu.vector_load %arg8[%get3A_2163, %get3A_2164] {strides = array<i32>} : memref<40x1024xf32, #tpu.memory_space<vmem>>, vector<16xf32>,
        %add3A_2166 = arith.addf %add3A_2134, %get3A_2165 : vector<16xf32>
        %get3A_2167 = arith.index_cast %scan3A_2058 : i32 to index
        %get3A_2168 = arith.constant 400 : index
        %get3A_2169 = tpu.vector_load %arg8[%get3A_2167, %get3A_2168] {strides = array<i32>} : memref<40x1024xf32, #tpu.memory_space<vmem>>, vector<16xf32>,
        %add3A_2170 = arith.addf %add3A_2138, %get3A_2169 : vector<16xf32>
        %get3A_2171 = arith.index_cast %scan3A_2058 : i32 to index
        %get3A_2172 = arith.constant 416 : index
        %get3A_2173 = tpu.vector_load %arg8[%get3A_2171, %get3A_2172] {strides = array<i32>} : memref<40x1024xf32, #tpu.memory_space<vmem>>, vector<16xf32>,
        %add3A_2174 = arith.addf %add3A_2142, %get3A_2173 : vector<16xf32>
        %get3A_2175 = arith.index_cast %scan3A_2058 : i32 to index
        %get3A_2176 = arith.constant 432 : index
        %get3A_2177 = tpu.vector_load %arg8[%get3A_2175, %get3A_2176] {strides = array<i32>} : memref<40x1024xf32, #tpu.memory_space<vmem>>, vector<16xf32>,
        %add3A_2178 = arith.addf %add3A_2146, %get3A_2177 : vector<16xf32>
        %get3A_2179 = arith.index_cast %scan3A_2058 : i32 to index
        %get3A_2180 = arith.constant 448 : index
        %get3A_2181 = tpu.vector_load %arg8[%get3A_2179, %get3A_2180] {strides = array<i32>} : memref<40x1024xf32, #tpu.memory_space<vmem>>, vector<16xf32>,
        %add3A_2182 = arith.addf %add3A_2150, %get3A_2181 : vector<16xf32>
        %get3A_2183 = arith.index_cast %scan3A_2058 : i32 to index
        %get3A_2184 = arith.constant 464 : index
        %get3A_2185 = tpu.vector_load %arg8[%get3A_2183, %get3A_2184] {strides = array<i32>} : memref<40x1024xf32, #tpu.memory_space<vmem>>, vector<16xf32>,
        %add3A_2186 = arith.addf %add3A_2154, %get3A_2185 : vector<16xf32>
        %get3A_2187 = arith.index_cast %scan3A_2058 : i32 to index
        %get3A_2188 = arith.constant 480 : index
        %get3A_2189 = tpu.vector_load %arg8[%get3A_2187, %get3A_2188] {strides = array<i32>} : memref<40x1024xf32, #tpu.memory_space<vmem>>, vector<16xf32>,
        %add3A_2190 = arith.addf %add3A_2158, %get3A_2189 : vector<16xf32>
        %get3A_2191 = arith.index_cast %scan3A_2058 : i32 to index
        %get3A_2192 = arith.constant 496 : index
        %get3A_2193 = tpu.vector_load %arg8[%get3A_2191, %get3A_2192] {strides = array<i32>} : memref<40x1024xf32, #tpu.memory_space<vmem>>, vector<16xf32>,
        %add3A_2194 = arith.addf %add3A_2162, %get3A_2193 : vector<16xf32>
        %get3A_2195 = arith.index_cast %scan3A_2058 : i32 to index
        %get3A_2196 = arith.constant 512 : index
        %get3A_2197 = tpu.vector_load %arg8[%get3A_2195, %get3A_2196] {strides = array<i32>} : memref<40x1024xf32, #tpu.memory_space<vmem>>, vector<16xf32>,
        %add3A_2198 = arith.addf %add3A_2166, %get3A_2197 : vector<16xf32>
        %get3A_2199 = arith.index_cast %scan3A_2058 : i32 to index
        %get3A_2200 = arith.constant 528 : index
        %get3A_2201 = tpu.vector_load %arg8[%get3A_2199, %get3A_2200] {strides = array<i32>} : memref<40x1024xf32, #tpu.memory_space<vmem>>, vector<16xf32>,
        %add3A_2202 = arith.addf %add3A_2170, %get3A_2201 : vector<16xf32>
        %get3A_2203 = arith.index_cast %scan3A_2058 : i32 to index
        %get3A_2204 = arith.constant 544 : index
        %get3A_2205 = tpu.vector_load %arg8[%get3A_2203, %get3A_2204] {strides = array<i32>} : memref<40x1024xf32, #tpu.memory_space<vmem>>, vector<16xf32>,
        %add3A_2206 = arith.addf %add3A_2174, %get3A_2205 : vector<16xf32>
        %get3A_2207 = arith.index_cast %scan3A_2058 : i32 to index
        %get3A_2208 = arith.constant 560 : index
        %get3A_2209 = tpu.vector_load %arg8[%get3A_2207, %get3A_2208] {strides = array<i32>} : memref<40x1024xf32, #tpu.memory_space<vmem>>, vector<16xf32>,
        %add3A_2210 = arith.addf %add3A_2178, %get3A_2209 : vector<16xf32>
        %get3A_2211 = arith.index_cast %scan3A_2058 : i32 to index
        %get3A_2212 = arith.constant 576 : index
        %get3A_2213 = tpu.vector_load %arg8[%get3A_2211, %get3A_2212] {strides = array<i32>} : memref<40x1024xf32, #tpu.memory_space<vmem>>, vector<16xf32>,
        %add3A_2214 = arith.addf %add3A_2182, %get3A_2213 : vector<16xf32>
        %get3A_2215 = arith.index_cast %scan3A_2058 : i32 to index
        %get3A_2216 = arith.constant 592 : index
        %get3A_2217 = tpu.vector_load %arg8[%get3A_2215, %get3A_2216] {strides = array<i32>} : memref<40x1024xf32, #tpu.memory_space<vmem>>, vector<16xf32>,
        %add3A_2218 = arith.addf %add3A_2186, %get3A_2217 : vector<16xf32>
        %get3A_2219 = arith.index_cast %scan3A_2058 : i32 to index
        %get3A_2220 = arith.constant 608 : index
        %get3A_2221 = tpu.vector_load %arg8[%get3A_2219, %get3A_2220] {strides = array<i32>} : memref<40x1024xf32, #tpu.memory_space<vmem>>, vector<16xf32>,
        %add3A_2222 = arith.addf %add3A_2190, %get3A_2221 : vector<16xf32>
        %get3A_2223 = arith.index_cast %scan3A_2058 : i32 to index
        %get3A_2224 = arith.constant 624 : index
        %get3A_2225 = tpu.vector_load %arg8[%get3A_2223, %get3A_2224] {strides = array<i32>} : memref<40x1024xf32, #tpu.memory_space<vmem>>, vector<16xf32>,
        %add3A_2226 = arith.addf %add3A_2194, %get3A_2225 : vector<16xf32>
        %get3A_2227 = arith.index_cast %scan3A_2058 : i32 to index
        %get3A_2228 = arith.constant 640 : index
        %get3A_2229 = tpu.vector_load %arg8[%get3A_2227, %get3A_2228] {strides = array<i32>} : memref<40x1024xf32, #tpu.memory_space<vmem>>, vector<16xf32>,
        %add3A_2230 = arith.addf %add3A_2198, %get3A_2229 : vector<16xf32>
        %get3A_2231 = arith.index_cast %scan3A_2058 : i32 to index
        %get3A_2232 = arith.constant 656 : index
        %get3A_2233 = tpu.vector_load %arg8[%get3A_2231, %get3A_2232] {strides = array<i32>} : memref<40x1024xf32, #tpu.memory_space<vmem>>, vector<16xf32>,
        %add3A_2234 = arith.addf %add3A_2202, %get3A_2233 : vector<16xf32>
        %get3A_2235 = arith.index_cast %scan3A_2058 : i32 to index
        %get3A_2236 = arith.constant 672 : index
        %get3A_2237 = tpu.vector_load %arg8[%get3A_2235, %get3A_2236] {strides = array<i32>} : memref<40x1024xf32, #tpu.memory_space<vmem>>, vector<16xf32>,
        %add3A_2238 = arith.addf %add3A_2206, %get3A_2237 : vector<16xf32>
        %get3A_2239 = arith.index_cast %scan3A_2058 : i32 to index
        %get3A_2240 = arith.constant 688 : index
        %get3A_2241 = tpu.vector_load %arg8[%get3A_2239, %get3A_2240] {strides = array<i32>} : memref<40x1024xf32, #tpu.memory_space<vmem>>, vector<16xf32>,
        %add3A_2242 = arith.addf %add3A_2210, %get3A_2241 : vector<16xf32>
        %get3A_2243 = arith.index_cast %scan3A_2058 : i32 to index
        %get3A_2244 = arith.constant 704 : index
        %get3A_2245 = tpu.vector_load %arg8[%get3A_2243, %get3A_2244] {strides = array<i32>} : memref<40x1024xf32, #tpu.memory_space<vmem>>, vector<16xf32>,
        %add3A_2246 = arith.addf %add3A_2214, %get3A_2245 : vector<16xf32>
        %get3A_2247 = arith.index_cast %scan3A_2058 : i32 to index
        %get3A_2248 = arith.constant 720 : index
        %get3A_2249 = tpu.vector_load %arg8[%get3A_2247, %get3A_2248] {strides = array<i32>} : memref<40x1024xf32, #tpu.memory_space<vmem>>, vector<16xf32>,
        %add3A_2250 = arith.addf %add3A_2218, %get3A_2249 : vector<16xf32>
        %get3A_2251 = arith.index_cast %scan3A_2058 : i32 to index
        %get3A_2252 = arith.constant 736 : index
        %get3A_2253 = tpu.vector_load %arg8[%get3A_2251, %get3A_2252] {strides = array<i32>} : memref<40x1024xf32, #tpu.memory_space<vmem>>, vector<16xf32>,
        %add3A_2254 = arith.addf %add3A_2222, %get3A_2253 : vector<16xf32>
        %get3A_2255 = arith.index_cast %scan3A_2058 : i32 to index
        %get3A_2256 = arith.constant 752 : index
        %get3A_2257 = tpu.vector_load %arg8[%get3A_2255, %get3A_2256] {strides = array<i32>} : memref<40x1024xf32, #tpu.memory_space<vmem>>, vector<16xf32>,
        %add3A_2258 = arith.addf %add3A_2226, %get3A_2257 : vector<16xf32>
        %get3A_2259 = arith.index_cast %scan3A_2058 : i32 to index
        %get3A_2260 = arith.constant 768 : index
        %get3A_2261 = tpu.vector_load %arg8[%get3A_2259, %get3A_2260] {strides = array<i32>} : memref<40x1024xf32, #tpu.memory_space<vmem>>, vector<16xf32>,
        %add3A_2262 = arith.addf %add3A_2230, %get3A_2261 : vector<16xf32>
        %get3A_2263 = arith.index_cast %scan3A_2058 : i32 to index
        %get3A_2264 = arith.constant 784 : index
        %get3A_2265 = tpu.vector_load %arg8[%get3A_2263, %get3A_2264] {strides = array<i32>} : memref<40x1024xf32, #tpu.memory_space<vmem>>, vector<16xf32>,
        %add3A_2266 = arith.addf %add3A_2234, %get3A_2265 : vector<16xf32>
        %get3A_2267 = arith.index_cast %scan3A_2058 : i32 to index
        %get3A_2268 = arith.constant 800 : index
        %get3A_2269 = tpu.vector_load %arg8[%get3A_2267, %get3A_2268] {strides = array<i32>} : memref<40x1024xf32, #tpu.memory_space<vmem>>, vector<16xf32>,
        %add3A_2270 = arith.addf %add3A_2238, %get3A_2269 : vector<16xf32>
        %get3A_2271 = arith.index_cast %scan3A_2058 : i32 to index
        %get3A_2272 = arith.constant 816 : index
        %get3A_2273 = tpu.vector_load %arg8[%get3A_2271, %get3A_2272] {strides = array<i32>} : memref<40x1024xf32, #tpu.memory_space<vmem>>, vector<16xf32>,
        %add3A_2274 = arith.addf %add3A_2242, %get3A_2273 : vector<16xf32>
        %get3A_2275 = arith.index_cast %scan3A_2058 : i32 to index
        %get3A_2276 = arith.constant 832 : index
        %get3A_2277 = tpu.vector_load %arg8[%get3A_2275, %get3A_2276] {strides = array<i32>} : memref<40x1024xf32, #tpu.memory_space<vmem>>, vector<16xf32>,
        %add3A_2278 = arith.addf %add3A_2246, %get3A_2277 : vector<16xf32>
        %get3A_2279 = arith.index_cast %scan3A_2058 : i32 to index
        %get3A_2280 = arith.constant 848 : index
        %get3A_2281 = tpu.vector_load %arg8[%get3A_2279, %get3A_2280] {strides = array<i32>} : memref<40x1024xf32, #tpu.memory_space<vmem>>, vector<16xf32>,
        %add3A_2282 = arith.addf %add3A_2250, %get3A_2281 : vector<16xf32>
        %get3A_2283 = arith.index_cast %scan3A_2058 : i32 to index
        %get3A_2284 = arith.constant 864 : index
        %get3A_2285 = tpu.vector_load %arg8[%get3A_2283, %get3A_2284] {strides = array<i32>} : memref<40x1024xf32, #tpu.memory_space<vmem>>, vector<16xf32>,
        %add3A_2286 = arith.addf %add3A_2254, %get3A_2285 : vector<16xf32>
        %get3A_2287 = arith.index_cast %scan3A_2058 : i32 to index
        %get3A_2288 = arith.constant 880 : index
        %get3A_2289 = tpu.vector_load %arg8[%get3A_2287, %get3A_2288] {strides = array<i32>} : memref<40x1024xf32, #tpu.memory_space<vmem>>, vector<16xf32>,
        %add3A_2290 = arith.addf %add3A_2258, %get3A_2289 : vector<16xf32>
        %get3A_2291 = arith.index_cast %scan3A_2058 : i32 to index
        %get3A_2292 = arith.constant 896 : index
        %get3A_2293 = tpu.vector_load %arg8[%get3A_2291, %get3A_2292] {strides = array<i32>} : memref<40x1024xf32, #tpu.memory_space<vmem>>, vector<16xf32>,
        %add3A_2294 = arith.addf %add3A_2262, %get3A_2293 : vector<16xf32>
        %get3A_2295 = arith.index_cast %scan3A_2058 : i32 to index
        %get3A_2296 = arith.constant 912 : index
        %get3A_2297 = tpu.vector_load %arg8[%get3A_2295, %get3A_2296] {strides = array<i32>} : memref<40x1024xf32, #tpu.memory_space<vmem>>, vector<16xf32>,
        %add3A_2298 = arith.addf %add3A_2266, %get3A_2297 : vector<16xf32>
        %get3A_2299 = arith.index_cast %scan3A_2058 : i32 to index
        %get3A_2300 = arith.constant 928 : index
        %get3A_2301 = tpu.vector_load %arg8[%get3A_2299, %get3A_2300] {strides = array<i32>} : memref<40x1024xf32, #tpu.memory_space<vmem>>, vector<16xf32>,
        %add3A_2302 = arith.addf %add3A_2270, %get3A_2301 : vector<16xf32>
        %get3A_2303 = arith.index_cast %scan3A_2058 : i32 to index
        %get3A_2304 = arith.constant 944 : index
        %get3A_2305 = tpu.vector_load %arg8[%get3A_2303, %get3A_2304] {strides = array<i32>} : memref<40x1024xf32, #tpu.memory_space<vmem>>, vector<16xf32>,
        %add3A_2306 = arith.addf %add3A_2274, %get3A_2305 : vector<16xf32>
        %get3A_2307 = arith.index_cast %scan3A_2058 : i32 to index
        %get3A_2308 = arith.constant 960 : index
        %get3A_2309 = tpu.vector_load %arg8[%get3A_2307, %get3A_2308] {strides = array<i32>} : memref<40x1024xf32, #tpu.memory_space<vmem>>, vector<16xf32>,
        %add3A_2310 = arith.addf %add3A_2278, %get3A_2309 : vector<16xf32>
        %get3A_2311 = arith.index_cast %scan3A_2058 : i32 to index
        %get3A_2312 = arith.constant 976 : index
        %get3A_2313 = tpu.vector_load %arg8[%get3A_2311, %get3A_2312] {strides = array<i32>} : memref<40x1024xf32, #tpu.memory_space<vmem>>, vector<16xf32>,
        %add3A_2314 = arith.addf %add3A_2282, %get3A_2313 : vector<16xf32>
        %get3A_2315 = arith.index_cast %scan3A_2058 : i32 to index
        %get3A_2316 = arith.constant 992 : index
        %get3A_2317 = tpu.vector_load %arg8[%get3A_2315, %get3A_2316] {strides = array<i32>} : memref<40x1024xf32, #tpu.memory_space<vmem>>, vector<16xf32>,
        %add3A_2318 = arith.addf %add3A_2286, %get3A_2317 : vector<16xf32>
        %get3A_2319 = arith.index_cast %scan3A_2058 : i32 to index
        %get3A_2320 = arith.constant 1008 : index
        %get3A_2321 = tpu.vector_load %arg8[%get3A_2319, %get3A_2320] {strides = array<i32>} : memref<40x1024xf32, #tpu.memory_space<vmem>>, vector<16xf32>,
        %add3A_2322 = arith.addf %add3A_2290, %get3A_2321 : vector<16xf32>
        scf.yield %add3A_2294, %add3A_2298, %add3A_2302, %add3A_2306, %add3A_2310, %add3A_2314, %add3A_2318, %add3A_2322 : vector<16xf32>, vector<16xf32>, vector<16xf32>, vector<16xf32>, vector<16xf32>, vector<16xf32>, vector<16xf32>, vector<16xf32>
      }
      %scan3A_2057 = arith.constant 40 : i32
      scf.yield %scan3A_2056#0, %scan3A_2056#1, %scan3A_2056#2, %scan3A_2056#3, %scan3A_2056#4, %scan3A_2056#5, %scan3A_2056#6, %scan3A_2056#7 : vector<16xf32>, vector<16xf32>, vector<16xf32>, vector<16xf32>, vector<16xf32>, vector<16xf32>, vector<16xf32>, vector<16xf32>
    }
    %scan3A_1950 = arith.constant 15 : i32
    %add3A_1951 = arith.constant 960 : i32
    %add3A_1952 = arith.addi %add3A, %add3A_1951 : i32
    %mul3A_1953 = arith.constant 40 : i32
    %mul3A_1954 = arith.muli %add3A_1952, %mul3A_1953 : i32
    %dma_wait3A_1955 = arith.constant 0 : i32
    %dma_wait3A_1956 = tpu.memref_slice %arg2[%mul3A_1954, %dma_wait3A_1955] : memref<100000x1024xf32, #tpu.memory_space<hbm>> -> memref<40x1024xf32, #tpu.memory_space<hbm>>
    %dma_wait3A_1957 = arith.constant 0 : i32
    %dma_wait3A_1958 = tpu.memref_slice %arg2[%mul3A_1954, %dma_wait3A_1957] : memref<100000x1024xf32, #tpu.memory_space<hbm>> -> memref<40x1024xf32, #tpu.memory_space<hbm>>
    tpu.wait_dma2 semaphore(%arg12 : memref<!tpu.dma_semaphore, #tpu.memory_space<semaphore_mem>>) src(%dma_wait3A_1958 : memref<40x1024xf32, #tpu.memory_space<hbm>>) dst(%arg7 : memref<40x1024xf32, #tpu.memory_space<vmem>>)
    %scan3A_1959 = arith.constant 0 : i32
    %scan3A_1960 = arith.constant 40 : i32
    %scan3A_1961 = arith.addi %scan3A_1959, %scan3A_1960 : i32
    %scan3A_1962 = arith.constant 1 : i32
    %scan3A_1963:8 = scf.for %scan3A_1987 = %scan3A_1959 to %scan3A_1961 step %scan3A_1962 iter_args(%scan3A_1988 = %scan3A_1949#0, %scan3A_1989 = %scan3A_1949#1, %scan3A_1990 = %scan3A_1949#2, %scan3A_1991 = %scan3A_1949#3, %scan3A_1992 = %scan3A_1949#4, %scan3A_1993 = %scan3A_1949#5, %scan3A_1994 = %scan3A_1949#6, %scan3A_1995 = %scan3A_1949#7) -> (vector<16xf32>, vector<16xf32>, vector<16xf32>, vector<16xf32>, vector<16xf32>, vector<16xf32>, vector<16xf32>, vector<16xf32>)  : i32 {
      %get3A_1996 = arith.index_cast %scan3A_1987 : i32 to index
      %get3A_1997 = arith.constant 0 : index
      %get3A_1998 = tpu.vector_load %arg7[%get3A_1996, %get3A_1997] {strides = array<i32>} : memref<40x1024xf32, #tpu.memory_space<vmem>>, vector<16xf32>,
      %add3A_1999 = arith.addf %scan3A_1988, %get3A_1998 : vector<16xf32>
      %get3A_2000 = arith.index_cast %scan3A_1987 : i32 to index
      %get3A_2001 = arith.constant 16 : index
      %get3A_2002 = tpu.vector_load %arg7[%get3A_2000, %get3A_2001] {strides = array<i32>} : memref<40x1024xf32, #tpu.memory_space<vmem>>, vector<16xf32>,
      %add3A_2003 = arith.addf %scan3A_1989, %get3A_2002 : vector<16xf32>
      %get3A_2004 = arith.index_cast %scan3A_1987 : i32 to index
      %get3A_2005 = arith.constant 32 : index
      %get3A_2006 = tpu.vector_load %arg7[%get3A_2004, %get3A_2005] {strides = array<i32>} : memref<40x1024xf32, #tpu.memory_space<vmem>>, vector<16xf32>,
      %add3A_2007 = arith.addf %scan3A_1990, %get3A_2006 : vector<16xf32>
      %get3A_2008 = arith.index_cast %scan3A_1987 : i32 to index
      %get3A_2009 = arith.constant 48 : index
      %get3A_2010 = tpu.vector_load %arg7[%get3A_2008, %get3A_2009] {strides = array<i32>} : memref<40x1024xf32, #tpu.memory_space<vmem>>, vector<16xf32>,
      %add3A_2011 = arith.addf %scan3A_1991, %get3A_2010 : vector<16xf32>
      %get3A_2012 = arith.index_cast %scan3A_1987 : i32 to index
      %get3A_2013 = arith.constant 64 : index
      %get3A_2014 = tpu.vector_load %arg7[%get3A_2012, %get3A_2013] {strides = array<i32>} : memref<40x1024xf32, #tpu.memory_space<vmem>>, vector<16xf32>,
      %add3A_2015 = arith.addf %scan3A_1992, %get3A_2014 : vector<16xf32>
      %get3A_2016 = arith.index_cast %scan3A_1987 : i32 to index
      %get3A_2017 = arith.constant 80 : index
      %get3A_2018 = tpu.vector_load %arg7[%get3A_2016, %get3A_2017] {strides = array<i32>} : memref<40x1024xf32, #tpu.memory_space<vmem>>, vector<16xf32>,
      %add3A_2019 = arith.addf %scan3A_1993, %get3A_2018 : vector<16xf32>
      %get3A_2020 = arith.index_cast %scan3A_1987 : i32 to index
      %get3A_2021 = arith.constant 96 : index
      %get3A_2022 = tpu.vector_load %arg7[%get3A_2020, %get3A_2021] {strides = array<i32>} : memref<40x1024xf32, #tpu.memory_space<vmem>>, vector<16xf32>,
      %add3A_2023 = arith.addf %scan3A_1994, %get3A_2022 : vector<16xf32>
      %get3A_2024 = arith.index_cast %scan3A_1987 : i32 to index
      %get3A_2025 = arith.constant 112 : index
      %get3A_2026 = tpu.vector_load %arg7[%get3A_2024, %get3A_2025] {strides = array<i32>} : memref<40x1024xf32, #tpu.memory_space<vmem>>, vector<16xf32>,
      %add3A_2027 = arith.addf %scan3A_1995, %get3A_2026 : vector<16xf32>
      %get3A_2028 = arith.index_cast %scan3A_1987 : i32 to index
      %get3A_2029 = arith.constant 128 : index
      %get3A_2030 = tpu.vector_load %arg7[%get3A_2028, %get3A_2029] {strides = array<i32>} : memref<40x1024xf32, #tpu.memory_space<vmem>>, vector<16xf32>,
      %add3A_2031 = arith.addf %add3A_1999, %get3A_2030 : vector<16xf32>
      %get3A_2032 = arith.index_cast %scan3A_1987 : i32 to index
      %get3A_2033 = arith.constant 144 : index
      %get3A_2034 = tpu.vector_load %arg7[%get3A_2032, %get3A_2033] {strides = array<i32>} : memref<40x1024xf32, #tpu.memory_space<vmem>>, vector<16xf32>,
      %add3A_2035 = arith.addf %add3A_2003, %get3A_2034 : vector<16xf32>
      %get3A_2036 = arith.index_cast %scan3A_1987 : i32 to index
      %get3A_2037 = arith.constant 160 : index
      %get3A_2038 = tpu.vector_load %arg7[%get3A_2036, %get3A_2037] {strides = array<i32>} : memref<40x1024xf32, #tpu.memory_space<vmem>>, vector<16xf32>,
      %add3A_2039 = arith.addf %add3A_2007, %get3A_2038 : vector<16xf32>
      %get3A_2040 = arith.index_cast %scan3A_1987 : i32 to index
      %get3A_2041 = arith.constant 176 : index
      %get3A_2042 = tpu.vector_load %arg7[%get3A_2040, %get3A_2041] {strides = array<i32>} : memref<40x1024xf32, #tpu.memory_space<vmem>>, vector<16xf32>,
      %add3A_2043 = arith.addf %add3A_2011, %get3A_2042 : vector<16xf32>
      %get3A_2044 = arith.index_cast %scan3A_1987 : i32 to index
      %get3A_2045 = arith.constant 192 : index
      %get3A_2046 = tpu.vector_load %arg7[%get3A_2044, %get3A_2045] {strides = array<i32>} : memref<40x1024xf32, #tpu.memory_space<vmem>>, vector<16xf32>,
      %add3A_2047 = arith.addf %add3A_2015, %get3A_2046 : vector<16xf32>
      %get3A_2048 = arith.index_cast %scan3A_1987 : i32 to index
      %get3A_2049 = arith.constant 208 : index
      %get3A_2050 = tpu.vector_load %arg7[%get3A_2048, %get3A_2049] {strides = array<i32>} : memref<40x1024xf32, #tpu.memory_space<vmem>>, vector<16xf32>,
      %add3A_2051 = arith.addf %add3A_2019, %get3A_2050 : vector<16xf32>
      %get3A_2052 = arith.index_cast %scan3A_1987 : i32 to index
      %get3A_2053 = arith.constant 224 : index
      %get3A_2054 = tpu.vector_load %arg7[%get3A_2052, %get3A_2053] {strides = array<i32>} : memref<40x1024xf32, #tpu.memory_space<vmem>>, vector<16xf32>,
      %add3A_2055 = arith.addf %add3A_2023, %get3A_2054 : vector<16xf32>
      %get3A_2056 = arith.index_cast %scan3A_1987 : i32 to index
      %get3A_2057 = arith.constant 240 : index
      %get3A_2058 = tpu.vector_load %arg7[%get3A_2056, %get3A_2057] {strides = array<i32>} : memref<40x1024xf32, #tpu.memory_space<vmem>>, vector<16xf32>,
      %add3A_2059 = arith.addf %add3A_2027, %get3A_2058 : vector<16xf32>
      %get3A_2060 = arith.index_cast %scan3A_1987 : i32 to index
      %get3A_2061 = arith.constant 256 : index
      %get3A_2062 = tpu.vector_load %arg7[%get3A_2060, %get3A_2061] {strides = array<i32>} : memref<40x1024xf32, #tpu.memory_space<vmem>>, vector<16xf32>,
      %add3A_2063 = arith.addf %add3A_2031, %get3A_2062 : vector<16xf32>
      %get3A_2064 = arith.index_cast %scan3A_1987 : i32 to index
      %get3A_2065 = arith.constant 272 : index
      %get3A_2066 = tpu.vector_load %arg7[%get3A_2064, %get3A_2065] {strides = array<i32>} : memref<40x1024xf32, #tpu.memory_space<vmem>>, vector<16xf32>,
      %add3A_2067 = arith.addf %add3A_2035, %get3A_2066 : vector<16xf32>
      %get3A_2068 = arith.index_cast %scan3A_1987 : i32 to index
      %get3A_2069 = arith.constant 288 : index
      %get3A_2070 = tpu.vector_load %arg7[%get3A_2068, %get3A_2069] {strides = array<i32>} : memref<40x1024xf32, #tpu.memory_space<vmem>>, vector<16xf32>,
      %add3A_2071 = arith.addf %add3A_2039, %get3A_2070 : vector<16xf32>
      %get3A_2072 = arith.index_cast %scan3A_1987 : i32 to index
      %get3A_2073 = arith.constant 304 : index
      %get3A_2074 = tpu.vector_load %arg7[%get3A_2072, %get3A_2073] {strides = array<i32>} : memref<40x1024xf32, #tpu.memory_space<vmem>>, vector<16xf32>,
      %add3A_2075 = arith.addf %add3A_2043, %get3A_2074 : vector<16xf32>
      %get3A_2076 = arith.index_cast %scan3A_1987 : i32 to index
      %get3A_2077 = arith.constant 320 : index
      %get3A_2078 = tpu.vector_load %arg7[%get3A_2076, %get3A_2077] {strides = array<i32>} : memref<40x1024xf32, #tpu.memory_space<vmem>>, vector<16xf32>,
      %add3A_2079 = arith.addf %add3A_2047, %get3A_2078 : vector<16xf32>
      %get3A_2080 = arith.index_cast %scan3A_1987 : i32 to index
      %get3A_2081 = arith.constant 336 : index
      %get3A_2082 = tpu.vector_load %arg7[%get3A_2080, %get3A_2081] {strides = array<i32>} : memref<40x1024xf32, #tpu.memory_space<vmem>>, vector<16xf32>,
      %add3A_2083 = arith.addf %add3A_2051, %get3A_2082 : vector<16xf32>
      %get3A_2084 = arith.index_cast %scan3A_1987 : i32 to index
      %get3A_2085 = arith.constant 352 : index
      %get3A_2086 = tpu.vector_load %arg7[%get3A_2084, %get3A_2085] {strides = array<i32>} : memref<40x1024xf32, #tpu.memory_space<vmem>>, vector<16xf32>,
      %add3A_2087 = arith.addf %add3A_2055, %get3A_2086 : vector<16xf32>
      %get3A_2088 = arith.index_cast %scan3A_1987 : i32 to index
      %get3A_2089 = arith.constant 368 : index
      %get3A_2090 = tpu.vector_load %arg7[%get3A_2088, %get3A_2089] {strides = array<i32>} : memref<40x1024xf32, #tpu.memory_space<vmem>>, vector<16xf32>,
      %add3A_2091 = arith.addf %add3A_2059, %get3A_2090 : vector<16xf32>
      %get3A_2092 = arith.index_cast %scan3A_1987 : i32 to index
      %get3A_2093 = arith.constant 384 : index
      %get3A_2094 = tpu.vector_load %arg7[%get3A_2092, %get3A_2093] {strides = array<i32>} : memref<40x1024xf32, #tpu.memory_space<vmem>>, vector<16xf32>,
      %add3A_2095 = arith.addf %add3A_2063, %get3A_2094 : vector<16xf32>
      %get3A_2096 = arith.index_cast %scan3A_1987 : i32 to index
      %get3A_2097 = arith.constant 400 : index
      %get3A_2098 = tpu.vector_load %arg7[%get3A_2096, %get3A_2097] {strides = array<i32>} : memref<40x1024xf32, #tpu.memory_space<vmem>>, vector<16xf32>,
      %add3A_2099 = arith.addf %add3A_2067, %get3A_2098 : vector<16xf32>
      %get3A_2100 = arith.index_cast %scan3A_1987 : i32 to index
      %get3A_2101 = arith.constant 416 : index
      %get3A_2102 = tpu.vector_load %arg7[%get3A_2100, %get3A_2101] {strides = array<i32>} : memref<40x1024xf32, #tpu.memory_space<vmem>>, vector<16xf32>,
      %add3A_2103 = arith.addf %add3A_2071, %get3A_2102 : vector<16xf32>
      %get3A_2104 = arith.index_cast %scan3A_1987 : i32 to index
      %get3A_2105 = arith.constant 432 : index
      %get3A_2106 = tpu.vector_load %arg7[%get3A_2104, %get3A_2105] {strides = array<i32>} : memref<40x1024xf32, #tpu.memory_space<vmem>>, vector<16xf32>,
      %add3A_2107 = arith.addf %add3A_2075, %get3A_2106 : vector<16xf32>
      %get3A_2108 = arith.index_cast %scan3A_1987 : i32 to index
      %get3A_2109 = arith.constant 448 : index
      %get3A_2110 = tpu.vector_load %arg7[%get3A_2108, %get3A_2109] {strides = array<i32>} : memref<40x1024xf32, #tpu.memory_space<vmem>>, vector<16xf32>,
      %add3A_2111 = arith.addf %add3A_2079, %get3A_2110 : vector<16xf32>
      %get3A_2112 = arith.index_cast %scan3A_1987 : i32 to index
      %get3A_2113 = arith.constant 464 : index
      %get3A_2114 = tpu.vector_load %arg7[%get3A_2112, %get3A_2113] {strides = array<i32>} : memref<40x1024xf32, #tpu.memory_space<vmem>>, vector<16xf32>,
      %add3A_2115 = arith.addf %add3A_2083, %get3A_2114 : vector<16xf32>
      %get3A_2116 = arith.index_cast %scan3A_1987 : i32 to index
      %get3A_2117 = arith.constant 480 : index
      %get3A_2118 = tpu.vector_load %arg7[%get3A_2116, %get3A_2117] {strides = array<i32>} : memref<40x1024xf32, #tpu.memory_space<vmem>>, vector<16xf32>,
      %add3A_2119 = arith.addf %add3A_2087, %get3A_2118 : vector<16xf32>
      %get3A_2120 = arith.index_cast %scan3A_1987 : i32 to index
      %get3A_2121 = arith.constant 496 : index
      %get3A_2122 = tpu.vector_load %arg7[%get3A_2120, %get3A_2121] {strides = array<i32>} : memref<40x1024xf32, #tpu.memory_space<vmem>>, vector<16xf32>,
      %add3A_2123 = arith.addf %add3A_2091, %get3A_2122 : vector<16xf32>
      %get3A_2124 = arith.index_cast %scan3A_1987 : i32 to index
      %get3A_2125 = arith.constant 512 : index
      %get3A_2126 = tpu.vector_load %arg7[%get3A_2124, %get3A_2125] {strides = array<i32>} : memref<40x1024xf32, #tpu.memory_space<vmem>>, vector<16xf32>,
      %add3A_2127 = arith.addf %add3A_2095, %get3A_2126 : vector<16xf32>
      %get3A_2128 = arith.index_cast %scan3A_1987 : i32 to index
      %get3A_2129 = arith.constant 528 : index
      %get3A_2130 = tpu.vector_load %arg7[%get3A_2128, %get3A_2129] {strides = array<i32>} : memref<40x1024xf32, #tpu.memory_space<vmem>>, vector<16xf32>,
      %add3A_2131 = arith.addf %add3A_2099, %get3A_2130 : vector<16xf32>
      %get3A_2132 = arith.index_cast %scan3A_1987 : i32 to index
      %get3A_2133 = arith.constant 544 : index
      %get3A_2134 = tpu.vector_load %arg7[%get3A_2132, %get3A_2133] {strides = array<i32>} : memref<40x1024xf32, #tpu.memory_space<vmem>>, vector<16xf32>,
      %add3A_2135 = arith.addf %add3A_2103, %get3A_2134 : vector<16xf32>
      %get3A_2136 = arith.index_cast %scan3A_1987 : i32 to index
      %get3A_2137 = arith.constant 560 : index
      %get3A_2138 = tpu.vector_load %arg7[%get3A_2136, %get3A_2137] {strides = array<i32>} : memref<40x1024xf32, #tpu.memory_space<vmem>>, vector<16xf32>,
      %add3A_2139 = arith.addf %add3A_2107, %get3A_2138 : vector<16xf32>
      %get3A_2140 = arith.index_cast %scan3A_1987 : i32 to index
      %get3A_2141 = arith.constant 576 : index
      %get3A_2142 = tpu.vector_load %arg7[%get3A_2140, %get3A_2141] {strides = array<i32>} : memref<40x1024xf32, #tpu.memory_space<vmem>>, vector<16xf32>,
      %add3A_2143 = arith.addf %add3A_2111, %get3A_2142 : vector<16xf32>
      %get3A_2144 = arith.index_cast %scan3A_1987 : i32 to index
      %get3A_2145 = arith.constant 592 : index
      %get3A_2146 = tpu.vector_load %arg7[%get3A_2144, %get3A_2145] {strides = array<i32>} : memref<40x1024xf32, #tpu.memory_space<vmem>>, vector<16xf32>,
      %add3A_2147 = arith.addf %add3A_2115, %get3A_2146 : vector<16xf32>
      %get3A_2148 = arith.index_cast %scan3A_1987 : i32 to index
      %get3A_2149 = arith.constant 608 : index
      %get3A_2150 = tpu.vector_load %arg7[%get3A_2148, %get3A_2149] {strides = array<i32>} : memref<40x1024xf32, #tpu.memory_space<vmem>>, vector<16xf32>,
      %add3A_2151 = arith.addf %add3A_2119, %get3A_2150 : vector<16xf32>
      %get3A_2152 = arith.index_cast %scan3A_1987 : i32 to index
      %get3A_2153 = arith.constant 624 : index
      %get3A_2154 = tpu.vector_load %arg7[%get3A_2152, %get3A_2153] {strides = array<i32>} : memref<40x1024xf32, #tpu.memory_space<vmem>>, vector<16xf32>,
      %add3A_2155 = arith.addf %add3A_2123, %get3A_2154 : vector<16xf32>
      %get3A_2156 = arith.index_cast %scan3A_1987 : i32 to index
      %get3A_2157 = arith.constant 640 : index
      %get3A_2158 = tpu.vector_load %arg7[%get3A_2156, %get3A_2157] {strides = array<i32>} : memref<40x1024xf32, #tpu.memory_space<vmem>>, vector<16xf32>,
      %add3A_2159 = arith.addf %add3A_2127, %get3A_2158 : vector<16xf32>
      %get3A_2160 = arith.index_cast %scan3A_1987 : i32 to index
      %get3A_2161 = arith.constant 656 : index
      %get3A_2162 = tpu.vector_load %arg7[%get3A_2160, %get3A_2161] {strides = array<i32>} : memref<40x1024xf32, #tpu.memory_space<vmem>>, vector<16xf32>,
      %add3A_2163 = arith.addf %add3A_2131, %get3A_2162 : vector<16xf32>
      %get3A_2164 = arith.index_cast %scan3A_1987 : i32 to index
      %get3A_2165 = arith.constant 672 : index
      %get3A_2166 = tpu.vector_load %arg7[%get3A_2164, %get3A_2165] {strides = array<i32>} : memref<40x1024xf32, #tpu.memory_space<vmem>>, vector<16xf32>,
      %add3A_2167 = arith.addf %add3A_2135, %get3A_2166 : vector<16xf32>
      %get3A_2168 = arith.index_cast %scan3A_1987 : i32 to index
      %get3A_2169 = arith.constant 688 : index
      %get3A_2170 = tpu.vector_load %arg7[%get3A_2168, %get3A_2169] {strides = array<i32>} : memref<40x1024xf32, #tpu.memory_space<vmem>>, vector<16xf32>,
      %add3A_2171 = arith.addf %add3A_2139, %get3A_2170 : vector<16xf32>
      %get3A_2172 = arith.index_cast %scan3A_1987 : i32 to index
      %get3A_2173 = arith.constant 704 : index
      %get3A_2174 = tpu.vector_load %arg7[%get3A_2172, %get3A_2173] {strides = array<i32>} : memref<40x1024xf32, #tpu.memory_space<vmem>>, vector<16xf32>,
      %add3A_2175 = arith.addf %add3A_2143, %get3A_2174 : vector<16xf32>
      %get3A_2176 = arith.index_cast %scan3A_1987 : i32 to index
      %get3A_2177 = arith.constant 720 : index
      %get3A_2178 = tpu.vector_load %arg7[%get3A_2176, %get3A_2177] {strides = array<i32>} : memref<40x1024xf32, #tpu.memory_space<vmem>>, vector<16xf32>,
      %add3A_2179 = arith.addf %add3A_2147, %get3A_2178 : vector<16xf32>
      %get3A_2180 = arith.index_cast %scan3A_1987 : i32 to index
      %get3A_2181 = arith.constant 736 : index
      %get3A_2182 = tpu.vector_load %arg7[%get3A_2180, %get3A_2181] {strides = array<i32>} : memref<40x1024xf32, #tpu.memory_space<vmem>>, vector<16xf32>,
      %add3A_2183 = arith.addf %add3A_2151, %get3A_2182 : vector<16xf32>
      %get3A_2184 = arith.index_cast %scan3A_1987 : i32 to index
      %get3A_2185 = arith.constant 752 : index
      %get3A_2186 = tpu.vector_load %arg7[%get3A_2184, %get3A_2185] {strides = array<i32>} : memref<40x1024xf32, #tpu.memory_space<vmem>>, vector<16xf32>,
      %add3A_2187 = arith.addf %add3A_2155, %get3A_2186 : vector<16xf32>
      %get3A_2188 = arith.index_cast %scan3A_1987 : i32 to index
      %get3A_2189 = arith.constant 768 : index
      %get3A_2190 = tpu.vector_load %arg7[%get3A_2188, %get3A_2189] {strides = array<i32>} : memref<40x1024xf32, #tpu.memory_space<vmem>>, vector<16xf32>,
      %add3A_2191 = arith.addf %add3A_2159, %get3A_2190 : vector<16xf32>
      %get3A_2192 = arith.index_cast %scan3A_1987 : i32 to index
      %get3A_2193 = arith.constant 784 : index
      %get3A_2194 = tpu.vector_load %arg7[%get3A_2192, %get3A_2193] {strides = array<i32>} : memref<40x1024xf32, #tpu.memory_space<vmem>>, vector<16xf32>,
      %add3A_2195 = arith.addf %add3A_2163, %get3A_2194 : vector<16xf32>
      %get3A_2196 = arith.index_cast %scan3A_1987 : i32 to index
      %get3A_2197 = arith.constant 800 : index
      %get3A_2198 = tpu.vector_load %arg7[%get3A_2196, %get3A_2197] {strides = array<i32>} : memref<40x1024xf32, #tpu.memory_space<vmem>>, vector<16xf32>,
      %add3A_2199 = arith.addf %add3A_2167, %get3A_2198 : vector<16xf32>
      %get3A_2200 = arith.index_cast %scan3A_1987 : i32 to index
      %get3A_2201 = arith.constant 816 : index
      %get3A_2202 = tpu.vector_load %arg7[%get3A_2200, %get3A_2201] {strides = array<i32>} : memref<40x1024xf32, #tpu.memory_space<vmem>>, vector<16xf32>,
      %add3A_2203 = arith.addf %add3A_2171, %get3A_2202 : vector<16xf32>
      %get3A_2204 = arith.index_cast %scan3A_1987 : i32 to index
      %get3A_2205 = arith.constant 832 : index
      %get3A_2206 = tpu.vector_load %arg7[%get3A_2204, %get3A_2205] {strides = array<i32>} : memref<40x1024xf32, #tpu.memory_space<vmem>>, vector<16xf32>,
      %add3A_2207 = arith.addf %add3A_2175, %get3A_2206 : vector<16xf32>
      %get3A_2208 = arith.index_cast %scan3A_1987 : i32 to index
      %get3A_2209 = arith.constant 848 : index
      %get3A_2210 = tpu.vector_load %arg7[%get3A_2208, %get3A_2209] {strides = array<i32>} : memref<40x1024xf32, #tpu.memory_space<vmem>>, vector<16xf32>,
      %add3A_2211 = arith.addf %add3A_2179, %get3A_2210 : vector<16xf32>
      %get3A_2212 = arith.index_cast %scan3A_1987 : i32 to index
      %get3A_2213 = arith.constant 864 : index
      %get3A_2214 = tpu.vector_load %arg7[%get3A_2212, %get3A_2213] {strides = array<i32>} : memref<40x1024xf32, #tpu.memory_space<vmem>>, vector<16xf32>,
      %add3A_2215 = arith.addf %add3A_2183, %get3A_2214 : vector<16xf32>
      %get3A_2216 = arith.index_cast %scan3A_1987 : i32 to index
      %get3A_2217 = arith.constant 880 : index
      %get3A_2218 = tpu.vector_load %arg7[%get3A_2216, %get3A_2217] {strides = array<i32>} : memref<40x1024xf32, #tpu.memory_space<vmem>>, vector<16xf32>,
      %add3A_2219 = arith.addf %add3A_2187, %get3A_2218 : vector<16xf32>
      %get3A_2220 = arith.index_cast %scan3A_1987 : i32 to index
      %get3A_2221 = arith.constant 896 : index
      %get3A_2222 = tpu.vector_load %arg7[%get3A_2220, %get3A_2221] {strides = array<i32>} : memref<40x1024xf32, #tpu.memory_space<vmem>>, vector<16xf32>,
      %add3A_2223 = arith.addf %add3A_2191, %get3A_2222 : vector<16xf32>
      %get3A_2224 = arith.index_cast %scan3A_1987 : i32 to index
      %get3A_2225 = arith.constant 912 : index
      %get3A_2226 = tpu.vector_load %arg7[%get3A_2224, %get3A_2225] {strides = array<i32>} : memref<40x1024xf32, #tpu.memory_space<vmem>>, vector<16xf32>,
      %add3A_2227 = arith.addf %add3A_2195, %get3A_2226 : vector<16xf32>
      %get3A_2228 = arith.index_cast %scan3A_1987 : i32 to index
      %get3A_2229 = arith.constant 928 : index
      %get3A_2230 = tpu.vector_load %arg7[%get3A_2228, %get3A_2229] {strides = array<i32>} : memref<40x1024xf32, #tpu.memory_space<vmem>>, vector<16xf32>,
      %add3A_2231 = arith.addf %add3A_2199, %get3A_2230 : vector<16xf32>
      %get3A_2232 = arith.index_cast %scan3A_1987 : i32 to index
      %get3A_2233 = arith.constant 944 : index
      %get3A_2234 = tpu.vector_load %arg7[%get3A_2232, %get3A_2233] {strides = array<i32>} : memref<40x1024xf32, #tpu.memory_space<vmem>>, vector<16xf32>,
      %add3A_2235 = arith.addf %add3A_2203, %get3A_2234 : vector<16xf32>
      %get3A_2236 = arith.index_cast %scan3A_1987 : i32 to index
      %get3A_2237 = arith.constant 960 : index
      %get3A_2238 = tpu.vector_load %arg7[%get3A_2236, %get3A_2237] {strides = array<i32>} : memref<40x1024xf32, #tpu.memory_space<vmem>>, vector<16xf32>,
      %add3A_2239 = arith.addf %add3A_2207, %get3A_2238 : vector<16xf32>
      %get3A_2240 = arith.index_cast %scan3A_1987 : i32 to index
      %get3A_2241 = arith.constant 976 : index
      %get3A_2242 = tpu.vector_load %arg7[%get3A_2240, %get3A_2241] {strides = array<i32>} : memref<40x1024xf32, #tpu.memory_space<vmem>>, vector<16xf32>,
      %add3A_2243 = arith.addf %add3A_2211, %get3A_2242 : vector<16xf32>
      %get3A_2244 = arith.index_cast %scan3A_1987 : i32 to index
      %get3A_2245 = arith.constant 992 : index
      %get3A_2246 = tpu.vector_load %arg7[%get3A_2244, %get3A_2245] {strides = array<i32>} : memref<40x1024xf32, #tpu.memory_space<vmem>>, vector<16xf32>,
      %add3A_2247 = arith.addf %add3A_2215, %get3A_2246 : vector<16xf32>
      %get3A_2248 = arith.index_cast %scan3A_1987 : i32 to index
      %get3A_2249 = arith.constant 1008 : index
      %get3A_2250 = tpu.vector_load %arg7[%get3A_2248, %get3A_2249] {strides = array<i32>} : memref<40x1024xf32, #tpu.memory_space<vmem>>, vector<16xf32>,
      %add3A_2251 = arith.addf %add3A_2219, %get3A_2250 : vector<16xf32>
      scf.yield %add3A_2223, %add3A_2227, %add3A_2231, %add3A_2235, %add3A_2239, %add3A_2243, %add3A_2247, %add3A_2251 : vector<16xf32>, vector<16xf32>, vector<16xf32>, vector<16xf32>, vector<16xf32>, vector<16xf32>, vector<16xf32>, vector<16xf32>
    }
    %scan3A_1964 = arith.constant 40 : i32
    %lt3A = arith.constant 8 : i32
    %lt3A_1965 = arith.cmpi slt, %add3A, %lt3A : i32
    %convert_element_type3A = arith.extui %lt3A_1965 : i1 to i32
    %cond3A = arith.constant 0 : i32
    %cond3A_1966 = arith.cmpi ne, %convert_element_type3A, %cond3A : i32
    scf.if %cond3A_1966 {
      %add3A_1987 = arith.constant 992 : i32
      %add3A_1988 = arith.addi %add3A_1987, %add3A : i32
      %mul3A_1989 = arith.constant 40 : i32
      %mul3A_1990 = arith.muli %add3A_1988, %mul3A_1989 : i32
      %dma_start3A_1991 = arith.constant 0 : i32
      %dma_start3A_1992 = tpu.memref_slice %arg2[%mul3A_1990, %dma_start3A_1991] : memref<100000x1024xf32, #tpu.memory_space<hbm>> -> memref<40x1024xf32, #tpu.memory_space<hbm>>
      %dma_start3A_1993 = arith.constant 0 : i32
      %dma_start3A_1994 = tpu.memref_slice %arg2[%mul3A_1990, %dma_start3A_1993] : memref<100000x1024xf32, #tpu.memory_space<hbm>> -> memref<40x1024xf32, #tpu.memory_space<hbm>>
      tpu.enqueue_dma source(%dma_start3A_1994 : memref<40x1024xf32, #tpu.memory_space<hbm>>) target(%arg8 : memref<40x1024xf32, #tpu.memory_space<vmem>>) target_semaphore(%arg13 : memref<!tpu.dma_semaphore, #tpu.memory_space<semaphore_mem>>)
      %dma_wait3A_1995 = arith.constant 0 : i32
      %dma_wait3A_1996 = tpu.memref_slice %arg2[%mul3A_1990, %dma_wait3A_1995] : memref<100000x1024xf32, #tpu.memory_space<hbm>> -> memref<40x1024xf32, #tpu.memory_space<hbm>>
      %dma_wait3A_1997 = arith.constant 0 : i32
      %dma_wait3A_1998 = tpu.memref_slice %arg2[%mul3A_1990, %dma_wait3A_1997] : memref<100000x1024xf32, #tpu.memory_space<hbm>> -> memref<40x1024xf32, #tpu.memory_space<hbm>>
      tpu.wait_dma2 semaphore(%arg13 : memref<!tpu.dma_semaphore, #tpu.memory_space<semaphore_mem>>) src(%dma_wait3A_1998 : memref<40x1024xf32, #tpu.memory_space<hbm>>) dst(%arg8 : memref<40x1024xf32, #tpu.memory_space<vmem>>)
      %broadcast_in_dim3A_1999 = arith.constant 0.000000e+00 : f32
      %broadcast_in_dim3A_2000 = vector.broadcast %broadcast_in_dim3A_1999 : f32 to vector<16xf32>
      %scan3A_2001 = arith.constant 0 : i32
      %scan3A_2002 = arith.constant 40 : i32
      %scan3A_2003 = arith.addi %scan3A_2001, %scan3A_2002 : i32
      %scan3A_2004 = arith.constant 1 : i32
      %scan3A_2005:8 = scf.for %scan3A_2016 = %scan3A_2001 to %scan3A_2003 step %scan3A_2004 iter_args(%scan3A_2017 = %broadcast_in_dim3A_2000, %scan3A_2018 = %broadcast_in_dim3A_2000, %scan3A_2019 = %broadcast_in_dim3A_2000, %scan3A_2020 = %broadcast_in_dim3A_2000, %scan3A_2021 = %broadcast_in_dim3A_2000, %scan3A_2022 = %broadcast_in_dim3A_2000, %scan3A_2023 = %broadcast_in_dim3A_2000, %scan3A_2024 = %broadcast_in_dim3A_2000) -> (vector<16xf32>, vector<16xf32>, vector<16xf32>, vector<16xf32>, vector<16xf32>, vector<16xf32>, vector<16xf32>, vector<16xf32>)  : i32 {
        %get3A_2025 = arith.index_cast %scan3A_2016 : i32 to index
        %get3A_2026 = arith.constant 0 : index
        %get3A_2027 = tpu.vector_load %arg8[%get3A_2025, %get3A_2026] {strides = array<i32>} : memref<40x1024xf32, #tpu.memory_space<vmem>>, vector<16xf32>,
        %add3A_2028 = arith.addf %scan3A_2017, %get3A_2027 : vector<16xf32>
        %get3A_2029 = arith.index_cast %scan3A_2016 : i32 to index
        %get3A_2030 = arith.constant 16 : index
        %get3A_2031 = tpu.vector_load %arg8[%get3A_2029, %get3A_2030] {strides = array<i32>} : memref<40x1024xf32, #tpu.memory_space<vmem>>, vector<16xf32>,
        %add3A_2032 = arith.addf %scan3A_2018, %get3A_2031 : vector<16xf32>
        %get3A_2033 = arith.index_cast %scan3A_2016 : i32 to index
        %get3A_2034 = arith.constant 32 : index
        %get3A_2035 = tpu.vector_load %arg8[%get3A_2033, %get3A_2034] {strides = array<i32>} : memref<40x1024xf32, #tpu.memory_space<vmem>>, vector<16xf32>,
        %add3A_2036 = arith.addf %scan3A_2019, %get3A_2035 : vector<16xf32>
        %get3A_2037 = arith.index_cast %scan3A_2016 : i32 to index
        %get3A_2038 = arith.constant 48 : index
        %get3A_2039 = tpu.vector_load %arg8[%get3A_2037, %get3A_2038] {strides = array<i32>} : memref<40x1024xf32, #tpu.memory_space<vmem>>, vector<16xf32>,
        %add3A_2040 = arith.addf %scan3A_2020, %get3A_2039 : vector<16xf32>
        %get3A_2041 = arith.index_cast %scan3A_2016 : i32 to index
        %get3A_2042 = arith.constant 64 : index
        %get3A_2043 = tpu.vector_load %arg8[%get3A_2041, %get3A_2042] {strides = array<i32>} : memref<40x1024xf32, #tpu.memory_space<vmem>>, vector<16xf32>,
        %add3A_2044 = arith.addf %scan3A_2021, %get3A_2043 : vector<16xf32>
        %get3A_2045 = arith.index_cast %scan3A_2016 : i32 to index
        %get3A_2046 = arith.constant 80 : index
        %get3A_2047 = tpu.vector_load %arg8[%get3A_2045, %get3A_2046] {strides = array<i32>} : memref<40x1024xf32, #tpu.memory_space<vmem>>, vector<16xf32>,
        %add3A_2048 = arith.addf %scan3A_2022, %get3A_2047 : vector<16xf32>
        %get3A_2049 = arith.index_cast %scan3A_2016 : i32 to index
        %get3A_2050 = arith.constant 96 : index
        %get3A_2051 = tpu.vector_load %arg8[%get3A_2049, %get3A_2050] {strides = array<i32>} : memref<40x1024xf32, #tpu.memory_space<vmem>>, vector<16xf32>,
        %add3A_2052 = arith.addf %scan3A_2023, %get3A_2051 : vector<16xf32>
        %get3A_2053 = arith.index_cast %scan3A_2016 : i32 to index
        %get3A_2054 = arith.constant 112 : index
        %get3A_2055 = tpu.vector_load %arg8[%get3A_2053, %get3A_2054] {strides = array<i32>} : memref<40x1024xf32, #tpu.memory_space<vmem>>, vector<16xf32>,
        %add3A_2056 = arith.addf %scan3A_2024, %get3A_2055 : vector<16xf32>
        %get3A_2057 = arith.index_cast %scan3A_2016 : i32 to index
        %get3A_2058 = arith.constant 128 : index
        %get3A_2059 = tpu.vector_load %arg8[%get3A_2057, %get3A_2058] {strides = array<i32>} : memref<40x1024xf32, #tpu.memory_space<vmem>>, vector<16xf32>,
        %add3A_2060 = arith.addf %add3A_2028, %get3A_2059 : vector<16xf32>
        %get3A_2061 = arith.index_cast %scan3A_2016 : i32 to index
        %get3A_2062 = arith.constant 144 : index
        %get3A_2063 = tpu.vector_load %arg8[%get3A_2061, %get3A_2062] {strides = array<i32>} : memref<40x1024xf32, #tpu.memory_space<vmem>>, vector<16xf32>,
        %add3A_2064 = arith.addf %add3A_2032, %get3A_2063 : vector<16xf32>
        %get3A_2065 = arith.index_cast %scan3A_2016 : i32 to index
        %get3A_2066 = arith.constant 160 : index
        %get3A_2067 = tpu.vector_load %arg8[%get3A_2065, %get3A_2066] {strides = array<i32>} : memref<40x1024xf32, #tpu.memory_space<vmem>>, vector<16xf32>,
        %add3A_2068 = arith.addf %add3A_2036, %get3A_2067 : vector<16xf32>
        %get3A_2069 = arith.index_cast %scan3A_2016 : i32 to index
        %get3A_2070 = arith.constant 176 : index
        %get3A_2071 = tpu.vector_load %arg8[%get3A_2069, %get3A_2070] {strides = array<i32>} : memref<40x1024xf32, #tpu.memory_space<vmem>>, vector<16xf32>,
        %add3A_2072 = arith.addf %add3A_2040, %get3A_2071 : vector<16xf32>
        %get3A_2073 = arith.index_cast %scan3A_2016 : i32 to index
        %get3A_2074 = arith.constant 192 : index
        %get3A_2075 = tpu.vector_load %arg8[%get3A_2073, %get3A_2074] {strides = array<i32>} : memref<40x1024xf32, #tpu.memory_space<vmem>>, vector<16xf32>,
        %add3A_2076 = arith.addf %add3A_2044, %get3A_2075 : vector<16xf32>
        %get3A_2077 = arith.index_cast %scan3A_2016 : i32 to index
        %get3A_2078 = arith.constant 208 : index
        %get3A_2079 = tpu.vector_load %arg8[%get3A_2077, %get3A_2078] {strides = array<i32>} : memref<40x1024xf32, #tpu.memory_space<vmem>>, vector<16xf32>,
        %add3A_2080 = arith.addf %add3A_2048, %get3A_2079 : vector<16xf32>
        %get3A_2081 = arith.index_cast %scan3A_2016 : i32 to index
        %get3A_2082 = arith.constant 224 : index
        %get3A_2083 = tpu.vector_load %arg8[%get3A_2081, %get3A_2082] {strides = array<i32>} : memref<40x1024xf32, #tpu.memory_space<vmem>>, vector<16xf32>,
        %add3A_2084 = arith.addf %add3A_2052, %get3A_2083 : vector<16xf32>
        %get3A_2085 = arith.index_cast %scan3A_2016 : i32 to index
        %get3A_2086 = arith.constant 240 : index
        %get3A_2087 = tpu.vector_load %arg8[%get3A_2085, %get3A_2086] {strides = array<i32>} : memref<40x1024xf32, #tpu.memory_space<vmem>>, vector<16xf32>,
        %add3A_2088 = arith.addf %add3A_2056, %get3A_2087 : vector<16xf32>
        %get3A_2089 = arith.index_cast %scan3A_2016 : i32 to index
        %get3A_2090 = arith.constant 256 : index
        %get3A_2091 = tpu.vector_load %arg8[%get3A_2089, %get3A_2090] {strides = array<i32>} : memref<40x1024xf32, #tpu.memory_space<vmem>>, vector<16xf32>,
        %add3A_2092 = arith.addf %add3A_2060, %get3A_2091 : vector<16xf32>
        %get3A_2093 = arith.index_cast %scan3A_2016 : i32 to index
        %get3A_2094 = arith.constant 272 : index
        %get3A_2095 = tpu.vector_load %arg8[%get3A_2093, %get3A_2094] {strides = array<i32>} : memref<40x1024xf32, #tpu.memory_space<vmem>>, vector<16xf32>,
        %add3A_2096 = arith.addf %add3A_2064, %get3A_2095 : vector<16xf32>
        %get3A_2097 = arith.index_cast %scan3A_2016 : i32 to index
        %get3A_2098 = arith.constant 288 : index
        %get3A_2099 = tpu.vector_load %arg8[%get3A_2097, %get3A_2098] {strides = array<i32>} : memref<40x1024xf32, #tpu.memory_space<vmem>>, vector<16xf32>,
        %add3A_2100 = arith.addf %add3A_2068, %get3A_2099 : vector<16xf32>
        %get3A_2101 = arith.index_cast %scan3A_2016 : i32 to index
        %get3A_2102 = arith.constant 304 : index
        %get3A_2103 = tpu.vector_load %arg8[%get3A_2101, %get3A_2102] {strides = array<i32>} : memref<40x1024xf32, #tpu.memory_space<vmem>>, vector<16xf32>,
        %add3A_2104 = arith.addf %add3A_2072, %get3A_2103 : vector<16xf32>
        %get3A_2105 = arith.index_cast %scan3A_2016 : i32 to index
        %get3A_2106 = arith.constant 320 : index
        %get3A_2107 = tpu.vector_load %arg8[%get3A_2105, %get3A_2106] {strides = array<i32>} : memref<40x1024xf32, #tpu.memory_space<vmem>>, vector<16xf32>,
        %add3A_2108 = arith.addf %add3A_2076, %get3A_2107 : vector<16xf32>
        %get3A_2109 = arith.index_cast %scan3A_2016 : i32 to index
        %get3A_2110 = arith.constant 336 : index
        %get3A_2111 = tpu.vector_load %arg8[%get3A_2109, %get3A_2110] {strides = array<i32>} : memref<40x1024xf32, #tpu.memory_space<vmem>>, vector<16xf32>,
        %add3A_2112 = arith.addf %add3A_2080, %get3A_2111 : vector<16xf32>
        %get3A_2113 = arith.index_cast %scan3A_2016 : i32 to index
        %get3A_2114 = arith.constant 352 : index
        %get3A_2115 = tpu.vector_load %arg8[%get3A_2113, %get3A_2114] {strides = array<i32>} : memref<40x1024xf32, #tpu.memory_space<vmem>>, vector<16xf32>,
        %add3A_2116 = arith.addf %add3A_2084, %get3A_2115 : vector<16xf32>
        %get3A_2117 = arith.index_cast %scan3A_2016 : i32 to index
        %get3A_2118 = arith.constant 368 : index
        %get3A_2119 = tpu.vector_load %arg8[%get3A_2117, %get3A_2118] {strides = array<i32>} : memref<40x1024xf32, #tpu.memory_space<vmem>>, vector<16xf32>,
        %add3A_2120 = arith.addf %add3A_2088, %get3A_2119 : vector<16xf32>
        %get3A_2121 = arith.index_cast %scan3A_2016 : i32 to index
        %get3A_2122 = arith.constant 384 : index
        %get3A_2123 = tpu.vector_load %arg8[%get3A_2121, %get3A_2122] {strides = array<i32>} : memref<40x1024xf32, #tpu.memory_space<vmem>>, vector<16xf32>,
        %add3A_2124 = arith.addf %add3A_2092, %get3A_2123 : vector<16xf32>
        %get3A_2125 = arith.index_cast %scan3A_2016 : i32 to index
        %get3A_2126 = arith.constant 400 : index
        %get3A_2127 = tpu.vector_load %arg8[%get3A_2125, %get3A_2126] {strides = array<i32>} : memref<40x1024xf32, #tpu.memory_space<vmem>>, vector<16xf32>,
        %add3A_2128 = arith.addf %add3A_2096, %get3A_2127 : vector<16xf32>
        %get3A_2129 = arith.index_cast %scan3A_2016 : i32 to index
        %get3A_2130 = arith.constant 416 : index
        %get3A_2131 = tpu.vector_load %arg8[%get3A_2129, %get3A_2130] {strides = array<i32>} : memref<40x1024xf32, #tpu.memory_space<vmem>>, vector<16xf32>,
        %add3A_2132 = arith.addf %add3A_2100, %get3A_2131 : vector<16xf32>
        %get3A_2133 = arith.index_cast %scan3A_2016 : i32 to index
        %get3A_2134 = arith.constant 432 : index
        %get3A_2135 = tpu.vector_load %arg8[%get3A_2133, %get3A_2134] {strides = array<i32>} : memref<40x1024xf32, #tpu.memory_space<vmem>>, vector<16xf32>,
        %add3A_2136 = arith.addf %add3A_2104, %get3A_2135 : vector<16xf32>
        %get3A_2137 = arith.index_cast %scan3A_2016 : i32 to index
        %get3A_2138 = arith.constant 448 : index
        %get3A_2139 = tpu.vector_load %arg8[%get3A_2137, %get3A_2138] {strides = array<i32>} : memref<40x1024xf32, #tpu.memory_space<vmem>>, vector<16xf32>,
        %add3A_2140 = arith.addf %add3A_2108, %get3A_2139 : vector<16xf32>
        %get3A_2141 = arith.index_cast %scan3A_2016 : i32 to index
        %get3A_2142 = arith.constant 464 : index
        %get3A_2143 = tpu.vector_load %arg8[%get3A_2141, %get3A_2142] {strides = array<i32>} : memref<40x1024xf32, #tpu.memory_space<vmem>>, vector<16xf32>,
        %add3A_2144 = arith.addf %add3A_2112, %get3A_2143 : vector<16xf32>
        %get3A_2145 = arith.index_cast %scan3A_2016 : i32 to index
        %get3A_2146 = arith.constant 480 : index
        %get3A_2147 = tpu.vector_load %arg8[%get3A_2145, %get3A_2146] {strides = array<i32>} : memref<40x1024xf32, #tpu.memory_space<vmem>>, vector<16xf32>,
        %add3A_2148 = arith.addf %add3A_2116, %get3A_2147 : vector<16xf32>
        %get3A_2149 = arith.index_cast %scan3A_2016 : i32 to index
        %get3A_2150 = arith.constant 496 : index
        %get3A_2151 = tpu.vector_load %arg8[%get3A_2149, %get3A_2150] {strides = array<i32>} : memref<40x1024xf32, #tpu.memory_space<vmem>>, vector<16xf32>,
        %add3A_2152 = arith.addf %add3A_2120, %get3A_2151 : vector<16xf32>
        %get3A_2153 = arith.index_cast %scan3A_2016 : i32 to index
        %get3A_2154 = arith.constant 512 : index
        %get3A_2155 = tpu.vector_load %arg8[%get3A_2153, %get3A_2154] {strides = array<i32>} : memref<40x1024xf32, #tpu.memory_space<vmem>>, vector<16xf32>,
        %add3A_2156 = arith.addf %add3A_2124, %get3A_2155 : vector<16xf32>
        %get3A_2157 = arith.index_cast %scan3A_2016 : i32 to index
        %get3A_2158 = arith.constant 528 : index
        %get3A_2159 = tpu.vector_load %arg8[%get3A_2157, %get3A_2158] {strides = array<i32>} : memref<40x1024xf32, #tpu.memory_space<vmem>>, vector<16xf32>,
        %add3A_2160 = arith.addf %add3A_2128, %get3A_2159 : vector<16xf32>
        %get3A_2161 = arith.index_cast %scan3A_2016 : i32 to index
        %get3A_2162 = arith.constant 544 : index
        %get3A_2163 = tpu.vector_load %arg8[%get3A_2161, %get3A_2162] {strides = array<i32>} : memref<40x1024xf32, #tpu.memory_space<vmem>>, vector<16xf32>,
        %add3A_2164 = arith.addf %add3A_2132, %get3A_2163 : vector<16xf32>
        %get3A_2165 = arith.index_cast %scan3A_2016 : i32 to index
        %get3A_2166 = arith.constant 560 : index
        %get3A_2167 = tpu.vector_load %arg8[%get3A_2165, %get3A_2166] {strides = array<i32>} : memref<40x1024xf32, #tpu.memory_space<vmem>>, vector<16xf32>,
        %add3A_2168 = arith.addf %add3A_2136, %get3A_2167 : vector<16xf32>
        %get3A_2169 = arith.index_cast %scan3A_2016 : i32 to index
        %get3A_2170 = arith.constant 576 : index
        %get3A_2171 = tpu.vector_load %arg8[%get3A_2169, %get3A_2170] {strides = array<i32>} : memref<40x1024xf32, #tpu.memory_space<vmem>>, vector<16xf32>,
        %add3A_2172 = arith.addf %add3A_2140, %get3A_2171 : vector<16xf32>
        %get3A_2173 = arith.index_cast %scan3A_2016 : i32 to index
        %get3A_2174 = arith.constant 592 : index
        %get3A_2175 = tpu.vector_load %arg8[%get3A_2173, %get3A_2174] {strides = array<i32>} : memref<40x1024xf32, #tpu.memory_space<vmem>>, vector<16xf32>,
        %add3A_2176 = arith.addf %add3A_2144, %get3A_2175 : vector<16xf32>
        %get3A_2177 = arith.index_cast %scan3A_2016 : i32 to index
        %get3A_2178 = arith.constant 608 : index
        %get3A_2179 = tpu.vector_load %arg8[%get3A_2177, %get3A_2178] {strides = array<i32>} : memref<40x1024xf32, #tpu.memory_space<vmem>>, vector<16xf32>,
        %add3A_2180 = arith.addf %add3A_2148, %get3A_2179 : vector<16xf32>
        %get3A_2181 = arith.index_cast %scan3A_2016 : i32 to index
        %get3A_2182 = arith.constant 624 : index
        %get3A_2183 = tpu.vector_load %arg8[%get3A_2181, %get3A_2182] {strides = array<i32>} : memref<40x1024xf32, #tpu.memory_space<vmem>>, vector<16xf32>,
        %add3A_2184 = arith.addf %add3A_2152, %get3A_2183 : vector<16xf32>
        %get3A_2185 = arith.index_cast %scan3A_2016 : i32 to index
        %get3A_2186 = arith.constant 640 : index
        %get3A_2187 = tpu.vector_load %arg8[%get3A_2185, %get3A_2186] {strides = array<i32>} : memref<40x1024xf32, #tpu.memory_space<vmem>>, vector<16xf32>,
        %add3A_2188 = arith.addf %add3A_2156, %get3A_2187 : vector<16xf32>
        %get3A_2189 = arith.index_cast %scan3A_2016 : i32 to index
        %get3A_2190 = arith.constant 656 : index
        %get3A_2191 = tpu.vector_load %arg8[%get3A_2189, %get3A_2190] {strides = array<i32>} : memref<40x1024xf32, #tpu.memory_space<vmem>>, vector<16xf32>,
        %add3A_2192 = arith.addf %add3A_2160, %get3A_2191 : vector<16xf32>
        %get3A_2193 = arith.index_cast %scan3A_2016 : i32 to index
        %get3A_2194 = arith.constant 672 : index
        %get3A_2195 = tpu.vector_load %arg8[%get3A_2193, %get3A_2194] {strides = array<i32>} : memref<40x1024xf32, #tpu.memory_space<vmem>>, vector<16xf32>,
        %add3A_2196 = arith.addf %add3A_2164, %get3A_2195 : vector<16xf32>
        %get3A_2197 = arith.index_cast %scan3A_2016 : i32 to index
        %get3A_2198 = arith.constant 688 : index
        %get3A_2199 = tpu.vector_load %arg8[%get3A_2197, %get3A_2198] {strides = array<i32>} : memref<40x1024xf32, #tpu.memory_space<vmem>>, vector<16xf32>,
        %add3A_2200 = arith.addf %add3A_2168, %get3A_2199 : vector<16xf32>
        %get3A_2201 = arith.index_cast %scan3A_2016 : i32 to index
        %get3A_2202 = arith.constant 704 : index
        %get3A_2203 = tpu.vector_load %arg8[%get3A_2201, %get3A_2202] {strides = array<i32>} : memref<40x1024xf32, #tpu.memory_space<vmem>>, vector<16xf32>,
        %add3A_2204 = arith.addf %add3A_2172, %get3A_2203 : vector<16xf32>
        %get3A_2205 = arith.index_cast %scan3A_2016 : i32 to index
        %get3A_2206 = arith.constant 720 : index
        %get3A_2207 = tpu.vector_load %arg8[%get3A_2205, %get3A_2206] {strides = array<i32>} : memref<40x1024xf32, #tpu.memory_space<vmem>>, vector<16xf32>,
        %add3A_2208 = arith.addf %add3A_2176, %get3A_2207 : vector<16xf32>
        %get3A_2209 = arith.index_cast %scan3A_2016 : i32 to index
        %get3A_2210 = arith.constant 736 : index
        %get3A_2211 = tpu.vector_load %arg8[%get3A_2209, %get3A_2210] {strides = array<i32>} : memref<40x1024xf32, #tpu.memory_space<vmem>>, vector<16xf32>,
        %add3A_2212 = arith.addf %add3A_2180, %get3A_2211 : vector<16xf32>
        %get3A_2213 = arith.index_cast %scan3A_2016 : i32 to index
        %get3A_2214 = arith.constant 752 : index
        %get3A_2215 = tpu.vector_load %arg8[%get3A_2213, %get3A_2214] {strides = array<i32>} : memref<40x1024xf32, #tpu.memory_space<vmem>>, vector<16xf32>,
        %add3A_2216 = arith.addf %add3A_2184, %get3A_2215 : vector<16xf32>
        %get3A_2217 = arith.index_cast %scan3A_2016 : i32 to index
        %get3A_2218 = arith.constant 768 : index
        %get3A_2219 = tpu.vector_load %arg8[%get3A_2217, %get3A_2218] {strides = array<i32>} : memref<40x1024xf32, #tpu.memory_space<vmem>>, vector<16xf32>,
        %add3A_2220 = arith.addf %add3A_2188, %get3A_2219 : vector<16xf32>
        %get3A_2221 = arith.index_cast %scan3A_2016 : i32 to index
        %get3A_2222 = arith.constant 784 : index
        %get3A_2223 = tpu.vector_load %arg8[%get3A_2221, %get3A_2222] {strides = array<i32>} : memref<40x1024xf32, #tpu.memory_space<vmem>>, vector<16xf32>,
        %add3A_2224 = arith.addf %add3A_2192, %get3A_2223 : vector<16xf32>
        %get3A_2225 = arith.index_cast %scan3A_2016 : i32 to index
        %get3A_2226 = arith.constant 800 : index
        %get3A_2227 = tpu.vector_load %arg8[%get3A_2225, %get3A_2226] {strides = array<i32>} : memref<40x1024xf32, #tpu.memory_space<vmem>>, vector<16xf32>,
        %add3A_2228 = arith.addf %add3A_2196, %get3A_2227 : vector<16xf32>
        %get3A_2229 = arith.index_cast %scan3A_2016 : i32 to index
        %get3A_2230 = arith.constant 816 : index
        %get3A_2231 = tpu.vector_load %arg8[%get3A_2229, %get3A_2230] {strides = array<i32>} : memref<40x1024xf32, #tpu.memory_space<vmem>>, vector<16xf32>,
        %add3A_2232 = arith.addf %add3A_2200, %get3A_2231 : vector<16xf32>
        %get3A_2233 = arith.index_cast %scan3A_2016 : i32 to index
        %get3A_2234 = arith.constant 832 : index
        %get3A_2235 = tpu.vector_load %arg8[%get3A_2233, %get3A_2234] {strides = array<i32>} : memref<40x1024xf32, #tpu.memory_space<vmem>>, vector<16xf32>,
        %add3A_2236 = arith.addf %add3A_2204, %get3A_2235 : vector<16xf32>
        %get3A_2237 = arith.index_cast %scan3A_2016 : i32 to index
        %get3A_2238 = arith.constant 848 : index
        %get3A_2239 = tpu.vector_load %arg8[%get3A_2237, %get3A_2238] {strides = array<i32>} : memref<40x1024xf32, #tpu.memory_space<vmem>>, vector<16xf32>,
        %add3A_2240 = arith.addf %add3A_2208, %get3A_2239 : vector<16xf32>
        %get3A_2241 = arith.index_cast %scan3A_2016 : i32 to index
        %get3A_2242 = arith.constant 864 : index
        %get3A_2243 = tpu.vector_load %arg8[%get3A_2241, %get3A_2242] {strides = array<i32>} : memref<40x1024xf32, #tpu.memory_space<vmem>>, vector<16xf32>,
        %add3A_2244 = arith.addf %add3A_2212, %get3A_2243 : vector<16xf32>
        %get3A_2245 = arith.index_cast %scan3A_2016 : i32 to index
        %get3A_2246 = arith.constant 880 : index
        %get3A_2247 = tpu.vector_load %arg8[%get3A_2245, %get3A_2246] {strides = array<i32>} : memref<40x1024xf32, #tpu.memory_space<vmem>>, vector<16xf32>,
        %add3A_2248 = arith.addf %add3A_2216, %get3A_2247 : vector<16xf32>
        %get3A_2249 = arith.index_cast %scan3A_2016 : i32 to index
        %get3A_2250 = arith.constant 896 : index
        %get3A_2251 = tpu.vector_load %arg8[%get3A_2249, %get3A_2250] {strides = array<i32>} : memref<40x1024xf32, #tpu.memory_space<vmem>>, vector<16xf32>,
        %add3A_2252 = arith.addf %add3A_2220, %get3A_2251 : vector<16xf32>
        %get3A_2253 = arith.index_cast %scan3A_2016 : i32 to index
        %get3A_2254 = arith.constant 912 : index
        %get3A_2255 = tpu.vector_load %arg8[%get3A_2253, %get3A_2254] {strides = array<i32>} : memref<40x1024xf32, #tpu.memory_space<vmem>>, vector<16xf32>,
        %add3A_2256 = arith.addf %add3A_2224, %get3A_2255 : vector<16xf32>
        %get3A_2257 = arith.index_cast %scan3A_2016 : i32 to index
        %get3A_2258 = arith.constant 928 : index
        %get3A_2259 = tpu.vector_load %arg8[%get3A_2257, %get3A_2258] {strides = array<i32>} : memref<40x1024xf32, #tpu.memory_space<vmem>>, vector<16xf32>,
        %add3A_2260 = arith.addf %add3A_2228, %get3A_2259 : vector<16xf32>
        %get3A_2261 = arith.index_cast %scan3A_2016 : i32 to index
        %get3A_2262 = arith.constant 944 : index
        %get3A_2263 = tpu.vector_load %arg8[%get3A_2261, %get3A_2262] {strides = array<i32>} : memref<40x1024xf32, #tpu.memory_space<vmem>>, vector<16xf32>,
        %add3A_2264 = arith.addf %add3A_2232, %get3A_2263 : vector<16xf32>
        %get3A_2265 = arith.index_cast %scan3A_2016 : i32 to index
        %get3A_2266 = arith.constant 960 : index
        %get3A_2267 = tpu.vector_load %arg8[%get3A_2265, %get3A_2266] {strides = array<i32>} : memref<40x1024xf32, #tpu.memory_space<vmem>>, vector<16xf32>,
        %add3A_2268 = arith.addf %add3A_2236, %get3A_2267 : vector<16xf32>
        %get3A_2269 = arith.index_cast %scan3A_2016 : i32 to index
        %get3A_2270 = arith.constant 976 : index
        %get3A_2271 = tpu.vector_load %arg8[%get3A_2269, %get3A_2270] {strides = array<i32>} : memref<40x1024xf32, #tpu.memory_space<vmem>>, vector<16xf32>,
        %add3A_2272 = arith.addf %add3A_2240, %get3A_2271 : vector<16xf32>
        %get3A_2273 = arith.index_cast %scan3A_2016 : i32 to index
        %get3A_2274 = arith.constant 992 : index
        %get3A_2275 = tpu.vector_load %arg8[%get3A_2273, %get3A_2274] {strides = array<i32>} : memref<40x1024xf32, #tpu.memory_space<vmem>>, vector<16xf32>,
        %add3A_2276 = arith.addf %add3A_2244, %get3A_2275 : vector<16xf32>
        %get3A_2277 = arith.index_cast %scan3A_2016 : i32 to index
        %get3A_2278 = arith.constant 1008 : index
        %get3A_2279 = tpu.vector_load %arg8[%get3A_2277, %get3A_2278] {strides = array<i32>} : memref<40x1024xf32, #tpu.memory_space<vmem>>, vector<16xf32>,
        %add3A_2280 = arith.addf %add3A_2248, %get3A_2279 : vector<16xf32>
        scf.yield %add3A_2252, %add3A_2256, %add3A_2260, %add3A_2264, %add3A_2268, %add3A_2272, %add3A_2276, %add3A_2280 : vector<16xf32>, vector<16xf32>, vector<16xf32>, vector<16xf32>, vector<16xf32>, vector<16xf32>, vector<16xf32>, vector<16xf32>
      }
      %scan3A_2006 = arith.constant 40 : i32
      %add3A_2007 = arith.addf %scan3A_2005#0, %scan3A_2005#1 : vector<16xf32>
      %add3A_2008 = arith.addf %add3A_2007, %scan3A_2005#2 : vector<16xf32>
      %add3A_2009 = arith.addf %add3A_2008, %scan3A_2005#3 : vector<16xf32>
      %add3A_2010 = arith.addf %add3A_2009, %scan3A_2005#4 : vector<16xf32>
      %add3A_2011 = arith.addf %add3A_2010, %scan3A_2005#5 : vector<16xf32>
      %add3A_2012 = arith.addf %add3A_2011, %scan3A_2005#6 : vector<16xf32>
      %add3A_2013 = arith.addf %add3A_2012, %scan3A_2005#7 : vector<16xf32>
      %swap3A_2014 = arith.constant 0 : index
      %swap3A_2015 = tpu.vector_load %arg10[%swap3A_2014] {strides = array<i32>} : memref<16xf32, #tpu.memory_space<vmem>>, vector<16xf32>,
      tpu.vector_store %arg10[%swap3A_2014], %add3A_2013 {strides = array<i32>} : memref<16xf32, #tpu.memory_space<vmem>>, vector<16xf32>,
    } else {
    }
    %ge3A = arith.constant 8 : i32
    %ge3A_1967 = arith.cmpi sge, %add3A, %ge3A : i32
    %convert_element_type3A_1968 = arith.extui %ge3A_1967 : i1 to i32
    %cond3A_1969 = arith.constant 0 : i32
    %cond3A_1970 = arith.cmpi ne, %convert_element_type3A_1968, %cond3A_1969 : i32
    scf.if %cond3A_1970 {
      %broadcast_in_dim3A_1987 = arith.constant 0.000000e+00 : f32
      %broadcast_in_dim3A_1988 = vector.broadcast %broadcast_in_dim3A_1987 : f32 to vector<16xf32>
      %swap3A_1989 = arith.constant 0 : index
      %swap3A_1990 = tpu.vector_load %arg10[%swap3A_1989] {strides = array<i32>} : memref<16xf32, #tpu.memory_space<vmem>>, vector<16xf32>,
      tpu.vector_store %arg10[%swap3A_1989], %broadcast_in_dim3A_1988 {strides = array<i32>} : memref<16xf32, #tpu.memory_space<vmem>>, vector<16xf32>,
    } else {
    }
    %add3A_1971 = arith.addf %scan3A_1963#0, %scan3A_1963#1 : vector<16xf32>
    %add3A_1972 = arith.addf %add3A_1971, %scan3A_1963#2 : vector<16xf32>
    %add3A_1973 = arith.addf %add3A_1972, %scan3A_1963#3 : vector<16xf32>
    %add3A_1974 = arith.addf %add3A_1973, %scan3A_1963#4 : vector<16xf32>
    %add3A_1975 = arith.addf %add3A_1974, %scan3A_1963#5 : vector<16xf32>
    %add3A_1976 = arith.addf %add3A_1975, %scan3A_1963#6 : vector<16xf32>
    %add3A_1977 = arith.addf %add3A_1976, %scan3A_1963#7 : vector<16xf32>
    %get3A_1978 = arith.constant 0 : index
    %get3A_1979 = tpu.vector_load %arg10[%get3A_1978] {strides = array<i32>} : memref<16xf32, #tpu.memory_space<vmem>>, vector<16xf32>,
    %add3A_1980 = arith.addf %get3A_1979, %add3A_1977 : vector<16xf32>
    %swap3A_1981 = arith.constant 0 : index
    %swap3A_1982 = tpu.vector_load %arg10[%swap3A_1981] {strides = array<i32>} : memref<16xf32, #tpu.memory_space<vmem>>, vector<16xf32>,
    tpu.vector_store %arg10[%swap3A_1981], %add3A_1980 {strides = array<i32>} : memref<16xf32, #tpu.memory_space<vmem>>, vector<16xf32>,
    %mul3A_1983 = arith.constant 16 : i32
    %mul3A_1984 = arith.muli %add3A, %mul3A_1983 : i32
    %add3A_1985 = arith.constant 512 : i32
    %add3A_1986 = arith.addi %add3A_1985, %mul3A_1984 : i32
    "tpu.region"() ({
      %run_scoped3A = tpu.sem_alloc : memref<!tpu.dma_semaphore, #tpu.memory_space<semaphore_mem>>
      %dma_start3A_1987 = tpu.memref_slice %arg4[%add3A_1986] : memref<1024xf32, #tpu.memory_space<hbm>> -> memref<16xf32, #tpu.memory_space<hbm>>
      %dma_start3A_1988 = tpu.memref_slice %arg4[%add3A_1986] : memref<1024xf32, #tpu.memory_space<hbm>> -> memref<16xf32, #tpu.memory_space<hbm>>
      tpu.enqueue_dma source(%arg10 : memref<16xf32, #tpu.memory_space<vmem>>) target(%dma_start3A_1988 : memref<16xf32, #tpu.memory_space<hbm>>) target_semaphore(%run_scoped3A : memref<!tpu.dma_semaphore, #tpu.memory_space<semaphore_mem>>)
      %dma_wait3A_1989 = tpu.memref_slice %arg4[%add3A_1986] : memref<1024xf32, #tpu.memory_space<hbm>> -> memref<16xf32, #tpu.memory_space<hbm>>
      %dma_wait3A_1990 = tpu.memref_slice %arg4[%add3A_1986] : memref<1024xf32, #tpu.memory_space<hbm>> -> memref<16xf32, #tpu.memory_space<hbm>>
      tpu.wait_dma2 semaphore(%run_scoped3A : memref<!tpu.dma_semaphore, #tpu.memory_space<semaphore_mem>>) src(%arg10 : memref<16xf32, #tpu.memory_space<vmem>>) dst(%dma_wait3A_1990 : memref<16xf32, #tpu.memory_space<hbm>>)
      tpu.yield
    }) : () -> ()
    return
  }
}

module attributes {stable_mosaic.version = 14 : i64} {
  func.func @_sum_body(%arg0: i32, %arg1: memref<2000x256xf32, #tpu.memory_space<vmem>>, %arg2: memref<2000x256xf32, #tpu.memory_space<vmem>>, %arg3: memref<2000x256xf32, #tpu.memory_space<vmem>>, %arg4: memref<2000x256xf32, #tpu.memory_space<vmem>>, %arg5: memref<1x1xf32, #tpu.memory_space<smem>>, %arg6: memref<1xf32, #tpu.memory_space<smem>>) attributes {dimension_semantics = [#tpu.dimension_semantics<arbitrary>], iteration_bounds = array<i64: 30>, scalar_prefetch = 0 : i64, scratch_operands = 1 : i64, tpu.core_type = #tpu.core_type<tc>, window_params = [{transform_indices = @transform_0, window_bounds = array<i64: 2000, 256>}, {transform_indices = @transform_1, window_bounds = array<i64: 2000, 256>}, {transform_indices = @transform_2, window_bounds = array<i64: 2000, 256>}, {transform_indices = @transform_3, window_bounds = array<i64: 2000, 256>}, {transform_indices = @transform_4, window_bounds = array<i64: 1, 1>}]} {
    %eq3A = arith.constant 0 : i32
    %eq3A_0 = arith.cmpi eq, %arg0, %eq3A : i32
    %convert_element_type3A = arith.extui %eq3A_0 : i1 to i32
    %cond3A = arith.constant 0 : i32
    %cond3A_1 = arith.cmpi ne, %convert_element_type3A, %cond3A : i32
    scf.if %cond3A_1 {
      %swap3A_28 = arith.constant 0.000000e+00 : f32
      %swap3A_29 = arith.constant 0 : index
      %swap3A_30 = memref.load %arg6[%swap3A_29] : memref<1xf32, #tpu.memory_space<smem>>
      memref.store %swap3A_28, %arg6[%swap3A_29] : memref<1xf32, #tpu.memory_space<smem>>
    } else {
    }
    %get3A = arith.constant 0 : index
    %get3A_2 = memref.load %arg6[%get3A] : memref<1xf32, #tpu.memory_space<smem>>
    %get3A_3 = arith.constant 0 : index
    %get3A_4 = arith.constant 0 : index
    %get3A_5 = vector.load %arg1[%get3A_3, %get3A_4] : memref<2000x256xf32, #tpu.memory_space<vmem>>, vector<2000x256xf32>
    %get3A_6 = arith.constant 0 : index
    %get3A_7 = arith.constant 0 : index
    %get3A_8 = vector.load %arg2[%get3A_6, %get3A_7] : memref<2000x256xf32, #tpu.memory_space<vmem>>, vector<2000x256xf32>
    %add3A = arith.addf %get3A_5, %get3A_8 : vector<2000x256xf32>
    %get3A_9 = arith.constant 0 : index
    %get3A_10 = arith.constant 0 : index
    %get3A_11 = vector.load %arg3[%get3A_9, %get3A_10] : memref<2000x256xf32, #tpu.memory_space<vmem>>, vector<2000x256xf32>
    %get3A_12 = arith.constant 0 : index
    %get3A_13 = arith.constant 0 : index
    %get3A_14 = vector.load %arg4[%get3A_12, %get3A_13] : memref<2000x256xf32, #tpu.memory_space<vmem>>, vector<2000x256xf32>
    %add3A_15 = arith.addf %get3A_11, %get3A_14 : vector<2000x256xf32>
    %add3A_16 = arith.addf %add3A, %add3A_15 : vector<2000x256xf32>
    %reduce_sum3A = vector.shape_cast %add3A_16 : vector<2000x256xf32> to vector<1x2000x256xf32>
    %reduce_sum3A_17 = arith.constant dense<0.000000e+00> : vector<1xf32>
    %reduce_sum3A_18 = vector.multi_reduction <add>, %reduce_sum3A, %reduce_sum3A_17 [1, 2] : vector<1x2000x256xf32> to vector<1xf32>
    %reduce_sum3A_19 = vector.shape_cast %reduce_sum3A_18 : vector<1xf32> to vector<1x1x1xf32>
    %reduce_sum3A_20 = vector.extract %reduce_sum3A_19[0, 0, 0] : f32 from vector<1x1x1xf32>
    %add3A_21 = arith.addf %get3A_2, %reduce_sum3A_20 : f32
    %swap3A = arith.constant 0 : index
    %swap3A_22 = memref.load %arg6[%swap3A] : memref<1xf32, #tpu.memory_space<smem>>
    memref.store %add3A_21, %arg6[%swap3A] : memref<1xf32, #tpu.memory_space<smem>>
    %eq3A_23 = arith.constant 29 : i32
    %eq3A_24 = arith.cmpi eq, %arg0, %eq3A_23 : i32
    %convert_element_type3A_25 = arith.extui %eq3A_24 : i1 to i32
    %cond3A_26 = arith.constant 0 : i32
    %cond3A_27 = arith.cmpi ne, %convert_element_type3A_25, %cond3A_26 : i32
    scf.if %cond3A_27 {
      %get3A_28 = arith.constant 0 : index
      %get3A_29 = memref.load %arg6[%get3A_28] : memref<1xf32, #tpu.memory_space<smem>>
      %swap3A_30 = arith.constant 0 : index
      %swap3A_31 = arith.constant 0 : index
      %swap3A_32 = memref.load %arg5[%swap3A_30, %swap3A_31] : memref<1x1xf32, #tpu.memory_space<smem>>
      memref.store %get3A_29, %arg5[%swap3A_30, %swap3A_31] : memref<1x1xf32, #tpu.memory_space<smem>>
    } else {
    }
    return
  }
  func.func @transform_0(%arg0: i32) -> (i32, i32) {
    %add3A = arith.constant 20 : i32
    %add3A_0 = arith.addi %arg0, %add3A : i32
    %c0_i32 = arith.constant 0 : i32
    %c0_i32_1 = arith.constant 0 : i32
    return %add3A_0, %c0_i32 : i32, i32
  }
  func.func @transform_1(%arg0: i32) -> (i32, i32) {
    %add3A = arith.constant 20 : i32
    %add3A_0 = arith.addi %arg0, %add3A : i32
    %c1_i32 = arith.constant 1 : i32
    %c0_i32 = arith.constant 0 : i32
    return %add3A_0, %c1_i32 : i32, i32
  }
  func.func @transform_2(%arg0: i32) -> (i32, i32) {
    %add3A = arith.constant 20 : i32
    %add3A_0 = arith.addi %arg0, %add3A : i32
    %c2_i32 = arith.constant 2 : i32
    %c0_i32 = arith.constant 0 : i32
    return %add3A_0, %c2_i32 : i32, i32
  }
  func.func @transform_3(%arg0: i32) -> (i32, i32) {
    %add3A = arith.constant 20 : i32
    %add3A_0 = arith.addi %arg0, %add3A : i32
    %c3_i32 = arith.constant 3 : i32
    %c0_i32 = arith.constant 0 : i32
    return %add3A_0, %c3_i32 : i32, i32
  }
  func.func @transform_4(%arg0: i32) -> (i32, i32) {
    %c0_i32 = arith.constant 0 : i32
    %c0_i32_0 = arith.constant 0 : i32
    %c0_i32_1 = arith.constant 0 : i32
    return %c0_i32, %c0_i32_0 : i32, i32
  }
}

module attributes {stable_mosaic.version = 14 : i64} {
  func.func @_combine_body(%arg0: memref<8x128xf32, #tpu.memory_space<vmem>>, %arg1: memref<1x1xf32, #tpu.memory_space<smem>>, %arg2: memref<1x1xf32, #tpu.memory_space<smem>>) attributes {dimension_semantics = [], scalar_prefetch = 0 : i64, scratch_operands = 0 : i64, tpu.core_type = #tpu.core_type<tc>} {
    %get3A = arith.constant 0 : index
    %get3A_0 = arith.constant 0 : index
    %get3A_1 = vector.load %arg0[%get3A, %get3A_0] : memref<8x128xf32, #tpu.memory_space<vmem>>, vector<4x128xf32>
    %reduce_sum3A = vector.shape_cast %get3A_1 : vector<4x128xf32> to vector<1x4x128xf32>
    %reduce_sum3A_2 = arith.constant dense<0.000000e+00> : vector<1xf32>
    %reduce_sum3A_3 = vector.multi_reduction <add>, %reduce_sum3A, %reduce_sum3A_2 [1, 2] : vector<1x4x128xf32> to vector<1xf32>
    %reduce_sum3A_4 = vector.shape_cast %reduce_sum3A_3 : vector<1xf32> to vector<1x1x1xf32>
    %reduce_sum3A_5 = vector.extract %reduce_sum3A_4[0, 0, 0] : f32 from vector<1x1x1xf32>
    %get3A_6 = arith.constant 0 : index
    %get3A_7 = arith.constant 0 : index
    %get3A_8 = memref.load %arg1[%get3A_6, %get3A_7] : memref<1x1xf32, #tpu.memory_space<smem>>
    %get3A_9 = arith.constant 4 : index
    %get3A_10 = arith.constant 0 : index
    %get3A_11 = vector.load %arg0[%get3A_9, %get3A_10] : memref<8x128xf32, #tpu.memory_space<vmem>>, vector<4x128xf32>
    %reduce_sum3A_12 = vector.shape_cast %get3A_11 : vector<4x128xf32> to vector<1x4x128xf32>
    %reduce_sum3A_13 = arith.constant dense<0.000000e+00> : vector<1xf32>
    %reduce_sum3A_14 = vector.multi_reduction <add>, %reduce_sum3A_12, %reduce_sum3A_13 [1, 2] : vector<1x4x128xf32> to vector<1xf32>
    %reduce_sum3A_15 = vector.shape_cast %reduce_sum3A_14 : vector<1xf32> to vector<1x1x1xf32>
    %reduce_sum3A_16 = vector.extract %reduce_sum3A_15[0, 0, 0] : f32 from vector<1x1x1xf32>
    %add3A = arith.addf %get3A_8, %reduce_sum3A_16 : f32
    %mul3A = arith.constant 1.000020e-06 : f32
    %mul3A_17 = arith.mulf %mul3A, %add3A : f32
    %sub3A = arith.constant -1511.82068 : f32
    %sub3A_18 = arith.subf %sub3A, %mul3A_17 : f32
    %mul3A_19 = arith.constant 8.999990e-01 : f32
    %mul3A_20 = arith.mulf %mul3A_19, %reduce_sum3A_5 : f32
    %sub3A_21 = arith.subf %sub3A_18, %mul3A_20 : f32
    %swap3A = arith.constant 0 : index
    %swap3A_22 = arith.constant 0 : index
    %swap3A_23 = memref.load %arg2[%swap3A, %swap3A_22] : memref<1x1xf32, #tpu.memory_space<smem>>
    memref.store %sub3A_21, %arg2[%swap3A, %swap3A_22] : memref<1x1xf32, #tpu.memory_space<smem>>
    return
  }
}

</mosaic_0001>

<sc_bundles>
// kernel: kernel.5.cloned.1.call-start
scs
__scs_entry_jumppad:
0x0: {  	(pc) =	sbr.rel $0x88, $3  }
0x1: {  	(tag) =	ssettag $0x0;
	lr =	simm.s32 $0x1  }
0x2: {  	[smem:$0x3F9F] =	sst lr;
	_ =	strace $0xD0000000  }
0x3: {  	_ = 	snop  }
0x4: {  	_ = 	snop  }
0x5: {  	_ = 	snop  }
0x6: {  	_ = 	snop  }
0x7: {  	_ = 	snop  }
__scs_overlays_trampoline_lowered:
0x8: {  	[smem:$0x3FAE] =	sst s0  }
0x9: {  	[smem:$0x3FAF] =	sst s1  }
0xa: {  	[smem:$0x3FB0] =	sst s2  }
0xb: {  	[smem:$0x3FB1] =	sst s3  }
0xc: {  	[smem:$0x3FB2] =	sst s4  }
0xd: {  	[smem:$0x3FB3] =	sst s5  }
0xe: {  	[smem:$0x3FB4] =	sst s6  }
0xf: {  	[smem:$0x3FB5] =	sst s7  }
0x10: {  	[smem:$0x3FB6] =	sst s8  }
0x11: {  	[smem:$0x3FB7] =	sst s9;
	s0 =	simm.s32 @!p0 $0x0  }
0x12: {  	s1 =	sld [smem:$0x3F9D];
	s0 =	simm.s32 @p0 $0x1  }
0x13: {  	[smem:$0x3FB8] =	sst s0;
	s0 =	simm.s32 @!p1 $0x0  }
0x14: {  	s2 =	sld [smem:$0x3F9C];
	s0 =	simm.s32 @p1 $0x1  }
0x15: {  	[smem:$0x3FB9] =	sst s0;
	s0 =	simm.s32 @!p2 $0x0  }
0x16: {  	s3 =	sld [smem:$0x3FDB];
	s0 =	simm.s32 @p2 $0x1  }
0x17: {  	s4 =	simm.s32 $0x1BF5;
	[smem:$0x3FBB] =	sst s0  }
0x18: {  	s0 =	sld [smem:$0x3F9E];
	_ =	swait.ge [sflag:s4], $0x0  }
0x19: {  	s7 =	sld [smem:$0x3F9F]  }
0x1a: {  	s8 =	sadd.s32 $0xFFFFE003, lr  }
0x1b: {  	s9 =	sadd.s32 $0xFFFFFEF7, lr;
	s5 =	simm.s32 $0xFFFFFFFF;
	p2 =	slt.u32 s8, $0xFFFFF086  }
0x1c: {  	p1 =	slt.u32 s9, $0xF7A;
	s5 =	simm.s32 @!p2 $0x0  }
0x1d: {  	s5 =	simm.s32 @p1 $0x1;
	p0 =	seq.s32 s7, s2  }
0x1e: {  	s7 =	smul.u32 @!p0 $0xF7A, s2;
	p2 =	seq.s32 @!p0 s5, $0x0  }
0x1f: {  	s9 =	smul.u32 $0xF7A, s1;
	s8 =	simm.s32 @!p0 $0x1BF5;
	p2 =	por !p2, p0  }
0x20: {  	[sflag:s8] =	ssyncset.s32 @!p0 $0xFFFFF086;
	s6 =	sadd.s32 @!p0 s3, s7;
	s7 =	simm.s32 @!p0 $0x108  }
0x21: {  	s3 =	sadd.s32 s3, s9;
	s6 =	sadd.s32 @!p0 $0x88, s6;
	s7 =	simm.s32 @p2 $0x1082  }
0x22: {  	[simem:s7], [sflag:s8] =	dma.local @!p0 [hbm:s6], $0xF7A  }
0x23: {  	s9 =	sor.u32 $0xD0000000, s2;
	s6 =	simm.s32 $0x108;
	_ =	swait.ge @!p0 [sflag:s8], $0x0  }
0x24: {  	s3 =	sadd.s32 $0x88, s3;
	s6 =	simm.s32 @!p1 $0x1082;
	[sflag:s4] =	ssyncset.s32 $0xFFFFF086  }
0x25: {  	[simem:s6], [sflag:s4] =	dma.local [hbm:s3], $0xF7A  }
0x26: {  	[smem:$0x3F9F] =	sst s1;
	(tag) =	ssettag s2;
	_ =	strace s9  }
0x27: {  	s1 =	sld [smem:$0x3FAF]  }
0x28: {  	s2 =	sld [smem:$0x3FB0]  }
0x29: {  	s4 =	sld [smem:$0x3FB2]  }
0x2a: {  	p0 =	seq.s32 s5, $0x0;
	s5 =	sld [smem:$0x3FB3]  }
0x2b: {  	s6 =	sld [smem:$0x3FB4]  }
0x2c: {  	s7 =	sld [smem:$0x3FB5]  }
0x2d: {  	s3 =	simm.s32 $0x108;
	s8 =	sld [smem:$0x3FB6]  }
0x2e: {  	s3 =	simm.s32 @!p0 $0x1082;
	s9 =	sld [smem:$0x3FB7]  }
0x2f: {  	lr =	sadd.s32 s0, s3;
	s0 =	sld [smem:$0x3FAE]  }
0x30: {  	s3 =	sld [smem:$0x3FB1]  }
0x31: {  	[smem:$0x3FBA] =	sst s10  }
0x32: {  	s10 =	sld [smem:$0x3FB8];
	_ =	sdelay $0x3  }
0x33: {  	p0 =	seq.s32 s10, $0x1;
	s10 =	sld [smem:$0x3FBA];
	_ =	sdelay $0x3  }
0x34: {  	[smem:$0x3FBA] =	sst s10  }
0x35: {  	s10 =	sld [smem:$0x3FB9];
	_ =	sdelay $0x3  }
0x36: {  	p1 =	seq.s32 s10, $0x1;
	s10 =	sld [smem:$0x3FBA];
	_ =	sdelay $0x3  }
0x37: {  	[smem:$0x3FBA] =	sst s10  }
0x38: {  	s10 =	sld [smem:$0x3FBB]  }
0x39: {  	_ = 	snop;
	(pc) =	sbr.ind lr, $3  }
0x3a: {  	_ = 	snop  }
0x3b: {  	_ = 	snop  }
0x3c: {  	p2 =	seq.s32 s10, $0x1;
	s10 =	sld [smem:$0x3FBA]  }
0x3d: {  	_ =	shalt  }
0x3e: {  	_ =	shalt  }
0x3f: {  	_ =	shalt  }
0x40: {  	_ =	shalt  }
0x41: {  	_ =	shalt  }
0x42: {  	_ =	shalt  }
0x43: {  	_ =	shalt  }
0x44: {  	_ =	shalt  }
0x45: {  	_ =	shalt  }
0x46: {  	_ =	shalt  }
0x47: {  	_ =	shalt  }
0x48: {  	_ =	shalt  }
0x49: {  	_ =	shalt  }
0x4a: {  	_ =	shalt  }
0x4b: {  	_ =	shalt  }
0x4c: {  	_ =	shalt  }
0x4d: {  	_ =	shalt  }
0x4e: {  	_ =	shalt  }
0x4f: {  	_ =	shalt  }
0x50: {  	_ =	shalt  }
0x51: {  	_ =	shalt  }
0x52: {  	_ =	shalt  }
0x53: {  	_ =	shalt  }
0x54: {  	_ =	shalt  }
0x55: {  	_ =	shalt  }
0x56: {  	_ =	shalt  }
0x57: {  	_ =	shalt  }
0x58: {  	_ =	shalt  }
0x59: {  	_ =	shalt  }
0x5a: {  	_ =	shalt  }
0x5b: {  	_ =	shalt  }
0x5c: {  	_ =	shalt  }
0x5d: {  	_ =	shalt  }
0x5e: {  	_ =	shalt  }
0x5f: {  	_ =	shalt  }
0x60: {  	_ =	shalt  }
0x61: {  	_ =	shalt  }
0x62: {  	_ =	shalt  }
0x63: {  	_ =	shalt  }
0x64: {  	_ =	shalt  }
0x65: {  	_ =	shalt  }
0x66: {  	_ =	shalt  }
0x67: {  	_ =	shalt  }
0x68: {  	_ =	shalt  }
0x69: {  	_ =	shalt  }
0x6a: {  	_ =	shalt  }
0x6b: {  	_ =	shalt  }
0x6c: {  	_ =	shalt  }
0x6d: {  	_ =	shalt  }
0x6e: {  	_ =	shalt  }
0x6f: {  	_ =	shalt  }
0x70: {  	_ =	shalt  }
0x71: {  	_ =	shalt  }
0x72: {  	_ =	shalt  }
0x73: {  	_ =	shalt  }
0x74: {  	_ =	shalt  }
0x75: {  	_ =	shalt  }
0x76: {  	_ =	shalt  }
0x77: {  	_ =	shalt  }
0x78: {  	_ =	shalt  }
0x79: {  	_ =	shalt  }
0x7a: {  	_ =	shalt  }
0x7b: {  	_ =	shalt  }
0x7c: {  	_ =	shalt  }
0x7d: {  	_ =	shalt  }
0x7e: {  	_ =	shalt  }
0x7f: {  	_ =	shalt  }
0x80: {  	_ =	shalt  }
0x81: {  	_ =	shalt  }
0x82: {  	_ =	shalt  }
0x83: {  	_ =	shalt  }
0x84: {  	_ =	shalt  }
0x85: {  	_ =	shalt  }
0x86: {  	_ =	shalt  }
0x87: {  	_ =	shalt  }
.Lfunc_end0:
.L_simem_size_0:
called_computation_lowered:
.L_overlay_start_0:
0x88: {  	s2 =	sld [smem:$0x3FD9]  }
0x89: {  	s3 =	sld [smem:$0x3FFE];
	_ =	sdelay $0x1  }
0x8a: {  	s1 =	srdreg.scid  }
0x8b: {  	s0 =	sand.u32 $0x1, s1  }
0x8c: {  	s17 =	sshll.u32 s0, $0xA;
	s2 =	sadd.s32 s3, s2  }
0x8d: {  	s2 =	sadd.s32 s2, s17  }
0x8e: {  	[smem:$0x3FC6] =	sst s2  }
0x8f: {  	_ = 	snop  }
0x90: {  	s2 =	sld [smem:$0x3FC9]  }
0x91: {  	s18 =	sld [smem:$0x3FC8];
	(tm) =	ssettm $0x1  }
0x92: {  	s4 =	sld [smem:$0x3FFB];
	_ =	sdelay $0x3  }
0x93: {  	_ =	strace s4  }
0x94: {  	s4 =	sld [smem:$0x3FFC];
	_ =	sdelay $0x3  }
0x95: {  	_ =	strace s4  }
0x96: {  	s4 =	sld [smem:$0x3FFD];
	_ =	sdelay $0x3  }
0x97: {  	_ =	strace s4  }
0x98: {  	_ =	strace $0x8FFFFFFF  }
0x99: {  	s19 =	sld [smem:$0x3FDB];
	_ =	sdelay $0x1  }
0x9a: {  	s5 =	simm.s32 $_scs_section_size  }
0x9b: {  	s6 =	simm.s32 $_size__tile_overlayer_lowered;
	s7 =	simm.s32 $_tile_overlayer_lowered  }
0x9c: {  	s22 =	simm.s32 $0x1BFF;
	s21 =	sshll.u32 s7, $0x1;
	s4 =	sadd.s32 s5, s19  }
0x9d: {  	s8 =	simm.s32 $0x0;
	s20 =	sshll.u32 s6, $0x1;
	s6 =	sadd.s32 s21, s4  }
0x9e: {  	[timem:s8], [sflag:s22] =	dma.local [hbm:s6], s20  }
0x9f: {  	_ =	swait.ge [sflag:s22], s20  }
0xa0: {  	s5 =	ssub.s32 $0x0, s20;
	[sflag:s22] =	ssyncset.done $0x0  }
0xa1: {  	[sflag:s22] =	ssyncadd.s32 s5;
	_ =	sdelay $0x1  }
0xa2: {  	s23 =	simm.s32 $0x1B8B  }
0xa3: {  	_ =	swait.ge [sflag:s23], $0x1  }
0xa4: {  	[sflag:s23] =	ssyncset.done $0x0  }
0xa5: {  	s25 =	simm.s32 $0x1B8E;
	s24 =	sld [smem:$0x3FFE];
	[sflag:s23] =	ssyncadd.s32 $0xFFFFFFFF  }
0xa6: {  	s26 =	simm.s32 $execute0_lowered;
	[smem:$0x3FD2] =	sst s25  }
0xa7: {  	s6 =	sshll.u32 s26, $0x1;
	_ =	strace $0x80000046;
	[dreg:$0x1] =	wrdreg $0xFFFFFFFF  }
0xa8: {  	s28 =	simm.s32 $_size_execute0_lowered;
	s4 =	sadd.s32 s4, s6;
	[dreg:$0x0] =	wrdreg $0x0  }
0xa9: {  	s6 =	sshll.u32 s28, $0x1;
	[dreg:$0x2] =	wrdreg s4  }
0xaa: {  	[dreg:$0x3] =	wrdreg s6  }
0xab: {  	[dreg:$0x4] =	wrdreg $0xC0  }
0xac: {  	_ =	task [dreg:s8], $0x5FFFF  }
0xad: {  	[dreg:$0x1] =	wrdreg $0xFFFFFFFF  }
0xae: {  	[dreg:$0x0] =	wrdreg $0x60  }
0xaf: {  	[dreg:$0x2] =	wrdreg s2  }
0xb0: {  	[dreg:$0x3] =	wrdreg s18  }
0xb1: {  	[dreg:$0x4] =	wrdreg s24  }
0xb2: {  	[dreg:$0x5] =	wrdreg $0x9  }
0xb3: {  	_ =	task.clear_ibuf [dreg:s8], $0x6FFFF;
	_ =	strace $0x90000046  }
0xb4: {  	s29 =	simm.s32 $0x9;
	_ =	strace $0x80000048  }
0xb5: {  	_ =	swait.ge [sflag:s29], $0x1  }
0xb6: {  	[sflag:s29] =	ssyncadd.s32 $0xFFFFFFFF  }
0xb7: {  	_ =	strace $0x90000048  }
0xb8: {  	_ =	sfence  }
0xb9: {  	s30 =	sld [smem:$0x0];
	_ =	sdelay $0x2  }
0xba: {  	s31 =	sshll.u32 s1, $0xD;
	s1 =	sshrl.u32 s1, $0x2  }
0xbb: {  	s3 =	sand.u32 $0x4000, s31;
	s1 =	sadd.s32 s1, s30  }
0xbc: {  	s0 =	sor.u32 s3, s0;
	s1 =	sshll.u32 s1, $0x11  }
0xbd: {  	s0 =	sor.u32 s1, s0  }
0xbe: {  	s0 =	sadd.s32 $0x8F2B, s0  }
0xbf: {  	[sflag:s0] =	ssyncadd.remote.s32 $0x1  }
0xc0: {  	_ =	sfence.sel $0xFFFF  }
0xc1: {  	[dreg:$0x0] =	wrdreg $0xFFFFFFFF;
	(pc) =	sbr.abs _section_cstart, $3  }
0xc2: {  	[dreg:$0x1] =	wrdreg $0xFFFFFFFF  }
0xc3: {  	_ =	task.clear_ibuf [dreg:s8], $0x2FFFF;
	_ =	strace $0x9FFFFFFF  }
0xc4: {  	(tm) =	ssettm $0x7FFFFFFF  }
0xc5: {  	_ =	shalt  }
tec
execute0_lowered:
.L_overlay_start_1:
0x0: {  	(tag) =	ssettag $0x1  }
0x1: {  	s1 =	rddreg [dreg:$0x0]  }
0x2: {  	s0 =	rddreg [dreg:$0x1]  }
0x3: {  	s2 =	rddreg [dreg:$0x2]  }
0x4: {  	s3 =	srdreg.scid;
	s10 =	stileid.u32;
	s17 =	simm.s32 $0x0  }
0x5: {  	s15 =	simm.s32 $0x4;
	s30 =	simm.s32 $0x1;
	s16 =	simm.s32 $0x3  }
0x6: {  	s3 =	sand.u32 $0x1, s3;
	s4 =	sshll.u32 s10, $0x1;
	[smem:$0x7FF] =	sst s17  }
0x7: {  	s7 =	sshll.u32 s10, $0x9;
	s13 =	sadd.s32 $0x28000, s1;
	p0 =	sgt.u32 s10, $0x3  }
0x8: {  	s4 =	sor.u32 s3, s4;
	s3 =	ssub.s32 $0x2, s3;
	_ =	strace $0x80000047  }
0x9: {  	s5 =	sshll.u32 s4, $0x1;
	s6 =	sshrl.u32 s3, $0x1;
	s8 =	smul.u32 $0xA000, s4  }
0xa: {  	s24 =	sshll.u32 s4, $0x5;
	s25 =	sshll.u32 s4, $0x2;
	s28 =	smul.u32 $0x1400, s4  }
0xb: {  	s2 =	sadd.s32 s5, s2;
	s3 =	ssub.s32 s3, s6;
	s0 =	sadd.s32 s0, s25  }
0xc: {  	s6 =	sand.u32 $0x1C00, s7;
	s26 =	sand.u32 $0x60, s24;
	[dreg:$0x4] =	wrdreg s0  }
0xd: {  	vm0 =	vmmov $0x1;
	vm1 =	vcmask $0x308;
	vm2 =	vcmask $0x70C;
	s5 =	sor.u32 $0x80, s26;
	s8 =	sshrl.u32 s8, $0x3;
	s9 =	sadd.s32 $0x600, s2  }
.Ltmp0:
0xe: {  	vm3 =	vcmask $0xB10;
	vm4 =	vcmask $0xF14;
	vm5 =	vcmask $0x1318;
	s7 =	sadd.s32 s1, s28;
	[dreg:$0x5] =	wrdreg s9;
	(pc) =	sbr.rel .LBB2_1-.Ltmp0, $4  }
0xf: {  	vm6 =	vcmask $0x171C;
	vm7 =	vcmask $0x1B20;
	vm8 =	vcmask $0x1F24;
	s0 =	sor.u32 $0x90, s26;
	s2 =	sadd.s32 $0x640, s2;
	[dreg:$0x6] =	wrdreg s7  }
0x10: {  	vm9 =	vcmask $0x2328;
	vm10 =	vcmask $0x272C;
	s31 =	smax.u32 s3, $0x1;
	s8 =	sadd.s32 s1, s8;
	[dreg:$0x8] =	wrdreg s2;
	v0 =	vmov s5  }
0x11: {  	vm11 =	vcmask $0x2B30;
	vm12 =	vcmask $0x2F34;
	s9 =	sor.u32 $0x40, s4;
	[dreg:$0x9] =	wrdreg s31;
	v63 =	vmov s0;
	s29 =	sadd.s32 $0x4D8000, s8;
	[tilespmem:$0x1FFE0] =	vst v0  }
0x12: {  	vm13 =	vcmask $0x3338;
	vm14 =	vcmask $0x373C;
	vm15 =	vmmov $0x7fff;
	s2 =	simm.s32 $0x2;
	s5 =	simm.s32 $0x0;
	[tilespmem:$0x1FFF0] =	vst v63;
	[dreg:$0x7] =	wrdreg s29  }
.LBB2_13:
0x13: {  	v0 =	vadd.f32 v7, v6;
	_ =	sdelay $0x1  }
0x14: {  	v0 =	vadd.f32 v8, v0;
	_ =	sdelay $0x1  }
0x15: {  	v0 =	vadd.f32 v9, v0;
	_ =	sdelay $0x1  }
0x16: {  	v0 =	vadd.f32 v2, v0;
	_ =	sdelay $0x1  }
0x17: {  	v0 =	vadd.f32 v3, v0;
	_ =	sdelay $0x1  }
0x18: {  	v0 =	vadd.f32 v4, v0;
	_ =	sdelay $0x1  }
0x19: {  	v0 =	vadd.f32 v5, v0;
	_ =	sdelay $0x1  }
0x1a: {  	v0 =	vadd.f32 v10, v0;
	_ =	sdelay $0x1  }
0x1b: {  	s0 =	rddreg [dreg:$0x8];
	s3 =	simm.s32 $0x1C100;
	[tilespmem:$0x1C100] =	vst v0  }
0x1c: {  	[hbm4b:s0+s17] =	stream.linear.scatter [tilespmem:s3], [sflag:$0x4], $0x10, $0x38;
	[tilespmem:$0x1C180] =	vst v63  }
0x1d: {  	_ =	swait.ge [sflag:s15], $0x10  }
0x1e: {  	s5 =	sadd.s32 $0x1, s5;
	s31 =	rddreg [dreg:$0x9]  }
0x1f: {  	p1 =	sne.s32 s5, s31  }
.Ltmp1:
0x20: {  	_ = 	snop;
	(pc) =	sbr.rel @!p1 .LBB2_14-.Ltmp1, $3  }
0x21: {  	_ =	sdelay $0x1  }
0x22: {  	[sflag:s15] =	ssyncset.done $0x0  }
0x23: {  	[sflag:s15] =	ssyncadd.s32 $0xFFFFFFF0  }
.LBB2_1:
0x24: {  	[dreg:$0xa] =	wrdreg s5  }
0x25: {  	s0 =	rddreg [dreg:$0x4]  }
0x26: {  	[tilespmem:s17], [sflag:$0x4] =	stream.linear.gather [hbm4b:s0+s17], $0x20, $0x38;
	[tilespmem:$0x1C180] =	vst v63  }
0x27: {  	_ =	swait.ge [sflag:s15], $0x20  }
0x28: {  	[sflag:s15] =	ssyncset.done $0x0  }
0x29: {  	[sflag:s15] =	ssyncadd.s32 $0xFFFFFFE0  }
0x2a: {  	v2 =	vld [tilespmem:$0x0];
	_ =	sdelay $0x4  }
0x2b: {  	v3 =	vnsel vm0, $0x0, v2  }
0x2c: {  	(xrf0) =	vadd.scan.msk.s32 $0xffff, v3;
	_ =	sdelay $0x5  }
0x2d: {  	v4 =	vsel vm1, $0x0, v2;
	v3, _, _ =	vpop (xrf0)  }
0x2e: {  	(xrf0) =	vadd.scan.msk.s32 $0xffff, v4;
	(v2sf) =	vpush v3, $0xF;
	_ =	sdelay $0x4  }
0x2f: {  	v4 =	vsel vm2, $0x0, v2  }
0x30: {  	v3, _, _ =	vpop (xrf0);
	(xrf0) =	vadd.scan.msk.s32 $0xffff, v4  }
0x31: {  	(v2sf) =	vpush v3, $0xF;
	_ =	sdelay $0x3  }
0x32: {  	v4 =	vsel vm3, $0x0, v2  }
0x33: {  	v3, _, _ =	vpop (xrf0);
	(xrf0) =	vadd.scan.msk.s32 $0xffff, v4;
	_ =	sdelay $0x1  }
0x34: {  	(v2sf) =	vpush v3, $0xF  }
0x35: {  	s10 =	spop (v2sf)  }
0x36: {  	s0 =	sshll.u32 s10, $0xA  }
0x37: {  	s0 =	sand.u32 $0x7FFFE000, s0  }
0x38: {  	v3, _, _ =	vpop (xrf0);
	s0 =	sor.u32 s6, s0  }
0x39: {  	(v2sf) =	vpush v3, $0xF;
	v3 =	vsel vm4, $0x0, v2;
	s0 =	sshrl.u32 s0, $0x3  }
0x3a: {  	s3 =	simm.s32 $0x80;
	(xrf0) =	vadd.scan.msk.s32 $0xffff, v3;
	s0 =	sadd.s32 s1, s0  }
0x3b: {  	[tilespmem:s3], [sflag:$0x1] =	stream.linear.gather [hbm4b:s0+s17], $0x400, $0x38;
	[tilespmem:$0x1C180] =	vst v63  }
0x3c: {  	s11 =	spop (v2sf)  }
0x3d: {  	s0 =	sshll.u32 s11, $0xA  }
0x3e: {  	s0 =	sand.u32 $0x7FFFE000, s0  }
0x3f: {  	v4 =	vsel vm5, $0x0, v2;
	s0 =	sor.u32 s6, s0  }
0x40: {  	s0 =	sshrl.u32 s0, $0x3;
	v3, _, _ =	vpop (xrf0);
	(xrf0) =	vadd.scan.msk.s32 $0xffff, v4  }
0x41: {  	s12 =	simm.s32 $0x480;
	s0 =	sadd.s32 s1, s0;
	(v2sf) =	vpush v3, $0xF  }
0x42: {  	[tilespmem:s12], [sflag:$0x1] =	stream.linear.gather [hbm4b:s0+s17], $0x400, $0x38;
	[tilespmem:$0x1C180] =	vst v63  }
0x43: {  	s14 =	spop (v2sf)  }
0x44: {  	s0 =	sshll.u32 s14, $0xA  }
0x45: {  	v4 =	vsel vm6, $0x0, v2;
	s0 =	sand.u32 $0x7FFFE000, s0  }
0x46: {  	s0 =	sor.u32 s6, s0;
	v3, _, _ =	vpop (xrf0);
	(xrf0) =	vadd.scan.msk.s32 $0xffff, v4  }
0x47: {  	s0 =	sshrl.u32 s0, $0x3  }
0x48: {  	s15 =	simm.s32 $0x880;
	s0 =	sadd.s32 s1, s0;
	s18 =	spop (v2sf);
	(v2sf) =	vpush v3, $0xF  }
0x49: {  	[tilespmem:s15], [sflag:$0x1] =	stream.linear.gather [hbm4b:s0+s17], $0x400, $0x38;
	[tilespmem:$0x1C180] =	vst v63  }
0x4a: {  	s0 =	sshll.u32 s18, $0xA  }
0x4b: {  	v4 =	vsel vm7, $0x0, v2;
	s0 =	sand.u32 $0x7FFFE000, s0  }
0x4c: {  	s0 =	sor.u32 s6, s0;
	v3, _, _ =	vpop (xrf0);
	(xrf0) =	vadd.scan.msk.s32 $0xffff, v4  }
0x4d: {  	s0 =	sshrl.u32 s0, $0x3;
	(v2sf) =	vpush v3, $0xF  }
0x4e: {  	s19 =	simm.s32 $0xC80;
	s0 =	sadd.s32 s1, s0  }
0x4f: {  	[tilespmem:s19], [sflag:$0x1] =	stream.linear.gather [hbm4b:s0+s17], $0x400, $0x38;
	[tilespmem:$0x1C180] =	vst v63  }
0x50: {  	s20 =	spop (v2sf)  }
0x51: {  	s0 =	sshll.u32 s20, $0xA  }
0x52: {  	s0 =	sand.u32 $0x7FFFE000, s0;
	v3, _, _ =	vpop (xrf0)  }
0x53: {  	s0 =	sor.u32 s6, s0;
	(v2sf) =	vpush v3, $0xF;
	v3 =	vsel vm8, $0x0, v2  }
0x54: {  	s0 =	sshrl.u32 s0, $0x3;
	(xrf0) =	vadd.scan.msk.s32 $0xffff, v3  }
0x55: {  	s21 =	simm.s32 $0x1080;
	s0 =	sadd.s32 s1, s0  }
0x56: {  	[tilespmem:s21], [sflag:$0x1] =	stream.linear.gather [hbm4b:s0+s17], $0x400, $0x38;
	[tilespmem:$0x1C180] =	vst v63  }
0x57: {  	s22 =	spop (v2sf)  }
0x58: {  	s0 =	sshll.u32 s22, $0xA  }
0x59: {  	v4 =	vsel vm9, $0x0, v2;
	s0 =	sand.u32 $0x7FFFE000, s0  }
0x5a: {  	s0 =	sor.u32 s6, s0;
	v3, _, _ =	vpop (xrf0);
	(xrf0) =	vadd.scan.msk.s32 $0xffff, v4  }
0x5b: {  	s0 =	sshrl.u32 s0, $0x3;
	(v2sf) =	vpush v3, $0xF  }
0x5c: {  	s23 =	simm.s32 $0x1480;
	s0 =	sadd.s32 s1, s0;
	s24 =	spop (v2sf)  }
0x5d: {  	[tilespmem:s23], [sflag:$0x1] =	stream.linear.gather [hbm4b:s0+s17], $0x400, $0x38;
	[tilespmem:$0x1C180] =	vst v63  }
0x5e: {  	s0 =	sshll.u32 s24, $0xA  }
0x5f: {  	v4 =	vsel vm10, $0x0, v2;
	s0 =	sand.u32 $0x7FFFE000, s0  }
0x60: {  	s0 =	sor.u32 s6, s0;
	v3, _, _ =	vpop (xrf0);
	(xrf0) =	vadd.scan.msk.s32 $0xffff, v4  }
0x61: {  	s0 =	sshrl.u32 s0, $0x3  }
0x62: {  	s25 =	simm.s32 $0x1880;
	s0 =	sadd.s32 s1, s0;
	s26 =	spop (v2sf);
	(v2sf) =	vpush v3, $0xF  }
0x63: {  	[tilespmem:s25], [sflag:$0x1] =	stream.linear.gather [hbm4b:s0+s17], $0x400, $0x38;
	[tilespmem:$0x1C180] =	vst v63  }
0x64: {  	s0 =	sshll.u32 s26, $0xA  }
0x65: {  	v4 =	vsel vm11, $0x0, v2;
	s0 =	sand.u32 $0x7FFFE000, s0  }
0x66: {  	s0 =	sor.u32 s6, s0;
	v3, _, _ =	vpop (xrf0);
	(xrf0) =	vadd.scan.msk.s32 $0xffff, v4  }
0x67: {  	s0 =	sshrl.u32 s0, $0x3;
	(v2sf) =	vpush v3, $0xF  }
0x68: {  	s28 =	simm.s32 $0x1C80;
	s0 =	sadd.s32 s1, s0  }
0x69: {  	[tilespmem:s28], [sflag:$0x1] =	stream.linear.gather [hbm4b:s0+s17], $0x400, $0x38;
	[tilespmem:$0x1C180] =	vst v63  }
0x6a: {  	s29 =	spop (v2sf)  }
0x6b: {  	s0 =	sshll.u32 s29, $0xA  }
0x6c: {  	s0 =	sand.u32 $0x7FFFE000, s0;
	v3, _, _ =	vpop (xrf0)  }
0x6d: {  	s0 =	sor.u32 s6, s0;
	(v2sf) =	vpush v3, $0xF;
	v3 =	vsel vm12, $0x0, v2  }
0x6e: {  	s0 =	sshrl.u32 s0, $0x3;
	(xrf0) =	vadd.scan.msk.s32 $0xffff, v3  }
0x6f: {  	s31 =	simm.s32 $0x2080;
	s0 =	sadd.s32 s1, s0  }
0x70: {  	[tilespmem:s31], [sflag:$0x1] =	stream.linear.gather [hbm4b:s0+s17], $0x400, $0x38;
	[tilespmem:$0x1C180] =	vst v63  }
0x71: {  	s5 =	spop (v2sf)  }
0x72: {  	s0 =	sshll.u32 s5, $0xA  }
0x73: {  	v4 =	vsel vm13, $0x0, v2;
	s0 =	sand.u32 $0x7FFFE000, s0  }
0x74: {  	s0 =	sor.u32 s6, s0;
	v3, _, _ =	vpop (xrf0);
	(xrf0) =	vadd.scan.msk.s32 $0xffff, v4  }
0x75: {  	s0 =	sshrl.u32 s0, $0x3;
	(v2sf) =	vpush v3, $0xF  }
0x76: {  	s7 =	simm.s32 $0x2480;
	s0 =	sadd.s32 s1, s0;
	s8 =	spop (v2sf)  }
0x77: {  	[tilespmem:s7], [sflag:$0x1] =	stream.linear.gather [hbm4b:s0+s17], $0x400, $0x38;
	[tilespmem:$0x1C180] =	vst v63  }
0x78: {  	s0 =	sshll.u32 s8, $0xA  }
0x79: {  	v4 =	vsel vm14, $0x0, v2;
	s0 =	sand.u32 $0x7FFFE000, s0  }
0x7a: {  	s0 =	sor.u32 s6, s0;
	v3, _, _ =	vpop (xrf0);
	(xrf0) =	vadd.scan.msk.s32 $0xffff, v4  }
0x7b: {  	[dreg:$0xb] =	wrdreg s10;
	s10 =	simm.s32 $0x2880;
	s0 =	sshrl.u32 s0, $0x3  }
0x7c: {  	[dreg:$0xc] =	wrdreg s11;
	s0 =	sadd.s32 s1, s0;
	s11 =	spop (v2sf);
	(v2sf) =	vpush v3, $0xF  }
0x7d: {  	[tilespmem:s10], [sflag:$0x1] =	stream.linear.gather [hbm4b:s0+s17], $0x400, $0x38;
	[tilespmem:$0x1C180] =	vst v63  }
0x7e: {  	s0 =	sshll.u32 s11, $0xA  }
0x7f: {  	s0 =	sand.u32 $0x7FFFE000, s0  }
0x80: {  	s0 =	sor.u32 s6, s0;
	v3, _, _ =	vpop (xrf0)  }
0x81: {  	v2 =	vsel vm15, $0x0, v2;
	s0 =	sshrl.u32 s0, $0x3;
	(v2sf) =	vpush v3, $0xF  }
0x82: {  	s12 =	simm.s32 $0x2C80;
	(xrf0) =	vadd.scan.msk.s32 $0xffff, v2;
	s0 =	sadd.s32 s1, s0  }
0x83: {  	[tilespmem:s12], [sflag:$0x1] =	stream.linear.gather [hbm4b:s0+s17], $0x400, $0x38;
	[tilespmem:$0x1C180] =	vst v63  }
0x84: {  	s10 =	spop (v2sf)  }
0x85: {  	[dreg:$0xd] =	wrdreg s14;
	s14 =	sshll.u32 s10, $0xA  }
0x86: {  	s0 =	sand.u32 $0x7FFFE000, s14  }
0x87: {  	s0 =	sor.u32 s6, s0  }
0x88: {  	v2, _, _ =	vpop (xrf0);
	s0 =	sshrl.u32 s0, $0x3  }
0x89: {  	s15 =	simm.s32 $0x3080;
	(v2sf) =	vpush v2, $0xF;
	s0 =	sadd.s32 s1, s0  }
0x8a: {  	[tilespmem:s15], [sflag:$0x1] =	stream.linear.gather [hbm4b:s0+s17], $0x400, $0x38;
	[tilespmem:$0x1C180] =	vst v63  }
0x8b: {  	[dreg:$0x14] =	wrdreg s5;
	s5 =	spop (v2sf)  }
0x8c: {  	[dreg:$0xe] =	wrdreg s18;
	s18 =	sshll.u32 s5, $0xA  }
0x8d: {  	s0 =	sand.u32 $0x7FFFE000, s18  }
0x8e: {  	s0 =	sor.u32 s6, s0  }
0x8f: {  	s0 =	sshrl.u32 s0, $0x3  }
0x90: {  	s19 =	simm.s32 $0x3480;
	s0 =	sadd.s32 s1, s0;
	s7 =	spop (v2sf)  }
0x91: {  	[tilespmem:s19], [sflag:$0x1] =	stream.linear.gather [hbm4b:s0+s17], $0x400, $0x38;
	[tilespmem:$0x1C180] =	vst v63  }
0x92: {  	[dreg:$0xf] =	wrdreg s20;
	s20 =	sshll.u32 s7, $0xA  }
0x93: {  	s0 =	sand.u32 $0x7FFFE000, s20  }
0x94: {  	s0 =	sor.u32 s6, s0  }
0x95: {  	s0 =	sshrl.u32 s0, $0x3  }
0x96: {  	s21 =	simm.s32 $0x3880;
	s0 =	sadd.s32 s1, s0  }
0x97: {  	[tilespmem:s21], [sflag:$0x1] =	stream.linear.gather [hbm4b:s0+s17], $0x400, $0x38;
	[tilespmem:$0x1C180] =	vst v63  }
0x98: {  	[dreg:$0x15] =	wrdreg s8;
	s8 =	spop (v2sf)  }
0x99: {  	[dreg:$0x10] =	wrdreg s22;
	s22 =	sshll.u32 s8, $0xA  }
0x9a: {  	s0 =	sand.u32 $0x7FFFE000, s22  }
0x9b: {  	s0 =	sor.u32 s6, s0  }
0x9c: {  	s0 =	sshrl.u32 s0, $0x3  }
0x9d: {  	s23 =	simm.s32 $0x3C80;
	s0 =	sadd.s32 s1, s0  }
0x9e: {  	[tilespmem:s23], [sflag:$0x1] =	stream.linear.gather [hbm4b:s0+s17], $0x400, $0x38;
	[tilespmem:$0x1C180] =	vst v63  }
0x9f: {  	v2 =	vld [tilespmem:$0x10];
	_ =	sdelay $0x4  }
0xa0: {  	v3 =	vnsel vm0, $0x0, v2  }
0xa1: {  	(xrf0) =	vadd.scan.msk.s32 $0xffff, v3;
	_ =	sdelay $0x5  }
0xa2: {  	v4 =	vsel vm1, $0x0, v2;
	v3, _, _ =	vpop (xrf0)  }
0xa3: {  	(xrf0) =	vadd.scan.msk.s32 $0xffff, v4;
	(v2sf) =	vpush v3, $0xF;
	_ =	sdelay $0x4  }
0xa4: {  	v4 =	vsel vm2, $0x0, v2  }
0xa5: {  	v3, _, _ =	vpop (xrf0);
	(xrf0) =	vadd.scan.msk.s32 $0xffff, v4  }
0xa6: {  	(v2sf) =	vpush v3, $0xF;
	_ =	sdelay $0x3  }
0xa7: {  	v4 =	vsel vm3, $0x0, v2  }
0xa8: {  	v3, _, _ =	vpop (xrf0);
	(xrf0) =	vadd.scan.msk.s32 $0xffff, v4;
	_ =	sdelay $0x1  }
0xa9: {  	(v2sf) =	vpush v3, $0xF  }
0xaa: {  	[dreg:$0x16] =	wrdreg s11;
	s11 =	spop (v2sf)  }
0xab: {  	[dreg:$0x11] =	wrdreg s24;
	s24 =	sshll.u32 s11, $0xA  }
0xac: {  	s0 =	sand.u32 $0x7FFFE000, s24  }
0xad: {  	v3, _, _ =	vpop (xrf0);
	s0 =	sor.u32 s6, s0  }
0xae: {  	(v2sf) =	vpush v3, $0xF;
	v3 =	vsel vm4, $0x0, v2;
	s0 =	sshrl.u32 s0, $0x3  }
0xaf: {  	s25 =	simm.s32 $0x4080;
	(xrf0) =	vadd.scan.msk.s32 $0xffff, v3;
	s0 =	sadd.s32 s1, s0  }
0xb0: {  	[tilespmem:s25], [sflag:$0x1] =	stream.linear.gather [hbm4b:s0+s17], $0x400, $0x38;
	[tilespmem:$0x1C180] =	vst v63  }
0xb1: {  	s12 =	spop (v2sf)  }
0xb2: {  	[dreg:$0x12] =	wrdreg s26;
	s26 =	sshll.u32 s12, $0xA  }
0xb3: {  	s0 =	sand.u32 $0x7FFFE000, s26  }
0xb4: {  	v4 =	vsel vm5, $0x0, v2;
	s0 =	sor.u32 s6, s0  }
0xb5: {  	s0 =	sshrl.u32 s0, $0x3;
	v3, _, _ =	vpop (xrf0);
	(xrf0) =	vadd.scan.msk.s32 $0xffff, v4  }
0xb6: {  	s28 =	simm.s32 $0x4480;
	s0 =	sadd.s32 s1, s0;
	(v2sf) =	vpush v3, $0xF  }
0xb7: {  	[tilespmem:s28], [sflag:$0x1] =	stream.linear.gather [hbm4b:s0+s17], $0x400, $0x38;
	[tilespmem:$0x1C180] =	vst v63  }
0xb8: {  	s14 =	spop (v2sf)  }
0xb9: {  	[dreg:$0x13] =	wrdreg s29;
	s29 =	sshll.u32 s14, $0xA  }
0xba: {  	v4 =	vsel vm6, $0x0, v2;
	s0 =	sand.u32 $0x7FFFE000, s29  }
0xbb: {  	s0 =	sor.u32 s6, s0;
	v3, _, _ =	vpop (xrf0);
	(xrf0) =	vadd.scan.msk.s32 $0xffff, v4  }
0xbc: {  	s0 =	sshrl.u32 s0, $0x3  }
0xbd: {  	s31 =	simm.s32 $0x4880;
	s0 =	sadd.s32 s1, s0;
	s18 =	spop (v2sf);
	(v2sf) =	vpush v3, $0xF  }
0xbe: {  	[tilespmem:s31], [sflag:$0x1] =	stream.linear.gather [hbm4b:s0+s17], $0x400, $0x38;
	[tilespmem:$0x1C180] =	vst v63  }
0xbf: {  	s15 =	sshll.u32 s18, $0xA  }
0xc0: {  	v4 =	vsel vm7, $0x0, v2;
	s0 =	sand.u32 $0x7FFFE000, s15  }
0xc1: {  	s0 =	sor.u32 s6, s0;
	v3, _, _ =	vpop (xrf0);
	(xrf0) =	vadd.scan.msk.s32 $0xffff, v4  }
0xc2: {  	s0 =	sshrl.u32 s0, $0x3;
	(v2sf) =	vpush v3, $0xF  }
0xc3: {  	s19 =	simm.s32 $0x4C80;
	s0 =	sadd.s32 s1, s0  }
0xc4: {  	[tilespmem:s19], [sflag:$0x1] =	stream.linear.gather [hbm4b:s0+s17], $0x400, $0x38;
	[tilespmem:$0x1C180] =	vst v63  }
0xc5: {  	s15 =	spop (v2sf)  }
0xc6: {  	s20 =	sshll.u32 s15, $0xA  }
0xc7: {  	s0 =	sand.u32 $0x7FFFE000, s20;
	v3, _, _ =	vpop (xrf0)  }
0xc8: {  	s0 =	sor.u32 s6, s0;
	(v2sf) =	vpush v3, $0xF;
	v3 =	vsel vm8, $0x0, v2  }
0xc9: {  	s0 =	sshrl.u32 s0, $0x3;
	(xrf0) =	vadd.scan.msk.s32 $0xffff, v3  }
0xca: {  	s21 =	simm.s32 $0x5080;
	s0 =	sadd.s32 s1, s0  }
0xcb: {  	[tilespmem:s21], [sflag:$0x1] =	stream.linear.gather [hbm4b:s0+s17], $0x400, $0x38;
	[tilespmem:$0x1C180] =	vst v63  }
0xcc: {  	s21 =	spop (v2sf)  }
0xcd: {  	s22 =	sshll.u32 s21, $0xA  }
0xce: {  	v4 =	vsel vm9, $0x0, v2;
	s0 =	sand.u32 $0x7FFFE000, s22  }
0xcf: {  	s0 =	sor.u32 s6, s0;
	v3, _, _ =	vpop (xrf0);
	(xrf0) =	vadd.scan.msk.s32 $0xffff, v4  }
0xd0: {  	s0 =	sshrl.u32 s0, $0x3;
	(v2sf) =	vpush v3, $0xF  }
0xd1: {  	s23 =	simm.s32 $0x5480;
	s0 =	sadd.s32 s1, s0;
	s22 =	spop (v2sf)  }
0xd2: {  	[tilespmem:s23], [sflag:$0x1] =	stream.linear.gather [hbm4b:s0+s17], $0x400, $0x38;
	[tilespmem:$0x1C180] =	vst v63  }
0xd3: {  	s24 =	sshll.u32 s22, $0xA  }
0xd4: {  	v4 =	vsel vm10, $0x0, v2;
	s0 =	sand.u32 $0x7FFFE000, s24  }
0xd5: {  	s0 =	sor.u32 s6, s0;
	v3, _, _ =	vpop (xrf0);
	(xrf0) =	vadd.scan.msk.s32 $0xffff, v4  }
0xd6: {  	s0 =	sshrl.u32 s0, $0x3  }
0xd7: {  	s25 =	simm.s32 $0x5880;
	s0 =	sadd.s32 s1, s0;
	s23 =	spop (v2sf);
	(v2sf) =	vpush v3, $0xF  }
0xd8: {  	[tilespmem:s25], [sflag:$0x1] =	stream.linear.gather [hbm4b:s0+s17], $0x400, $0x38;
	[tilespmem:$0x1C180] =	vst v63  }
0xd9: {  	s26 =	sshll.u32 s23, $0xA  }
0xda: {  	s0 =	sand.u32 $0x7FFFE000, s26  }
0xdb: {  	v4 =	vsel vm11, $0x0, v2;
	s0 =	sor.u32 s6, s0;
	v3, _, _ =	vpop (xrf0)  }
0xdc: {  	s0 =	sshrl.u32 s0, $0x3;
	(xrf0) =	vadd.scan.msk.s32 $0xffff, v4;
	(v2sf) =	vpush v3, $0xF  }
0xdd: {  	s28 =	simm.s32 $0x5C80;
	s0 =	sadd.s32 s1, s0  }
0xde: {  	[tilespmem:s28], [sflag:$0x1] =	stream.linear.gather [hbm4b:s0+s17], $0x400, $0x38;
	[tilespmem:$0x1C180] =	vst v63  }
0xdf: {  	s24 =	spop (v2sf)  }
0xe0: {  	s29 =	sshll.u32 s24, $0xA  }
0xe1: {  	s0 =	sand.u32 $0x7FFFE000, s29  }
0xe2: {  	v3, _, _ =	vpop (xrf0);
	s0 =	sor.u32 s6, s0  }
0xe3: {  	(v2sf) =	vpush v3, $0xF;
	v3 =	vsel vm12, $0x0, v2;
	s0 =	sshrl.u32 s0, $0x3  }
0xe4: {  	s31 =	simm.s32 $0x6080;
	(xrf0) =	vadd.scan.msk.s32 $0xffff, v3;
	s0 =	sadd.s32 s1, s0  }
0xe5: {  	[tilespmem:s31], [sflag:$0x1] =	stream.linear.gather [hbm4b:s0+s17], $0x400, $0x38;
	[tilespmem:$0x1C180] =	vst v63  }
0xe6: {  	s25 =	spop (v2sf)  }
0xe7: {  	s3 =	sshll.u32 s25, $0xA  }
0xe8: {  	s0 =	sand.u32 $0x7FFFE000, s3  }
0xe9: {  	s0 =	sor.u32 s6, s0  }
0xea: {  	v4 =	vsel vm13, $0x0, v2;
	v3, _, _ =	vpop (xrf0);
	s0 =	sshrl.u32 s0, $0x3  }
0xeb: {  	s19 =	simm.s32 $0x6480;
	(xrf0) =	vadd.scan.msk.s32 $0xffff, v4;
	(v2sf) =	vpush v3, $0xF;
	s0 =	sadd.s32 s1, s0;
	s26 =	spop (v2sf)  }
0xec: {  	[tilespmem:s19], [sflag:$0x1] =	stream.linear.gather [hbm4b:s0+s17], $0x400, $0x38;
	[tilespmem:$0x1C180] =	vst v63  }
0xed: {  	s20 =	sshll.u32 s26, $0xA  }
0xee: {  	s0 =	sand.u32 $0x7FFFE000, s20  }
0xef: {  	s0 =	sor.u32 s6, s0  }
0xf0: {  	v4 =	vsel vm14, $0x0, v2;
	s0 =	sshrl.u32 s0, $0x3  }
0xf1: {  	s28 =	simm.s32 $0x6880;
	v3, _, _ =	vpop (xrf0);
	(xrf0) =	vadd.scan.msk.s32 $0xffff, v4;
	s0 =	sadd.s32 s1, s0  }
0xf2: {  	(v2sf) =	vpush v3, $0xF;
	[tilespmem:s28], [sflag:$0x1] =	stream.linear.gather [hbm4b:s0+s17], $0x400, $0x38;
	[tilespmem:$0x1C180] =	vst v63  }
0xf3: {  	s28 =	spop (v2sf)  }
0xf4: {  	s29 =	sshll.u32 s28, $0xA  }
0xf5: {  	s0 =	sand.u32 $0x7FFFE000, s29  }
0xf6: {  	s0 =	sor.u32 s6, s0  }
0xf7: {  	v2 =	vsel vm15, $0x0, v2;
	s0 =	sshrl.u32 s0, $0x3  }
0xf8: {  	s31 =	simm.s32 $0x6C80;
	v3, _, _ =	vpop (xrf0);
	(xrf0) =	vadd.scan.msk.s32 $0xffff, v2;
	s0 =	sadd.s32 s1, s0  }
0xf9: {  	(v2sf) =	vpush v3, $0xF;
	[tilespmem:s31], [sflag:$0x1] =	stream.linear.gather [hbm4b:s0+s17], $0x400, $0x38;
	[tilespmem:$0x1C180] =	vst v63  }
0xfa: {  	s0 =	spop (v2sf)  }
0xfb: {  	s19 =	sshll.u32 s0, $0xA  }
0xfc: {  	s3 =	sand.u32 $0x7FFFE000, s19  }
0xfd: {  	s3 =	sor.u32 s6, s3  }
0xfe: {  	s3 =	sshrl.u32 s3, $0x3  }
0xff: {  	s20 =	simm.s32 $0x7080;
	v2, _, _ =	vpop (xrf0);
	s3 =	sadd.s32 s1, s3  }
0x100: {  	(v2sf) =	vpush v2, $0xF;
	[tilespmem:s20], [sflag:$0x1] =	stream.linear.gather [hbm4b:s3+s17], $0x400, $0x38;
	[tilespmem:$0x1C180] =	vst v63  }
0x101: {  	s29 =	spop (v2sf)  }
0x102: {  	s20 =	sshll.u32 s29, $0xA  }
0x103: {  	s3 =	sand.u32 $0x7FFFE000, s20  }
0x104: {  	s3 =	sor.u32 s6, s3  }
0x105: {  	s3 =	sshrl.u32 s3, $0x3  }
0x106: {  	s31 =	simm.s32 $0x7480;
	s3 =	sadd.s32 s1, s3  }
0x107: {  	[tilespmem:s31], [sflag:$0x1] =	stream.linear.gather [hbm4b:s3+s17], $0x400, $0x38;
	[tilespmem:$0x1C180] =	vst v63  }
0x108: {  	s3 =	spop (v2sf)  }
0x109: {  	s31 =	sshll.u32 s3, $0xA  }
0x10a: {  	s31 =	sand.u32 $0x7FFFE000, s31  }
0x10b: {  	s31 =	sor.u32 s6, s31  }
0x10c: {  	s31 =	sshrl.u32 s31, $0x3  }
0x10d: {  	s19 =	simm.s32 $0x7880;
	s31 =	sadd.s32 s1, s31  }
0x10e: {  	[tilespmem:s19], [sflag:$0x1] =	stream.linear.gather [hbm4b:s31+s17], $0x400, $0x38;
	[tilespmem:$0x1C180] =	vst v63  }
0x10f: {  	s31 =	spop (v2sf)  }
0x110: {  	s19 =	sshll.u32 s31, $0xA  }
0x111: {  	s20 =	sand.u32 $0x7FFFE000, s19  }
0x112: {  	s20 =	sor.u32 s6, s20  }
0x113: {  	s20 =	sshrl.u32 s20, $0x3  }
0x114: {  	s19 =	simm.s32 $0x7C80;
	s20 =	sadd.s32 s1, s20  }
0x115: {  	[tilespmem:s19], [sflag:$0x1] =	stream.linear.gather [hbm4b:s20+s17], $0x400, $0x38;
	[tilespmem:$0x1C180] =	vst v63  }
0x116: {  	_ =	swait.ge [sflag:s30], $0x400  }
0x117: {  	[sflag:s30] =	ssyncset.done $0x0  }
0x118: {  	[sflag:s30] =	ssyncadd.s32 $0xFFFFFC00  }
0x119: {  	_ =	swait.ge [sflag:s30], $0x400  }
0x11a: {  	[sflag:s30] =	ssyncset.done $0x0  }
0x11b: {  	[sflag:s30] =	ssyncadd.s32 $0xFFFFFC00  }
0x11c: {  	_ =	swait.ge [sflag:s30], $0x400  }
0x11d: {  	[sflag:s30] =	ssyncset.done $0x0  }
0x11e: {  	[sflag:s30] =	ssyncadd.s32 $0xFFFFFC00  }
0x11f: {  	_ =	swait.ge [sflag:s30], $0x400  }
0x120: {  	[sflag:s30] =	ssyncset.done $0x0  }
0x121: {  	[sflag:s30] =	ssyncadd.s32 $0xFFFFFC00  }
0x122: {  	_ =	swait.ge [sflag:s30], $0x400  }
0x123: {  	[sflag:s30] =	ssyncset.done $0x0  }
0x124: {  	[sflag:s30] =	ssyncadd.s32 $0xFFFFFC00  }
0x125: {  	_ =	swait.ge [sflag:s30], $0x400  }
0x126: {  	[sflag:s30] =	ssyncset.done $0x0  }
0x127: {  	[sflag:s30] =	ssyncadd.s32 $0xFFFFFC00  }
0x128: {  	_ =	swait.ge [sflag:s30], $0x400  }
0x129: {  	[sflag:s30] =	ssyncset.done $0x0  }
0x12a: {  	[sflag:s30] =	ssyncadd.s32 $0xFFFFFC00  }
0x12b: {  	_ =	swait.ge [sflag:s30], $0x400  }
0x12c: {  	[sflag:s30] =	ssyncset.done $0x0  }
0x12d: {  	[sflag:s30] =	ssyncadd.s32 $0xFFFFFC00  }
0x12e: {  	_ =	swait.ge [sflag:s30], $0x400  }
0x12f: {  	[sflag:s30] =	ssyncset.done $0x0  }
0x130: {  	[sflag:s30] =	ssyncadd.s32 $0xFFFFFC00  }
0x131: {  	_ =	swait.ge [sflag:s30], $0x400  }
0x132: {  	[sflag:s30] =	ssyncset.done $0x0  }
0x133: {  	[sflag:s30] =	ssyncadd.s32 $0xFFFFFC00  }
0x134: {  	_ =	swait.ge [sflag:s30], $0x400  }
0x135: {  	[sflag:s30] =	ssyncset.done $0x0  }
0x136: {  	[sflag:s30] =	ssyncadd.s32 $0xFFFFFC00  }
0x137: {  	_ =	swait.ge [sflag:s30], $0x400  }
0x138: {  	[sflag:s30] =	ssyncset.done $0x0  }
0x139: {  	[sflag:s30] =	ssyncadd.s32 $0xFFFFFC00  }
0x13a: {  	_ =	swait.ge [sflag:s30], $0x400  }
0x13b: {  	[sflag:s30] =	ssyncset.done $0x0  }
0x13c: {  	[sflag:s30] =	ssyncadd.s32 $0xFFFFFC00  }
0x13d: {  	_ =	swait.ge [sflag:s30], $0x400  }
0x13e: {  	[sflag:s30] =	ssyncset.done $0x0  }
0x13f: {  	[sflag:s30] =	ssyncadd.s32 $0xFFFFFC00  }
0x140: {  	_ =	swait.ge [sflag:s30], $0x400  }
0x141: {  	[sflag:s30] =	ssyncset.done $0x0  }
0x142: {  	[sflag:s30] =	ssyncadd.s32 $0xFFFFFC00  }
0x143: {  	_ =	swait.ge [sflag:s30], $0x400  }
0x144: {  	[sflag:s30] =	ssyncset.done $0x0  }
0x145: {  	[sflag:s30] =	ssyncadd.s32 $0xFFFFFC00  }
0x146: {  	_ =	swait.ge [sflag:s30], $0x400  }
0x147: {  	[sflag:s30] =	ssyncset.done $0x0  }
0x148: {  	[sflag:s30] =	ssyncadd.s32 $0xFFFFFC00  }
0x149: {  	_ =	swait.ge [sflag:s30], $0x400  }
0x14a: {  	[sflag:s30] =	ssyncset.done $0x0  }
0x14b: {  	[sflag:s30] =	ssyncadd.s32 $0xFFFFFC00  }
0x14c: {  	_ =	swait.ge [sflag:s30], $0x400  }
0x14d: {  	[sflag:s30] =	ssyncset.done $0x0  }
0x14e: {  	[sflag:s30] =	ssyncadd.s32 $0xFFFFFC00  }
0x14f: {  	_ =	swait.ge [sflag:s30], $0x400  }
0x150: {  	[sflag:s30] =	ssyncset.done $0x0  }
0x151: {  	[sflag:s30] =	ssyncadd.s32 $0xFFFFFC00  }
0x152: {  	_ =	swait.ge [sflag:s30], $0x400  }
0x153: {  	[sflag:s30] =	ssyncset.done $0x0  }
0x154: {  	[sflag:s30] =	ssyncadd.s32 $0xFFFFFC00  }
0x155: {  	_ =	swait.ge [sflag:s30], $0x400  }
0x156: {  	[sflag:s30] =	ssyncset.done $0x0  }
0x157: {  	[sflag:s30] =	ssyncadd.s32 $0xFFFFFC00  }
0x158: {  	_ =	swait.ge [sflag:s30], $0x400  }
0x159: {  	[sflag:s30] =	ssyncset.done $0x0  }
0x15a: {  	[sflag:s30] =	ssyncadd.s32 $0xFFFFFC00  }
0x15b: {  	_ =	swait.ge [sflag:s30], $0x400  }
0x15c: {  	[sflag:s30] =	ssyncset.done $0x0  }
0x15d: {  	[sflag:s30] =	ssyncadd.s32 $0xFFFFFC00  }
0x15e: {  	_ =	swait.ge [sflag:s30], $0x400  }
0x15f: {  	[sflag:s30] =	ssyncset.done $0x0  }
0x160: {  	[sflag:s30] =	ssyncadd.s32 $0xFFFFFC00  }
0x161: {  	_ =	swait.ge [sflag:s30], $0x400  }
0x162: {  	[sflag:s30] =	ssyncset.done $0x0  }
0x163: {  	[sflag:s30] =	ssyncadd.s32 $0xFFFFFC00  }
0x164: {  	_ =	swait.ge [sflag:s30], $0x400  }
0x165: {  	[sflag:s30] =	ssyncset.done $0x0  }
0x166: {  	[sflag:s30] =	ssyncadd.s32 $0xFFFFFC00  }
0x167: {  	_ =	swait.ge [sflag:s30], $0x400  }
0x168: {  	[sflag:s30] =	ssyncset.done $0x0  }
0x169: {  	[sflag:s30] =	ssyncadd.s32 $0xFFFFFC00  }
0x16a: {  	_ =	swait.ge [sflag:s30], $0x400  }
0x16b: {  	[sflag:s30] =	ssyncset.done $0x0  }
0x16c: {  	[sflag:s30] =	ssyncadd.s32 $0xFFFFFC00  }
0x16d: {  	_ =	swait.ge [sflag:s30], $0x400  }
0x16e: {  	[sflag:s30] =	ssyncset.done $0x0  }
0x16f: {  	[sflag:s30] =	ssyncadd.s32 $0xFFFFFC00  }
0x170: {  	_ =	swait.ge [sflag:s30], $0x400  }
0x171: {  	[sflag:s30] =	ssyncset.done $0x0  }
0x172: {  	[sflag:s30] =	ssyncadd.s32 $0xFFFFFC00  }
0x173: {  	_ =	swait.ge [sflag:s30], $0x400  }
0x174: {  	v0 =	vld [tilespmem:$0x1FFE0];
	_ =	sdelay $0x4  }
0x175: {  	s20 =	rddreg [dreg:$0xb]  }
0x176: {  	[sflag:s30] =	ssyncset.done $0x0;
	s19 =	sshll.u32 s20, $0x7  }
0x177: {  	[sflag:s30] =	ssyncadd.s32 $0xFFFFFC00;
	s20 =	sand.u32 $0x380, s19  }
0x178: {  	v2 =	vld.idx.msk [tilespmem:v0+s20+$0x0 ss:$0x1], $0xffff;
	s20 =	rddreg [dreg:$0xc]  }
0x179: {  	s19 =	sshll.u32 s20, $0x7  }
0x17a: {  	s20 =	sand.u32 $0x380, s19  }
0x17b: {  	v3 =	vld.idx.msk [tilespmem:v0+s20+$0x400 ss:$0x1], $0xffff;
	s20 =	rddreg [dreg:$0xd]  }
0x17c: {  	s19 =	sshll.u32 s20, $0x7  }
0x17d: {  	s20 =	sand.u32 $0x380, s19  }
0x17e: {  	v4 =	vld.idx.msk [tilespmem:v0+s20+$0x800 ss:$0x1], $0xffff;
	s20 =	rddreg [dreg:$0xe]  }
0x17f: {  	s19 =	sshll.u32 s20, $0x7  }
0x180: {  	s20 =	sand.u32 $0x380, s19  }
0x181: {  	v5 =	vld.idx.msk [tilespmem:v0+s20+$0xC00 ss:$0x1], $0xffff;
	s20 =	rddreg [dreg:$0xf]  }
0x182: {  	s19 =	sshll.u32 s20, $0x7  }
0x183: {  	s20 =	sand.u32 $0x380, s19  }
0x184: {  	v2 =	vnsel vm0, $0x0, v2;
	v6 =	vld.idx.msk [tilespmem:v0+s20+$0x1000 ss:$0x1], $0xffff;
	s20 =	rddreg [dreg:$0x10]  }
0x185: {  	v2 =	vadd.f32 $0.0e+00, v2;
	s19 =	sshll.u32 s20, $0x7  }
0x186: {  	v3 =	vsel vm1, $0x0, v3;
	s20 =	sand.u32 $0x380, s19  }
0x187: {  	v2 =	vadd.f32 v3, v2;
	v3 =	vsel vm2, $0x0, v4;
	v4 =	vld.idx.msk [tilespmem:v0+s20+$0x1400 ss:$0x1], $0xffff;
	s20 =	rddreg [dreg:$0x11]  }
0x188: {  	s19 =	sshll.u32 s20, $0x7  }
0x189: {  	s20 =	sand.u32 $0x380, s19  }
0x18a: {  	v2 =	vadd.f32 v3, v2;
	v3 =	vsel vm3, $0x0, v5;
	v5 =	vld.idx.msk [tilespmem:v0+s20+$0x1800 ss:$0x1], $0xffff;
	s20 =	rddreg [dreg:$0x12]  }
0x18b: {  	s19 =	sshll.u32 s20, $0x7  }
0x18c: {  	s20 =	sand.u32 $0x380, s19  }
0x18d: {  	v2 =	vadd.f32 v3, v2;
	v3 =	vsel vm4, $0x0, v6;
	v6 =	vld.idx.msk [tilespmem:v0+s20+$0x1C00 ss:$0x1], $0xffff;
	s20 =	rddreg [dreg:$0x13]  }
0x18e: {  	s19 =	sshll.u32 s20, $0x7  }
0x18f: {  	s20 =	sand.u32 $0x380, s19  }
0x190: {  	v2 =	vadd.f32 v3, v2;
	v3 =	vsel vm5, $0x0, v4;
	v4 =	vld.idx.msk [tilespmem:v0+s20+$0x2000 ss:$0x1], $0xffff;
	s20 =	rddreg [dreg:$0x14]  }
0x191: {  	s19 =	sshll.u32 s20, $0x7  }
0x192: {  	s20 =	sand.u32 $0x380, s19  }
0x193: {  	v2 =	vadd.f32 v3, v2;
	v3 =	vsel vm6, $0x0, v5;
	v5 =	vld.idx.msk [tilespmem:v0+s20+$0x2400 ss:$0x1], $0xffff;
	s20 =	rddreg [dreg:$0x15]  }
0x194: {  	s19 =	sshll.u32 s20, $0x7  }
0x195: {  	v2 =	vadd.f32 v3, v2;
	s20 =	sand.u32 $0x380, s19  }
0x196: {  	v3 =	vsel vm7, $0x0, v6;
	v6 =	vld.idx.msk [tilespmem:v0+s20+$0x2800 ss:$0x1], $0xffff;
	s20 =	rddreg [dreg:$0x16]  }
0x197: {  	v2 =	vadd.f32 v3, v2;
	s19 =	sshll.u32 s20, $0x7  }
0x198: {  	s10 =	sshll.u32 s10, $0x7;
	v3 =	vsel vm8, $0x0, v4;
	s19 =	sand.u32 $0x380, s19  }
0x199: {  	s10 =	sand.u32 $0x380, s10;
	v2 =	vadd.f32 v3, v2;
	v4 =	vld.idx.msk [tilespmem:v0+s19+$0x2C00 ss:$0x1], $0xffff  }
0x19a: {  	v3 =	vsel vm9, $0x0, v5;
	v5 =	vld.idx.msk [tilespmem:v0+s10+$0x3000 ss:$0x1], $0xffff  }
0x19b: {  	s5 =	sshll.u32 s5, $0x7;
	v2 =	vadd.f32 v3, v2  }
0x19c: {  	s5 =	sand.u32 $0x380, s5;
	s7 =	sshll.u32 s7, $0x7;
	v3 =	vsel vm10, $0x0, v6  }
0x19d: {  	s10 =	sshll.u32 s8, $0x7;
	v6 =	vld.idx.msk [tilespmem:v0+s5+$0x3400 ss:$0x1], $0xffff;
	s5 =	sand.u32 $0x380, s7;
	v2 =	vadd.f32 v3, v2  }
0x19e: {  	v3 =	vsel vm11, $0x0, v4;
	v4 =	vld.idx.msk [tilespmem:v0+s5+$0x3800 ss:$0x1], $0xffff;
	s5 =	sand.u32 $0x380, s10  }
0x19f: {  	v2 =	vadd.f32 v3, v2;
	v3 =	vsel vm12, $0x0, v5;
	v5 =	vld.idx.msk [tilespmem:v0+s5+$0x3C00 ss:$0x1], $0xffff  }
0x1a0: {  	v0 =	vld [tilespmem:$0x1FFF0];
	_ =	sdelay $0x5  }
0x1a1: {  	s19 =	sshll.u32 s11, $0x7;
	v2 =	vadd.f32 v3, v2  }
0x1a2: {  	s5 =	sand.u32 $0x380, s19;
	v3 =	vsel vm13, $0x0, v6  }
0x1a3: {  	s20 =	sshll.u32 s12, $0x7;
	v2 =	vadd.f32 v3, v2;
	v6 =	vld.idx.msk [tilespmem:v0+s5+$0x4000 ss:$0x1], $0xffff  }
0x1a4: {  	v3 =	vsel vm14, $0x0, v4;
	s5 =	sand.u32 $0x380, s20  }
0x1a5: {  	s7 =	sshll.u32 s14, $0x7;
	v2 =	vadd.f32 v3, v2;
	v4 =	vld.idx.msk [tilespmem:v0+s5+$0x4400 ss:$0x1], $0xffff  }
0x1a6: {  	v3 =	vsel vm15, $0x0, v5;
	s5 =	sand.u32 $0x380, s7  }
0x1a7: {  	s8 =	sshll.u32 s18, $0x7;
	v2 =	vadd.f32 v3, v2;
	v5 =	vld.idx.msk [tilespmem:v0+s5+$0x4800 ss:$0x1], $0xffff  }
0x1a8: {  	s5 =	sand.u32 $0x380, s8;
	v3 =	vnsel vm0, $0x0, v6  }
0x1a9: {  	s10 =	sshll.u32 s15, $0x7;
	v6 =	vld.idx.msk [tilespmem:v0+s5+$0x4C00 ss:$0x1], $0xffff;
	v2 =	vadd.f32 v3, v2  }
0x1aa: {  	s5 =	sand.u32 $0x380, s10;
	v3 =	vsel vm1, $0x0, v4  }
0x1ab: {  	s11 =	sshll.u32 s21, $0x7;
	v4 =	vld.idx.msk [tilespmem:v0+s5+$0x5000 ss:$0x1], $0xffff;
	v2 =	vadd.f32 v3, v2  }
0x1ac: {  	s5 =	sand.u32 $0x380, s11;
	v3 =	vsel vm2, $0x0, v5  }
0x1ad: {  	s12 =	sshll.u32 s22, $0x7;
	v5 =	vld.idx.msk [tilespmem:v0+s5+$0x5400 ss:$0x1], $0xffff;
	v2 =	vadd.f32 v3, v2  }
0x1ae: {  	s5 =	sand.u32 $0x380, s12;
	v3 =	vsel vm3, $0x0, v6  }
0x1af: {  	s14 =	sshll.u32 s23, $0x7;
	v6 =	vld.idx.msk [tilespmem:v0+s5+$0x5800 ss:$0x1], $0xffff;
	v2 =	vadd.f32 v3, v2  }
0x1b0: {  	s5 =	sand.u32 $0x380, s14;
	v3 =	vsel vm4, $0x0, v4  }
0x1b1: {  	s19 =	sshll.u32 s24, $0x7;
	v4 =	vld.idx.msk [tilespmem:v0+s5+$0x5C00 ss:$0x1], $0xffff;
	v2 =	vadd.f32 v3, v2  }
0x1b2: {  	s5 =	sand.u32 $0x380, s19;
	v3 =	vsel vm5, $0x0, v5  }
0x1b3: {  	s20 =	sshll.u32 s25, $0x7;
	v5 =	vld.idx.msk [tilespmem:v0+s5+$0x6000 ss:$0x1], $0xffff;
	v2 =	vadd.f32 v3, v2  }
0x1b4: {  	s5 =	sand.u32 $0x380, s20;
	v3 =	vsel vm6, $0x0, v6  }
0x1b5: {  	s22 =	sshll.u32 s26, $0x7;
	v6 =	vld.idx.msk [tilespmem:v0+s5+$0x6400 ss:$0x1], $0xffff;
	v2 =	vadd.f32 v3, v2  }
0x1b6: {  	s5 =	sand.u32 $0x380, s22;
	v3 =	vsel vm7, $0x0, v4  }
0x1b7: {  	s23 =	sshll.u32 s28, $0x7;
	v4 =	vld.idx.msk [tilespmem:v0+s5+$0x6800 ss:$0x1], $0xffff;
	v2 =	vadd.f32 v3, v2  }
0x1b8: {  	s5 =	sand.u32 $0x380, s23;
	v3 =	vsel vm8, $0x0, v5  }
0x1b9: {  	s0 =	sshll.u32 s0, $0x7;
	v5 =	vld.idx.msk [tilespmem:v0+s5+$0x6C00 ss:$0x1], $0xffff;
	v2 =	vadd.f32 v3, v2  }
0x1ba: {  	s0 =	sand.u32 $0x380, s0;
	v3 =	vsel vm9, $0x0, v6  }
0x1bb: {  	s24 =	sshll.u32 s29, $0x7;
	v6 =	vld.idx.msk [tilespmem:v0+s0+$0x7000 ss:$0x1], $0xffff;
	v2 =	vadd.f32 v3, v2  }
0x1bc: {  	s0 =	sand.u32 $0x380, s24;
	v3 =	vsel vm10, $0x0, v4  }
0x1bd: {  	s25 =	sshll.u32 s3, $0x7;
	v4 =	vld.idx.msk [tilespmem:v0+s0+$0x7400 ss:$0x1], $0xffff;
	v2 =	vadd.f32 v3, v2  }
0x1be: {  	s0 =	sand.u32 $0x380, s25;
	v3 =	vsel vm11, $0x0, v5  }
0x1bf: {  	s26 =	sshll.u32 s31, $0x7;
	v5 =	vld.idx.msk [tilespmem:v0+s0+$0x7800 ss:$0x1], $0xffff;
	v2 =	vadd.f32 v3, v2  }
0x1c0: {  	s0 =	sand.u32 $0x380, s26;
	v3 =	vsel vm12, $0x0, v6  }
0x1c1: {  	v2 =	vadd.f32 v3, v2;
	v3 =	vld.idx.msk [tilespmem:v0+s0+$0x7C00 ss:$0x1], $0xffff  }
0x1c2: {  	v4 =	vsel vm13, $0x0, v4  }
0x1c3: {  	v2 =	vadd.f32 v4, v2  }
0x1c4: {  	v4 =	vsel vm14, $0x0, v5  }
0x1c5: {  	v2 =	vadd.f32 v4, v2  }
0x1c6: {  	v3 =	vsel vm15, $0x0, v3  }
0x1c7: {  	v2 =	vadd.f32 v3, v2;
	_ =	sdelay $0x1  }
0x1c8: {  	s28 =	rddreg [dreg:$0x5];
	s15 =	simm.s32 $0x4;
	s29 =	simm.s32 $0x1C080;
	[tilespmem:$0x1C080] =	vst v2  }
0x1c9: {  	[hbm4b:s28+s17] =	stream.linear.scatter [tilespmem:s29], [sflag:$0x4], $0x10, $0x38;
	[tilespmem:$0x1C180] =	vst v63  }
0x1ca: {  	_ =	swait.ge [sflag:s15], $0x10  }
0x1cb: {  	v24 =	vimm.f32 $0.0e+00;
	v26 =	vimm.f32 $0.0e+00;
	s18 =	simm.s32 $0x8080;
	s21 =	simm.s32 $0x12080;
	[sflag:s15] =	ssyncset.done $0x0  }
0x1cc: {  	v32 =	vimm.f32 $0.0e+00;
	v33 =	vimm.f32 $0.0e+00;
	s19 =	simm.s32 $0x0;
	v5 =	vimm.f32 $0.0e+00;
	s31 =	rddreg [dreg:$0x6];
	[sflag:s15] =	ssyncadd.s32 $0xFFFFFFF0  }
0x1cd: {  	v4 =	vimm.f32 $0.0e+00;
	v3 =	vimm.f32 $0.0e+00;
	v2 =	vimm.f32 $0.0e+00;
	[tilespmem:s18], [sflag:$0x2] =	stream.linear.gather [hbm4b:s31+s17], $0xA000, $0x38;
	[tilespmem:$0x1C180] =	vst v63  }
.LBB2_2:
0x1ce: {  	s5 =	sshll.u32 s19, $0x6  }
0x1cf: {  	s0 =	sor.u32 s4, s5  }
0x1d0: {  	_ =	swait.ge [sflag:s2], $0xA000;
	s0 =	smul.u32 $0x1400, s0  }
0x1d1: {  	s7 =	simm.s32 $0x0;
	[sflag:s2] =	ssyncset.done $0x0  }
0x1d2: {  	s26 =	simm.s32 $0x0;
	[sflag:s2] =	ssyncadd.s32 $0xFFFF6000;
	s0 =	sadd.s32 s13, s0  }
0x1d3: {  	[tilespmem:s21], [sflag:$0x3] =	stream.linear.gather [hbm4b:s0+s7], $0xA000, $0x38;
	[tilespmem:$0x1C180] =	vst v63  }
0x1d4: {  	s3 =	sand.u32 $0x380, s7;
	s0 =	sand.u32 $0xE000, s26  }
0x1d5: {  	s8 =	sor.u32 s3, s0  }
0x1d6: {  	v18 =	vld [tilespmem:s8+$0x9880]  }
0x1d7: {  	v19 =	vld [tilespmem:s8+$0x9890]  }
0x1d8: {  	v20 =	vld [tilespmem:s8+$0x98A0]  }
0x1d9: {  	v21 =	vld [tilespmem:s8+$0x98B0]  }
0x1da: {  	v6 =	vld [tilespmem:s8+$0x98C0]  }
0x1db: {  	v9 =	vld [tilespmem:s8+$0x98D0]  }
0x1dc: {  	v7 =	vld [tilespmem:s8+$0x98E0]  }
0x1dd: {  	v8 =	vld [tilespmem:s8+$0x98F0]  }
0x1de: {  	v30 =	vld [tilespmem:s8+$0x9480]  }
0x1df: {  	v31 =	vld [tilespmem:s8+$0x9490]  }
0x1e0: {  	v28 =	vld [tilespmem:s8+$0x94A0]  }
0x1e1: {  	v29 =	vld [tilespmem:s8+$0x94B0]  }
0x1e2: {  	v12 =	vld [tilespmem:s8+$0x94C0]  }
0x1e3: {  	v13 =	vld [tilespmem:s8+$0x94D0]  }
0x1e4: {  	v10 =	vld [tilespmem:s8+$0x9080]  }
0x1e5: {  	v11 =	vld [tilespmem:s8+$0x9090]  }
0x1e6: {  	v14 =	vld [tilespmem:s8+$0x90A0]  }
0x1e7: {  	v15 =	vld [tilespmem:s8+$0x90B0]  }
0x1e8: {  	v16 =	vld [tilespmem:s8+$0x90C0]  }
0x1e9: {  	v17 =	vld [tilespmem:s8+$0x90D0]  }
0x1ea: {  	v22 =	vld [tilespmem:s8+$0x8C80]  }
0x1eb: {  	v27 =	vld [tilespmem:s8+$0x8C90]  }
0x1ec: {  	v34 =	vld [tilespmem:s8+$0x8CA0]  }
0x1ed: {  	v35 =	vld [tilespmem:s8+$0x8CB0]  }
0x1ee: {  	v23 =	vld [tilespmem:s8+$0x8CC0]  }
0x1ef: {  	v25 =	vld [tilespmem:s8+$0x8CD0]  }
0x1f0: {  	v38 =	vld [tilespmem:s8+$0x8880]  }
0x1f1: {  	v39 =	vld [tilespmem:s8+$0x8890]  }
0x1f2: {  	v37 =	vld [tilespmem:s8+$0x8480]  }
0x1f3: {  	v40 =	vld [tilespmem:s8+$0x8490]  }
0x1f4: {  	v36 =	vld [tilespmem:s8+$0x8080]  }
0x1f5: {  	v41 =	vld [tilespmem:s8+$0x8090]  }
0x1f6: {  	v42 =	vld [tilespmem:s8+$0x80A0]  }
0x1f7: {  	v43 =	vld [tilespmem:s8+$0x80B0]  }
0x1f8: {  	v44 =	vld [tilespmem:s8+$0x84A0]  }
0x1f9: {  	v45 =	vld [tilespmem:s8+$0x84B0]  }
0x1fa: {  	v46 =	vld [tilespmem:s8+$0x88A0]  }
0x1fb: {  	v47 =	vld [tilespmem:s8+$0x88B0];
	v33 =	vadd.f32 v36, v33;
	v32 =	vadd.f32 v41, v32  }
0x1fc: {  	v26 =	vadd.f32 v42, v26;
	v24 =	vadd.f32 v43, v24;
	v36 =	vld [tilespmem:s8+$0x88C0]  }
0x1fd: {  	v41 =	vld [tilespmem:s8+$0x84D0];
	v33 =	vadd.f32 v37, v33;
	v32 =	vadd.f32 v40, v32  }
0x1fe: {  	s28 =	sand.u32 $0x7, s7;
	v42 =	vld [tilespmem:s8+$0x80C0];
	v26 =	vadd.f32 v44, v26;
	v24 =	vadd.f32 v45, v24  }
0x1ff: {  	s0 =	sshll.u32 s28, $0x7;
	v43 =	vld [tilespmem:s8+$0x80D0];
	v33 =	vadd.f32 v38, v33;
	v32 =	vadd.f32 v39, v32  }
0x200: {  	s11 =	sadd.s32 $0x0, s0;
	v37 =	vld [tilespmem:s8+$0x88D0];
	v26 =	vadd.f32 v46, v26;
	v24 =	vadd.f32 v47, v24  }
0x201: {  	s0 =	sor.u32 $0x1C00, s11;
	v40 =	vld [tilespmem:s8+$0x84C0];
	v22 =	vadd.f32 v22, v33;
	v27 =	vadd.f32 v27, v32  }
0x202: {  	s29 =	sor.u32 $0x1C10, s11;
	v44 =	vld [tilespmem:s0+$0x8080];
	v26 =	vadd.f32 v34, v26;
	v24 =	vadd.f32 v35, v24  }
0x203: {  	s10 =	simm.s32 $0x0;
	s31 =	sor.u32 $0x1C20, s11;
	v45 =	vld [tilespmem:s29+$0x8080];
	v47 =	vadd.f32 v10, v22;
	v48 =	vadd.f32 v11, v27  }
0x204: {  	s3 =	simm.s32 $0x80;
	s12 =	sor.u32 $0x1C30, s11;
	s0 =	simm.s32 $0xFFFF6000;
	v46 =	vld [tilespmem:s31+$0x8080];
	v49 =	vadd.f32 v14, v26;
	v50 =	vadd.f32 v15, v24  }
.LBB2_3:
0x205: {  	p1 =	sne.s32 s3, $0x1380;
	v10 =	vadd.f32 v30, v47;
	v11 =	vadd.f32 v31, v48;
	v15 =	vld [tilespmem:s12+$0x8080]  }
0x206: {  	v22 =	vld [tilespmem:s8+$0x80E0];
	v14 =	vadd.f32 v28, v49;
	v24 =	vadd.f32 v29, v50  }
0x207: {  	v26 =	vld [tilespmem:s8+$0x80F0];
	v10 =	vadd.f32 v18, v10;
	v11 =	vadd.f32 v19, v11  }
0x208: {  	v18 =	vld [tilespmem:s8+$0x84E0];
	v14 =	vadd.f32 v20, v14;
	v19 =	vadd.f32 v21, v24  }
0x209: {  	v20 =	vld [tilespmem:s8+$0x84F0];
	v10 =	vadd.f32 v44, v10;
	v11 =	vadd.f32 v45, v11  }
0x20a: {  	v21 =	vld [tilespmem:s8+$0x88E0];
	v14 =	vadd.f32 v46, v14;
	v15 =	vadd.f32 v15, v19  }
0x20b: {  	v5 =	vadd.f32 v42, v5;
	v4 =	vadd.f32 v43, v4;
	v19 =	vld [tilespmem:s8+$0x88F0]  }
0x20c: {  	v3 =	vadd.f32 v22, v3;
	v2 =	vadd.f32 v26, v2;
	v22 =	vld [tilespmem:s8+$0x8CE0]  }
0x20d: {  	v5 =	vadd.f32 v40, v5;
	v4 =	vadd.f32 v41, v4;
	v24 =	vld [tilespmem:s8+$0x8CF0]  }
0x20e: {  	v3 =	vadd.f32 v18, v3;
	v2 =	vadd.f32 v20, v2;
	v18 =	vld [tilespmem:s8+$0x90E0]  }
0x20f: {  	v5 =	vadd.f32 v36, v5;
	v4 =	vadd.f32 v37, v4;
	v20 =	vld [tilespmem:s8+$0x90F0]  }
0x210: {  	v3 =	vadd.f32 v21, v3;
	v2 =	vadd.f32 v19, v2;
	v19 =	vld [tilespmem:s8+$0x94E0]  }
0x211: {  	v5 =	vadd.f32 v23, v5;
	v4 =	vadd.f32 v25, v4;
	v21 =	vld [tilespmem:s8+$0x94F0];
	s8 =	sor.u32 $0x1C40, s11  }
0x212: {  	s0 =	sadd.s32 $0x400, s0;
	v3 =	vadd.f32 v22, v3;
	v2 =	vadd.f32 v24, v2;
	v22 =	vld [tilespmem:s8+$0x8080];
	s8 =	sor.u32 $0x1C50, s11  }
0x213: {  	s12 =	sadd.s32 $0xA000, s0;
	v5 =	vadd.f32 v16, v5;
	v4 =	vadd.f32 v17, v4;
	v16 =	vld [tilespmem:s8+$0x8080];
	s8 =	sor.u32 $0x1C60, s11  }
0x214: {  	s14 =	sand.u32 $0x380, s3;
	s12 =	sand.u32 $0xE000, s12;
	v3 =	vadd.f32 v18, v3;
	s11 =	sor.u32 $0x1C70, s11;
	v2 =	vadd.f32 v20, v2;
	v17 =	vld [tilespmem:s8+$0x8080]  }
0x215: {  	v5 =	vadd.f32 v12, v5;
	v4 =	vadd.f32 v13, v4;
	s8 =	sor.u32 s14, s12;
	v12 =	vld [tilespmem:s11+$0x8080]  }
0x216: {  	v3 =	vadd.f32 v19, v3;
	v18 =	vld [tilespmem:s8+$0x9880];
	v2 =	vadd.f32 v21, v2  }
0x217: {  	v5 =	vadd.f32 v6, v5;
	v4 =	vadd.f32 v9, v4;
	v19 =	vld [tilespmem:s8+$0x9890]  }
0x218: {  	v3 =	vadd.f32 v7, v3;
	v20 =	vld [tilespmem:s8+$0x98A0];
	v2 =	vadd.f32 v8, v2  }
0x219: {  	v5 =	vadd.f32 v22, v5;
	v4 =	vadd.f32 v16, v4;
	v21 =	vld [tilespmem:s8+$0x98B0]  }
0x21a: {  	v3 =	vadd.f32 v17, v3;
	v6 =	vld [tilespmem:s8+$0x98C0];
	v2 =	vadd.f32 v12, v2  }
0x21b: {  	v9 =	vld [tilespmem:s8+$0x98D0]  }
0x21c: {  	v7 =	vld [tilespmem:s8+$0x98E0]  }
0x21d: {  	v8 =	vld [tilespmem:s8+$0x98F0]  }
0x21e: {  	v30 =	vld [tilespmem:s8+$0x9480]  }
0x21f: {  	v31 =	vld [tilespmem:s8+$0x9490]  }
0x220: {  	v28 =	vld [tilespmem:s8+$0x94A0]  }
0x221: {  	v29 =	vld [tilespmem:s8+$0x94B0]  }
0x222: {  	v12 =	vld [tilespmem:s8+$0x94C0]  }
0x223: {  	v13 =	vld [tilespmem:s8+$0x94D0]  }
0x224: {  	v22 =	vld [tilespmem:s8+$0x9080]  }
0x225: {  	v24 =	vld [tilespmem:s8+$0x9090]  }
0x226: {  	v26 =	vld [tilespmem:s8+$0x90A0]  }
0x227: {  	v27 =	vld [tilespmem:s8+$0x90B0]  }
0x228: {  	v16 =	vld [tilespmem:s8+$0x90C0]  }
0x229: {  	v17 =	vld [tilespmem:s8+$0x90D0]  }
0x22a: {  	v32 =	vld [tilespmem:s8+$0x8C80]  }
0x22b: {  	v33 =	vld [tilespmem:s8+$0x8C90]  }
0x22c: {  	v34 =	vld [tilespmem:s8+$0x8CA0]  }
0x22d: {  	v35 =	vld [tilespmem:s8+$0x8CB0]  }
0x22e: {  	v23 =	vld [tilespmem:s8+$0x8CC0]  }
0x22f: {  	v25 =	vld [tilespmem:s8+$0x8CD0]  }
0x230: {  	v38 =	vld [tilespmem:s8+$0x8880]  }
0x231: {  	v39 =	vld [tilespmem:s8+$0x8890]  }
0x232: {  	v37 =	vld [tilespmem:s8+$0x8480]  }
0x233: {  	v40 =	vld [tilespmem:s8+$0x8490]  }
0x234: {  	v36 =	vld [tilespmem:s8+$0x8080]  }
0x235: {  	v41 =	vld [tilespmem:s8+$0x8090]  }
0x236: {  	v42 =	vld [tilespmem:s8+$0x80A0]  }
0x237: {  	v43 =	vld [tilespmem:s8+$0x80B0]  }
0x238: {  	v44 =	vld [tilespmem:s8+$0x84A0]  }
0x239: {  	v45 =	vld [tilespmem:s8+$0x84B0]  }
0x23a: {  	v46 =	vld [tilespmem:s8+$0x88A0]  }
0x23b: {  	v10 =	vadd.f32 v36, v10;
	v11 =	vadd.f32 v41, v11;
	v47 =	vld [tilespmem:s8+$0x88B0]  }
0x23c: {  	v14 =	vadd.f32 v42, v14;
	v15 =	vadd.f32 v43, v15;
	v36 =	vld [tilespmem:s8+$0x88C0]  }
0x23d: {  	s7 =	sadd.s32 $0x1, s7;
	v10 =	vadd.f32 v37, v10;
	v11 =	vadd.f32 v40, v11;
	v37 =	vld [tilespmem:s8+$0x88D0]  }
0x23e: {  	s11 =	sand.u32 $0x7, s7;
	v14 =	vadd.f32 v44, v14;
	v15 =	vadd.f32 v45, v15;
	v40 =	vld [tilespmem:s8+$0x84C0]  }
0x23f: {  	s10 =	sadd.s32 $0x400, s10;
	s11 =	sshll.u32 s11, $0x7;
	v10 =	vadd.f32 v38, v10;
	v11 =	vadd.f32 v39, v11;
	v41 =	vld [tilespmem:s8+$0x84D0]  }
.Ltmp2:
0x240: {  	s11 =	sadd.s32 s11, s10;
	v14 =	vadd.f32 v46, v14;
	v42 =	vld [tilespmem:s8+$0x80C0];
	v15 =	vadd.f32 v47, v15;
	(pc) =	sbr.rel @p1 .LBB2_3-.Ltmp2, $4  }
0x241: {  	s12 =	sor.u32 $0x1C00, s11;
	v10 =	vadd.f32 v32, v10;
	v11 =	vadd.f32 v33, v11;
	v43 =	vld [tilespmem:s8+$0x80D0]  }
0x242: {  	v14 =	vadd.f32 v34, v14;
	v15 =	vadd.f32 v35, v15;
	v44 =	vld [tilespmem:s12+$0x8080];
	s12 =	sor.u32 $0x1C10, s11  }
0x243: {  	v47 =	vadd.f32 v22, v10;
	v48 =	vadd.f32 v24, v11;
	v45 =	vld [tilespmem:s12+$0x8080];
	s12 =	sor.u32 $0x1C20, s11  }
0x244: {  	s3 =	sadd.s32 $0x80, s3;
	v49 =	vadd.f32 v26, v14;
	v50 =	vadd.f32 v27, v15;
	v46 =	vld [tilespmem:s12+$0x8080];
	s12 =	sor.u32 $0x1C30, s11  }
0x245: {  	s0 =	sor.u32 $0x1C40, s11  }
0x246: {  	v0 =	vld [tilespmem:s0+$0x8080]  }
0x247: {  	v51 =	vld [tilespmem:s12+$0x8080]  }
0x248: {  	v52 =	vld [tilespmem:s8+$0x80E0]  }
0x249: {  	v53 =	vld [tilespmem:s8+$0x80F0]  }
0x24a: {  	v54 =	vld [tilespmem:s8+$0x84E0];
	s10 =	sor.u32 $0x1C50, s11  }
0x24b: {  	[tilespmem:$0x1FFB0] =	vst v0;
	v0 =	vld [tilespmem:s10+$0x8080]  }
0x24c: {  	v55 =	vld [tilespmem:s8+$0x84F0]  }
0x24d: {  	v56 =	vld [tilespmem:s8+$0x88E0];
	v5 =	vadd.f32 v42, v5;
	v4 =	vadd.f32 v43, v4  }
0x24e: {  	v57 =	vld [tilespmem:s8+$0x88F0]  }
0x24f: {  	v58 =	vld [tilespmem:s8+$0x8CE0];
	s12 =	sor.u32 $0x1C60, s11;
	v5 =	vadd.f32 v40, v5;
	v4 =	vadd.f32 v41, v4  }
0x250: {  	[tilespmem:$0x1FFC0] =	vst v0;
	v0 =	vld [tilespmem:s12+$0x8080]  }
0x251: {  	v59 =	vld [tilespmem:s8+$0x8CF0];
	v5 =	vadd.f32 v36, v5;
	v4 =	vadd.f32 v37, v4  }
0x252: {  	v60 =	vld [tilespmem:s8+$0x90E0]  }
0x253: {  	v61 =	vld [tilespmem:s8+$0x90F0];
	v5 =	vadd.f32 v23, v5;
	v4 =	vadd.f32 v25, v4  }
0x254: {  	v62 =	vld [tilespmem:s8+$0x94E0]  }
0x255: {  	v63 =	vld [tilespmem:s8+$0x94F0];
	s14 =	sor.u32 $0x1C70, s11;
	s20 =	sadd.s32 s9, s5;
	s5 =	simm.s32 $0x0;
	v5 =	vadd.f32 v16, v5;
	v4 =	vadd.f32 v17, v4;
	[tilespmem:$0x1FFD0] =	vst v0  }
0x256: {  	s3 =	simm.s32 $0x0;
	v1 =	vld [tilespmem:s14+$0x8080];
	s0 =	smul.u32 $0x1400, s20;
	_ =	swait.ge [sflag:s16], $0xA000  }
0x257: {  	s7 =	sand.u32 $0x380, s5;
	s3 =	sand.u32 $0xE000, s3;
	v5 =	vadd.f32 v12, v5;
	v4 =	vadd.f32 v13, v4;
	[sflag:s16] =	ssyncset.done $0x0  }
0x258: {  	s23 =	sor.u32 s7, s3;
	s0 =	sadd.s32 s1, s0;
	[sflag:s16] =	ssyncadd.s32 $0xFFFF6000  }
0x259: {  	v5 =	vadd.f32 v6, v5;
	v6 =	vadd.f32 v9, v4;
	v4 =	vld [tilespmem:$0x1FFB0];
	[tilespmem:s18], [sflag:$0x2] =	stream.linear.gather [hbm4b:s0+s5], $0xA000, $0x38  }
0x25a: {  	s7 =	sadd.s32 $0x12080, s23;
	v0 =	vld [tilespmem:s23+$0x12080]  }
0x25b: {  	v33 =	vld [tilespmem:s7+$0x1800]  }
0x25c: {  	v35 =	vld [tilespmem:s7+$0x1810]  }
0x25d: {  	v32 =	vld [tilespmem:s7+$0x1820]  }
0x25e: {  	v34 =	vld [tilespmem:s7+$0x1830]  }
0x25f: {  	v14 =	vld [tilespmem:s7+$0x1840]  }
0x260: {  	v15 =	vld [tilespmem:s7+$0x1850]  }
0x261: {  	v38 =	vld [tilespmem:s7+$0x1400]  }
0x262: {  	v39 =	vld [tilespmem:s7+$0x1410]  }
0x263: {  	v47 =	vadd.f32 v30, v47;
	v30 =	vld [tilespmem:s7+$0x1420]  }
0x264: {  	v31 =	vadd.f32 v31, v48;
	v48 =	vadd.f32 v28, v49;
	v28 =	vld [tilespmem:s7+$0x1430]  }
0x265: {  	v29 =	vadd.f32 v29, v50;
	v47 =	vadd.f32 v18, v47;
	v18 =	vld [tilespmem:s7+$0x1440]  }
0x266: {  	v31 =	vadd.f32 v19, v31;
	v20 =	vadd.f32 v20, v48;
	v19 =	vld [tilespmem:s7+$0x1450]  }
0x267: {  	v21 =	vadd.f32 v21, v29;
	v29 =	vadd.f32 v44, v47;
	v44 =	vld [tilespmem:s7+$0x1000]  }
0x268: {  	v50 =	vld [tilespmem:s7+$0x1010]  }
0x269: {  	v48 =	vadd.f32 v46, v20;
	v49 =	vadd.f32 v51, v21;
	v20 =	vld [tilespmem:s7+$0x1020]  }
0x26a: {  	v3 =	vadd.f32 v52, v3;
	v51 =	vadd.f32 v53, v2;
	v21 =	vld [tilespmem:s7+$0x1030]  }
0x26b: {  	v2 =	vld [tilespmem:s7+$0x1040]  }
0x26c: {  	v52 =	vadd.f32 v54, v3;
	v53 =	vadd.f32 v55, v51;
	v3 =	vld [tilespmem:s7+$0x1050]  }
0x26d: {  	v54 =	vld [tilespmem:s7+$0xC00]  }
0x26e: {  	v55 =	vadd.f32 v56, v52;
	v56 =	vadd.f32 v57, v53;
	v57 =	vld [tilespmem:s7+$0xC10]  }
0x26f: {  	v23 =	vld [tilespmem:s7+$0x800]  }
0x270: {  	v25 =	vadd.f32 v58, v55;
	v58 =	vadd.f32 v59, v56;
	v59 =	vld [tilespmem:s7+$0x810]  }
0x271: {  	v16 =	vld [tilespmem:s7+$0x400]  }
0x272: {  	v17 =	vadd.f32 v60, v25;
	v25 =	vadd.f32 v61, v58;
	v61 =	vld [tilespmem:s7+$0x410]  }
0x273: {  	v12 =	vld [tilespmem:s7+$0x10]  }
0x274: {  	v13 =	vadd.f32 v62, v17;
	v17 =	vadd.f32 v63, v25;
	v25 =	vld [tilespmem:s7+$0x20]  }
0x275: {  	v9 =	vld [tilespmem:s7+$0x30]  }
0x276: {  	s22 =	sand.u32 $0x7, s5;
	v4 =	vadd.f32 v4, v5;
	v5 =	vld [tilespmem:$0x1FFC0]  }
0x277: {  	v7 =	vadd.f32 v7, v13;
	s0 =	sshll.u32 s22, $0x7;
	v13 =	vld [tilespmem:s7+$0x420]  }
0x278: {  	v8 =	vadd.f32 v8, v17;
	s20 =	sadd.s32 $0x0, s0;
	v17 =	vld [tilespmem:s7+$0x430]  }
0x279: {  	v63 =	vld [tilespmem:s7+$0xC30];
	s24 =	sor.u32 $0x1C00, s20  }
0x27a: {  	v22 =	vld [tilespmem:s24+$0x12080]  }
0x27b: {  	s25 =	sor.u32 $0x1C10, s20;
	v5 =	vadd.f32 v5, v6;
	v6 =	vld [tilespmem:$0x1FFD0]  }
0x27c: {  	s26 =	sor.u32 $0x1C20, s20;
	v24 =	vld [tilespmem:s25+$0x12080]  }
0x27d: {  	s28 =	sor.u32 $0x1C30, s20;
	v26 =	vld [tilespmem:s26+$0x12080]  }
0x27e: {  	s29 =	sor.u32 $0x1C40, s20;
	v27 =	vld [tilespmem:s28+$0x12080]  }
0x27f: {  	v31 =	vadd.f32 v45, v31;
	v10 =	vld [tilespmem:s29+$0x12080]  }
0x280: {  	v6 =	vadd.f32 v6, v7;
	v7 =	vadd.f32 v1, v8;
	v1 =	vld [tilespmem:s7+$0x820]  }
0x281: {  	s31 =	sor.u32 $0x1C50, s20;
	v0 =	vadd.f32 v0, v29;
	v8 =	vadd.f32 v12, v31;
	v12 =	vld [tilespmem:s7+$0x830]  }
0x282: {  	v11 =	vld [tilespmem:s31+$0x12080];
	v25 =	vadd.f32 v25, v48;
	v9 =	vadd.f32 v9, v49  }
0x283: {  	v0 =	vadd.f32 v16, v0;
	v31 =	vld [tilespmem:s7+$0xC20];
	v8 =	vadd.f32 v61, v8  }
0x284: {  	v29 =	vld [tilespmem:s7+$0x440];
	v13 =	vadd.f32 v13, v25;
	v9 =	vadd.f32 v17, v9  }
0x285: {  	v16 =	vld [tilespmem:s7+$0xC40];
	v0 =	vadd.f32 v23, v0;
	v8 =	vadd.f32 v59, v8  }
0x286: {  	v17 =	vld [tilespmem:s7+$0xC50];
	v1 =	vadd.f32 v1, v13;
	v9 =	vadd.f32 v12, v9  }
0x287: {  	v25 =	vld [tilespmem:s7+$0x850];
	v0 =	vadd.f32 v54, v0;
	v13 =	vadd.f32 v57, v8  }
0x288: {  	v23 =	vld [tilespmem:s7+$0x840];
	v8 =	vadd.f32 v31, v1;
	v9 =	vadd.f32 v63, v9  }
0x289: {  	s8 =	simm.s32 $0x0;
	s3 =	simm.s32 $0x80;
	s0 =	simm.s32 $0xFFFF6000;
	v12 =	vadd.f32 v44, v0;
	v31 =	vld [tilespmem:s7+$0x450];
	v13 =	vadd.f32 v50, v13  }
.LBB2_5:
0x28a: {  	p1 =	sne.s32 s3, $0x1380;
	v0 =	vld [tilespmem:s7+$0x40];
	v1 =	vadd.f32 v20, v8;
	v8 =	vadd.f32 v21, v9  }
0x28b: {  	v20 =	vld [tilespmem:s7+$0x50];
	v9 =	vadd.f32 v38, v12;
	v12 =	vadd.f32 v39, v13  }
0x28c: {  	v21 =	vld [tilespmem:s7+$0x60];
	v1 =	vadd.f32 v30, v1;
	v8 =	vadd.f32 v28, v8  }
0x28d: {  	v28 =	vld [tilespmem:s7+$0x70];
	v9 =	vadd.f32 v33, v9;
	v12 =	vadd.f32 v35, v12  }
0x28e: {  	v30 =	vld [tilespmem:s7+$0x460];
	v1 =	vadd.f32 v32, v1;
	v13 =	vadd.f32 v34, v8  }
0x28f: {  	v32 =	vld [tilespmem:s7+$0x470];
	v8 =	vadd.f32 v22, v9;
	v9 =	vadd.f32 v24, v12  }
0x290: {  	v22 =	vld [tilespmem:s7+$0x860];
	v12 =	vadd.f32 v26, v1;
	v13 =	vadd.f32 v27, v13  }
0x291: {  	v0 =	vadd.f32 v0, v4;
	v1 =	vadd.f32 v20, v5;
	v4 =	vld [tilespmem:s7+$0x870]  }
0x292: {  	v5 =	vadd.f32 v21, v6;
	v6 =	vadd.f32 v28, v7;
	v7 =	vld [tilespmem:s7+$0xC60]  }
0x293: {  	v0 =	vadd.f32 v29, v0;
	v1 =	vadd.f32 v31, v1;
	v20 =	vld [tilespmem:s7+$0xC70]  }
0x294: {  	v5 =	vadd.f32 v30, v5;
	v6 =	vadd.f32 v32, v6;
	v21 =	vld [tilespmem:s7+$0x1060]  }
0x295: {  	v0 =	vadd.f32 v23, v0;
	v1 =	vadd.f32 v25, v1;
	v23 =	vld [tilespmem:s7+$0x1070]  }
0x296: {  	v5 =	vadd.f32 v22, v5;
	v4 =	vadd.f32 v4, v6;
	v6 =	vld [tilespmem:s7+$0x1460]  }
0x297: {  	s5 =	sadd.s32 $0x400, s5;
	v0 =	vadd.f32 v16, v0;
	v1 =	vadd.f32 v17, v1;
	v16 =	vld [tilespmem:s7+$0x1470]  }
0x298: {  	s10 =	sand.u32 $0x380, s3;
	s8 =	sadd.s32 $0x1, s8;
	s0 =	sadd.s32 $0x400, s0;
	v5 =	vadd.f32 v7, v5;
	v4 =	vadd.f32 v20, v4;
	v7 =	vld [tilespmem:s7+$0x1860]  }
0x299: {  	s11 =	sand.u32 $0x7, s8;
	s12 =	sadd.s32 $0xA000, s0;
	v0 =	vadd.f32 v2, v0;
	v1 =	vadd.f32 v3, v1;
	v2 =	vld [tilespmem:s7+$0x1870];
	s7 =	sor.u32 $0x1C60, s20  }
0x29a: {  	s11 =	sshll.u32 s11, $0x7;
	s12 =	sand.u32 $0xE000, s12;
	v3 =	vadd.f32 v21, v5;
	v4 =	vadd.f32 v23, v4;
	v17 =	vld [tilespmem:s7+$0x12080];
	s7 =	sor.u32 $0x1C70, s20  }
0x29b: {  	s10 =	sor.u32 s10, s12;
	v0 =	vadd.f32 v18, v0;
	s20 =	sadd.s32 s11, s5;
	v1 =	vadd.f32 v19, v1;
	v18 =	vld [tilespmem:s7+$0x12080]  }
0x29c: {  	s7 =	sor.u32 $0x1C00, s20;
	v3 =	vadd.f32 v6, v3;
	v23 =	vld [tilespmem:s10+$0x12080];
	v4 =	vadd.f32 v16, v4  }
0x29d: {  	v0 =	vadd.f32 v14, v0;
	v1 =	vadd.f32 v15, v1;
	v22 =	vld [tilespmem:s7+$0x12080];
	s7 =	sor.u32 $0x1C10, s20  }
0x29e: {  	v3 =	vadd.f32 v7, v3;
	v24 =	vld [tilespmem:s7+$0x12080];
	s7 =	sor.u32 $0x1C20, s20;
	v2 =	vadd.f32 v2, v4  }
0x29f: {  	v4 =	vadd.f32 v10, v0;
	v5 =	vadd.f32 v11, v1;
	v26 =	vld [tilespmem:s7+$0x12080];
	s7 =	sor.u32 $0x1C30, s20  }
0x2a0: {  	v6 =	vadd.f32 v17, v3;
	v27 =	vld [tilespmem:s7+$0x12080];
	s7 =	sor.u32 $0x1C40, s20;
	v7 =	vadd.f32 v18, v2  }
0x2a1: {  	s11 =	sor.u32 $0x1C50, s20;
	v10 =	vld [tilespmem:s7+$0x12080]  }
0x2a2: {  	s7 =	sadd.s32 $0x12080, s10;
	v11 =	vld [tilespmem:s11+$0x12080]  }
0x2a3: {  	v33 =	vld [tilespmem:s7+$0x1800]  }
0x2a4: {  	v35 =	vld [tilespmem:s7+$0x1810]  }
0x2a5: {  	v32 =	vld [tilespmem:s7+$0x1820]  }
0x2a6: {  	v34 =	vld [tilespmem:s7+$0x1830]  }
0x2a7: {  	v14 =	vld [tilespmem:s7+$0x1840]  }
0x2a8: {  	v15 =	vld [tilespmem:s7+$0x1850]  }
0x2a9: {  	v38 =	vld [tilespmem:s7+$0x1400]  }
0x2aa: {  	v39 =	vld [tilespmem:s7+$0x1410]  }
0x2ab: {  	v30 =	vld [tilespmem:s7+$0x1420]  }
0x2ac: {  	v28 =	vld [tilespmem:s7+$0x1430]  }
0x2ad: {  	v18 =	vld [tilespmem:s7+$0x1440]  }
0x2ae: {  	v19 =	vld [tilespmem:s7+$0x1450]  }
0x2af: {  	v0 =	vld [tilespmem:s7+$0x1000]  }
0x2b0: {  	v1 =	vld [tilespmem:s7+$0x1010]  }
0x2b1: {  	v20 =	vld [tilespmem:s7+$0x1020]  }
0x2b2: {  	v21 =	vld [tilespmem:s7+$0x1030]  }
0x2b3: {  	v2 =	vld [tilespmem:s7+$0x1040]  }
0x2b4: {  	v3 =	vld [tilespmem:s7+$0x1050]  }
0x2b5: {  	v29 =	vld [tilespmem:s7+$0xC00]  }
0x2b6: {  	v31 =	vld [tilespmem:s7+$0xC10]  }
0x2b7: {  	v17 =	vld [tilespmem:s7+$0x800]  }
0x2b8: {  	v25 =	vld [tilespmem:s7+$0x810]  }
0x2b9: {  	v16 =	vld [tilespmem:s7+$0x400]  }
0x2ba: {  	v36 =	vld [tilespmem:s7+$0x410]  }
0x2bb: {  	v37 =	vld [tilespmem:s7+$0x10]  }
0x2bc: {  	v40 =	vld [tilespmem:s7+$0x20]  }
0x2bd: {  	v41 =	vld [tilespmem:s7+$0x30]  }
0x2be: {  	v42 =	vld [tilespmem:s7+$0x420]  }
0x2bf: {  	v43 =	vld [tilespmem:s7+$0x430]  }
0x2c0: {  	v44 =	vld [tilespmem:s7+$0x820]  }
0x2c1: {  	v8 =	vadd.f32 v23, v8;
	v9 =	vadd.f32 v37, v9;
	v23 =	vld [tilespmem:s7+$0x830]  }
0x2c2: {  	v12 =	vadd.f32 v40, v12;
	v13 =	vadd.f32 v41, v13;
	v37 =	vld [tilespmem:s7+$0xC20]  }
0x2c3: {  	v8 =	vadd.f32 v16, v8;
	v9 =	vadd.f32 v36, v9;
	v36 =	vld [tilespmem:s7+$0xC30]  }
0x2c4: {  	v12 =	vadd.f32 v42, v12;
	v13 =	vadd.f32 v43, v13;
	v16 =	vld [tilespmem:s7+$0xC40]  }
.Ltmp3:
0x2c5: {  	v8 =	vadd.f32 v17, v8;
	v9 =	vadd.f32 v25, v9;
	v17 =	vld [tilespmem:s7+$0xC50];
	(pc) =	sbr.rel @p1 .LBB2_5-.Ltmp3, $4  }
0x2c6: {  	v12 =	vadd.f32 v44, v12;
	v13 =	vadd.f32 v23, v13;
	v23 =	vld [tilespmem:s7+$0x840]  }
0x2c7: {  	v40 =	vadd.f32 v29, v8;
	v41 =	vadd.f32 v31, v9;
	v25 =	vld [tilespmem:s7+$0x850]  }
0x2c8: {  	v8 =	vadd.f32 v37, v12;
	v29 =	vld [tilespmem:s7+$0x440];
	v9 =	vadd.f32 v36, v13  }
0x2c9: {  	s3 =	sadd.s32 $0x80, s3;
	v12 =	vadd.f32 v0, v40;
	v13 =	vadd.f32 v1, v41;
	v31 =	vld [tilespmem:s7+$0x450]  }
0x2ca: {  	v0 =	vld [tilespmem:s7+$0x40];
	v1 =	vadd.f32 v20, v8;
	v51 =	vadd.f32 v21, v9  }
0x2cb: {  	v52 =	vld [tilespmem:s7+$0x50];
	v12 =	vadd.f32 v38, v12;
	v13 =	vadd.f32 v39, v13  }
0x2cc: {  	v53 =	vld [tilespmem:s7+$0x60];
	v1 =	vadd.f32 v30, v1;
	v8 =	vadd.f32 v28, v51  }
0x2cd: {  	v54 =	vld [tilespmem:s7+$0x70];
	v12 =	vadd.f32 v33, v12;
	v13 =	vadd.f32 v35, v13  }
0x2ce: {  	v55 =	vld [tilespmem:s7+$0x460];
	v1 =	vadd.f32 v32, v1;
	v8 =	vadd.f32 v34, v8  }
0x2cf: {  	v56 =	vld [tilespmem:s7+$0x470];
	v33 =	vadd.f32 v22, v12;
	v32 =	vadd.f32 v24, v13  }
0x2d0: {  	v57 =	vld [tilespmem:s7+$0x860];
	v0 =	vadd.f32 v0, v4;
	v26 =	vadd.f32 v26, v1  }
0x2d1: {  	v4 =	vld [tilespmem:s7+$0x870];
	v24 =	vadd.f32 v27, v8;
	v1 =	vadd.f32 v52, v5  }
0x2d2: {  	v58 =	vld [tilespmem:s7+$0xC70];
	v5 =	vadd.f32 v53, v6;
	v6 =	vadd.f32 v54, v7  }
0x2d3: {  	v7 =	vld [tilespmem:s7+$0xC60];
	v0 =	vadd.f32 v29, v0;
	v1 =	vadd.f32 v31, v1  }
0x2d4: {  	v59 =	vld [tilespmem:s7+$0x1060];
	v5 =	vadd.f32 v55, v5;
	v6 =	vadd.f32 v56, v6  }
0x2d5: {  	v60 =	vld [tilespmem:s7+$0x1070];
	v0 =	vadd.f32 v23, v0;
	v1 =	vadd.f32 v25, v1  }
0x2d6: {  	v61 =	vld [tilespmem:s7+$0x1470];
	v5 =	vadd.f32 v57, v5;
	v4 =	vadd.f32 v4, v6  }
0x2d7: {  	v6 =	vld [tilespmem:s7+$0x1460];
	v0 =	vadd.f32 v16, v0;
	v1 =	vadd.f32 v17, v1  }
0x2d8: {  	v5 =	vadd.f32 v7, v5;
	v4 =	vadd.f32 v58, v4;
	v7 =	vld [tilespmem:s7+$0x1860]  }
0x2d9: {  	s0 =	sor.u32 $0x1C60, s20;
	v0 =	vadd.f32 v2, v0;
	v2 =	vld [tilespmem:s7+$0x1870];
	v1 =	vadd.f32 v3, v1  }
0x2da: {  	s31 =	sor.u32 $0x1C70, s20;
	s19 =	sadd.s32 $0x1, s19;
	v62 =	vld [tilespmem:s0+$0x12080];
	v3 =	vadd.f32 v59, v5;
	v4 =	vadd.f32 v60, v4  }
0x2db: {  	v63 =	vld [tilespmem:s31+$0x12080];
	p1 =	sne.s32 s19, $0xF;
	v0 =	vadd.f32 v18, v0;
	v1 =	vadd.f32 v19, v1  }
.Ltmp4:
0x2dc: {  	v3 =	vadd.f32 v6, v3;
	v4 =	vadd.f32 v61, v4;
	(pc) =	sbr.rel @p1 .LBB2_2-.Ltmp4, $4  }
0x2dd: {  	v0 =	vadd.f32 v14, v0;
	v1 =	vadd.f32 v15, v1  }
0x2de: {  	v3 =	vadd.f32 v7, v3;
	v2 =	vadd.f32 v2, v4  }
0x2df: {  	v5 =	vadd.f32 v10, v0;
	v4 =	vadd.f32 v11, v1  }
0x2e0: {  	v3 =	vadd.f32 v62, v3;
	v2 =	vadd.f32 v63, v2  }
0x2e1: {  	_ =	swait.ge [sflag:s2], $0xA000;
	s7 =	simm.s32 $0x0;
	s0 =	simm.s32 $0x0  }
0x2e2: {  	[sflag:s2] =	ssyncset.done $0x0;
	s0 =	sand.u32 $0xE000, s0;
	s3 =	sand.u32 $0x380, s7  }
0x2e3: {  	[sflag:s2] =	ssyncadd.s32 $0xFFFF6000;
	s5 =	sor.u32 s3, s0  }
0x2e4: {  	v6 =	vld [tilespmem:s5+$0x9880]  }
0x2e5: {  	v7 =	vld [tilespmem:s5+$0x9890]  }
0x2e6: {  	v8 =	vld [tilespmem:s5+$0x98A0]  }
0x2e7: {  	v9 =	vld [tilespmem:s5+$0x98B0]  }
0x2e8: {  	v10 =	vld [tilespmem:s5+$0x98C0]  }
0x2e9: {  	v12 =	vld [tilespmem:s5+$0x98D0]  }
0x2ea: {  	v11 =	vld [tilespmem:s5+$0x98E0]  }
0x2eb: {  	v13 =	vld [tilespmem:s5+$0x98F0]  }
0x2ec: {  	v22 =	vld [tilespmem:s5+$0x9480]  }
0x2ed: {  	v23 =	vld [tilespmem:s5+$0x9490]  }
0x2ee: {  	v20 =	vld [tilespmem:s5+$0x94A0]  }
0x2ef: {  	v21 =	vld [tilespmem:s5+$0x94B0]  }
0x2f0: {  	v14 =	vld [tilespmem:s5+$0x94C0]  }
0x2f1: {  	v15 =	vld [tilespmem:s5+$0x94D0]  }
0x2f2: {  	v0 =	vld [tilespmem:s5+$0x9080]  }
0x2f3: {  	v1 =	vld [tilespmem:s5+$0x9090]  }
0x2f4: {  	v28 =	vld [tilespmem:s5+$0x90A0]  }
0x2f5: {  	v36 =	vld [tilespmem:s5+$0x90B0]  }
0x2f6: {  	v16 =	vld [tilespmem:s5+$0x90C0]  }
0x2f7: {  	v17 =	vld [tilespmem:s5+$0x90D0]  }
0x2f8: {  	v27 =	vld [tilespmem:s5+$0x8C80]  }
0x2f9: {  	v29 =	vld [tilespmem:s5+$0x8C90]  }
0x2fa: {  	v34 =	vld [tilespmem:s5+$0x8CA0]  }
0x2fb: {  	v35 =	vld [tilespmem:s5+$0x8CB0]  }
0x2fc: {  	v18 =	vld [tilespmem:s5+$0x8CC0]  }
0x2fd: {  	v19 =	vld [tilespmem:s5+$0x8CD0]  }
0x2fe: {  	v37 =	vld [tilespmem:s5+$0x8880]  }
0x2ff: {  	v38 =	vld [tilespmem:s5+$0x8890]  }
0x300: {  	v25 =	vld [tilespmem:s5+$0x8480]  }
0x301: {  	v30 =	vld [tilespmem:s5+$0x8490]  }
0x302: {  	v31 =	vld [tilespmem:s5+$0x8080]  }
0x303: {  	v39 =	vld [tilespmem:s5+$0x8090]  }
0x304: {  	v40 =	vld [tilespmem:s5+$0x80A0]  }
0x305: {  	v41 =	vld [tilespmem:s5+$0x80B0]  }
0x306: {  	v42 =	vld [tilespmem:s5+$0x84A0]  }
0x307: {  	v43 =	vld [tilespmem:s5+$0x84B0]  }
0x308: {  	v44 =	vld [tilespmem:s5+$0x88A0]  }
0x309: {  	v59 =	vld [tilespmem:s5+$0x88B0];
	v31 =	vadd.f32 v31, v33;
	v32 =	vadd.f32 v39, v32  }
0x30a: {  	v26 =	vadd.f32 v40, v26;
	v60 =	vadd.f32 v41, v24;
	v24 =	vld [tilespmem:s5+$0x88C0]  }
0x30b: {  	v33 =	vld [tilespmem:s5+$0x80D0];
	v61 =	vadd.f32 v25, v31;
	v32 =	vadd.f32 v30, v32  }
0x30c: {  	s28 =	sand.u32 $0x7, s7;
	v25 =	vld [tilespmem:s5+$0x88D0];
	v26 =	vadd.f32 v42, v26;
	v39 =	vadd.f32 v43, v60  }
0x30d: {  	s0 =	sshll.u32 s28, $0x7;
	v30 =	vld [tilespmem:s5+$0x84C0];
	v37 =	vadd.f32 v37, v61;
	v38 =	vadd.f32 v38, v32  }
0x30e: {  	s10 =	sadd.s32 $0x0, s0;
	v31 =	vld [tilespmem:s5+$0x84D0];
	v26 =	vadd.f32 v44, v26;
	v39 =	vadd.f32 v59, v39  }
0x30f: {  	s0 =	sor.u32 $0x1C00, s10;
	v32 =	vld [tilespmem:s5+$0x80C0];
	v27 =	vadd.f32 v27, v37;
	v62 =	vadd.f32 v29, v38  }
0x310: {  	s29 =	sor.u32 $0x1C10, s10;
	v63 =	vadd.f32 v34, v26;
	v39 =	vadd.f32 v35, v39;
	v26 =	vld [tilespmem:s0+$0x8080]  }
0x311: {  	s8 =	simm.s32 $0x0;
	s31 =	sor.u32 $0x1C20, s10;
	v29 =	vadd.f32 v0, v27;
	v34 =	vadd.f32 v1, v62;
	v27 =	vld [tilespmem:s29+$0x8080]  }
0x312: {  	s3 =	simm.s32 $0x80;
	s11 =	sor.u32 $0x1C30, s10;
	s0 =	simm.s32 $0xFFFF6000;
	v35 =	vadd.f32 v28, v63;
	v36 =	vadd.f32 v36, v39;
	v28 =	vld [tilespmem:s31+$0x8080]  }
.LBB2_8:
0x313: {  	p1 =	sne.s32 s3, $0x1380;
	v0 =	vadd.f32 v22, v29;
	v1 =	vadd.f32 v23, v34;
	v22 =	vld [tilespmem:s11+$0x8080]  }
0x314: {  	v23 =	vld [tilespmem:s5+$0x80E0];
	v20 =	vadd.f32 v20, v35;
	v21 =	vadd.f32 v21, v36  }
0x315: {  	v34 =	vld [tilespmem:s5+$0x80F0];
	v0 =	vadd.f32 v6, v0;
	v1 =	vadd.f32 v7, v1  }
0x316: {  	v6 =	vld [tilespmem:s5+$0x84E0];
	v7 =	vadd.f32 v8, v20;
	v8 =	vadd.f32 v9, v21  }
0x317: {  	v9 =	vld [tilespmem:s5+$0x84F0];
	v26 =	vadd.f32 v26, v0;
	v27 =	vadd.f32 v27, v1  }
0x318: {  	v0 =	vld [tilespmem:s5+$0x88E0];
	v28 =	vadd.f32 v28, v7;
	v29 =	vadd.f32 v22, v8  }
0x319: {  	v4 =	vadd.f32 v33, v4;
	v1 =	vadd.f32 v32, v5;
	v5 =	vld [tilespmem:s5+$0x88F0]  }
0x31a: {  	v3 =	vadd.f32 v23, v3;
	v2 =	vadd.f32 v34, v2;
	v7 =	vld [tilespmem:s5+$0x8CE0]  }
0x31b: {  	v4 =	vadd.f32 v31, v4;
	v1 =	vadd.f32 v30, v1;
	v8 =	vld [tilespmem:s5+$0x8CF0]  }
0x31c: {  	v3 =	vadd.f32 v6, v3;
	v2 =	vadd.f32 v9, v2;
	v6 =	vld [tilespmem:s5+$0x90E0]  }
0x31d: {  	v4 =	vadd.f32 v25, v4;
	v1 =	vadd.f32 v24, v1;
	v9 =	vld [tilespmem:s5+$0x90F0]  }
0x31e: {  	v0 =	vadd.f32 v0, v3;
	v2 =	vadd.f32 v5, v2;
	v3 =	vld [tilespmem:s5+$0x94E0]  }
0x31f: {  	v4 =	vadd.f32 v19, v4;
	v1 =	vadd.f32 v18, v1;
	v5 =	vld [tilespmem:s5+$0x94F0];
	s5 =	sor.u32 $0x1C40, s10  }
0x320: {  	s0 =	sadd.s32 $0x400, s0;
	v0 =	vadd.f32 v7, v0;
	v2 =	vadd.f32 v8, v2;
	v18 =	vld [tilespmem:s5+$0x8080];
	s5 =	sor.u32 $0x1C50, s10  }
0x321: {  	s11 =	sadd.s32 $0xA000, s0;
	v4 =	vadd.f32 v17, v4;
	v1 =	vadd.f32 v16, v1;
	v16 =	vld [tilespmem:s5+$0x8080];
	s5 =	sor.u32 $0x1C60, s10  }
0x322: {  	s12 =	sand.u32 $0x380, s3;
	s11 =	sand.u32 $0xE000, s11;
	v0 =	vadd.f32 v6, v0;
	s10 =	sor.u32 $0x1C70, s10;
	v2 =	vadd.f32 v9, v2;
	v17 =	vld [tilespmem:s5+$0x8080]  }
0x323: {  	v4 =	vadd.f32 v15, v4;
	v1 =	vadd.f32 v14, v1;
	s5 =	sor.u32 s12, s11;
	v14 =	vld [tilespmem:s10+$0x8080]  }
0x324: {  	v0 =	vadd.f32 v3, v0;
	v6 =	vld [tilespmem:s5+$0x9880];
	v2 =	vadd.f32 v5, v2  }
0x325: {  	v1 =	vadd.f32 v10, v1;
	v3 =	vadd.f32 v12, v4;
	v7 =	vld [tilespmem:s5+$0x9890]  }
0x326: {  	v0 =	vadd.f32 v11, v0;
	v8 =	vld [tilespmem:s5+$0x98A0];
	v2 =	vadd.f32 v13, v2  }
0x327: {  	v5 =	vadd.f32 v18, v1;
	v4 =	vadd.f32 v16, v3;
	v9 =	vld [tilespmem:s5+$0x98B0]  }
0x328: {  	v3 =	vadd.f32 v17, v0;
	v10 =	vld [tilespmem:s5+$0x98C0];
	v2 =	vadd.f32 v14, v2  }
0x329: {  	v12 =	vld [tilespmem:s5+$0x98D0]  }
0x32a: {  	v11 =	vld [tilespmem:s5+$0x98E0]  }
0x32b: {  	v13 =	vld [tilespmem:s5+$0x98F0]  }
0x32c: {  	v22 =	vld [tilespmem:s5+$0x9480]  }
0x32d: {  	v23 =	vld [tilespmem:s5+$0x9490]  }
0x32e: {  	v20 =	vld [tilespmem:s5+$0x94A0]  }
0x32f: {  	v21 =	vld [tilespmem:s5+$0x94B0]  }
0x330: {  	v14 =	vld [tilespmem:s5+$0x94C0]  }
0x331: {  	v15 =	vld [tilespmem:s5+$0x94D0]  }
0x332: {  	v0 =	vld [tilespmem:s5+$0x9080]  }
0x333: {  	v1 =	vld [tilespmem:s5+$0x9090]  }
0x334: {  	v35 =	vld [tilespmem:s5+$0x90A0]  }
0x335: {  	v36 =	vld [tilespmem:s5+$0x90B0]  }
0x336: {  	v16 =	vld [tilespmem:s5+$0x90C0]  }
0x337: {  	v17 =	vld [tilespmem:s5+$0x90D0]  }
0x338: {  	v34 =	vld [tilespmem:s5+$0x8C80]  }
0x339: {  	v37 =	vld [tilespmem:s5+$0x8C90]  }
0x33a: {  	v38 =	vld [tilespmem:s5+$0x8CA0]  }
0x33b: {  	v39 =	vld [tilespmem:s5+$0x8CB0]  }
0x33c: {  	v18 =	vld [tilespmem:s5+$0x8CC0]  }
0x33d: {  	v19 =	vld [tilespmem:s5+$0x8CD0]  }
0x33e: {  	v32 =	vld [tilespmem:s5+$0x8880]  }
0x33f: {  	v33 =	vld [tilespmem:s5+$0x8890]  }
0x340: {  	v25 =	vld [tilespmem:s5+$0x8480]  }
0x341: {  	v30 =	vld [tilespmem:s5+$0x8490]  }
0x342: {  	v24 =	vld [tilespmem:s5+$0x8080]  }
0x343: {  	v31 =	vld [tilespmem:s5+$0x8090]  }
0x344: {  	v40 =	vld [tilespmem:s5+$0x80A0]  }
0x345: {  	v41 =	vld [tilespmem:s5+$0x80B0]  }
0x346: {  	v42 =	vld [tilespmem:s5+$0x84A0]  }
0x347: {  	v43 =	vld [tilespmem:s5+$0x84B0]  }
0x348: {  	v44 =	vld [tilespmem:s5+$0x88A0]  }
0x349: {  	v26 =	vadd.f32 v24, v26;
	v27 =	vadd.f32 v31, v27;
	v45 =	vld [tilespmem:s5+$0x88B0]  }
0x34a: {  	v28 =	vadd.f32 v40, v28;
	v29 =	vadd.f32 v41, v29;
	v24 =	vld [tilespmem:s5+$0x88C0]  }
0x34b: {  	s7 =	sadd.s32 $0x1, s7;
	v26 =	vadd.f32 v25, v26;
	v27 =	vadd.f32 v30, v27;
	v25 =	vld [tilespmem:s5+$0x88D0]  }
0x34c: {  	s10 =	sand.u32 $0x7, s7;
	v28 =	vadd.f32 v42, v28;
	v29 =	vadd.f32 v43, v29;
	v30 =	vld [tilespmem:s5+$0x84C0]  }
0x34d: {  	s8 =	sadd.s32 $0x400, s8;
	s10 =	sshll.u32 s10, $0x7;
	v26 =	vadd.f32 v32, v26;
	v27 =	vadd.f32 v33, v27;
	v31 =	vld [tilespmem:s5+$0x84D0]  }
.Ltmp5:
0x34e: {  	s10 =	sadd.s32 s10, s8;
	v28 =	vadd.f32 v44, v28;
	v32 =	vld [tilespmem:s5+$0x80C0];
	v29 =	vadd.f32 v45, v29;
	(pc) =	sbr.rel @p1 .LBB2_8-.Ltmp5, $4  }
0x34f: {  	s11 =	sor.u32 $0x1C00, s10;
	v34 =	vadd.f32 v34, v26;
	v27 =	vadd.f32 v37, v27;
	v33 =	vld [tilespmem:s5+$0x80D0]  }
0x350: {  	v28 =	vadd.f32 v38, v28;
	v37 =	vadd.f32 v39, v29;
	v26 =	vld [tilespmem:s11+$0x8080];
	s11 =	sor.u32 $0x1C10, s10  }
0x351: {  	v29 =	vadd.f32 v0, v34;
	v34 =	vadd.f32 v1, v27;
	v27 =	vld [tilespmem:s11+$0x8080];
	s11 =	sor.u32 $0x1C20, s10  }
0x352: {  	s3 =	sadd.s32 $0x80, s3;
	v35 =	vadd.f32 v35, v28;
	v36 =	vadd.f32 v36, v37;
	v28 =	vld [tilespmem:s11+$0x8080];
	s11 =	sor.u32 $0x1C30, s10  }
0x353: {  	v0 =	vadd.f32 v22, v29;
	v1 =	vadd.f32 v23, v34;
	v51 =	vld [tilespmem:s11+$0x8080]  }
0x354: {  	v52 =	vld [tilespmem:s5+$0x80E0];
	v20 =	vadd.f32 v20, v35;
	v21 =	vadd.f32 v21, v36  }
0x355: {  	v53 =	vld [tilespmem:s5+$0x80F0];
	v4 =	vadd.f32 v33, v4;
	v0 =	vadd.f32 v6, v0  }
0x356: {  	v54 =	vld [tilespmem:s5+$0x84E0];
	v1 =	vadd.f32 v7, v1;
	v8 =	vadd.f32 v8, v20  }
0x357: {  	v55 =	vld [tilespmem:s5+$0x84F0];
	v9 =	vadd.f32 v9, v21;
	v4 =	vadd.f32 v31, v4  }
0x358: {  	v6 =	vadd.f32 v26, v0;
	v7 =	vadd.f32 v27, v1;
	v0 =	vld [tilespmem:s5+$0x88E0]  }
0x359: {  	v1 =	vadd.f32 v32, v5;
	v5 =	vld [tilespmem:s5+$0x88F0];
	v8 =	vadd.f32 v28, v8  }
0x35a: {  	v56 =	vld [tilespmem:s5+$0x8CE0];
	v3 =	vadd.f32 v52, v3;
	v2 =	vadd.f32 v53, v2  }
0x35b: {  	v57 =	vld [tilespmem:s5+$0x8CF0];
	v9 =	vadd.f32 v51, v9;
	v1 =	vadd.f32 v30, v1  }
0x35c: {  	v58 =	vld [tilespmem:s5+$0x90E0];
	v3 =	vadd.f32 v54, v3;
	v2 =	vadd.f32 v55, v2  }
0x35d: {  	v59 =	vld [tilespmem:s5+$0x90F0];
	v4 =	vadd.f32 v25, v4;
	v1 =	vadd.f32 v24, v1  }
0x35e: {  	v0 =	vadd.f32 v0, v3;
	v2 =	vadd.f32 v5, v2;
	v3 =	vld [tilespmem:s5+$0x94E0]  }
0x35f: {  	s0 =	sor.u32 $0x1C40, s10;
	v4 =	vadd.f32 v19, v4;
	v5 =	vld [tilespmem:s5+$0x94F0];
	v1 =	vadd.f32 v18, v1  }
0x360: {  	s28 =	sor.u32 $0x1C50, s10;
	v60 =	vld [tilespmem:s0+$0x8080];
	v0 =	vadd.f32 v56, v0;
	v2 =	vadd.f32 v57, v2  }
0x361: {  	s29 =	sor.u32 $0x1C60, s10;
	v61 =	vld [tilespmem:s28+$0x8080];
	v4 =	vadd.f32 v17, v4;
	v1 =	vadd.f32 v16, v1  }
0x362: {  	s31 =	sor.u32 $0x1C70, s10;
	v62 =	vld [tilespmem:s29+$0x8080];
	v0 =	vadd.f32 v58, v0;
	v2 =	vadd.f32 v59, v2  }
0x363: {  	v63 =	vld [tilespmem:s31+$0x8080];
	v4 =	vadd.f32 v15, v4;
	v1 =	vadd.f32 v14, v1  }
.Ltmp6:
0x364: {  	v0 =	vadd.f32 v3, v0;
	v2 =	vadd.f32 v5, v2;
	(pc) =	sbr.rel @p0 .LBB2_13-.Ltmp6, $4  }
0x365: {  	v3 =	vadd.f32 v12, v4;
	v1 =	vadd.f32 v10, v1  }
0x366: {  	v0 =	vadd.f32 v11, v0;
	v5 =	vadd.f32 v13, v2  }
0x367: {  	v3 =	vadd.f32 v61, v3;
	v2 =	vadd.f32 v60, v1  }
0x368: {  	s5 =	rddreg [dreg:$0xa];
	v10 =	vimm.f32 $0.0e+00;
	v4 =	vadd.f32 v62, v0;
	v5 =	vadd.f32 v63, v5  }
0x369: {  	s5 =	simm.s32 $0x0;
	s0 =	rddreg [dreg:$0x7];
	s3 =	simm.s32 $0x0  }
0x36a: {  	[tilespmem:s21], [sflag:$0x3] =	stream.linear.gather [hbm4b:s0+s5], $0xA000, $0x38;
	[tilespmem:$0x1C180] =	vst v63  }
0x36b: {  	s22 =	sand.u32 $0x7, s5;
	s7 =	sand.u32 $0x380, s5;
	_ =	swait.ge [sflag:s16], $0xA000  }
0x36c: {  	s3 =	sand.u32 $0xE000, s3;
	s0 =	sshll.u32 s22, $0x7;
	[sflag:s16] =	ssyncset.done $0x0  }
0x36d: {  	s23 =	sor.u32 s7, s3;
	s10 =	sadd.s32 $0x0, s0;
	[sflag:s16] =	ssyncadd.s32 $0xFFFF6000  }
0x36e: {  	s24 =	sor.u32 $0x1C00, s10;
	v0 =	vld [tilespmem:s23+$0x12080]  }
0x36f: {  	s25 =	sor.u32 $0x1C10, s10;
	v16 =	vld [tilespmem:s24+$0x12080]  }
0x370: {  	s26 =	sor.u32 $0x1C20, s10;
	v17 =	vld [tilespmem:s25+$0x12080]  }
0x371: {  	s28 =	sor.u32 $0x1C30, s10;
	v18 =	vld [tilespmem:s26+$0x12080]  }
0x372: {  	s29 =	sor.u32 $0x1C40, s10;
	v19 =	vld [tilespmem:s28+$0x12080]  }
0x373: {  	s31 =	sor.u32 $0x1C50, s10;
	v10 =	vld [tilespmem:s29+$0x12080]  }
0x374: {  	s7 =	sadd.s32 $0x12080, s23;
	v11 =	vld [tilespmem:s31+$0x12080]  }
0x375: {  	v25 =	vld [tilespmem:s7+$0x1800]  }
0x376: {  	v26 =	vld [tilespmem:s7+$0x1810]  }
0x377: {  	v23 =	vld [tilespmem:s7+$0x1820]  }
0x378: {  	v24 =	vld [tilespmem:s7+$0x1830]  }
0x379: {  	v13 =	vld [tilespmem:s7+$0x1840]  }
0x37a: {  	v12 =	vld [tilespmem:s7+$0x1850]  }
0x37b: {  	v32 =	vld [tilespmem:s7+$0x1400]  }
0x37c: {  	v33 =	vld [tilespmem:s7+$0x1410]  }
0x37d: {  	v30 =	vld [tilespmem:s7+$0x1420]  }
0x37e: {  	v31 =	vld [tilespmem:s7+$0x1430]  }
0x37f: {  	v15 =	vld [tilespmem:s7+$0x1440]  }
0x380: {  	v14 =	vld [tilespmem:s7+$0x1450]  }
0x381: {  	v1 =	vld [tilespmem:s7+$0x1000]  }
0x382: {  	v27 =	vld [tilespmem:s7+$0x1010]  }
0x383: {  	v40 =	vld [tilespmem:s7+$0x1020]  }
0x384: {  	v41 =	vld [tilespmem:s7+$0x1030]  }
0x385: {  	v20 =	vld [tilespmem:s7+$0x1040]  }
0x386: {  	v28 =	vld [tilespmem:s7+$0xC00]  }
0x387: {  	v29 =	vld [tilespmem:s7+$0xC10]  }
0x388: {  	v34 =	vld [tilespmem:s7+$0x800]  }
0x389: {  	v35 =	vld [tilespmem:s7+$0x810]  }
0x38a: {  	v21 =	vld [tilespmem:s7+$0x400]  }
0x38b: {  	v36 =	vld [tilespmem:s7+$0x410]  }
0x38c: {  	v37 =	vld [tilespmem:s7+$0x10]  }
0x38d: {  	v38 =	vld [tilespmem:s7+$0x20]  }
0x38e: {  	v39 =	vld [tilespmem:s7+$0x30]  }
0x38f: {  	v42 =	vld [tilespmem:s7+$0x420]  }
0x390: {  	v43 =	vld [tilespmem:s7+$0x430]  }
0x391: {  	v22 =	vimm.f32 $0.0e+00;
	v44 =	vld [tilespmem:s7+$0x820]  }
0x392: {  	v45 =	vld [tilespmem:s7+$0x830];
	v0 =	vadd.f32 v0, v22  }
0x393: {  	v46 =	vld [tilespmem:s7+$0xC20];
	v37 =	vadd.f32 v37, v22;
	v38 =	vadd.f32 v38, v22  }
0x394: {  	v60 =	vld [tilespmem:s7+$0xC30];
	v39 =	vadd.f32 v39, v22;
	v0 =	vadd.f32 v21, v0  }
0x395: {  	v36 =	vadd.f32 v36, v37;
	v21 =	vld [tilespmem:s7+$0x1050];
	v42 =	vadd.f32 v42, v38  }
0x396: {  	v43 =	vadd.f32 v43, v39;
	v38 =	vld [tilespmem:s7+$0xC40];
	v0 =	vadd.f32 v34, v0  }
0x397: {  	v39 =	vld [tilespmem:s7+$0xC50];
	v61 =	vadd.f32 v35, v36;
	v62 =	vadd.f32 v44, v42  }
0x398: {  	v63 =	vadd.f32 v45, v43;
	v42 =	vld [tilespmem:s7+$0x840];
	v0 =	vadd.f32 v28, v0  }
0x399: {  	v43 =	vld [tilespmem:s7+$0x850];
	v28 =	vadd.f32 v29, v61;
	v36 =	vadd.f32 v46, v62  }
0x39a: {  	v44 =	vld [tilespmem:s7+$0x440];
	v34 =	vadd.f32 v60, v63;
	v29 =	vimm.f32 $0.0e+00;
	v37 =	vadd.f32 v1, v0  }
0x39b: {  	s8 =	simm.s32 $0x0;
	s3 =	simm.s32 $0x80;
	s0 =	simm.s32 $0xFFFF6000;
	v45 =	vld [tilespmem:s7+$0x450];
	v35 =	vadd.f32 v27, v28;
	v27 =	vimm.f32 $0.0e+00;
	v28 =	vimm.f32 $0.0e+00  }
.LBB2_11:
0x39c: {  	p1 =	sne.s32 s3, $0x1380;
	v0 =	vld [tilespmem:s7+$0x40];
	v1 =	vadd.f32 v40, v36;
	v34 =	vadd.f32 v41, v34  }
0x39d: {  	v40 =	vld [tilespmem:s7+$0x50];
	v32 =	vadd.f32 v32, v37;
	v33 =	vadd.f32 v33, v35  }
0x39e: {  	v41 =	vld [tilespmem:s7+$0x60];
	v1 =	vadd.f32 v30, v1;
	v30 =	vadd.f32 v31, v34  }
0x39f: {  	v31 =	vld [tilespmem:s7+$0x70];
	v25 =	vadd.f32 v25, v32;
	v26 =	vadd.f32 v26, v33  }
0x3a0: {  	v32 =	vld [tilespmem:s7+$0x460];
	v1 =	vadd.f32 v23, v1;
	v23 =	vadd.f32 v24, v30  }
0x3a1: {  	v24 =	vld [tilespmem:s7+$0x470];
	v34 =	vadd.f32 v16, v25;
	v35 =	vadd.f32 v17, v26  }
0x3a2: {  	v16 =	vld [tilespmem:s7+$0x860];
	v36 =	vadd.f32 v18, v1;
	v37 =	vadd.f32 v19, v23  }
0x3a3: {  	v0 =	vadd.f32 v0, v22;
	v1 =	vadd.f32 v40, v27;
	v17 =	vld [tilespmem:s7+$0x870]  }
0x3a4: {  	v18 =	vadd.f32 v41, v28;
	v19 =	vadd.f32 v31, v29;
	v22 =	vld [tilespmem:s7+$0xC60]  }
0x3a5: {  	v0 =	vadd.f32 v44, v0;
	v1 =	vadd.f32 v45, v1;
	v23 =	vld [tilespmem:s7+$0xC70]  }
0x3a6: {  	v18 =	vadd.f32 v32, v18;
	v19 =	vadd.f32 v24, v19;
	v24 =	vld [tilespmem:s7+$0x1060]  }
0x3a7: {  	v0 =	vadd.f32 v42, v0;
	v1 =	vadd.f32 v43, v1;
	v25 =	vld [tilespmem:s7+$0x1070]  }
0x3a8: {  	v16 =	vadd.f32 v16, v18;
	v17 =	vadd.f32 v17, v19;
	v18 =	vld [tilespmem:s7+$0x1460]  }
0x3a9: {  	s5 =	sadd.s32 $0x400, s5;
	v0 =	vadd.f32 v38, v0;
	v1 =	vadd.f32 v39, v1;
	v19 =	vld [tilespmem:s7+$0x1470]  }
0x3aa: {  	s11 =	sand.u32 $0x380, s3;
	s8 =	sadd.s32 $0x1, s8;
	s0 =	sadd.s32 $0x400, s0;
	v16 =	vadd.f32 v22, v16;
	v17 =	vadd.f32 v23, v17;
	v22 =	vld [tilespmem:s7+$0x1860]  }
0x3ab: {  	s12 =	sand.u32 $0x7, s8;
	s14 =	sadd.s32 $0xA000, s0;
	v0 =	vadd.f32 v20, v0;
	v1 =	vadd.f32 v21, v1;
	v20 =	vld [tilespmem:s7+$0x1870];
	s7 =	sor.u32 $0x1C60, s10  }
0x3ac: {  	s12 =	sshll.u32 s12, $0x7;
	s14 =	sand.u32 $0xE000, s14;
	v16 =	vadd.f32 v24, v16;
	v17 =	vadd.f32 v25, v17;
	v21 =	vld [tilespmem:s7+$0x12080];
	s7 =	sor.u32 $0x1C70, s10  }
0x3ad: {  	s11 =	sor.u32 s11, s14;
	v0 =	vadd.f32 v15, v0;
	s10 =	sadd.s32 s12, s5;
	v1 =	vadd.f32 v14, v1;
	v14 =	vld [tilespmem:s7+$0x12080]  }
0x3ae: {  	s7 =	sor.u32 $0x1C00, s10;
	v15 =	vadd.f32 v18, v16;
	v38 =	vld [tilespmem:s11+$0x12080];
	v18 =	vadd.f32 v19, v17  }
0x3af: {  	v0 =	vadd.f32 v13, v0;
	v1 =	vadd.f32 v12, v1;
	v16 =	vld [tilespmem:s7+$0x12080];
	s7 =	sor.u32 $0x1C10, s10  }
0x3b0: {  	v12 =	vadd.f32 v22, v15;
	v17 =	vld [tilespmem:s7+$0x12080];
	s7 =	sor.u32 $0x1C20, s10;
	v13 =	vadd.f32 v20, v18  }
0x3b1: {  	v22 =	vadd.f32 v10, v0;
	v27 =	vadd.f32 v11, v1;
	v18 =	vld [tilespmem:s7+$0x12080];
	s7 =	sor.u32 $0x1C30, s10  }
0x3b2: {  	v28 =	vadd.f32 v21, v12;
	v19 =	vld [tilespmem:s7+$0x12080];
	s7 =	sor.u32 $0x1C40, s10;
	v29 =	vadd.f32 v14, v13  }
0x3b3: {  	s12 =	sor.u32 $0x1C50, s10;
	v10 =	vld [tilespmem:s7+$0x12080]  }
0x3b4: {  	s7 =	sadd.s32 $0x12080, s11;
	v11 =	vld [tilespmem:s12+$0x12080]  }
0x3b5: {  	v25 =	vld [tilespmem:s7+$0x1800]  }
0x3b6: {  	v26 =	vld [tilespmem:s7+$0x1810]  }
0x3b7: {  	v23 =	vld [tilespmem:s7+$0x1820]  }
0x3b8: {  	v24 =	vld [tilespmem:s7+$0x1830]  }
0x3b9: {  	v13 =	vld [tilespmem:s7+$0x1840]  }
0x3ba: {  	v12 =	vld [tilespmem:s7+$0x1850]  }
0x3bb: {  	v32 =	vld [tilespmem:s7+$0x1400]  }
0x3bc: {  	v33 =	vld [tilespmem:s7+$0x1410]  }
0x3bd: {  	v30 =	vld [tilespmem:s7+$0x1420]  }
0x3be: {  	v31 =	vld [tilespmem:s7+$0x1430]  }
0x3bf: {  	v15 =	vld [tilespmem:s7+$0x1440]  }
0x3c0: {  	v14 =	vld [tilespmem:s7+$0x1450]  }
0x3c1: {  	v0 =	vld [tilespmem:s7+$0x1000]  }
0x3c2: {  	v1 =	vld [tilespmem:s7+$0x1010]  }
0x3c3: {  	v40 =	vld [tilespmem:s7+$0x1020]  }
0x3c4: {  	v41 =	vld [tilespmem:s7+$0x1030]  }
0x3c5: {  	v20 =	vld [tilespmem:s7+$0x1040]  }
0x3c6: {  	v21 =	vld [tilespmem:s7+$0x1050]  }
0x3c7: {  	v44 =	vld [tilespmem:s7+$0xC00]  }
0x3c8: {  	v45 =	vld [tilespmem:s7+$0xC10]  }
0x3c9: {  	v39 =	vld [tilespmem:s7+$0x800]  }
0x3ca: {  	v42 =	vld [tilespmem:s7+$0x810]  }
0x3cb: {  	v43 =	vld [tilespmem:s7+$0x400]  }
0x3cc: {  	v46 =	vld [tilespmem:s7+$0x410]  }
0x3cd: {  	v47 =	vld [tilespmem:s7+$0x10]  }
0x3ce: {  	v48 =	vld [tilespmem:s7+$0x20]  }
0x3cf: {  	v49 =	vld [tilespmem:s7+$0x30]  }
0x3d0: {  	v50 =	vld [tilespmem:s7+$0x420]  }
0x3d1: {  	v51 =	vld [tilespmem:s7+$0x430]  }
0x3d2: {  	v52 =	vld [tilespmem:s7+$0x820]  }
0x3d3: {  	v34 =	vadd.f32 v38, v34;
	v35 =	vadd.f32 v47, v35;
	v47 =	vld [tilespmem:s7+$0x830]  }
0x3d4: {  	v36 =	vadd.f32 v48, v36;
	v37 =	vadd.f32 v49, v37;
	v48 =	vld [tilespmem:s7+$0xC20]  }
0x3d5: {  	v34 =	vadd.f32 v43, v34;
	v35 =	vadd.f32 v46, v35;
	v46 =	vld [tilespmem:s7+$0xC30]  }
0x3d6: {  	v36 =	vadd.f32 v50, v36;
	v37 =	vadd.f32 v51, v37;
	v38 =	vld [tilespmem:s7+$0xC40]  }
.Ltmp7:
0x3d7: {  	v34 =	vadd.f32 v39, v34;
	v35 =	vadd.f32 v42, v35;
	v39 =	vld [tilespmem:s7+$0xC50];
	(pc) =	sbr.rel @p1 .LBB2_11-.Ltmp7, $4  }
0x3d8: {  	v36 =	vadd.f32 v52, v36;
	v37 =	vadd.f32 v47, v37;
	v42 =	vld [tilespmem:s7+$0x840]  }
0x3d9: {  	v47 =	vadd.f32 v44, v34;
	v35 =	vadd.f32 v45, v35;
	v43 =	vld [tilespmem:s7+$0x850]  }
0x3da: {  	v36 =	vadd.f32 v48, v36;
	v44 =	vld [tilespmem:s7+$0x440];
	v34 =	vadd.f32 v46, v37  }
0x3db: {  	s3 =	sadd.s32 $0x80, s3;
	v37 =	vadd.f32 v0, v47;
	v35 =	vadd.f32 v1, v35;
	v45 =	vld [tilespmem:s7+$0x450]  }
0x3dc: {  	v0 =	vadd.f32 v40, v36;
	v1 =	vld [tilespmem:s7+$0x40]  }
0x3dd: {  	v34 =	vadd.f32 v41, v34;
	v61 =	vld [tilespmem:s7+$0x50];
	v32 =	vadd.f32 v32, v37  }
0x3de: {  	v62 =	vld [tilespmem:s7+$0x60];
	v33 =	vadd.f32 v33, v35;
	v0 =	vadd.f32 v30, v0  }
0x3df: {  	v63 =	vld [tilespmem:s7+$0x70];
	v31 =	vadd.f32 v31, v34;
	v25 =	vadd.f32 v25, v32  }
0x3e0: {  	v26 =	vadd.f32 v26, v33;
	v0 =	vadd.f32 v23, v0  }
0x3e1: {  	v37 =	vld [tilespmem:s7+$0x460];
	v24 =	vadd.f32 v24, v31;
	v16 =	vadd.f32 v16, v25  }
0x3e2: {  	v40 =	vld [tilespmem:s7+$0x470];
	v17 =	vadd.f32 v17, v26;
	v1 =	vadd.f32 v1, v22  }
0x3e3: {  	v46 =	vadd.f32 v61, v27;
	v48 =	vadd.f32 v62, v28  }
0x3e4: {  	v41 =	vld [tilespmem:s7+$0x860];
	v49 =	vadd.f32 v63, v29;
	v0 =	vadd.f32 v18, v0  }
0x3e5: {  	v47 =	vld [tilespmem:s7+$0x870];
	v19 =	vadd.f32 v19, v24;
	v1 =	vadd.f32 v44, v1  }
0x3e6: {  	v50 =	vld [tilespmem:s7+$0xC60];
	v22 =	vadd.f32 v45, v46;
	v23 =	vadd.f32 v37, v48  }
0x3e7: {  	v51 =	vld [tilespmem:s7+$0xC70];
	v25 =	vadd.f32 v40, v49;
	v1 =	vadd.f32 v42, v1  }
0x3e8: {  	v57 =	vadd.f32 v17, v16;
	v22 =	vadd.f32 v43, v22  }
0x3e9: {  	v52 =	vld [tilespmem:s7+$0x1060];
	v18 =	vadd.f32 v41, v23;
	v1 =	vadd.f32 v38, v1  }
0x3ea: {  	v53 =	vld [tilespmem:s7+$0x1070];
	v24 =	vadd.f32 v47, v25;
	v0 =	vadd.f32 v0, v57  }
0x3eb: {  	v54 =	vld [tilespmem:s7+$0x1460];
	v22 =	vadd.f32 v39, v22;
	v1 =	vadd.f32 v20, v1  }
0x3ec: {  	v55 =	vld [tilespmem:s7+$0x1470];
	v18 =	vadd.f32 v50, v18;
	v24 =	vadd.f32 v51, v24  }
0x3ed: {  	v56 =	vld [tilespmem:s7+$0x1860];
	v21 =	vadd.f32 v21, v22;
	v1 =	vadd.f32 v15, v1  }
0x3ee: {  	s0 =	sor.u32 $0x1C60, s10;
	v0 =	vadd.f32 v19, v0;
	v18 =	vadd.f32 v52, v18  }
0x3ef: {  	v60 =	vld [tilespmem:s0+$0x12080];
	v14 =	vadd.f32 v14, v21;
	v1 =	vadd.f32 v13, v1  }
0x3f0: {  	v59 =	vld [tilespmem:s7+$0x1870];
	v58 =	vadd.f32 v53, v24;
	v61 =	vadd.f32 v54, v18  }
0x3f1: {  	s31 =	sor.u32 $0x1C70, s10;
	v12 =	vadd.f32 v12, v14;
	v1 =	vadd.f32 v10, v1  }
0x3f2: {  	v62 =	vadd.f32 v55, v58;
	v15 =	vadd.f32 v56, v61;
	v10 =	vld [tilespmem:s31+$0x12080]  }
0x3f3: {  	v11 =	vadd.f32 v11, v12;
	v0 =	vadd.f32 v1, v0  }
0x3f4: {  	v63 =	vadd.f32 v60, v15  }
.Ltmp8:
0x3f5: {  	v1 =	vadd.f32 v59, v62;
	v0 =	vadd.f32 v11, v0;
	(pc) =	sbr.rel .LBB2_13-.Ltmp8, $3  }
0x3f6: {  	_ = 	snop  }
0x3f7: {  	v1 =	vadd.f32 v10, v1;
	v0 =	vadd.f32 v63, v0;
	_ =	sdelay $0x1  }
0x3f8: {  	s5 =	rddreg [dreg:$0xa];
	v10 =	vadd.f32 v1, v0  }
.LBB2_14:
0x3f9: {  	_ =	sfence.sel $0x180000  }
0x3fa: {  	[bflag:$0x0] =	sbarrier.arrive $0xFFFF  }
0x3fb: {  	_ =	strace $0x90000047  }
0x3fc: {  	s0 =	stileid.u32;
	[bflag:$0x2] =	sbarrier.arrive $0xFFFF  }
0x3fd: {  	p0 =	sne.s32 s0, $0x0;
	s0 =	rddreg [dreg:$0x3]  }
0x3fe: {  	s0 =	sadd.s32 @!p0 $0x100000, s0  }
0x3ff: {  	[sflag:s0] =	ssyncadd.tile.s32 @!p0 $0x1;
	_ =	shalt  }
.Lfunc_end2:
_tile_overlayer_lowered:
.L_overlay_start_2:
0x400: {  	(tag) =	ssettag $0x2  }
0x401: {  	s0 =	rddreg [dreg:$0x0];
	s2 =	stileid.u32  }
0x402: {  	s1 =	rddreg [dreg:$0x1];
	p0 =	sne.s32 s2, $0x0  }
0x403: {  	s3 =	rddreg [dreg:$0x2];
	[bflag:$0x3] =	sbarrier.arrive $0xFFFF;
	s2 =	simm.s32 @!p0 $0x1C04  }
0x404: {  	[timem:s3], [sflag:s2] =	dma.local @!p0 [hbm:s0], s1  }
0x405: {  	s0 =	simm.s32 @!p0 $0x4  }
0x406: {  	_ =	swait.ge @!p0 [sflag:s0], s1  }
0x407: {  	s1 =	ssub.s32 @!p0 $0x0, s1;
	[sflag:s0] =	ssyncset.done @!p0 $0x0  }
0x408: {  	[sflag:s0] =	ssyncadd.s32 @!p0 s1  }
0x409: {  	[bflag:$0x3] =	sbarrier.arrive $0xFFFF  }
0x40a: {  	_ =	shalt  }

</sc_bundles>
